<compile_context>
chip_gen: v7x
topology: tpu7x:2x2x1
jax: 0.10.2.dev20260603
libtpu: 0.0.44.dev20260713+nightly
codegen_flags: <defaults>
</compile_context>

<pallas_src>
import functools

import jax
import jax.numpy as jnp
from jax import lax
from jax.experimental import pallas as pl
from jax.experimental.pallas import tpu as pltpu
from jax.experimental.pallas import tpu_sc as plsc

BOHR = 0.52917721067
DAMPING = 0.7

N = 50000
E = 1600000
NC, NS, L = 2, 16, 16
NW = NC * NS
EPW = E // NW
C = 400
NCHUNK = EPW // C
CV = C // L
P = 150016
PS = P // NS
OUT3 = 3 * N


def _rsqrt(x):
    i = plsc.bitcast(x, jnp.int32)
    i = jnp.int32(0x5F3759DF) - lax.shift_right_logical(i, 1)
    y = plsc.bitcast(i, jnp.float32)
    xh = x * jnp.float32(0.5)
    for _ in range(2):
        y = y * (jnp.float32(1.5) - xh * y * y)
    return y


def _field_body(src_h, dst_h, dist_h, vx_h, vy_h, vz_h, ch_h, pol_h, out_h,
                ch_v, pol_v, bufs, zb, accum, sems):
    cid = lax.axis_index("c")
    sid = lax.axis_index("s")
    wid = sid * NC + cid

    tcp1 = pltpu.async_copy(ch_h, ch_v, sems[0][0])
    tcp2 = pltpu.async_copy(pol_h, pol_v, sems[0][0])

    zeros16 = jnp.zeros((L,), jnp.float32)

    def zb_body(i, _):
        zb[pl.ds(i * L, L)] = zeros16
        return 0

    lax.fori_loop(0, 2048 // L, zb_body, 0)

    for k in range(4):
        pltpu.sync_copy(zb, accum.at[pl.ds(sid * PS + k * 2048, 2048)])
    pltpu.sync_copy(zb.at[pl.ds(0, 1184)],
                    accum.at[pl.ds(sid * PS + 8192, 1184)])

    tcp1.wait()
    tcp2.wait()
    plsc.subcore_barrier()

    mb2 = jnp.float32(-BOHR * BOHR)
    mdamp = jnp.float32(-DAMPING)
    one = jnp.float32(1.0)

    def fire_in(b, c):
        (src_v, dst_v, dist_v, vx_v, vy_v, vz_v, *_), (semin, _) = \
            bufs[b], sems[b]
        eb = wid * EPW + c * C
        pltpu.async_copy(src_h.at[pl.ds(eb, C)], src_v, semin)
        pltpu.async_copy(dst_h.at[pl.ds(eb, C)], dst_v, semin)
        pltpu.async_copy(dist_h.at[pl.ds(eb, C)], dist_v, semin)
        pltpu.async_copy(vx_h.at[pl.ds(eb, C)], vx_v, semin)
        pltpu.async_copy(vy_h.at[pl.ds(eb, C)], vy_v, semin)
        pltpu.async_copy(vz_h.at[pl.ds(eb, C)], vz_v, semin)

    def wait_in(b):
        (src_v, dst_v, dist_v, vx_v, vy_v, vz_v, *_), (semin, _) = \
            bufs[b], sems[b]
        for v in (src_v, dst_v, dist_v, vx_v, vy_v, vz_v):
            pltpu.make_async_copy(src_h.at[pl.ds(0, C)], v, semin).wait()

    def fire_sc(b):
        (*_, e_all, ix_all), (_, semsc) = bufs[b], sems[b]
        pltpu.async_copy(e_all, accum.at[ix_all], semsc, add=True)

    def wait_sc(b):
        (*_, e_all, ix_all), (_, semsc) = bufs[b], sems[b]
        pltpu.make_async_copy(e_all, accum.at[ix_all], semsc).wait()

    def compute(b):
        (src_v, dst_v, dist_v, vx_v, vy_v, vz_v,
         e_all, ix_all) = bufs[b]

        def vreg_body(i, _):
            o = i * L
            s = src_v[pl.ds(o, L)]
            dd = dst_v[pl.ds(o, L)]
            dist = dist_v[pl.ds(o, L)]
            q = plsc.load_gather(ch_v, [dd])
            ps_ = plsc.load_gather(pol_v, [s])
            pd_ = plsc.load_gather(pol_v, [dd])
            g = ps_ * pd_
            sg = g * _rsqrt(g)
            d3 = dist * dist * dist
            inv3 = one / d3
            u15 = _rsqrt(sg * inv3)
            damp = one - jnp.exp(mdamp * u15)
            f = mb2 * q * damp * inv3
            i3 = s * 3
            e_all[pl.ds(o, L)] = f * vx_v[pl.ds(o, L)]
            e_all[pl.ds(C + o, L)] = f * vy_v[pl.ds(o, L)]
            e_all[pl.ds(2 * C + o, L)] = f * vz_v[pl.ds(o, L)]
            ix_all[pl.ds(o, L)] = i3
            ix_all[pl.ds(C + o, L)] = i3 + 1
            ix_all[pl.ds(2 * C + o, L)] = i3 + 2
            return 0

        lax.fori_loop(0, CV, vreg_body, 0, unroll=6)

    fire_in(0, 0)

    def pipe_body(gc, _):
        for b in (0, 1):
            c = 2 * gc + b
            fire_in(1 - b, c + 1)
            wait_in(b)

            @pl.when(gc > 0)
            def _():
                wait_sc(b)

            compute(b)
            fire_sc(b)
        return 0

    lax.fori_loop(0, (NCHUNK - 1) // 2, pipe_body, 0)

    wait_in(0)
    wait_sc(0)
    compute(0)
    fire_sc(0)
    wait_sc(1)
    wait_sc(0)

    plsc.subcore_barrier()
    pltpu.sync_copy(accum.at[pl.ds(sid * PS, PS)],
                    out_h.at[pl.ds(cid * P + sid * PS, PS)])


def _chunk_bufs():
    return (
        pltpu.VMEM((C,), jnp.int32),
        pltpu.VMEM((C,), jnp.int32),
        pltpu.VMEM((C,), jnp.float32),
        pltpu.VMEM((C,), jnp.float32),
        pltpu.VMEM((C,), jnp.float32),
        pltpu.VMEM((C,), jnp.float32),
        pltpu.VMEM((3 * C,), jnp.float32),
        pltpu.VMEM((3 * C,), jnp.int32),
    )


_sc_field = functools.partial(
    pl.kernel,
    out_type=jax.ShapeDtypeStruct((2 * P,), jnp.float32),
    mesh=plsc.VectorSubcoreMesh(
        core_axis_name="c", subcore_axis_name="s",
        num_cores=NC, num_subcores=NS),
    compiler_params=pltpu.CompilerParams(
        needs_layout_passes=False, use_tc_tiling_on_sc=False),
    scratch_types=[
        pltpu.VMEM((N,), jnp.float32),
        pltpu.VMEM((N,), jnp.float32),
        (_chunk_bufs(), _chunk_bufs()),
        pltpu.VMEM((2048,), jnp.float32),
        pltpu.VMEM_SHARED((P,), jnp.float32),
        ((pltpu.SemaphoreType.DMA, pltpu.SemaphoreType.DMA),
         (pltpu.SemaphoreType.DMA, pltpu.SemaphoreType.DMA)),
    ],
)(_field_body)


def _add_body(a_ref, o_ref):
    o_ref[...] = a_ref[pl.ds(0, P)] + a_ref[pl.ds(P, P)]


def kernel(species, edge_src, edge_dst, distances, vec, charges,
           polarisability):
    del species
    partials = _sc_field(edge_src, edge_dst, distances,
                         vec[:, 0], vec[:, 1], vec[:, 2],
                         charges, polarisability)
    summed = pl.pallas_call(
        _add_body,
        out_shape=jax.ShapeDtypeStruct((P,), jnp.float32),
    )(partials)
    return summed[:OUT3]

# --- scband reference (transcript-rebuilt; emitter-appended) ---
"""Pipeline reference for scband-electric-field-4638564679973 (READ-ONLY COPY).

The authoritative reference and input builder live on the scoring server;
editing this copy changes nothing except your own understanding.
"""

import jax, jax.numpy as jnp
import numpy as np

BOHR = 0.52917721067
N_NODES = 50000
N_EDGES = 1600000
DAMPING = 0.7


def setup_inputs(seed: int = 0) -> dict:
    key = jax.random.key(seed)
    ks = jax.random.split(key, 7)
    species = jax.random.randint(ks[0], (N_NODES,), 0, 100, dtype=jnp.int32)
    edge_src = jnp.sort(jax.random.randint(ks[1], (N_EDGES,), 0, N_NODES, dtype=jnp.int32))
    edge_dst = jax.random.randint(ks[2], (N_EDGES,), 0, N_NODES, dtype=jnp.int32)
    # interatomic distances in Angstrom, strictly positive
    distances = jax.random.uniform(ks[3], (N_EDGES,), minval=0.5, maxval=6.0, dtype=jnp.float32)
    vec = jax.random.normal(ks[4], (N_EDGES, 3), dtype=jnp.float32)
    charges = jax.random.normal(ks[5], (N_NODES,), dtype=jnp.float32)
    # atomic polarisabilities (Angstrom^3), strictly positive
    polarisability = jax.random.uniform(ks[6], (N_NODES,), minval=0.5, maxval=20.0, dtype=jnp.float32)
    return {
        'species': species,
        'edge_src': edge_src,
        'edge_dst': edge_dst,
        'distances': distances,
        'vec': vec,
        'charges': charges,
        'polarisability': polarisability,
    }


def reference(species, edge_src, edge_dst, distances, vec, charges, polarisability):
    rij_flat = distances / BOHR                      # [E]
    vec_ij = vec / BOHR                              # [E, 3]
    rij = rij_flat[:, None]                          # [E, 1]
    q_ij = charges[edge_dst, None]                   # [E, 1] gather
    pol = polarisability / BOHR ** 3                 # [N]
    pol_src = pol[edge_src]                          # [E] gather
    pol_dst = pol[edge_dst]                          # [E] gather
    alpha_ij = pol_dst * pol_src                     # [E]
    uij = rij_flat / alpha_ij ** (1.0 / 6.0)         # [E] (same values as rij/alpha per edge)
    damping_field = 1.0 - jnp.exp(-DAMPING * uij ** 1.5)[:, None]  # [E, 1]
    eij = -q_ij * (vec_ij / rij ** 3) * damping_field              # [E, 3]
    electric_field = jax.ops.segment_sum(eij, edge_src, num_segments=N_NODES).flatten()  # [3N]
    return electric_field

if __name__ == "__main__":
    import jax
    _d = setup_inputs()
    print(jax.jit(kernel)(*tuple(_d.values())))

</pallas_src>

<mosaic_0001>
#map = affine_map<(d0, d1) -> (0)>
module attributes {stable_mosaic.version = 14 : i64} {
  func.func @_field_body(%arg0: i32, %arg1: i32, %arg2: memref<1600000xi32, #tpu.memory_space<hbm>>, %arg3: memref<1600000xi32, #tpu.memory_space<hbm>>, %arg4: memref<1600000xf32, #tpu.memory_space<hbm>>, %arg5: memref<1600000xf32, #tpu.memory_space<hbm>>, %arg6: memref<1600000xf32, #tpu.memory_space<hbm>>, %arg7: memref<1600000xf32, #tpu.memory_space<hbm>>, %arg8: memref<50000xf32, #tpu.memory_space<hbm>>, %arg9: memref<50000xf32, #tpu.memory_space<hbm>>, %arg10: memref<300032xf32, #tpu.memory_space<hbm>>, %arg11: memref<50000xf32, #tpu.memory_space<vmem>>, %arg12: memref<50000xf32, #tpu.memory_space<vmem>>, %arg13: memref<400xi32, #tpu.memory_space<vmem>>, %arg14: memref<400xi32, #tpu.memory_space<vmem>>, %arg15: memref<400xf32, #tpu.memory_space<vmem>>, %arg16: memref<400xf32, #tpu.memory_space<vmem>>, %arg17: memref<400xf32, #tpu.memory_space<vmem>>, %arg18: memref<400xf32, #tpu.memory_space<vmem>>, %arg19: memref<1200xf32, #tpu.memory_space<vmem>>, %arg20: memref<1200xi32, #tpu.memory_space<vmem>>, %arg21: memref<400xi32, #tpu.memory_space<vmem>>, %arg22: memref<400xi32, #tpu.memory_space<vmem>>, %arg23: memref<400xf32, #tpu.memory_space<vmem>>, %arg24: memref<400xf32, #tpu.memory_space<vmem>>, %arg25: memref<400xf32, #tpu.memory_space<vmem>>, %arg26: memref<400xf32, #tpu.memory_space<vmem>>, %arg27: memref<1200xf32, #tpu.memory_space<vmem>>, %arg28: memref<1200xi32, #tpu.memory_space<vmem>>, %arg29: memref<2048xf32, #tpu.memory_space<vmem>>, %arg30: memref<150016xf32, #tpu.memory_space<vmem_shared>>, %arg31: memref<!tpu.dma_semaphore, #tpu.memory_space<semaphore_mem>>, %arg32: memref<!tpu.dma_semaphore, #tpu.memory_space<semaphore_mem>>, %arg33: memref<!tpu.dma_semaphore, #tpu.memory_space<semaphore_mem>>, %arg34: memref<!tpu.dma_semaphore, #tpu.memory_space<semaphore_mem>>) attributes {dimension_semantics = [#tpu.dimension_semantics<core_parallel>, #tpu.dimension_semantics<subcore_parallel>], iteration_bounds = array<i64: 2, 16>, scalar_prefetch = 0 : i64, scratch_operands = 24 : i64, tpu.core_type = #tpu.core_type<sc_vector_subcore>, window_params = [{transform_indices = #map}, {transform_indices = #map}, {transform_indices = #map}, {transform_indices = #map}, {transform_indices = #map}, {transform_indices = #map}, {transform_indices = #map}, {transform_indices = #map}, {transform_indices = #map}]} {
    %mul3A = arith.constant 2 : i32
    %mul3A_0 = arith.muli %arg1, %mul3A : i32
    %add3A = arith.addi %mul3A_0, %arg0 : i32
    tpu.enqueue_dma source(%arg8 : memref<50000xf32, #tpu.memory_space<hbm>>) target(%arg11 : memref<50000xf32, #tpu.memory_space<vmem>>) target_semaphore(%arg31 : memref<!tpu.dma_semaphore, #tpu.memory_space<semaphore_mem>>)
    tpu.enqueue_dma source(%arg9 : memref<50000xf32, #tpu.memory_space<hbm>>) target(%arg12 : memref<50000xf32, #tpu.memory_space<vmem>>) target_semaphore(%arg31 : memref<!tpu.dma_semaphore, #tpu.memory_space<semaphore_mem>>)
    %broadcast_in_dim3A = arith.constant 0.000000e+00 : f32
    %broadcast_in_dim3A_1 = vector.broadcast %broadcast_in_dim3A : f32 to vector<16xf32>
    %scan3A = arith.constant 0 : i32
    %scan3A_2 = arith.constant 0 : i32
    %scan3A_3 = arith.constant 128 : i32
    %scan3A_4 = arith.addi %scan3A_2, %scan3A_3 : i32
    %scan3A_5 = arith.constant 1 : i32
    %scan3A_6 = scf.for %scan3A_208 = %scan3A_2 to %scan3A_4 step %scan3A_5 iter_args(%scan3A_209 = %scan3A) -> (i32)  : i32 {
      %mul3A_210 = arith.constant 16 : i32
      %mul3A_211 = arith.muli %scan3A_208, %mul3A_210 : i32
      %swap3A_212 = arith.index_cast %mul3A_211 : i32 to index
      %swap3A_213 = tpu.vector_load %arg29[%swap3A_212] {strides = array<i32>} : memref<2048xf32, #tpu.memory_space<vmem>>, vector<16xf32>,
      tpu.vector_store %arg29[%swap3A_212], %broadcast_in_dim3A_1 {strides = array<i32>} : memref<2048xf32, #tpu.memory_space<vmem>>, vector<16xf32>,
      %scan3A_214 = arith.constant 0 : i32
      scf.yield %scan3A_214 : i32
    }
    %scan3A_7 = arith.constant 128 : i32
    %mul3A_8 = arith.constant 9376 : i32
    %mul3A_9 = arith.muli %arg1, %mul3A_8 : i32
    %add3A_10 = arith.constant 0 : i32
    %add3A_11 = arith.addi %mul3A_9, %add3A_10 : i32
    "tpu.region"() ({
      %run_scoped3A = tpu.sem_alloc : memref<!tpu.dma_semaphore, #tpu.memory_space<semaphore_mem>>
      %dma_start3A_208 = tpu.memref_slice %arg30[%add3A_11] : memref<150016xf32, #tpu.memory_space<vmem_shared>> -> memref<2048xf32, #tpu.memory_space<vmem_shared>>
      %dma_start3A_209 = tpu.memref_slice %arg30[%add3A_11] : memref<150016xf32, #tpu.memory_space<vmem_shared>> -> memref<2048xf32, #tpu.memory_space<vmem_shared>>
      tpu.enqueue_dma source(%arg29 : memref<2048xf32, #tpu.memory_space<vmem>>) target(%dma_start3A_209 : memref<2048xf32, #tpu.memory_space<vmem_shared>>) target_semaphore(%run_scoped3A : memref<!tpu.dma_semaphore, #tpu.memory_space<semaphore_mem>>)
      %dma_wait3A_210 = tpu.memref_slice %arg30[%add3A_11] : memref<150016xf32, #tpu.memory_space<vmem_shared>> -> memref<2048xf32, #tpu.memory_space<vmem_shared>>
      %dma_wait3A_211 = tpu.memref_slice %arg30[%add3A_11] : memref<150016xf32, #tpu.memory_space<vmem_shared>> -> memref<2048xf32, #tpu.memory_space<vmem_shared>>
      tpu.wait_dma2 semaphore(%run_scoped3A : memref<!tpu.dma_semaphore, #tpu.memory_space<semaphore_mem>>) src(%arg29 : memref<2048xf32, #tpu.memory_space<vmem>>) dst(%dma_wait3A_211 : memref<2048xf32, #tpu.memory_space<vmem_shared>>)
      tpu.yield
    }) : () -> ()
    %mul3A_12 = arith.constant 9376 : i32
    %mul3A_13 = arith.muli %arg1, %mul3A_12 : i32
    %add3A_14 = arith.constant 2048 : i32
    %add3A_15 = arith.addi %mul3A_13, %add3A_14 : i32
    "tpu.region"() ({
      %run_scoped3A = tpu.sem_alloc : memref<!tpu.dma_semaphore, #tpu.memory_space<semaphore_mem>>
      %dma_start3A_208 = tpu.memref_slice %arg30[%add3A_15] : memref<150016xf32, #tpu.memory_space<vmem_shared>> -> memref<2048xf32, #tpu.memory_space<vmem_shared>>
      %dma_start3A_209 = tpu.memref_slice %arg30[%add3A_15] : memref<150016xf32, #tpu.memory_space<vmem_shared>> -> memref<2048xf32, #tpu.memory_space<vmem_shared>>
      tpu.enqueue_dma source(%arg29 : memref<2048xf32, #tpu.memory_space<vmem>>) target(%dma_start3A_209 : memref<2048xf32, #tpu.memory_space<vmem_shared>>) target_semaphore(%run_scoped3A : memref<!tpu.dma_semaphore, #tpu.memory_space<semaphore_mem>>)
      %dma_wait3A_210 = tpu.memref_slice %arg30[%add3A_15] : memref<150016xf32, #tpu.memory_space<vmem_shared>> -> memref<2048xf32, #tpu.memory_space<vmem_shared>>
      %dma_wait3A_211 = tpu.memref_slice %arg30[%add3A_15] : memref<150016xf32, #tpu.memory_space<vmem_shared>> -> memref<2048xf32, #tpu.memory_space<vmem_shared>>
      tpu.wait_dma2 semaphore(%run_scoped3A : memref<!tpu.dma_semaphore, #tpu.memory_space<semaphore_mem>>) src(%arg29 : memref<2048xf32, #tpu.memory_space<vmem>>) dst(%dma_wait3A_211 : memref<2048xf32, #tpu.memory_space<vmem_shared>>)
      tpu.yield
    }) : () -> ()
    %mul3A_16 = arith.constant 9376 : i32
    %mul3A_17 = arith.muli %arg1, %mul3A_16 : i32
    %add3A_18 = arith.constant 4096 : i32
    %add3A_19 = arith.addi %mul3A_17, %add3A_18 : i32
    "tpu.region"() ({
      %run_scoped3A = tpu.sem_alloc : memref<!tpu.dma_semaphore, #tpu.memory_space<semaphore_mem>>
      %dma_start3A_208 = tpu.memref_slice %arg30[%add3A_19] : memref<150016xf32, #tpu.memory_space<vmem_shared>> -> memref<2048xf32, #tpu.memory_space<vmem_shared>>
      %dma_start3A_209 = tpu.memref_slice %arg30[%add3A_19] : memref<150016xf32, #tpu.memory_space<vmem_shared>> -> memref<2048xf32, #tpu.memory_space<vmem_shared>>
      tpu.enqueue_dma source(%arg29 : memref<2048xf32, #tpu.memory_space<vmem>>) target(%dma_start3A_209 : memref<2048xf32, #tpu.memory_space<vmem_shared>>) target_semaphore(%run_scoped3A : memref<!tpu.dma_semaphore, #tpu.memory_space<semaphore_mem>>)
      %dma_wait3A_210 = tpu.memref_slice %arg30[%add3A_19] : memref<150016xf32, #tpu.memory_space<vmem_shared>> -> memref<2048xf32, #tpu.memory_space<vmem_shared>>
      %dma_wait3A_211 = tpu.memref_slice %arg30[%add3A_19] : memref<150016xf32, #tpu.memory_space<vmem_shared>> -> memref<2048xf32, #tpu.memory_space<vmem_shared>>
      tpu.wait_dma2 semaphore(%run_scoped3A : memref<!tpu.dma_semaphore, #tpu.memory_space<semaphore_mem>>) src(%arg29 : memref<2048xf32, #tpu.memory_space<vmem>>) dst(%dma_wait3A_211 : memref<2048xf32, #tpu.memory_space<vmem_shared>>)
      tpu.yield
    }) : () -> ()
    %mul3A_20 = arith.constant 9376 : i32
    %mul3A_21 = arith.muli %arg1, %mul3A_20 : i32
    %add3A_22 = arith.constant 6144 : i32
    %add3A_23 = arith.addi %mul3A_21, %add3A_22 : i32
    "tpu.region"() ({
      %run_scoped3A = tpu.sem_alloc : memref<!tpu.dma_semaphore, #tpu.memory_space<semaphore_mem>>
      %dma_start3A_208 = tpu.memref_slice %arg30[%add3A_23] : memref<150016xf32, #tpu.memory_space<vmem_shared>> -> memref<2048xf32, #tpu.memory_space<vmem_shared>>
      %dma_start3A_209 = tpu.memref_slice %arg30[%add3A_23] : memref<150016xf32, #tpu.memory_space<vmem_shared>> -> memref<2048xf32, #tpu.memory_space<vmem_shared>>
      tpu.enqueue_dma source(%arg29 : memref<2048xf32, #tpu.memory_space<vmem>>) target(%dma_start3A_209 : memref<2048xf32, #tpu.memory_space<vmem_shared>>) target_semaphore(%run_scoped3A : memref<!tpu.dma_semaphore, #tpu.memory_space<semaphore_mem>>)
      %dma_wait3A_210 = tpu.memref_slice %arg30[%add3A_23] : memref<150016xf32, #tpu.memory_space<vmem_shared>> -> memref<2048xf32, #tpu.memory_space<vmem_shared>>
      %dma_wait3A_211 = tpu.memref_slice %arg30[%add3A_23] : memref<150016xf32, #tpu.memory_space<vmem_shared>> -> memref<2048xf32, #tpu.memory_space<vmem_shared>>
      tpu.wait_dma2 semaphore(%run_scoped3A : memref<!tpu.dma_semaphore, #tpu.memory_space<semaphore_mem>>) src(%arg29 : memref<2048xf32, #tpu.memory_space<vmem>>) dst(%dma_wait3A_211 : memref<2048xf32, #tpu.memory_space<vmem_shared>>)
      tpu.yield
    }) : () -> ()
    %mul3A_24 = arith.constant 9376 : i32
    %mul3A_25 = arith.muli %arg1, %mul3A_24 : i32
    %add3A_26 = arith.constant 8192 : i32
    %add3A_27 = arith.addi %mul3A_25, %add3A_26 : i32
    "tpu.region"() ({
      %run_scoped3A = tpu.sem_alloc : memref<!tpu.dma_semaphore, #tpu.memory_space<semaphore_mem>>
      %dma_start3A_208 = arith.constant 0 : i32
      %dma_start3A_209 = tpu.memref_slice %arg29[%dma_start3A_208] : memref<2048xf32, #tpu.memory_space<vmem>> -> memref<1184xf32, #tpu.memory_space<vmem>>
      %dma_start3A_210 = tpu.memref_slice %arg30[%add3A_27] : memref<150016xf32, #tpu.memory_space<vmem_shared>> -> memref<1184xf32, #tpu.memory_space<vmem_shared>>
      %dma_start3A_211 = tpu.memref_slice %arg30[%add3A_27] : memref<150016xf32, #tpu.memory_space<vmem_shared>> -> memref<1184xf32, #tpu.memory_space<vmem_shared>>
      %dma_start3A_212 = arith.constant 0 : i32
      %dma_start3A_213 = tpu.memref_slice %arg29[%dma_start3A_212] : memref<2048xf32, #tpu.memory_space<vmem>> -> memref<1184xf32, #tpu.memory_space<vmem>>
      tpu.enqueue_dma source(%dma_start3A_213 : memref<1184xf32, #tpu.memory_space<vmem>>) target(%dma_start3A_211 : memref<1184xf32, #tpu.memory_space<vmem_shared>>) target_semaphore(%run_scoped3A : memref<!tpu.dma_semaphore, #tpu.memory_space<semaphore_mem>>)
      %dma_wait3A_214 = arith.constant 0 : i32
      %dma_wait3A_215 = tpu.memref_slice %arg29[%dma_wait3A_214] : memref<2048xf32, #tpu.memory_space<vmem>> -> memref<1184xf32, #tpu.memory_space<vmem>>
      %dma_wait3A_216 = tpu.memref_slice %arg30[%add3A_27] : memref<150016xf32, #tpu.memory_space<vmem_shared>> -> memref<1184xf32, #tpu.memory_space<vmem_shared>>
      %dma_wait3A_217 = tpu.memref_slice %arg30[%add3A_27] : memref<150016xf32, #tpu.memory_space<vmem_shared>> -> memref<1184xf32, #tpu.memory_space<vmem_shared>>
      %dma_wait3A_218 = arith.constant 0 : i32
      %dma_wait3A_219 = tpu.memref_slice %arg29[%dma_wait3A_218] : memref<2048xf32, #tpu.memory_space<vmem>> -> memref<1184xf32, #tpu.memory_space<vmem>>
      tpu.wait_dma2 semaphore(%run_scoped3A : memref<!tpu.dma_semaphore, #tpu.memory_space<semaphore_mem>>) src(%dma_wait3A_219 : memref<1184xf32, #tpu.memory_space<vmem>>) dst(%dma_wait3A_217 : memref<1184xf32, #tpu.memory_space<vmem_shared>>)
      tpu.yield
    }) : () -> ()
    tpu.wait_dma2 semaphore(%arg31 : memref<!tpu.dma_semaphore, #tpu.memory_space<semaphore_mem>>) src(%arg8 : memref<50000xf32, #tpu.memory_space<hbm>>) dst(%arg11 : memref<50000xf32, #tpu.memory_space<vmem>>)
    tpu.wait_dma2 semaphore(%arg31 : memref<!tpu.dma_semaphore, #tpu.memory_space<semaphore_mem>>) src(%arg9 : memref<50000xf32, #tpu.memory_space<hbm>>) dst(%arg12 : memref<50000xf32, #tpu.memory_space<vmem>>)
    %barrier3A = arith.constant 0 : index
    tpu.barrier barrier_id(%barrier3A)
    %mul3A_28 = arith.constant 50000 : i32
    %mul3A_29 = arith.muli %add3A, %mul3A_28 : i32
    %add3A_30 = arith.constant 0 : i32
    %add3A_31 = arith.addi %mul3A_29, %add3A_30 : i32
    %dma_start3A = tpu.memref_slice %arg2[%add3A_31] : memref<1600000xi32, #tpu.memory_space<hbm>> -> memref<400xi32, #tpu.memory_space<hbm>>
    %dma_start3A_32 = tpu.memref_slice %arg2[%add3A_31] : memref<1600000xi32, #tpu.memory_space<hbm>> -> memref<400xi32, #tpu.memory_space<hbm>>
    tpu.enqueue_dma source(%dma_start3A_32 : memref<400xi32, #tpu.memory_space<hbm>>) target(%arg13 : memref<400xi32, #tpu.memory_space<vmem>>) target_semaphore(%arg31 : memref<!tpu.dma_semaphore, #tpu.memory_space<semaphore_mem>>)
    %dma_start3A_33 = tpu.memref_slice %arg3[%add3A_31] : memref<1600000xi32, #tpu.memory_space<hbm>> -> memref<400xi32, #tpu.memory_space<hbm>>
    %dma_start3A_34 = tpu.memref_slice %arg3[%add3A_31] : memref<1600000xi32, #tpu.memory_space<hbm>> -> memref<400xi32, #tpu.memory_space<hbm>>
    tpu.enqueue_dma source(%dma_start3A_34 : memref<400xi32, #tpu.memory_space<hbm>>) target(%arg14 : memref<400xi32, #tpu.memory_space<vmem>>) target_semaphore(%arg31 : memref<!tpu.dma_semaphore, #tpu.memory_space<semaphore_mem>>)
    %dma_start3A_35 = tpu.memref_slice %arg4[%add3A_31] : memref<1600000xf32, #tpu.memory_space<hbm>> -> memref<400xf32, #tpu.memory_space<hbm>>
    %dma_start3A_36 = tpu.memref_slice %arg4[%add3A_31] : memref<1600000xf32, #tpu.memory_space<hbm>> -> memref<400xf32, #tpu.memory_space<hbm>>
    tpu.enqueue_dma source(%dma_start3A_36 : memref<400xf32, #tpu.memory_space<hbm>>) target(%arg15 : memref<400xf32, #tpu.memory_space<vmem>>) target_semaphore(%arg31 : memref<!tpu.dma_semaphore, #tpu.memory_space<semaphore_mem>>)
    %dma_start3A_37 = tpu.memref_slice %arg5[%add3A_31] : memref<1600000xf32, #tpu.memory_space<hbm>> -> memref<400xf32, #tpu.memory_space<hbm>>
    %dma_start3A_38 = tpu.memref_slice %arg5[%add3A_31] : memref<1600000xf32, #tpu.memory_space<hbm>> -> memref<400xf32, #tpu.memory_space<hbm>>
    tpu.enqueue_dma source(%dma_start3A_38 : memref<400xf32, #tpu.memory_space<hbm>>) target(%arg16 : memref<400xf32, #tpu.memory_space<vmem>>) target_semaphore(%arg31 : memref<!tpu.dma_semaphore, #tpu.memory_space<semaphore_mem>>)
    %dma_start3A_39 = tpu.memref_slice %arg6[%add3A_31] : memref<1600000xf32, #tpu.memory_space<hbm>> -> memref<400xf32, #tpu.memory_space<hbm>>
    %dma_start3A_40 = tpu.memref_slice %arg6[%add3A_31] : memref<1600000xf32, #tpu.memory_space<hbm>> -> memref<400xf32, #tpu.memory_space<hbm>>
    tpu.enqueue_dma source(%dma_start3A_40 : memref<400xf32, #tpu.memory_space<hbm>>) target(%arg17 : memref<400xf32, #tpu.memory_space<vmem>>) target_semaphore(%arg31 : memref<!tpu.dma_semaphore, #tpu.memory_space<semaphore_mem>>)
    %dma_start3A_41 = tpu.memref_slice %arg7[%add3A_31] : memref<1600000xf32, #tpu.memory_space<hbm>> -> memref<400xf32, #tpu.memory_space<hbm>>
    %dma_start3A_42 = tpu.memref_slice %arg7[%add3A_31] : memref<1600000xf32, #tpu.memory_space<hbm>> -> memref<400xf32, #tpu.memory_space<hbm>>
    tpu.enqueue_dma source(%dma_start3A_42 : memref<400xf32, #tpu.memory_space<hbm>>) target(%arg18 : memref<400xf32, #tpu.memory_space<vmem>>) target_semaphore(%arg31 : memref<!tpu.dma_semaphore, #tpu.memory_space<semaphore_mem>>)
    %scan3A_43 = arith.constant 1.000000e+00 : f32
    %scan3A_44 = arith.constant -0.699999988 : f32
    %scan3A_45 = arith.constant -0.280028522 : f32
    %scan3A_46 = arith.constant 0 : i32
    %scan3A_47 = arith.constant 0 : i32
    %scan3A_48 = arith.constant 62 : i32
    %scan3A_49 = arith.addi %scan3A_47, %scan3A_48 : i32
    %scan3A_50 = arith.constant 1 : i32
    %scan3A_51 = scf.for %scan3A_208 = %scan3A_47 to %scan3A_49 step %scan3A_50 iter_args(%scan3A_209 = %scan3A_46) -> (i32)  : i32 {
      %mul3A_210 = arith.constant 2 : i32
      %mul3A_211 = arith.muli %mul3A_210, %scan3A_208 : i32
      %add3A_212 = arith.constant 0 : i32
      %add3A_213 = arith.addi %mul3A_211, %add3A_212 : i32
      %add3A_214 = arith.constant 1 : i32
      %add3A_215 = arith.addi %add3A_213, %add3A_214 : i32
      %mul3A_216 = arith.constant 50000 : i32
      %mul3A_217 = arith.muli %add3A, %mul3A_216 : i32
      %mul3A_218 = arith.constant 400 : i32
      %mul3A_219 = arith.muli %add3A_215, %mul3A_218 : i32
      %add3A_220 = arith.addi %mul3A_217, %mul3A_219 : i32
      %dma_start3A_221 = tpu.memref_slice %arg2[%add3A_220] : memref<1600000xi32, #tpu.memory_space<hbm>> -> memref<400xi32, #tpu.memory_space<hbm>>
      %dma_start3A_222 = tpu.memref_slice %arg2[%add3A_220] : memref<1600000xi32, #tpu.memory_space<hbm>> -> memref<400xi32, #tpu.memory_space<hbm>>
      tpu.enqueue_dma source(%dma_start3A_222 : memref<400xi32, #tpu.memory_space<hbm>>) target(%arg21 : memref<400xi32, #tpu.memory_space<vmem>>) target_semaphore(%arg33 : memref<!tpu.dma_semaphore, #tpu.memory_space<semaphore_mem>>)
      %dma_start3A_223 = tpu.memref_slice %arg3[%add3A_220] : memref<1600000xi32, #tpu.memory_space<hbm>> -> memref<400xi32, #tpu.memory_space<hbm>>
      %dma_start3A_224 = tpu.memref_slice %arg3[%add3A_220] : memref<1600000xi32, #tpu.memory_space<hbm>> -> memref<400xi32, #tpu.memory_space<hbm>>
      tpu.enqueue_dma source(%dma_start3A_224 : memref<400xi32, #tpu.memory_space<hbm>>) target(%arg22 : memref<400xi32, #tpu.memory_space<vmem>>) target_semaphore(%arg33 : memref<!tpu.dma_semaphore, #tpu.memory_space<semaphore_mem>>)
      %dma_start3A_225 = tpu.memref_slice %arg4[%add3A_220] : memref<1600000xf32, #tpu.memory_space<hbm>> -> memref<400xf32, #tpu.memory_space<hbm>>
      %dma_start3A_226 = tpu.memref_slice %arg4[%add3A_220] : memref<1600000xf32, #tpu.memory_space<hbm>> -> memref<400xf32, #tpu.memory_space<hbm>>
      tpu.enqueue_dma source(%dma_start3A_226 : memref<400xf32, #tpu.memory_space<hbm>>) target(%arg23 : memref<400xf32, #tpu.memory_space<vmem>>) target_semaphore(%arg33 : memref<!tpu.dma_semaphore, #tpu.memory_space<semaphore_mem>>)
      %dma_start3A_227 = tpu.memref_slice %arg5[%add3A_220] : memref<1600000xf32, #tpu.memory_space<hbm>> -> memref<400xf32, #tpu.memory_space<hbm>>
      %dma_start3A_228 = tpu.memref_slice %arg5[%add3A_220] : memref<1600000xf32, #tpu.memory_space<hbm>> -> memref<400xf32, #tpu.memory_space<hbm>>
      tpu.enqueue_dma source(%dma_start3A_228 : memref<400xf32, #tpu.memory_space<hbm>>) target(%arg24 : memref<400xf32, #tpu.memory_space<vmem>>) target_semaphore(%arg33 : memref<!tpu.dma_semaphore, #tpu.memory_space<semaphore_mem>>)
      %dma_start3A_229 = tpu.memref_slice %arg6[%add3A_220] : memref<1600000xf32, #tpu.memory_space<hbm>> -> memref<400xf32, #tpu.memory_space<hbm>>
      %dma_start3A_230 = tpu.memref_slice %arg6[%add3A_220] : memref<1600000xf32, #tpu.memory_space<hbm>> -> memref<400xf32, #tpu.memory_space<hbm>>
      tpu.enqueue_dma source(%dma_start3A_230 : memref<400xf32, #tpu.memory_space<hbm>>) target(%arg25 : memref<400xf32, #tpu.memory_space<vmem>>) target_semaphore(%arg33 : memref<!tpu.dma_semaphore, #tpu.memory_space<semaphore_mem>>)
      %dma_start3A_231 = tpu.memref_slice %arg7[%add3A_220] : memref<1600000xf32, #tpu.memory_space<hbm>> -> memref<400xf32, #tpu.memory_space<hbm>>
      %dma_start3A_232 = tpu.memref_slice %arg7[%add3A_220] : memref<1600000xf32, #tpu.memory_space<hbm>> -> memref<400xf32, #tpu.memory_space<hbm>>
      tpu.enqueue_dma source(%dma_start3A_232 : memref<400xf32, #tpu.memory_space<hbm>>) target(%arg26 : memref<400xf32, #tpu.memory_space<vmem>>) target_semaphore(%arg33 : memref<!tpu.dma_semaphore, #tpu.memory_space<semaphore_mem>>)
      %dma_wait3A_233 = arith.constant 0 : i32
      %dma_wait3A_234 = tpu.memref_slice %arg2[%dma_wait3A_233] : memref<1600000xi32, #tpu.memory_space<hbm>> -> memref<400xi32, #tpu.memory_space<hbm>>
      %dma_wait3A_235 = arith.constant 0 : i32
      %dma_wait3A_236 = tpu.memref_slice %arg2[%dma_wait3A_235] : memref<1600000xi32, #tpu.memory_space<hbm>> -> memref<400xi32, #tpu.memory_space<hbm>>
      tpu.wait_dma2 semaphore(%arg31 : memref<!tpu.dma_semaphore, #tpu.memory_space<semaphore_mem>>) src(%dma_wait3A_236 : memref<400xi32, #tpu.memory_space<hbm>>) dst(%arg13 : memref<400xi32, #tpu.memory_space<vmem>>)
      %dma_wait3A_237 = arith.constant 0 : i32
      %dma_wait3A_238 = tpu.memref_slice %arg2[%dma_wait3A_237] : memref<1600000xi32, #tpu.memory_space<hbm>> -> memref<400xi32, #tpu.memory_space<hbm>>
      %dma_wait3A_239 = arith.constant 0 : i32
      %dma_wait3A_240 = tpu.memref_slice %arg2[%dma_wait3A_239] : memref<1600000xi32, #tpu.memory_space<hbm>> -> memref<400xi32, #tpu.memory_space<hbm>>
      tpu.wait_dma2 semaphore(%arg31 : memref<!tpu.dma_semaphore, #tpu.memory_space<semaphore_mem>>) src(%dma_wait3A_240 : memref<400xi32, #tpu.memory_space<hbm>>) dst(%arg14 : memref<400xi32, #tpu.memory_space<vmem>>)
      %dma_wait3A_241 = arith.constant 0 : i32
      %dma_wait3A_242 = tpu.memref_slice %arg2[%dma_wait3A_241] : memref<1600000xi32, #tpu.memory_space<hbm>> -> memref<400xi32, #tpu.memory_space<hbm>>
      %dma_wait3A_243 = arith.constant 0 : i32
      %dma_wait3A_244 = tpu.memref_slice %arg2[%dma_wait3A_243] : memref<1600000xi32, #tpu.memory_space<hbm>> -> memref<400xi32, #tpu.memory_space<hbm>>
      tpu.wait_dma2 semaphore(%arg31 : memref<!tpu.dma_semaphore, #tpu.memory_space<semaphore_mem>>) src(%dma_wait3A_244 : memref<400xi32, #tpu.memory_space<hbm>>) dst(%arg15 : memref<400xf32, #tpu.memory_space<vmem>>)
      %dma_wait3A_245 = arith.constant 0 : i32
      %dma_wait3A_246 = tpu.memref_slice %arg2[%dma_wait3A_245] : memref<1600000xi32, #tpu.memory_space<hbm>> -> memref<400xi32, #tpu.memory_space<hbm>>
      %dma_wait3A_247 = arith.constant 0 : i32
      %dma_wait3A_248 = tpu.memref_slice %arg2[%dma_wait3A_247] : memref<1600000xi32, #tpu.memory_space<hbm>> -> memref<400xi32, #tpu.memory_space<hbm>>
      tpu.wait_dma2 semaphore(%arg31 : memref<!tpu.dma_semaphore, #tpu.memory_space<semaphore_mem>>) src(%dma_wait3A_248 : memref<400xi32, #tpu.memory_space<hbm>>) dst(%arg16 : memref<400xf32, #tpu.memory_space<vmem>>)
      %dma_wait3A_249 = arith.constant 0 : i32
      %dma_wait3A_250 = tpu.memref_slice %arg2[%dma_wait3A_249] : memref<1600000xi32, #tpu.memory_space<hbm>> -> memref<400xi32, #tpu.memory_space<hbm>>
      %dma_wait3A_251 = arith.constant 0 : i32
      %dma_wait3A_252 = tpu.memref_slice %arg2[%dma_wait3A_251] : memref<1600000xi32, #tpu.memory_space<hbm>> -> memref<400xi32, #tpu.memory_space<hbm>>
      tpu.wait_dma2 semaphore(%arg31 : memref<!tpu.dma_semaphore, #tpu.memory_space<semaphore_mem>>) src(%dma_wait3A_252 : memref<400xi32, #tpu.memory_space<hbm>>) dst(%arg17 : memref<400xf32, #tpu.memory_space<vmem>>)
      %dma_wait3A_253 = arith.constant 0 : i32
      %dma_wait3A_254 = tpu.memref_slice %arg2[%dma_wait3A_253] : memref<1600000xi32, #tpu.memory_space<hbm>> -> memref<400xi32, #tpu.memory_space<hbm>>
      %dma_wait3A_255 = arith.constant 0 : i32
      %dma_wait3A_256 = tpu.memref_slice %arg2[%dma_wait3A_255] : memref<1600000xi32, #tpu.memory_space<hbm>> -> memref<400xi32, #tpu.memory_space<hbm>>
      tpu.wait_dma2 semaphore(%arg31 : memref<!tpu.dma_semaphore, #tpu.memory_space<semaphore_mem>>) src(%dma_wait3A_256 : memref<400xi32, #tpu.memory_space<hbm>>) dst(%arg18 : memref<400xf32, #tpu.memory_space<vmem>>)
      %gt3A = arith.constant 0 : i32
      %gt3A_257 = arith.cmpi sgt, %scan3A_208, %gt3A : i32
      %convert_element_type3A = arith.extui %gt3A_257 : i1 to i32
      %cond3A = arith.constant 0 : i32
      %cond3A_258 = arith.cmpi ne, %convert_element_type3A, %cond3A : i32
      scf.if %cond3A_258 {
        %dma_wait3A_558 = arith.constant 0 : i32
        %dma_wait3A_559 = tpu.memref_slice %arg30[%dma_wait3A_558] : memref<150016xf32, #tpu.memory_space<vmem_shared>> -> memref<150016xf32, #tpu.memory_space<vmem_shared>>
        tpu.wait_indirect_dma semaphore(%arg32 : memref<!tpu.dma_semaphore, #tpu.memory_space<semaphore_mem>>) src(%arg19 : memref<1200xf32, #tpu.memory_space<vmem>>) dst(%dma_wait3A_559 : memref<150016xf32, #tpu.memory_space<vmem_shared>>)
      } else {
      }
      %scan3A_259 = arith.constant 0 : i32
      %scan3A_260 = arith.constant 0 : i32
      %scan3A_261 = arith.constant 24 : i32
      %scan3A_262 = arith.addi %scan3A_260, %scan3A_261 : i32
      %scan3A_263 = arith.constant 6 : i32
      %scan3A_264 = scf.for %scan3A_558 = %scan3A_260 to %scan3A_262 step %scan3A_263 iter_args(%scan3A_559 = %scan3A_259) -> (i32)  : i32 {
        %mul3A_560 = arith.constant 16 : i32
        %mul3A_561 = arith.muli %scan3A_558, %mul3A_560 : i32
        %get3A_562 = arith.index_cast %mul3A_561 : i32 to index
        %get3A_563 = tpu.vector_load %arg13[%get3A_562] {strides = array<i32>} : memref<400xi32, #tpu.memory_space<vmem>>, vector<16xi32>,
        %get3A_564 = arith.index_cast %mul3A_561 : i32 to index
        %get3A_565 = tpu.vector_load %arg14[%get3A_564] {strides = array<i32>} : memref<400xi32, #tpu.memory_space<vmem>>, vector<16xi32>,
        %get3A_566 = arith.index_cast %mul3A_561 : i32 to index
        %get3A_567 = tpu.vector_load %arg15[%get3A_566] {strides = array<i32>} : memref<400xf32, #tpu.memory_space<vmem>>, vector<16xf32>,
        %gather3A_568 = tpu.vector_load_idx %arg11[%get3A_565] : memref<50000xf32, #tpu.memory_space<vmem>>[vector<16xi32>], vector<16xf32>,
        %gather3A_569 = tpu.vector_load_idx %arg12[%get3A_563] : memref<50000xf32, #tpu.memory_space<vmem>>[vector<16xi32>], vector<16xf32>,
        %gather3A_570 = tpu.vector_load_idx %arg12[%get3A_565] : memref<50000xf32, #tpu.memory_space<vmem>>[vector<16xi32>], vector<16xf32>,
        %mul3A_571 = arith.mulf %gather3A_569, %gather3A_570 : vector<16xf32>
        %bitcast3A_572 = vector.bitcast %mul3A_571 : vector<16xf32> to vector<16xi32>
        %shift_right_logical3A_573 = arith.constant 1 : i32
        %shift_right_logical3A_574 = vector.broadcast %shift_right_logical3A_573 : i32 to vector<16xi32>
        %shift_right_logical3A_575 = arith.shrui %bitcast3A_572, %shift_right_logical3A_574 : vector<16xi32>
        %sub3A_576 = arith.constant 1597463007 : i32
        %sub3A_577 = vector.broadcast %sub3A_576 : i32 to vector<16xi32>
        %sub3A_578 = arith.subi %sub3A_577, %shift_right_logical3A_575 : vector<16xi32>
        %bitcast3A_579 = vector.bitcast %sub3A_578 : vector<16xi32> to vector<16xf32>
        %mul3A_580 = arith.constant 5.000000e-01 : f32
        %mul3A_581 = vector.broadcast %mul3A_580 : f32 to vector<16xf32>
        %mul3A_582 = arith.mulf %mul3A_571, %mul3A_581 : vector<16xf32>
        %mul3A_583 = arith.mulf %mul3A_582, %bitcast3A_579 : vector<16xf32>
        %mul3A_584 = arith.mulf %mul3A_583, %bitcast3A_579 : vector<16xf32>
        %sub3A_585 = arith.constant 1.500000e+00 : f32
        %sub3A_586 = vector.broadcast %sub3A_585 : f32 to vector<16xf32>
        %sub3A_587 = arith.subf %sub3A_586, %mul3A_584 : vector<16xf32>
        %mul3A_588 = arith.mulf %bitcast3A_579, %sub3A_587 : vector<16xf32>
        %mul3A_589 = arith.mulf %mul3A_582, %mul3A_588 : vector<16xf32>
        %mul3A_590 = arith.mulf %mul3A_589, %mul3A_588 : vector<16xf32>
        %sub3A_591 = arith.constant 1.500000e+00 : f32
        %sub3A_592 = vector.broadcast %sub3A_591 : f32 to vector<16xf32>
        %sub3A_593 = arith.subf %sub3A_592, %mul3A_590 : vector<16xf32>
        %mul3A_594 = arith.mulf %mul3A_588, %sub3A_593 : vector<16xf32>
        %mul3A_595 = arith.mulf %mul3A_571, %mul3A_594 : vector<16xf32>
        %mul3A_596 = arith.mulf %get3A_567, %get3A_567 : vector<16xf32>
        %mul3A_597 = arith.mulf %mul3A_596, %get3A_567 : vector<16xf32>
        %div3A_598 = vector.broadcast %scan3A_43 : f32 to vector<16xf32>
        %div3A_599 = arith.divf %div3A_598, %mul3A_597 : vector<16xf32>
        %mul3A_600 = arith.mulf %mul3A_595, %div3A_599 : vector<16xf32>
        %bitcast3A_601 = vector.bitcast %mul3A_600 : vector<16xf32> to vector<16xi32>
        %shift_right_logical3A_602 = arith.constant 1 : i32
        %shift_right_logical3A_603 = vector.broadcast %shift_right_logical3A_602 : i32 to vector<16xi32>
        %shift_right_logical3A_604 = arith.shrui %bitcast3A_601, %shift_right_logical3A_603 : vector<16xi32>
        %sub3A_605 = arith.constant 1597463007 : i32
        %sub3A_606 = vector.broadcast %sub3A_605 : i32 to vector<16xi32>
        %sub3A_607 = arith.subi %sub3A_606, %shift_right_logical3A_604 : vector<16xi32>
        %bitcast3A_608 = vector.bitcast %sub3A_607 : vector<16xi32> to vector<16xf32>
        %mul3A_609 = arith.constant 5.000000e-01 : f32
        %mul3A_610 = vector.broadcast %mul3A_609 : f32 to vector<16xf32>
        %mul3A_611 = arith.mulf %mul3A_600, %mul3A_610 : vector<16xf32>
        %mul3A_612 = arith.mulf %mul3A_611, %bitcast3A_608 : vector<16xf32>
        %mul3A_613 = arith.mulf %mul3A_612, %bitcast3A_608 : vector<16xf32>
        %sub3A_614 = arith.constant 1.500000e+00 : f32
        %sub3A_615 = vector.broadcast %sub3A_614 : f32 to vector<16xf32>
        %sub3A_616 = arith.subf %sub3A_615, %mul3A_613 : vector<16xf32>
        %mul3A_617 = arith.mulf %bitcast3A_608, %sub3A_616 : vector<16xf32>
        %mul3A_618 = arith.mulf %mul3A_611, %mul3A_617 : vector<16xf32>
        %mul3A_619 = arith.mulf %mul3A_618, %mul3A_617 : vector<16xf32>
        %sub3A_620 = arith.constant 1.500000e+00 : f32
        %sub3A_621 = vector.broadcast %sub3A_620 : f32 to vector<16xf32>
        %sub3A_622 = arith.subf %sub3A_621, %mul3A_619 : vector<16xf32>
        %mul3A_623 = arith.mulf %mul3A_617, %sub3A_622 : vector<16xf32>
        %mul3A_624 = vector.broadcast %scan3A_44 : f32 to vector<16xf32>
        %mul3A_625 = arith.mulf %mul3A_624, %mul3A_623 : vector<16xf32>
        %exp3A_626 = math.exp %mul3A_625 : vector<16xf32>
        %sub3A_627 = vector.broadcast %scan3A_43 : f32 to vector<16xf32>
        %sub3A_628 = arith.subf %sub3A_627, %exp3A_626 : vector<16xf32>
        %mul3A_629 = vector.broadcast %scan3A_45 : f32 to vector<16xf32>
        %mul3A_630 = arith.mulf %mul3A_629, %gather3A_568 : vector<16xf32>
        %mul3A_631 = arith.mulf %mul3A_630, %sub3A_628 : vector<16xf32>
        %mul3A_632 = arith.mulf %mul3A_631, %div3A_599 : vector<16xf32>
        %mul3A_633 = arith.constant 3 : i32
        %mul3A_634 = vector.broadcast %mul3A_633 : i32 to vector<16xi32>
        %mul3A_635 = arith.muli %get3A_563, %mul3A_634 : vector<16xi32>
        %get3A_636 = arith.index_cast %mul3A_561 : i32 to index
        %get3A_637 = tpu.vector_load %arg16[%get3A_636] {strides = array<i32>} : memref<400xf32, #tpu.memory_space<vmem>>, vector<16xf32>,
        %mul3A_638 = arith.mulf %mul3A_632, %get3A_637 : vector<16xf32>
        %swap3A_639 = arith.index_cast %mul3A_561 : i32 to index
        %swap3A_640 = tpu.vector_load %arg19[%swap3A_639] {strides = array<i32>} : memref<1200xf32, #tpu.memory_space<vmem>>, vector<16xf32>,
        tpu.vector_store %arg19[%swap3A_639], %mul3A_638 {strides = array<i32>} : memref<1200xf32, #tpu.memory_space<vmem>>, vector<16xf32>,
        %get3A_641 = arith.index_cast %mul3A_561 : i32 to index
        %get3A_642 = tpu.vector_load %arg17[%get3A_641] {strides = array<i32>} : memref<400xf32, #tpu.memory_space<vmem>>, vector<16xf32>,
        %mul3A_643 = arith.mulf %mul3A_632, %get3A_642 : vector<16xf32>
        %add3A_644 = arith.constant 400 : i32
        %add3A_645 = arith.addi %add3A_644, %mul3A_561 : i32
        %swap3A_646 = arith.index_cast %add3A_645 : i32 to index
        %swap3A_647 = tpu.vector_load %arg19[%swap3A_646] {strides = array<i32>} : memref<1200xf32, #tpu.memory_space<vmem>>, vector<16xf32>,
        tpu.vector_store %arg19[%swap3A_646], %mul3A_643 {strides = array<i32>} : memref<1200xf32, #tpu.memory_space<vmem>>, vector<16xf32>,
        %get3A_648 = arith.index_cast %mul3A_561 : i32 to index
        %get3A_649 = tpu.vector_load %arg18[%get3A_648] {strides = array<i32>} : memref<400xf32, #tpu.memory_space<vmem>>, vector<16xf32>,
        %mul3A_650 = arith.mulf %mul3A_632, %get3A_649 : vector<16xf32>
        %add3A_651 = arith.constant 800 : i32
        %add3A_652 = arith.addi %add3A_651, %mul3A_561 : i32
        %swap3A_653 = arith.index_cast %add3A_652 : i32 to index
        %swap3A_654 = tpu.vector_load %arg19[%swap3A_653] {strides = array<i32>} : memref<1200xf32, #tpu.memory_space<vmem>>, vector<16xf32>,
        tpu.vector_store %arg19[%swap3A_653], %mul3A_650 {strides = array<i32>} : memref<1200xf32, #tpu.memory_space<vmem>>, vector<16xf32>,
        %swap3A_655 = arith.index_cast %mul3A_561 : i32 to index
        %swap3A_656 = tpu.vector_load %arg20[%swap3A_655] {strides = array<i32>} : memref<1200xi32, #tpu.memory_space<vmem>>, vector<16xi32>,
        tpu.vector_store %arg20[%swap3A_655], %mul3A_635 {strides = array<i32>} : memref<1200xi32, #tpu.memory_space<vmem>>, vector<16xi32>,
        %add3A_657 = arith.constant 1 : i32
        %add3A_658 = vector.broadcast %add3A_657 : i32 to vector<16xi32>
        %add3A_659 = arith.addi %mul3A_635, %add3A_658 : vector<16xi32>
        %add3A_660 = arith.constant 400 : i32
        %add3A_661 = arith.addi %add3A_660, %mul3A_561 : i32
        %swap3A_662 = arith.index_cast %add3A_661 : i32 to index
        %swap3A_663 = tpu.vector_load %arg20[%swap3A_662] {strides = array<i32>} : memref<1200xi32, #tpu.memory_space<vmem>>, vector<16xi32>,
        tpu.vector_store %arg20[%swap3A_662], %add3A_659 {strides = array<i32>} : memref<1200xi32, #tpu.memory_space<vmem>>, vector<16xi32>,
        %add3A_664 = arith.constant 2 : i32
        %add3A_665 = vector.broadcast %add3A_664 : i32 to vector<16xi32>
        %add3A_666 = arith.addi %mul3A_635, %add3A_665 : vector<16xi32>
        %add3A_667 = arith.constant 800 : i32
        %add3A_668 = arith.addi %add3A_667, %mul3A_561 : i32
        %swap3A_669 = arith.index_cast %add3A_668 : i32 to index
        %swap3A_670 = tpu.vector_load %arg20[%swap3A_669] {strides = array<i32>} : memref<1200xi32, #tpu.memory_space<vmem>>, vector<16xi32>,
        tpu.vector_store %arg20[%swap3A_669], %add3A_666 {strides = array<i32>} : memref<1200xi32, #tpu.memory_space<vmem>>, vector<16xi32>,
        %scan3A_671 = arith.constant 0 : i32
        %scan3A_672 = arith.constant 1 : i32
        %scan3A_673 = arith.addi %scan3A_558, %scan3A_672 : i32
        %mul3A_674 = arith.constant 16 : i32
        %mul3A_675 = arith.muli %scan3A_673, %mul3A_674 : i32
        %get3A_676 = arith.index_cast %mul3A_675 : i32 to index
        %get3A_677 = tpu.vector_load %arg13[%get3A_676] {strides = array<i32>} : memref<400xi32, #tpu.memory_space<vmem>>, vector<16xi32>,
        %get3A_678 = arith.index_cast %mul3A_675 : i32 to index
        %get3A_679 = tpu.vector_load %arg14[%get3A_678] {strides = array<i32>} : memref<400xi32, #tpu.memory_space<vmem>>, vector<16xi32>,
        %get3A_680 = arith.index_cast %mul3A_675 : i32 to index
        %get3A_681 = tpu.vector_load %arg15[%get3A_680] {strides = array<i32>} : memref<400xf32, #tpu.memory_space<vmem>>, vector<16xf32>,
        %gather3A_682 = tpu.vector_load_idx %arg11[%get3A_679] : memref<50000xf32, #tpu.memory_space<vmem>>[vector<16xi32>], vector<16xf32>,
        %gather3A_683 = tpu.vector_load_idx %arg12[%get3A_677] : memref<50000xf32, #tpu.memory_space<vmem>>[vector<16xi32>], vector<16xf32>,
        %gather3A_684 = tpu.vector_load_idx %arg12[%get3A_679] : memref<50000xf32, #tpu.memory_space<vmem>>[vector<16xi32>], vector<16xf32>,
        %mul3A_685 = arith.mulf %gather3A_683, %gather3A_684 : vector<16xf32>
        %bitcast3A_686 = vector.bitcast %mul3A_685 : vector<16xf32> to vector<16xi32>
        %shift_right_logical3A_687 = arith.constant 1 : i32
        %shift_right_logical3A_688 = vector.broadcast %shift_right_logical3A_687 : i32 to vector<16xi32>
        %shift_right_logical3A_689 = arith.shrui %bitcast3A_686, %shift_right_logical3A_688 : vector<16xi32>
        %sub3A_690 = arith.constant 1597463007 : i32
        %sub3A_691 = vector.broadcast %sub3A_690 : i32 to vector<16xi32>
        %sub3A_692 = arith.subi %sub3A_691, %shift_right_logical3A_689 : vector<16xi32>
        %bitcast3A_693 = vector.bitcast %sub3A_692 : vector<16xi32> to vector<16xf32>
        %mul3A_694 = arith.constant 5.000000e-01 : f32
        %mul3A_695 = vector.broadcast %mul3A_694 : f32 to vector<16xf32>
        %mul3A_696 = arith.mulf %mul3A_685, %mul3A_695 : vector<16xf32>
        %mul3A_697 = arith.mulf %mul3A_696, %bitcast3A_693 : vector<16xf32>
        %mul3A_698 = arith.mulf %mul3A_697, %bitcast3A_693 : vector<16xf32>
        %sub3A_699 = arith.constant 1.500000e+00 : f32
        %sub3A_700 = vector.broadcast %sub3A_699 : f32 to vector<16xf32>
        %sub3A_701 = arith.subf %sub3A_700, %mul3A_698 : vector<16xf32>
        %mul3A_702 = arith.mulf %bitcast3A_693, %sub3A_701 : vector<16xf32>
        %mul3A_703 = arith.mulf %mul3A_696, %mul3A_702 : vector<16xf32>
        %mul3A_704 = arith.mulf %mul3A_703, %mul3A_702 : vector<16xf32>
        %sub3A_705 = arith.constant 1.500000e+00 : f32
        %sub3A_706 = vector.broadcast %sub3A_705 : f32 to vector<16xf32>
        %sub3A_707 = arith.subf %sub3A_706, %mul3A_704 : vector<16xf32>
        %mul3A_708 = arith.mulf %mul3A_702, %sub3A_707 : vector<16xf32>
        %mul3A_709 = arith.mulf %mul3A_685, %mul3A_708 : vector<16xf32>
        %mul3A_710 = arith.mulf %get3A_681, %get3A_681 : vector<16xf32>
        %mul3A_711 = arith.mulf %mul3A_710, %get3A_681 : vector<16xf32>
        %div3A_712 = vector.broadcast %scan3A_43 : f32 to vector<16xf32>
        %div3A_713 = arith.divf %div3A_712, %mul3A_711 : vector<16xf32>
        %mul3A_714 = arith.mulf %mul3A_709, %div3A_713 : vector<16xf32>
        %bitcast3A_715 = vector.bitcast %mul3A_714 : vector<16xf32> to vector<16xi32>
        %shift_right_logical3A_716 = arith.constant 1 : i32
        %shift_right_logical3A_717 = vector.broadcast %shift_right_logical3A_716 : i32 to vector<16xi32>
        %shift_right_logical3A_718 = arith.shrui %bitcast3A_715, %shift_right_logical3A_717 : vector<16xi32>
        %sub3A_719 = arith.constant 1597463007 : i32
        %sub3A_720 = vector.broadcast %sub3A_719 : i32 to vector<16xi32>
        %sub3A_721 = arith.subi %sub3A_720, %shift_right_logical3A_718 : vector<16xi32>
        %bitcast3A_722 = vector.bitcast %sub3A_721 : vector<16xi32> to vector<16xf32>
        %mul3A_723 = arith.constant 5.000000e-01 : f32
        %mul3A_724 = vector.broadcast %mul3A_723 : f32 to vector<16xf32>
        %mul3A_725 = arith.mulf %mul3A_714, %mul3A_724 : vector<16xf32>
        %mul3A_726 = arith.mulf %mul3A_725, %bitcast3A_722 : vector<16xf32>
        %mul3A_727 = arith.mulf %mul3A_726, %bitcast3A_722 : vector<16xf32>
        %sub3A_728 = arith.constant 1.500000e+00 : f32
        %sub3A_729 = vector.broadcast %sub3A_728 : f32 to vector<16xf32>
        %sub3A_730 = arith.subf %sub3A_729, %mul3A_727 : vector<16xf32>
        %mul3A_731 = arith.mulf %bitcast3A_722, %sub3A_730 : vector<16xf32>
        %mul3A_732 = arith.mulf %mul3A_725, %mul3A_731 : vector<16xf32>
        %mul3A_733 = arith.mulf %mul3A_732, %mul3A_731 : vector<16xf32>
        %sub3A_734 = arith.constant 1.500000e+00 : f32
        %sub3A_735 = vector.broadcast %sub3A_734 : f32 to vector<16xf32>
        %sub3A_736 = arith.subf %sub3A_735, %mul3A_733 : vector<16xf32>
        %mul3A_737 = arith.mulf %mul3A_731, %sub3A_736 : vector<16xf32>
        %mul3A_738 = vector.broadcast %scan3A_44 : f32 to vector<16xf32>
        %mul3A_739 = arith.mulf %mul3A_738, %mul3A_737 : vector<16xf32>
        %exp3A_740 = math.exp %mul3A_739 : vector<16xf32>
        %sub3A_741 = vector.broadcast %scan3A_43 : f32 to vector<16xf32>
        %sub3A_742 = arith.subf %sub3A_741, %exp3A_740 : vector<16xf32>
        %mul3A_743 = vector.broadcast %scan3A_45 : f32 to vector<16xf32>
        %mul3A_744 = arith.mulf %mul3A_743, %gather3A_682 : vector<16xf32>
        %mul3A_745 = arith.mulf %mul3A_744, %sub3A_742 : vector<16xf32>
        %mul3A_746 = arith.mulf %mul3A_745, %div3A_713 : vector<16xf32>
        %mul3A_747 = arith.constant 3 : i32
        %mul3A_748 = vector.broadcast %mul3A_747 : i32 to vector<16xi32>
        %mul3A_749 = arith.muli %get3A_677, %mul3A_748 : vector<16xi32>
        %get3A_750 = arith.index_cast %mul3A_675 : i32 to index
        %get3A_751 = tpu.vector_load %arg16[%get3A_750] {strides = array<i32>} : memref<400xf32, #tpu.memory_space<vmem>>, vector<16xf32>,
        %mul3A_752 = arith.mulf %mul3A_746, %get3A_751 : vector<16xf32>
        %swap3A_753 = arith.index_cast %mul3A_675 : i32 to index
        %swap3A_754 = tpu.vector_load %arg19[%swap3A_753] {strides = array<i32>} : memref<1200xf32, #tpu.memory_space<vmem>>, vector<16xf32>,
        tpu.vector_store %arg19[%swap3A_753], %mul3A_752 {strides = array<i32>} : memref<1200xf32, #tpu.memory_space<vmem>>, vector<16xf32>,
        %get3A_755 = arith.index_cast %mul3A_675 : i32 to index
        %get3A_756 = tpu.vector_load %arg17[%get3A_755] {strides = array<i32>} : memref<400xf32, #tpu.memory_space<vmem>>, vector<16xf32>,
        %mul3A_757 = arith.mulf %mul3A_746, %get3A_756 : vector<16xf32>
        %add3A_758 = arith.constant 400 : i32
        %add3A_759 = arith.addi %add3A_758, %mul3A_675 : i32
        %swap3A_760 = arith.index_cast %add3A_759 : i32 to index
        %swap3A_761 = tpu.vector_load %arg19[%swap3A_760] {strides = array<i32>} : memref<1200xf32, #tpu.memory_space<vmem>>, vector<16xf32>,
        tpu.vector_store %arg19[%swap3A_760], %mul3A_757 {strides = array<i32>} : memref<1200xf32, #tpu.memory_space<vmem>>, vector<16xf32>,
        %get3A_762 = arith.index_cast %mul3A_675 : i32 to index
        %get3A_763 = tpu.vector_load %arg18[%get3A_762] {strides = array<i32>} : memref<400xf32, #tpu.memory_space<vmem>>, vector<16xf32>,
        %mul3A_764 = arith.mulf %mul3A_746, %get3A_763 : vector<16xf32>
        %add3A_765 = arith.constant 800 : i32
        %add3A_766 = arith.addi %add3A_765, %mul3A_675 : i32
        %swap3A_767 = arith.index_cast %add3A_766 : i32 to index
        %swap3A_768 = tpu.vector_load %arg19[%swap3A_767] {strides = array<i32>} : memref<1200xf32, #tpu.memory_space<vmem>>, vector<16xf32>,
        tpu.vector_store %arg19[%swap3A_767], %mul3A_764 {strides = array<i32>} : memref<1200xf32, #tpu.memory_space<vmem>>, vector<16xf32>,
        %swap3A_769 = arith.index_cast %mul3A_675 : i32 to index
        %swap3A_770 = tpu.vector_load %arg20[%swap3A_769] {strides = array<i32>} : memref<1200xi32, #tpu.memory_space<vmem>>, vector<16xi32>,
        tpu.vector_store %arg20[%swap3A_769], %mul3A_749 {strides = array<i32>} : memref<1200xi32, #tpu.memory_space<vmem>>, vector<16xi32>,
        %add3A_771 = arith.constant 1 : i32
        %add3A_772 = vector.broadcast %add3A_771 : i32 to vector<16xi32>
        %add3A_773 = arith.addi %mul3A_749, %add3A_772 : vector<16xi32>
        %add3A_774 = arith.constant 400 : i32
        %add3A_775 = arith.addi %add3A_774, %mul3A_675 : i32
        %swap3A_776 = arith.index_cast %add3A_775 : i32 to index
        %swap3A_777 = tpu.vector_load %arg20[%swap3A_776] {strides = array<i32>} : memref<1200xi32, #tpu.memory_space<vmem>>, vector<16xi32>,
        tpu.vector_store %arg20[%swap3A_776], %add3A_773 {strides = array<i32>} : memref<1200xi32, #tpu.memory_space<vmem>>, vector<16xi32>,
        %add3A_778 = arith.constant 2 : i32
        %add3A_779 = vector.broadcast %add3A_778 : i32 to vector<16xi32>
        %add3A_780 = arith.addi %mul3A_749, %add3A_779 : vector<16xi32>
        %add3A_781 = arith.constant 800 : i32
        %add3A_782 = arith.addi %add3A_781, %mul3A_675 : i32
        %swap3A_783 = arith.index_cast %add3A_782 : i32 to index
        %swap3A_784 = tpu.vector_load %arg20[%swap3A_783] {strides = array<i32>} : memref<1200xi32, #tpu.memory_space<vmem>>, vector<16xi32>,
        tpu.vector_store %arg20[%swap3A_783], %add3A_780 {strides = array<i32>} : memref<1200xi32, #tpu.memory_space<vmem>>, vector<16xi32>,
        %scan3A_785 = arith.constant 0 : i32
        %scan3A_786 = arith.constant 2 : i32
        %scan3A_787 = arith.addi %scan3A_558, %scan3A_786 : i32
        %mul3A_788 = arith.constant 16 : i32
        %mul3A_789 = arith.muli %scan3A_787, %mul3A_788 : i32
        %get3A_790 = arith.index_cast %mul3A_789 : i32 to index
        %get3A_791 = tpu.vector_load %arg13[%get3A_790] {strides = array<i32>} : memref<400xi32, #tpu.memory_space<vmem>>, vector<16xi32>,
        %get3A_792 = arith.index_cast %mul3A_789 : i32 to index
        %get3A_793 = tpu.vector_load %arg14[%get3A_792] {strides = array<i32>} : memref<400xi32, #tpu.memory_space<vmem>>, vector<16xi32>,
        %get3A_794 = arith.index_cast %mul3A_789 : i32 to index
        %get3A_795 = tpu.vector_load %arg15[%get3A_794] {strides = array<i32>} : memref<400xf32, #tpu.memory_space<vmem>>, vector<16xf32>,
        %gather3A_796 = tpu.vector_load_idx %arg11[%get3A_793] : memref<50000xf32, #tpu.memory_space<vmem>>[vector<16xi32>], vector<16xf32>,
        %gather3A_797 = tpu.vector_load_idx %arg12[%get3A_791] : memref<50000xf32, #tpu.memory_space<vmem>>[vector<16xi32>], vector<16xf32>,
        %gather3A_798 = tpu.vector_load_idx %arg12[%get3A_793] : memref<50000xf32, #tpu.memory_space<vmem>>[vector<16xi32>], vector<16xf32>,
        %mul3A_799 = arith.mulf %gather3A_797, %gather3A_798 : vector<16xf32>
        %bitcast3A_800 = vector.bitcast %mul3A_799 : vector<16xf32> to vector<16xi32>
        %shift_right_logical3A_801 = arith.constant 1 : i32
        %shift_right_logical3A_802 = vector.broadcast %shift_right_logical3A_801 : i32 to vector<16xi32>
        %shift_right_logical3A_803 = arith.shrui %bitcast3A_800, %shift_right_logical3A_802 : vector<16xi32>
        %sub3A_804 = arith.constant 1597463007 : i32
        %sub3A_805 = vector.broadcast %sub3A_804 : i32 to vector<16xi32>
        %sub3A_806 = arith.subi %sub3A_805, %shift_right_logical3A_803 : vector<16xi32>
        %bitcast3A_807 = vector.bitcast %sub3A_806 : vector<16xi32> to vector<16xf32>
        %mul3A_808 = arith.constant 5.000000e-01 : f32
        %mul3A_809 = vector.broadcast %mul3A_808 : f32 to vector<16xf32>
        %mul3A_810 = arith.mulf %mul3A_799, %mul3A_809 : vector<16xf32>
        %mul3A_811 = arith.mulf %mul3A_810, %bitcast3A_807 : vector<16xf32>
        %mul3A_812 = arith.mulf %mul3A_811, %bitcast3A_807 : vector<16xf32>
        %sub3A_813 = arith.constant 1.500000e+00 : f32
        %sub3A_814 = vector.broadcast %sub3A_813 : f32 to vector<16xf32>
        %sub3A_815 = arith.subf %sub3A_814, %mul3A_812 : vector<16xf32>
        %mul3A_816 = arith.mulf %bitcast3A_807, %sub3A_815 : vector<16xf32>
        %mul3A_817 = arith.mulf %mul3A_810, %mul3A_816 : vector<16xf32>
        %mul3A_818 = arith.mulf %mul3A_817, %mul3A_816 : vector<16xf32>
        %sub3A_819 = arith.constant 1.500000e+00 : f32
        %sub3A_820 = vector.broadcast %sub3A_819 : f32 to vector<16xf32>
        %sub3A_821 = arith.subf %sub3A_820, %mul3A_818 : vector<16xf32>
        %mul3A_822 = arith.mulf %mul3A_816, %sub3A_821 : vector<16xf32>
        %mul3A_823 = arith.mulf %mul3A_799, %mul3A_822 : vector<16xf32>
        %mul3A_824 = arith.mulf %get3A_795, %get3A_795 : vector<16xf32>
        %mul3A_825 = arith.mulf %mul3A_824, %get3A_795 : vector<16xf32>
        %div3A_826 = vector.broadcast %scan3A_43 : f32 to vector<16xf32>
        %div3A_827 = arith.divf %div3A_826, %mul3A_825 : vector<16xf32>
        %mul3A_828 = arith.mulf %mul3A_823, %div3A_827 : vector<16xf32>
        %bitcast3A_829 = vector.bitcast %mul3A_828 : vector<16xf32> to vector<16xi32>
        %shift_right_logical3A_830 = arith.constant 1 : i32
        %shift_right_logical3A_831 = vector.broadcast %shift_right_logical3A_830 : i32 to vector<16xi32>
        %shift_right_logical3A_832 = arith.shrui %bitcast3A_829, %shift_right_logical3A_831 : vector<16xi32>
        %sub3A_833 = arith.constant 1597463007 : i32
        %sub3A_834 = vector.broadcast %sub3A_833 : i32 to vector<16xi32>
        %sub3A_835 = arith.subi %sub3A_834, %shift_right_logical3A_832 : vector<16xi32>
        %bitcast3A_836 = vector.bitcast %sub3A_835 : vector<16xi32> to vector<16xf32>
        %mul3A_837 = arith.constant 5.000000e-01 : f32
        %mul3A_838 = vector.broadcast %mul3A_837 : f32 to vector<16xf32>
        %mul3A_839 = arith.mulf %mul3A_828, %mul3A_838 : vector<16xf32>
        %mul3A_840 = arith.mulf %mul3A_839, %bitcast3A_836 : vector<16xf32>
        %mul3A_841 = arith.mulf %mul3A_840, %bitcast3A_836 : vector<16xf32>
        %sub3A_842 = arith.constant 1.500000e+00 : f32
        %sub3A_843 = vector.broadcast %sub3A_842 : f32 to vector<16xf32>
        %sub3A_844 = arith.subf %sub3A_843, %mul3A_841 : vector<16xf32>
        %mul3A_845 = arith.mulf %bitcast3A_836, %sub3A_844 : vector<16xf32>
        %mul3A_846 = arith.mulf %mul3A_839, %mul3A_845 : vector<16xf32>
        %mul3A_847 = arith.mulf %mul3A_846, %mul3A_845 : vector<16xf32>
        %sub3A_848 = arith.constant 1.500000e+00 : f32
        %sub3A_849 = vector.broadcast %sub3A_848 : f32 to vector<16xf32>
        %sub3A_850 = arith.subf %sub3A_849, %mul3A_847 : vector<16xf32>
        %mul3A_851 = arith.mulf %mul3A_845, %sub3A_850 : vector<16xf32>
        %mul3A_852 = vector.broadcast %scan3A_44 : f32 to vector<16xf32>
        %mul3A_853 = arith.mulf %mul3A_852, %mul3A_851 : vector<16xf32>
        %exp3A_854 = math.exp %mul3A_853 : vector<16xf32>
        %sub3A_855 = vector.broadcast %scan3A_43 : f32 to vector<16xf32>
        %sub3A_856 = arith.subf %sub3A_855, %exp3A_854 : vector<16xf32>
        %mul3A_857 = vector.broadcast %scan3A_45 : f32 to vector<16xf32>
        %mul3A_858 = arith.mulf %mul3A_857, %gather3A_796 : vector<16xf32>
        %mul3A_859 = arith.mulf %mul3A_858, %sub3A_856 : vector<16xf32>
        %mul3A_860 = arith.mulf %mul3A_859, %div3A_827 : vector<16xf32>
        %mul3A_861 = arith.constant 3 : i32
        %mul3A_862 = vector.broadcast %mul3A_861 : i32 to vector<16xi32>
        %mul3A_863 = arith.muli %get3A_791, %mul3A_862 : vector<16xi32>
        %get3A_864 = arith.index_cast %mul3A_789 : i32 to index
        %get3A_865 = tpu.vector_load %arg16[%get3A_864] {strides = array<i32>} : memref<400xf32, #tpu.memory_space<vmem>>, vector<16xf32>,
        %mul3A_866 = arith.mulf %mul3A_860, %get3A_865 : vector<16xf32>
        %swap3A_867 = arith.index_cast %mul3A_789 : i32 to index
        %swap3A_868 = tpu.vector_load %arg19[%swap3A_867] {strides = array<i32>} : memref<1200xf32, #tpu.memory_space<vmem>>, vector<16xf32>,
        tpu.vector_store %arg19[%swap3A_867], %mul3A_866 {strides = array<i32>} : memref<1200xf32, #tpu.memory_space<vmem>>, vector<16xf32>,
        %get3A_869 = arith.index_cast %mul3A_789 : i32 to index
        %get3A_870 = tpu.vector_load %arg17[%get3A_869] {strides = array<i32>} : memref<400xf32, #tpu.memory_space<vmem>>, vector<16xf32>,
        %mul3A_871 = arith.mulf %mul3A_860, %get3A_870 : vector<16xf32>
        %add3A_872 = arith.constant 400 : i32
        %add3A_873 = arith.addi %add3A_872, %mul3A_789 : i32
        %swap3A_874 = arith.index_cast %add3A_873 : i32 to index
        %swap3A_875 = tpu.vector_load %arg19[%swap3A_874] {strides = array<i32>} : memref<1200xf32, #tpu.memory_space<vmem>>, vector<16xf32>,
        tpu.vector_store %arg19[%swap3A_874], %mul3A_871 {strides = array<i32>} : memref<1200xf32, #tpu.memory_space<vmem>>, vector<16xf32>,
        %get3A_876 = arith.index_cast %mul3A_789 : i32 to index
        %get3A_877 = tpu.vector_load %arg18[%get3A_876] {strides = array<i32>} : memref<400xf32, #tpu.memory_space<vmem>>, vector<16xf32>,
        %mul3A_878 = arith.mulf %mul3A_860, %get3A_877 : vector<16xf32>
        %add3A_879 = arith.constant 800 : i32
        %add3A_880 = arith.addi %add3A_879, %mul3A_789 : i32
        %swap3A_881 = arith.index_cast %add3A_880 : i32 to index
        %swap3A_882 = tpu.vector_load %arg19[%swap3A_881] {strides = array<i32>} : memref<1200xf32, #tpu.memory_space<vmem>>, vector<16xf32>,
        tpu.vector_store %arg19[%swap3A_881], %mul3A_878 {strides = array<i32>} : memref<1200xf32, #tpu.memory_space<vmem>>, vector<16xf32>,
        %swap3A_883 = arith.index_cast %mul3A_789 : i32 to index
        %swap3A_884 = tpu.vector_load %arg20[%swap3A_883] {strides = array<i32>} : memref<1200xi32, #tpu.memory_space<vmem>>, vector<16xi32>,
        tpu.vector_store %arg20[%swap3A_883], %mul3A_863 {strides = array<i32>} : memref<1200xi32, #tpu.memory_space<vmem>>, vector<16xi32>,
        %add3A_885 = arith.constant 1 : i32
        %add3A_886 = vector.broadcast %add3A_885 : i32 to vector<16xi32>
        %add3A_887 = arith.addi %mul3A_863, %add3A_886 : vector<16xi32>
        %add3A_888 = arith.constant 400 : i32
        %add3A_889 = arith.addi %add3A_888, %mul3A_789 : i32
        %swap3A_890 = arith.index_cast %add3A_889 : i32 to index
        %swap3A_891 = tpu.vector_load %arg20[%swap3A_890] {strides = array<i32>} : memref<1200xi32, #tpu.memory_space<vmem>>, vector<16xi32>,
        tpu.vector_store %arg20[%swap3A_890], %add3A_887 {strides = array<i32>} : memref<1200xi32, #tpu.memory_space<vmem>>, vector<16xi32>,
        %add3A_892 = arith.constant 2 : i32
        %add3A_893 = vector.broadcast %add3A_892 : i32 to vector<16xi32>
        %add3A_894 = arith.addi %mul3A_863, %add3A_893 : vector<16xi32>
        %add3A_895 = arith.constant 800 : i32
        %add3A_896 = arith.addi %add3A_895, %mul3A_789 : i32
        %swap3A_897 = arith.index_cast %add3A_896 : i32 to index
        %swap3A_898 = tpu.vector_load %arg20[%swap3A_897] {strides = array<i32>} : memref<1200xi32, #tpu.memory_space<vmem>>, vector<16xi32>,
        tpu.vector_store %arg20[%swap3A_897], %add3A_894 {strides = array<i32>} : memref<1200xi32, #tpu.memory_space<vmem>>, vector<16xi32>,
        %scan3A_899 = arith.constant 0 : i32
        %scan3A_900 = arith.constant 3 : i32
        %scan3A_901 = arith.addi %scan3A_558, %scan3A_900 : i32
        %mul3A_902 = arith.constant 16 : i32
        %mul3A_903 = arith.muli %scan3A_901, %mul3A_902 : i32
        %get3A_904 = arith.index_cast %mul3A_903 : i32 to index
        %get3A_905 = tpu.vector_load %arg13[%get3A_904] {strides = array<i32>} : memref<400xi32, #tpu.memory_space<vmem>>, vector<16xi32>,
        %get3A_906 = arith.index_cast %mul3A_903 : i32 to index
        %get3A_907 = tpu.vector_load %arg14[%get3A_906] {strides = array<i32>} : memref<400xi32, #tpu.memory_space<vmem>>, vector<16xi32>,
        %get3A_908 = arith.index_cast %mul3A_903 : i32 to index
        %get3A_909 = tpu.vector_load %arg15[%get3A_908] {strides = array<i32>} : memref<400xf32, #tpu.memory_space<vmem>>, vector<16xf32>,
        %gather3A_910 = tpu.vector_load_idx %arg11[%get3A_907] : memref<50000xf32, #tpu.memory_space<vmem>>[vector<16xi32>], vector<16xf32>,
        %gather3A_911 = tpu.vector_load_idx %arg12[%get3A_905] : memref<50000xf32, #tpu.memory_space<vmem>>[vector<16xi32>], vector<16xf32>,
        %gather3A_912 = tpu.vector_load_idx %arg12[%get3A_907] : memref<50000xf32, #tpu.memory_space<vmem>>[vector<16xi32>], vector<16xf32>,
        %mul3A_913 = arith.mulf %gather3A_911, %gather3A_912 : vector<16xf32>
        %bitcast3A_914 = vector.bitcast %mul3A_913 : vector<16xf32> to vector<16xi32>
        %shift_right_logical3A_915 = arith.constant 1 : i32
        %shift_right_logical3A_916 = vector.broadcast %shift_right_logical3A_915 : i32 to vector<16xi32>
        %shift_right_logical3A_917 = arith.shrui %bitcast3A_914, %shift_right_logical3A_916 : vector<16xi32>
        %sub3A_918 = arith.constant 1597463007 : i32
        %sub3A_919 = vector.broadcast %sub3A_918 : i32 to vector<16xi32>
        %sub3A_920 = arith.subi %sub3A_919, %shift_right_logical3A_917 : vector<16xi32>
        %bitcast3A_921 = vector.bitcast %sub3A_920 : vector<16xi32> to vector<16xf32>
        %mul3A_922 = arith.constant 5.000000e-01 : f32
        %mul3A_923 = vector.broadcast %mul3A_922 : f32 to vector<16xf32>
        %mul3A_924 = arith.mulf %mul3A_913, %mul3A_923 : vector<16xf32>
        %mul3A_925 = arith.mulf %mul3A_924, %bitcast3A_921 : vector<16xf32>
        %mul3A_926 = arith.mulf %mul3A_925, %bitcast3A_921 : vector<16xf32>
        %sub3A_927 = arith.constant 1.500000e+00 : f32
        %sub3A_928 = vector.broadcast %sub3A_927 : f32 to vector<16xf32>
        %sub3A_929 = arith.subf %sub3A_928, %mul3A_926 : vector<16xf32>
        %mul3A_930 = arith.mulf %bitcast3A_921, %sub3A_929 : vector<16xf32>
        %mul3A_931 = arith.mulf %mul3A_924, %mul3A_930 : vector<16xf32>
        %mul3A_932 = arith.mulf %mul3A_931, %mul3A_930 : vector<16xf32>
        %sub3A_933 = arith.constant 1.500000e+00 : f32
        %sub3A_934 = vector.broadcast %sub3A_933 : f32 to vector<16xf32>
        %sub3A_935 = arith.subf %sub3A_934, %mul3A_932 : vector<16xf32>
        %mul3A_936 = arith.mulf %mul3A_930, %sub3A_935 : vector<16xf32>
        %mul3A_937 = arith.mulf %mul3A_913, %mul3A_936 : vector<16xf32>
        %mul3A_938 = arith.mulf %get3A_909, %get3A_909 : vector<16xf32>
        %mul3A_939 = arith.mulf %mul3A_938, %get3A_909 : vector<16xf32>
        %div3A_940 = vector.broadcast %scan3A_43 : f32 to vector<16xf32>
        %div3A_941 = arith.divf %div3A_940, %mul3A_939 : vector<16xf32>
        %mul3A_942 = arith.mulf %mul3A_937, %div3A_941 : vector<16xf32>
        %bitcast3A_943 = vector.bitcast %mul3A_942 : vector<16xf32> to vector<16xi32>
        %shift_right_logical3A_944 = arith.constant 1 : i32
        %shift_right_logical3A_945 = vector.broadcast %shift_right_logical3A_944 : i32 to vector<16xi32>
        %shift_right_logical3A_946 = arith.shrui %bitcast3A_943, %shift_right_logical3A_945 : vector<16xi32>
        %sub3A_947 = arith.constant 1597463007 : i32
        %sub3A_948 = vector.broadcast %sub3A_947 : i32 to vector<16xi32>
        %sub3A_949 = arith.subi %sub3A_948, %shift_right_logical3A_946 : vector<16xi32>
        %bitcast3A_950 = vector.bitcast %sub3A_949 : vector<16xi32> to vector<16xf32>
        %mul3A_951 = arith.constant 5.000000e-01 : f32
        %mul3A_952 = vector.broadcast %mul3A_951 : f32 to vector<16xf32>
        %mul3A_953 = arith.mulf %mul3A_942, %mul3A_952 : vector<16xf32>
        %mul3A_954 = arith.mulf %mul3A_953, %bitcast3A_950 : vector<16xf32>
        %mul3A_955 = arith.mulf %mul3A_954, %bitcast3A_950 : vector<16xf32>
        %sub3A_956 = arith.constant 1.500000e+00 : f32
        %sub3A_957 = vector.broadcast %sub3A_956 : f32 to vector<16xf32>
        %sub3A_958 = arith.subf %sub3A_957, %mul3A_955 : vector<16xf32>
        %mul3A_959 = arith.mulf %bitcast3A_950, %sub3A_958 : vector<16xf32>
        %mul3A_960 = arith.mulf %mul3A_953, %mul3A_959 : vector<16xf32>
        %mul3A_961 = arith.mulf %mul3A_960, %mul3A_959 : vector<16xf32>
        %sub3A_962 = arith.constant 1.500000e+00 : f32
        %sub3A_963 = vector.broadcast %sub3A_962 : f32 to vector<16xf32>
        %sub3A_964 = arith.subf %sub3A_963, %mul3A_961 : vector<16xf32>
        %mul3A_965 = arith.mulf %mul3A_959, %sub3A_964 : vector<16xf32>
        %mul3A_966 = vector.broadcast %scan3A_44 : f32 to vector<16xf32>
        %mul3A_967 = arith.mulf %mul3A_966, %mul3A_965 : vector<16xf32>
        %exp3A_968 = math.exp %mul3A_967 : vector<16xf32>
        %sub3A_969 = vector.broadcast %scan3A_43 : f32 to vector<16xf32>
        %sub3A_970 = arith.subf %sub3A_969, %exp3A_968 : vector<16xf32>
        %mul3A_971 = vector.broadcast %scan3A_45 : f32 to vector<16xf32>
        %mul3A_972 = arith.mulf %mul3A_971, %gather3A_910 : vector<16xf32>
        %mul3A_973 = arith.mulf %mul3A_972, %sub3A_970 : vector<16xf32>
        %mul3A_974 = arith.mulf %mul3A_973, %div3A_941 : vector<16xf32>
        %mul3A_975 = arith.constant 3 : i32
        %mul3A_976 = vector.broadcast %mul3A_975 : i32 to vector<16xi32>
        %mul3A_977 = arith.muli %get3A_905, %mul3A_976 : vector<16xi32>
        %get3A_978 = arith.index_cast %mul3A_903 : i32 to index
        %get3A_979 = tpu.vector_load %arg16[%get3A_978] {strides = array<i32>} : memref<400xf32, #tpu.memory_space<vmem>>, vector<16xf32>,
        %mul3A_980 = arith.mulf %mul3A_974, %get3A_979 : vector<16xf32>
        %swap3A_981 = arith.index_cast %mul3A_903 : i32 to index
        %swap3A_982 = tpu.vector_load %arg19[%swap3A_981] {strides = array<i32>} : memref<1200xf32, #tpu.memory_space<vmem>>, vector<16xf32>,
        tpu.vector_store %arg19[%swap3A_981], %mul3A_980 {strides = array<i32>} : memref<1200xf32, #tpu.memory_space<vmem>>, vector<16xf32>,
        %get3A_983 = arith.index_cast %mul3A_903 : i32 to index
        %get3A_984 = tpu.vector_load %arg17[%get3A_983] {strides = array<i32>} : memref<400xf32, #tpu.memory_space<vmem>>, vector<16xf32>,
        %mul3A_985 = arith.mulf %mul3A_974, %get3A_984 : vector<16xf32>
        %add3A_986 = arith.constant 400 : i32
        %add3A_987 = arith.addi %add3A_986, %mul3A_903 : i32
        %swap3A_988 = arith.index_cast %add3A_987 : i32 to index
        %swap3A_989 = tpu.vector_load %arg19[%swap3A_988] {strides = array<i32>} : memref<1200xf32, #tpu.memory_space<vmem>>, vector<16xf32>,
        tpu.vector_store %arg19[%swap3A_988], %mul3A_985 {strides = array<i32>} : memref<1200xf32, #tpu.memory_space<vmem>>, vector<16xf32>,
        %get3A_990 = arith.index_cast %mul3A_903 : i32 to index
        %get3A_991 = tpu.vector_load %arg18[%get3A_990] {strides = array<i32>} : memref<400xf32, #tpu.memory_space<vmem>>, vector<16xf32>,
        %mul3A_992 = arith.mulf %mul3A_974, %get3A_991 : vector<16xf32>
        %add3A_993 = arith.constant 800 : i32
        %add3A_994 = arith.addi %add3A_993, %mul3A_903 : i32
        %swap3A_995 = arith.index_cast %add3A_994 : i32 to index
        %swap3A_996 = tpu.vector_load %arg19[%swap3A_995] {strides = array<i32>} : memref<1200xf32, #tpu.memory_space<vmem>>, vector<16xf32>,
        tpu.vector_store %arg19[%swap3A_995], %mul3A_992 {strides = array<i32>} : memref<1200xf32, #tpu.memory_space<vmem>>, vector<16xf32>,
        %swap3A_997 = arith.index_cast %mul3A_903 : i32 to index
        %swap3A_998 = tpu.vector_load %arg20[%swap3A_997] {strides = array<i32>} : memref<1200xi32, #tpu.memory_space<vmem>>, vector<16xi32>,
        tpu.vector_store %arg20[%swap3A_997], %mul3A_977 {strides = array<i32>} : memref<1200xi32, #tpu.memory_space<vmem>>, vector<16xi32>,
        %add3A_999 = arith.constant 1 : i32
        %add3A_1000 = vector.broadcast %add3A_999 : i32 to vector<16xi32>
        %add3A_1001 = arith.addi %mul3A_977, %add3A_1000 : vector<16xi32>
        %add3A_1002 = arith.constant 400 : i32
        %add3A_1003 = arith.addi %add3A_1002, %mul3A_903 : i32
        %swap3A_1004 = arith.index_cast %add3A_1003 : i32 to index
        %swap3A_1005 = tpu.vector_load %arg20[%swap3A_1004] {strides = array<i32>} : memref<1200xi32, #tpu.memory_space<vmem>>, vector<16xi32>,
        tpu.vector_store %arg20[%swap3A_1004], %add3A_1001 {strides = array<i32>} : memref<1200xi32, #tpu.memory_space<vmem>>, vector<16xi32>,
        %add3A_1006 = arith.constant 2 : i32
        %add3A_1007 = vector.broadcast %add3A_1006 : i32 to vector<16xi32>
        %add3A_1008 = arith.addi %mul3A_977, %add3A_1007 : vector<16xi32>
        %add3A_1009 = arith.constant 800 : i32
        %add3A_1010 = arith.addi %add3A_1009, %mul3A_903 : i32
        %swap3A_1011 = arith.index_cast %add3A_1010 : i32 to index
        %swap3A_1012 = tpu.vector_load %arg20[%swap3A_1011] {strides = array<i32>} : memref<1200xi32, #tpu.memory_space<vmem>>, vector<16xi32>,
        tpu.vector_store %arg20[%swap3A_1011], %add3A_1008 {strides = array<i32>} : memref<1200xi32, #tpu.memory_space<vmem>>, vector<16xi32>,
        %scan3A_1013 = arith.constant 0 : i32
        %scan3A_1014 = arith.constant 4 : i32
        %scan3A_1015 = arith.addi %scan3A_558, %scan3A_1014 : i32
        %mul3A_1016 = arith.constant 16 : i32
        %mul3A_1017 = arith.muli %scan3A_1015, %mul3A_1016 : i32
        %get3A_1018 = arith.index_cast %mul3A_1017 : i32 to index
        %get3A_1019 = tpu.vector_load %arg13[%get3A_1018] {strides = array<i32>} : memref<400xi32, #tpu.memory_space<vmem>>, vector<16xi32>,
        %get3A_1020 = arith.index_cast %mul3A_1017 : i32 to index
        %get3A_1021 = tpu.vector_load %arg14[%get3A_1020] {strides = array<i32>} : memref<400xi32, #tpu.memory_space<vmem>>, vector<16xi32>,
        %get3A_1022 = arith.index_cast %mul3A_1017 : i32 to index
        %get3A_1023 = tpu.vector_load %arg15[%get3A_1022] {strides = array<i32>} : memref<400xf32, #tpu.memory_space<vmem>>, vector<16xf32>,
        %gather3A_1024 = tpu.vector_load_idx %arg11[%get3A_1021] : memref<50000xf32, #tpu.memory_space<vmem>>[vector<16xi32>], vector<16xf32>,
        %gather3A_1025 = tpu.vector_load_idx %arg12[%get3A_1019] : memref<50000xf32, #tpu.memory_space<vmem>>[vector<16xi32>], vector<16xf32>,
        %gather3A_1026 = tpu.vector_load_idx %arg12[%get3A_1021] : memref<50000xf32, #tpu.memory_space<vmem>>[vector<16xi32>], vector<16xf32>,
        %mul3A_1027 = arith.mulf %gather3A_1025, %gather3A_1026 : vector<16xf32>
        %bitcast3A_1028 = vector.bitcast %mul3A_1027 : vector<16xf32> to vector<16xi32>
        %shift_right_logical3A_1029 = arith.constant 1 : i32
        %shift_right_logical3A_1030 = vector.broadcast %shift_right_logical3A_1029 : i32 to vector<16xi32>
        %shift_right_logical3A_1031 = arith.shrui %bitcast3A_1028, %shift_right_logical3A_1030 : vector<16xi32>
        %sub3A_1032 = arith.constant 1597463007 : i32
        %sub3A_1033 = vector.broadcast %sub3A_1032 : i32 to vector<16xi32>
        %sub3A_1034 = arith.subi %sub3A_1033, %shift_right_logical3A_1031 : vector<16xi32>
        %bitcast3A_1035 = vector.bitcast %sub3A_1034 : vector<16xi32> to vector<16xf32>
        %mul3A_1036 = arith.constant 5.000000e-01 : f32
        %mul3A_1037 = vector.broadcast %mul3A_1036 : f32 to vector<16xf32>
        %mul3A_1038 = arith.mulf %mul3A_1027, %mul3A_1037 : vector<16xf32>
        %mul3A_1039 = arith.mulf %mul3A_1038, %bitcast3A_1035 : vector<16xf32>
        %mul3A_1040 = arith.mulf %mul3A_1039, %bitcast3A_1035 : vector<16xf32>
        %sub3A_1041 = arith.constant 1.500000e+00 : f32
        %sub3A_1042 = vector.broadcast %sub3A_1041 : f32 to vector<16xf32>
        %sub3A_1043 = arith.subf %sub3A_1042, %mul3A_1040 : vector<16xf32>
        %mul3A_1044 = arith.mulf %bitcast3A_1035, %sub3A_1043 : vector<16xf32>
        %mul3A_1045 = arith.mulf %mul3A_1038, %mul3A_1044 : vector<16xf32>
        %mul3A_1046 = arith.mulf %mul3A_1045, %mul3A_1044 : vector<16xf32>
        %sub3A_1047 = arith.constant 1.500000e+00 : f32
        %sub3A_1048 = vector.broadcast %sub3A_1047 : f32 to vector<16xf32>
        %sub3A_1049 = arith.subf %sub3A_1048, %mul3A_1046 : vector<16xf32>
        %mul3A_1050 = arith.mulf %mul3A_1044, %sub3A_1049 : vector<16xf32>
        %mul3A_1051 = arith.mulf %mul3A_1027, %mul3A_1050 : vector<16xf32>
        %mul3A_1052 = arith.mulf %get3A_1023, %get3A_1023 : vector<16xf32>
        %mul3A_1053 = arith.mulf %mul3A_1052, %get3A_1023 : vector<16xf32>
        %div3A_1054 = vector.broadcast %scan3A_43 : f32 to vector<16xf32>
        %div3A_1055 = arith.divf %div3A_1054, %mul3A_1053 : vector<16xf32>
        %mul3A_1056 = arith.mulf %mul3A_1051, %div3A_1055 : vector<16xf32>
        %bitcast3A_1057 = vector.bitcast %mul3A_1056 : vector<16xf32> to vector<16xi32>
        %shift_right_logical3A_1058 = arith.constant 1 : i32
        %shift_right_logical3A_1059 = vector.broadcast %shift_right_logical3A_1058 : i32 to vector<16xi32>
        %shift_right_logical3A_1060 = arith.shrui %bitcast3A_1057, %shift_right_logical3A_1059 : vector<16xi32>
        %sub3A_1061 = arith.constant 1597463007 : i32
        %sub3A_1062 = vector.broadcast %sub3A_1061 : i32 to vector<16xi32>
        %sub3A_1063 = arith.subi %sub3A_1062, %shift_right_logical3A_1060 : vector<16xi32>
        %bitcast3A_1064 = vector.bitcast %sub3A_1063 : vector<16xi32> to vector<16xf32>
        %mul3A_1065 = arith.constant 5.000000e-01 : f32
        %mul3A_1066 = vector.broadcast %mul3A_1065 : f32 to vector<16xf32>
        %mul3A_1067 = arith.mulf %mul3A_1056, %mul3A_1066 : vector<16xf32>
        %mul3A_1068 = arith.mulf %mul3A_1067, %bitcast3A_1064 : vector<16xf32>
        %mul3A_1069 = arith.mulf %mul3A_1068, %bitcast3A_1064 : vector<16xf32>
        %sub3A_1070 = arith.constant 1.500000e+00 : f32
        %sub3A_1071 = vector.broadcast %sub3A_1070 : f32 to vector<16xf32>
        %sub3A_1072 = arith.subf %sub3A_1071, %mul3A_1069 : vector<16xf32>
        %mul3A_1073 = arith.mulf %bitcast3A_1064, %sub3A_1072 : vector<16xf32>
        %mul3A_1074 = arith.mulf %mul3A_1067, %mul3A_1073 : vector<16xf32>
        %mul3A_1075 = arith.mulf %mul3A_1074, %mul3A_1073 : vector<16xf32>
        %sub3A_1076 = arith.constant 1.500000e+00 : f32
        %sub3A_1077 = vector.broadcast %sub3A_1076 : f32 to vector<16xf32>
        %sub3A_1078 = arith.subf %sub3A_1077, %mul3A_1075 : vector<16xf32>
        %mul3A_1079 = arith.mulf %mul3A_1073, %sub3A_1078 : vector<16xf32>
        %mul3A_1080 = vector.broadcast %scan3A_44 : f32 to vector<16xf32>
        %mul3A_1081 = arith.mulf %mul3A_1080, %mul3A_1079 : vector<16xf32>
        %exp3A_1082 = math.exp %mul3A_1081 : vector<16xf32>
        %sub3A_1083 = vector.broadcast %scan3A_43 : f32 to vector<16xf32>
        %sub3A_1084 = arith.subf %sub3A_1083, %exp3A_1082 : vector<16xf32>
        %mul3A_1085 = vector.broadcast %scan3A_45 : f32 to vector<16xf32>
        %mul3A_1086 = arith.mulf %mul3A_1085, %gather3A_1024 : vector<16xf32>
        %mul3A_1087 = arith.mulf %mul3A_1086, %sub3A_1084 : vector<16xf32>
        %mul3A_1088 = arith.mulf %mul3A_1087, %div3A_1055 : vector<16xf32>
        %mul3A_1089 = arith.constant 3 : i32
        %mul3A_1090 = vector.broadcast %mul3A_1089 : i32 to vector<16xi32>
        %mul3A_1091 = arith.muli %get3A_1019, %mul3A_1090 : vector<16xi32>
        %get3A_1092 = arith.index_cast %mul3A_1017 : i32 to index
        %get3A_1093 = tpu.vector_load %arg16[%get3A_1092] {strides = array<i32>} : memref<400xf32, #tpu.memory_space<vmem>>, vector<16xf32>,
        %mul3A_1094 = arith.mulf %mul3A_1088, %get3A_1093 : vector<16xf32>
        %swap3A_1095 = arith.index_cast %mul3A_1017 : i32 to index
        %swap3A_1096 = tpu.vector_load %arg19[%swap3A_1095] {strides = array<i32>} : memref<1200xf32, #tpu.memory_space<vmem>>, vector<16xf32>,
        tpu.vector_store %arg19[%swap3A_1095], %mul3A_1094 {strides = array<i32>} : memref<1200xf32, #tpu.memory_space<vmem>>, vector<16xf32>,
        %get3A_1097 = arith.index_cast %mul3A_1017 : i32 to index
        %get3A_1098 = tpu.vector_load %arg17[%get3A_1097] {strides = array<i32>} : memref<400xf32, #tpu.memory_space<vmem>>, vector<16xf32>,
        %mul3A_1099 = arith.mulf %mul3A_1088, %get3A_1098 : vector<16xf32>
        %add3A_1100 = arith.constant 400 : i32
        %add3A_1101 = arith.addi %add3A_1100, %mul3A_1017 : i32
        %swap3A_1102 = arith.index_cast %add3A_1101 : i32 to index
        %swap3A_1103 = tpu.vector_load %arg19[%swap3A_1102] {strides = array<i32>} : memref<1200xf32, #tpu.memory_space<vmem>>, vector<16xf32>,
        tpu.vector_store %arg19[%swap3A_1102], %mul3A_1099 {strides = array<i32>} : memref<1200xf32, #tpu.memory_space<vmem>>, vector<16xf32>,
        %get3A_1104 = arith.index_cast %mul3A_1017 : i32 to index
        %get3A_1105 = tpu.vector_load %arg18[%get3A_1104] {strides = array<i32>} : memref<400xf32, #tpu.memory_space<vmem>>, vector<16xf32>,
        %mul3A_1106 = arith.mulf %mul3A_1088, %get3A_1105 : vector<16xf32>
        %add3A_1107 = arith.constant 800 : i32
        %add3A_1108 = arith.addi %add3A_1107, %mul3A_1017 : i32
        %swap3A_1109 = arith.index_cast %add3A_1108 : i32 to index
        %swap3A_1110 = tpu.vector_load %arg19[%swap3A_1109] {strides = array<i32>} : memref<1200xf32, #tpu.memory_space<vmem>>, vector<16xf32>,
        tpu.vector_store %arg19[%swap3A_1109], %mul3A_1106 {strides = array<i32>} : memref<1200xf32, #tpu.memory_space<vmem>>, vector<16xf32>,
        %swap3A_1111 = arith.index_cast %mul3A_1017 : i32 to index
        %swap3A_1112 = tpu.vector_load %arg20[%swap3A_1111] {strides = array<i32>} : memref<1200xi32, #tpu.memory_space<vmem>>, vector<16xi32>,
        tpu.vector_store %arg20[%swap3A_1111], %mul3A_1091 {strides = array<i32>} : memref<1200xi32, #tpu.memory_space<vmem>>, vector<16xi32>,
        %add3A_1113 = arith.constant 1 : i32
        %add3A_1114 = vector.broadcast %add3A_1113 : i32 to vector<16xi32>
        %add3A_1115 = arith.addi %mul3A_1091, %add3A_1114 : vector<16xi32>
        %add3A_1116 = arith.constant 400 : i32
        %add3A_1117 = arith.addi %add3A_1116, %mul3A_1017 : i32
        %swap3A_1118 = arith.index_cast %add3A_1117 : i32 to index
        %swap3A_1119 = tpu.vector_load %arg20[%swap3A_1118] {strides = array<i32>} : memref<1200xi32, #tpu.memory_space<vmem>>, vector<16xi32>,
        tpu.vector_store %arg20[%swap3A_1118], %add3A_1115 {strides = array<i32>} : memref<1200xi32, #tpu.memory_space<vmem>>, vector<16xi32>,
        %add3A_1120 = arith.constant 2 : i32
        %add3A_1121 = vector.broadcast %add3A_1120 : i32 to vector<16xi32>
        %add3A_1122 = arith.addi %mul3A_1091, %add3A_1121 : vector<16xi32>
        %add3A_1123 = arith.constant 800 : i32
        %add3A_1124 = arith.addi %add3A_1123, %mul3A_1017 : i32
        %swap3A_1125 = arith.index_cast %add3A_1124 : i32 to index
        %swap3A_1126 = tpu.vector_load %arg20[%swap3A_1125] {strides = array<i32>} : memref<1200xi32, #tpu.memory_space<vmem>>, vector<16xi32>,
        tpu.vector_store %arg20[%swap3A_1125], %add3A_1122 {strides = array<i32>} : memref<1200xi32, #tpu.memory_space<vmem>>, vector<16xi32>,
        %scan3A_1127 = arith.constant 0 : i32
        %scan3A_1128 = arith.constant 5 : i32
        %scan3A_1129 = arith.addi %scan3A_558, %scan3A_1128 : i32
        %mul3A_1130 = arith.constant 16 : i32
        %mul3A_1131 = arith.muli %scan3A_1129, %mul3A_1130 : i32
        %get3A_1132 = arith.index_cast %mul3A_1131 : i32 to index
        %get3A_1133 = tpu.vector_load %arg13[%get3A_1132] {strides = array<i32>} : memref<400xi32, #tpu.memory_space<vmem>>, vector<16xi32>,
        %get3A_1134 = arith.index_cast %mul3A_1131 : i32 to index
        %get3A_1135 = tpu.vector_load %arg14[%get3A_1134] {strides = array<i32>} : memref<400xi32, #tpu.memory_space<vmem>>, vector<16xi32>,
        %get3A_1136 = arith.index_cast %mul3A_1131 : i32 to index
        %get3A_1137 = tpu.vector_load %arg15[%get3A_1136] {strides = array<i32>} : memref<400xf32, #tpu.memory_space<vmem>>, vector<16xf32>,
        %gather3A_1138 = tpu.vector_load_idx %arg11[%get3A_1135] : memref<50000xf32, #tpu.memory_space<vmem>>[vector<16xi32>], vector<16xf32>,
        %gather3A_1139 = tpu.vector_load_idx %arg12[%get3A_1133] : memref<50000xf32, #tpu.memory_space<vmem>>[vector<16xi32>], vector<16xf32>,
        %gather3A_1140 = tpu.vector_load_idx %arg12[%get3A_1135] : memref<50000xf32, #tpu.memory_space<vmem>>[vector<16xi32>], vector<16xf32>,
        %mul3A_1141 = arith.mulf %gather3A_1139, %gather3A_1140 : vector<16xf32>
        %bitcast3A_1142 = vector.bitcast %mul3A_1141 : vector<16xf32> to vector<16xi32>
        %shift_right_logical3A_1143 = arith.constant 1 : i32
        %shift_right_logical3A_1144 = vector.broadcast %shift_right_logical3A_1143 : i32 to vector<16xi32>
        %shift_right_logical3A_1145 = arith.shrui %bitcast3A_1142, %shift_right_logical3A_1144 : vector<16xi32>
        %sub3A_1146 = arith.constant 1597463007 : i32
        %sub3A_1147 = vector.broadcast %sub3A_1146 : i32 to vector<16xi32>
        %sub3A_1148 = arith.subi %sub3A_1147, %shift_right_logical3A_1145 : vector<16xi32>
        %bitcast3A_1149 = vector.bitcast %sub3A_1148 : vector<16xi32> to vector<16xf32>
        %mul3A_1150 = arith.constant 5.000000e-01 : f32
        %mul3A_1151 = vector.broadcast %mul3A_1150 : f32 to vector<16xf32>
        %mul3A_1152 = arith.mulf %mul3A_1141, %mul3A_1151 : vector<16xf32>
        %mul3A_1153 = arith.mulf %mul3A_1152, %bitcast3A_1149 : vector<16xf32>
        %mul3A_1154 = arith.mulf %mul3A_1153, %bitcast3A_1149 : vector<16xf32>
        %sub3A_1155 = arith.constant 1.500000e+00 : f32
        %sub3A_1156 = vector.broadcast %sub3A_1155 : f32 to vector<16xf32>
        %sub3A_1157 = arith.subf %sub3A_1156, %mul3A_1154 : vector<16xf32>
        %mul3A_1158 = arith.mulf %bitcast3A_1149, %sub3A_1157 : vector<16xf32>
        %mul3A_1159 = arith.mulf %mul3A_1152, %mul3A_1158 : vector<16xf32>
        %mul3A_1160 = arith.mulf %mul3A_1159, %mul3A_1158 : vector<16xf32>
        %sub3A_1161 = arith.constant 1.500000e+00 : f32
        %sub3A_1162 = vector.broadcast %sub3A_1161 : f32 to vector<16xf32>
        %sub3A_1163 = arith.subf %sub3A_1162, %mul3A_1160 : vector<16xf32>
        %mul3A_1164 = arith.mulf %mul3A_1158, %sub3A_1163 : vector<16xf32>
        %mul3A_1165 = arith.mulf %mul3A_1141, %mul3A_1164 : vector<16xf32>
        %mul3A_1166 = arith.mulf %get3A_1137, %get3A_1137 : vector<16xf32>
        %mul3A_1167 = arith.mulf %mul3A_1166, %get3A_1137 : vector<16xf32>
        %div3A_1168 = vector.broadcast %scan3A_43 : f32 to vector<16xf32>
        %div3A_1169 = arith.divf %div3A_1168, %mul3A_1167 : vector<16xf32>
        %mul3A_1170 = arith.mulf %mul3A_1165, %div3A_1169 : vector<16xf32>
        %bitcast3A_1171 = vector.bitcast %mul3A_1170 : vector<16xf32> to vector<16xi32>
        %shift_right_logical3A_1172 = arith.constant 1 : i32
        %shift_right_logical3A_1173 = vector.broadcast %shift_right_logical3A_1172 : i32 to vector<16xi32>
        %shift_right_logical3A_1174 = arith.shrui %bitcast3A_1171, %shift_right_logical3A_1173 : vector<16xi32>
        %sub3A_1175 = arith.constant 1597463007 : i32
        %sub3A_1176 = vector.broadcast %sub3A_1175 : i32 to vector<16xi32>
        %sub3A_1177 = arith.subi %sub3A_1176, %shift_right_logical3A_1174 : vector<16xi32>
        %bitcast3A_1178 = vector.bitcast %sub3A_1177 : vector<16xi32> to vector<16xf32>
        %mul3A_1179 = arith.constant 5.000000e-01 : f32
        %mul3A_1180 = vector.broadcast %mul3A_1179 : f32 to vector<16xf32>
        %mul3A_1181 = arith.mulf %mul3A_1170, %mul3A_1180 : vector<16xf32>
        %mul3A_1182 = arith.mulf %mul3A_1181, %bitcast3A_1178 : vector<16xf32>
        %mul3A_1183 = arith.mulf %mul3A_1182, %bitcast3A_1178 : vector<16xf32>
        %sub3A_1184 = arith.constant 1.500000e+00 : f32
        %sub3A_1185 = vector.broadcast %sub3A_1184 : f32 to vector<16xf32>
        %sub3A_1186 = arith.subf %sub3A_1185, %mul3A_1183 : vector<16xf32>
        %mul3A_1187 = arith.mulf %bitcast3A_1178, %sub3A_1186 : vector<16xf32>
        %mul3A_1188 = arith.mulf %mul3A_1181, %mul3A_1187 : vector<16xf32>
        %mul3A_1189 = arith.mulf %mul3A_1188, %mul3A_1187 : vector<16xf32>
        %sub3A_1190 = arith.constant 1.500000e+00 : f32
        %sub3A_1191 = vector.broadcast %sub3A_1190 : f32 to vector<16xf32>
        %sub3A_1192 = arith.subf %sub3A_1191, %mul3A_1189 : vector<16xf32>
        %mul3A_1193 = arith.mulf %mul3A_1187, %sub3A_1192 : vector<16xf32>
        %mul3A_1194 = vector.broadcast %scan3A_44 : f32 to vector<16xf32>
        %mul3A_1195 = arith.mulf %mul3A_1194, %mul3A_1193 : vector<16xf32>
        %exp3A_1196 = math.exp %mul3A_1195 : vector<16xf32>
        %sub3A_1197 = vector.broadcast %scan3A_43 : f32 to vector<16xf32>
        %sub3A_1198 = arith.subf %sub3A_1197, %exp3A_1196 : vector<16xf32>
        %mul3A_1199 = vector.broadcast %scan3A_45 : f32 to vector<16xf32>
        %mul3A_1200 = arith.mulf %mul3A_1199, %gather3A_1138 : vector<16xf32>
        %mul3A_1201 = arith.mulf %mul3A_1200, %sub3A_1198 : vector<16xf32>
        %mul3A_1202 = arith.mulf %mul3A_1201, %div3A_1169 : vector<16xf32>
        %mul3A_1203 = arith.constant 3 : i32
        %mul3A_1204 = vector.broadcast %mul3A_1203 : i32 to vector<16xi32>
        %mul3A_1205 = arith.muli %get3A_1133, %mul3A_1204 : vector<16xi32>
        %get3A_1206 = arith.index_cast %mul3A_1131 : i32 to index
        %get3A_1207 = tpu.vector_load %arg16[%get3A_1206] {strides = array<i32>} : memref<400xf32, #tpu.memory_space<vmem>>, vector<16xf32>,
        %mul3A_1208 = arith.mulf %mul3A_1202, %get3A_1207 : vector<16xf32>
        %swap3A_1209 = arith.index_cast %mul3A_1131 : i32 to index
        %swap3A_1210 = tpu.vector_load %arg19[%swap3A_1209] {strides = array<i32>} : memref<1200xf32, #tpu.memory_space<vmem>>, vector<16xf32>,
        tpu.vector_store %arg19[%swap3A_1209], %mul3A_1208 {strides = array<i32>} : memref<1200xf32, #tpu.memory_space<vmem>>, vector<16xf32>,
        %get3A_1211 = arith.index_cast %mul3A_1131 : i32 to index
        %get3A_1212 = tpu.vector_load %arg17[%get3A_1211] {strides = array<i32>} : memref<400xf32, #tpu.memory_space<vmem>>, vector<16xf32>,
        %mul3A_1213 = arith.mulf %mul3A_1202, %get3A_1212 : vector<16xf32>
        %add3A_1214 = arith.constant 400 : i32
        %add3A_1215 = arith.addi %add3A_1214, %mul3A_1131 : i32
        %swap3A_1216 = arith.index_cast %add3A_1215 : i32 to index
        %swap3A_1217 = tpu.vector_load %arg19[%swap3A_1216] {strides = array<i32>} : memref<1200xf32, #tpu.memory_space<vmem>>, vector<16xf32>,
        tpu.vector_store %arg19[%swap3A_1216], %mul3A_1213 {strides = array<i32>} : memref<1200xf32, #tpu.memory_space<vmem>>, vector<16xf32>,
        %get3A_1218 = arith.index_cast %mul3A_1131 : i32 to index
        %get3A_1219 = tpu.vector_load %arg18[%get3A_1218] {strides = array<i32>} : memref<400xf32, #tpu.memory_space<vmem>>, vector<16xf32>,
        %mul3A_1220 = arith.mulf %mul3A_1202, %get3A_1219 : vector<16xf32>
        %add3A_1221 = arith.constant 800 : i32
        %add3A_1222 = arith.addi %add3A_1221, %mul3A_1131 : i32
        %swap3A_1223 = arith.index_cast %add3A_1222 : i32 to index
        %swap3A_1224 = tpu.vector_load %arg19[%swap3A_1223] {strides = array<i32>} : memref<1200xf32, #tpu.memory_space<vmem>>, vector<16xf32>,
        tpu.vector_store %arg19[%swap3A_1223], %mul3A_1220 {strides = array<i32>} : memref<1200xf32, #tpu.memory_space<vmem>>, vector<16xf32>,
        %swap3A_1225 = arith.index_cast %mul3A_1131 : i32 to index
        %swap3A_1226 = tpu.vector_load %arg20[%swap3A_1225] {strides = array<i32>} : memref<1200xi32, #tpu.memory_space<vmem>>, vector<16xi32>,
        tpu.vector_store %arg20[%swap3A_1225], %mul3A_1205 {strides = array<i32>} : memref<1200xi32, #tpu.memory_space<vmem>>, vector<16xi32>,
        %add3A_1227 = arith.constant 1 : i32
        %add3A_1228 = vector.broadcast %add3A_1227 : i32 to vector<16xi32>
        %add3A_1229 = arith.addi %mul3A_1205, %add3A_1228 : vector<16xi32>
        %add3A_1230 = arith.constant 400 : i32
        %add3A_1231 = arith.addi %add3A_1230, %mul3A_1131 : i32
        %swap3A_1232 = arith.index_cast %add3A_1231 : i32 to index
        %swap3A_1233 = tpu.vector_load %arg20[%swap3A_1232] {strides = array<i32>} : memref<1200xi32, #tpu.memory_space<vmem>>, vector<16xi32>,
        tpu.vector_store %arg20[%swap3A_1232], %add3A_1229 {strides = array<i32>} : memref<1200xi32, #tpu.memory_space<vmem>>, vector<16xi32>,
        %add3A_1234 = arith.constant 2 : i32
        %add3A_1235 = vector.broadcast %add3A_1234 : i32 to vector<16xi32>
        %add3A_1236 = arith.addi %mul3A_1205, %add3A_1235 : vector<16xi32>
        %add3A_1237 = arith.constant 800 : i32
        %add3A_1238 = arith.addi %add3A_1237, %mul3A_1131 : i32
        %swap3A_1239 = arith.index_cast %add3A_1238 : i32 to index
        %swap3A_1240 = tpu.vector_load %arg20[%swap3A_1239] {strides = array<i32>} : memref<1200xi32, #tpu.memory_space<vmem>>, vector<16xi32>,
        tpu.vector_store %arg20[%swap3A_1239], %add3A_1236 {strides = array<i32>} : memref<1200xi32, #tpu.memory_space<vmem>>, vector<16xi32>,
        %scan3A_1241 = arith.constant 0 : i32
        scf.yield %scan3A_1241 : i32
      }
      %scan3A_265 = arith.constant 24 : i32
      %scan3A_266 = arith.addi %scan3A_260, %scan3A_265 : i32
      %mul3A_267 = arith.constant 16 : i32
      %mul3A_268 = arith.muli %scan3A_266, %mul3A_267 : i32
      %get3A_269 = arith.index_cast %mul3A_268 : i32 to index
      %get3A_270 = tpu.vector_load %arg13[%get3A_269] {strides = array<i32>} : memref<400xi32, #tpu.memory_space<vmem>>, vector<16xi32>,
      %get3A_271 = arith.index_cast %mul3A_268 : i32 to index
      %get3A_272 = tpu.vector_load %arg14[%get3A_271] {strides = array<i32>} : memref<400xi32, #tpu.memory_space<vmem>>, vector<16xi32>,
      %get3A_273 = arith.index_cast %mul3A_268 : i32 to index
      %get3A_274 = tpu.vector_load %arg15[%get3A_273] {strides = array<i32>} : memref<400xf32, #tpu.memory_space<vmem>>, vector<16xf32>,
      %gather3A_275 = tpu.vector_load_idx %arg11[%get3A_272] : memref<50000xf32, #tpu.memory_space<vmem>>[vector<16xi32>], vector<16xf32>,
      %gather3A_276 = tpu.vector_load_idx %arg12[%get3A_270] : memref<50000xf32, #tpu.memory_space<vmem>>[vector<16xi32>], vector<16xf32>,
      %gather3A_277 = tpu.vector_load_idx %arg12[%get3A_272] : memref<50000xf32, #tpu.memory_space<vmem>>[vector<16xi32>], vector<16xf32>,
      %mul3A_278 = arith.mulf %gather3A_276, %gather3A_277 : vector<16xf32>
      %bitcast3A_279 = vector.bitcast %mul3A_278 : vector<16xf32> to vector<16xi32>
      %shift_right_logical3A_280 = arith.constant 1 : i32
      %shift_right_logical3A_281 = vector.broadcast %shift_right_logical3A_280 : i32 to vector<16xi32>
      %shift_right_logical3A_282 = arith.shrui %bitcast3A_279, %shift_right_logical3A_281 : vector<16xi32>
      %sub3A_283 = arith.constant 1597463007 : i32
      %sub3A_284 = vector.broadcast %sub3A_283 : i32 to vector<16xi32>
      %sub3A_285 = arith.subi %sub3A_284, %shift_right_logical3A_282 : vector<16xi32>
      %bitcast3A_286 = vector.bitcast %sub3A_285 : vector<16xi32> to vector<16xf32>
      %mul3A_287 = arith.constant 5.000000e-01 : f32
      %mul3A_288 = vector.broadcast %mul3A_287 : f32 to vector<16xf32>
      %mul3A_289 = arith.mulf %mul3A_278, %mul3A_288 : vector<16xf32>
      %mul3A_290 = arith.mulf %mul3A_289, %bitcast3A_286 : vector<16xf32>
      %mul3A_291 = arith.mulf %mul3A_290, %bitcast3A_286 : vector<16xf32>
      %sub3A_292 = arith.constant 1.500000e+00 : f32
      %sub3A_293 = vector.broadcast %sub3A_292 : f32 to vector<16xf32>
      %sub3A_294 = arith.subf %sub3A_293, %mul3A_291 : vector<16xf32>
      %mul3A_295 = arith.mulf %bitcast3A_286, %sub3A_294 : vector<16xf32>
      %mul3A_296 = arith.mulf %mul3A_289, %mul3A_295 : vector<16xf32>
      %mul3A_297 = arith.mulf %mul3A_296, %mul3A_295 : vector<16xf32>
      %sub3A_298 = arith.constant 1.500000e+00 : f32
      %sub3A_299 = vector.broadcast %sub3A_298 : f32 to vector<16xf32>
      %sub3A_300 = arith.subf %sub3A_299, %mul3A_297 : vector<16xf32>
      %mul3A_301 = arith.mulf %mul3A_295, %sub3A_300 : vector<16xf32>
      %mul3A_302 = arith.mulf %mul3A_278, %mul3A_301 : vector<16xf32>
      %mul3A_303 = arith.mulf %get3A_274, %get3A_274 : vector<16xf32>
      %mul3A_304 = arith.mulf %mul3A_303, %get3A_274 : vector<16xf32>
      %div3A_305 = vector.broadcast %scan3A_43 : f32 to vector<16xf32>
      %div3A_306 = arith.divf %div3A_305, %mul3A_304 : vector<16xf32>
      %mul3A_307 = arith.mulf %mul3A_302, %div3A_306 : vector<16xf32>
      %bitcast3A_308 = vector.bitcast %mul3A_307 : vector<16xf32> to vector<16xi32>
      %shift_right_logical3A_309 = arith.constant 1 : i32
      %shift_right_logical3A_310 = vector.broadcast %shift_right_logical3A_309 : i32 to vector<16xi32>
      %shift_right_logical3A_311 = arith.shrui %bitcast3A_308, %shift_right_logical3A_310 : vector<16xi32>
      %sub3A_312 = arith.constant 1597463007 : i32
      %sub3A_313 = vector.broadcast %sub3A_312 : i32 to vector<16xi32>
      %sub3A_314 = arith.subi %sub3A_313, %shift_right_logical3A_311 : vector<16xi32>
      %bitcast3A_315 = vector.bitcast %sub3A_314 : vector<16xi32> to vector<16xf32>
      %mul3A_316 = arith.constant 5.000000e-01 : f32
      %mul3A_317 = vector.broadcast %mul3A_316 : f32 to vector<16xf32>
      %mul3A_318 = arith.mulf %mul3A_307, %mul3A_317 : vector<16xf32>
      %mul3A_319 = arith.mulf %mul3A_318, %bitcast3A_315 : vector<16xf32>
      %mul3A_320 = arith.mulf %mul3A_319, %bitcast3A_315 : vector<16xf32>
      %sub3A_321 = arith.constant 1.500000e+00 : f32
      %sub3A_322 = vector.broadcast %sub3A_321 : f32 to vector<16xf32>
      %sub3A_323 = arith.subf %sub3A_322, %mul3A_320 : vector<16xf32>
      %mul3A_324 = arith.mulf %bitcast3A_315, %sub3A_323 : vector<16xf32>
      %mul3A_325 = arith.mulf %mul3A_318, %mul3A_324 : vector<16xf32>
      %mul3A_326 = arith.mulf %mul3A_325, %mul3A_324 : vector<16xf32>
      %sub3A_327 = arith.constant 1.500000e+00 : f32
      %sub3A_328 = vector.broadcast %sub3A_327 : f32 to vector<16xf32>
      %sub3A_329 = arith.subf %sub3A_328, %mul3A_326 : vector<16xf32>
      %mul3A_330 = arith.mulf %mul3A_324, %sub3A_329 : vector<16xf32>
      %mul3A_331 = vector.broadcast %scan3A_44 : f32 to vector<16xf32>
      %mul3A_332 = arith.mulf %mul3A_331, %mul3A_330 : vector<16xf32>
      %exp3A_333 = math.exp %mul3A_332 : vector<16xf32>
      %sub3A_334 = vector.broadcast %scan3A_43 : f32 to vector<16xf32>
      %sub3A_335 = arith.subf %sub3A_334, %exp3A_333 : vector<16xf32>
      %mul3A_336 = vector.broadcast %scan3A_45 : f32 to vector<16xf32>
      %mul3A_337 = arith.mulf %mul3A_336, %gather3A_275 : vector<16xf32>
      %mul3A_338 = arith.mulf %mul3A_337, %sub3A_335 : vector<16xf32>
      %mul3A_339 = arith.mulf %mul3A_338, %div3A_306 : vector<16xf32>
      %mul3A_340 = arith.constant 3 : i32
      %mul3A_341 = vector.broadcast %mul3A_340 : i32 to vector<16xi32>
      %mul3A_342 = arith.muli %get3A_270, %mul3A_341 : vector<16xi32>
      %get3A_343 = arith.index_cast %mul3A_268 : i32 to index
      %get3A_344 = tpu.vector_load %arg16[%get3A_343] {strides = array<i32>} : memref<400xf32, #tpu.memory_space<vmem>>, vector<16xf32>,
      %mul3A_345 = arith.mulf %mul3A_339, %get3A_344 : vector<16xf32>
      %swap3A_346 = arith.index_cast %mul3A_268 : i32 to index
      %swap3A_347 = tpu.vector_load %arg19[%swap3A_346] {strides = array<i32>} : memref<1200xf32, #tpu.memory_space<vmem>>, vector<16xf32>,
      tpu.vector_store %arg19[%swap3A_346], %mul3A_345 {strides = array<i32>} : memref<1200xf32, #tpu.memory_space<vmem>>, vector<16xf32>,
      %get3A_348 = arith.index_cast %mul3A_268 : i32 to index
      %get3A_349 = tpu.vector_load %arg17[%get3A_348] {strides = array<i32>} : memref<400xf32, #tpu.memory_space<vmem>>, vector<16xf32>,
      %mul3A_350 = arith.mulf %mul3A_339, %get3A_349 : vector<16xf32>
      %add3A_351 = arith.constant 400 : i32
      %add3A_352 = arith.addi %add3A_351, %mul3A_268 : i32
      %swap3A_353 = arith.index_cast %add3A_352 : i32 to index
      %swap3A_354 = tpu.vector_load %arg19[%swap3A_353] {strides = array<i32>} : memref<1200xf32, #tpu.memory_space<vmem>>, vector<16xf32>,
      tpu.vector_store %arg19[%swap3A_353], %mul3A_350 {strides = array<i32>} : memref<1200xf32, #tpu.memory_space<vmem>>, vector<16xf32>,
      %get3A_355 = arith.index_cast %mul3A_268 : i32 to index
      %get3A_356 = tpu.vector_load %arg18[%get3A_355] {strides = array<i32>} : memref<400xf32, #tpu.memory_space<vmem>>, vector<16xf32>,
      %mul3A_357 = arith.mulf %mul3A_339, %get3A_356 : vector<16xf32>
      %add3A_358 = arith.constant 800 : i32
      %add3A_359 = arith.addi %add3A_358, %mul3A_268 : i32
      %swap3A_360 = arith.index_cast %add3A_359 : i32 to index
      %swap3A_361 = tpu.vector_load %arg19[%swap3A_360] {strides = array<i32>} : memref<1200xf32, #tpu.memory_space<vmem>>, vector<16xf32>,
      tpu.vector_store %arg19[%swap3A_360], %mul3A_357 {strides = array<i32>} : memref<1200xf32, #tpu.memory_space<vmem>>, vector<16xf32>,
      %swap3A_362 = arith.index_cast %mul3A_268 : i32 to index
      %swap3A_363 = tpu.vector_load %arg20[%swap3A_362] {strides = array<i32>} : memref<1200xi32, #tpu.memory_space<vmem>>, vector<16xi32>,
      tpu.vector_store %arg20[%swap3A_362], %mul3A_342 {strides = array<i32>} : memref<1200xi32, #tpu.memory_space<vmem>>, vector<16xi32>,
      %add3A_364 = arith.constant 1 : i32
      %add3A_365 = vector.broadcast %add3A_364 : i32 to vector<16xi32>
      %add3A_366 = arith.addi %mul3A_342, %add3A_365 : vector<16xi32>
      %add3A_367 = arith.constant 400 : i32
      %add3A_368 = arith.addi %add3A_367, %mul3A_268 : i32
      %swap3A_369 = arith.index_cast %add3A_368 : i32 to index
      %swap3A_370 = tpu.vector_load %arg20[%swap3A_369] {strides = array<i32>} : memref<1200xi32, #tpu.memory_space<vmem>>, vector<16xi32>,
      tpu.vector_store %arg20[%swap3A_369], %add3A_366 {strides = array<i32>} : memref<1200xi32, #tpu.memory_space<vmem>>, vector<16xi32>,
      %add3A_371 = arith.constant 2 : i32
      %add3A_372 = vector.broadcast %add3A_371 : i32 to vector<16xi32>
      %add3A_373 = arith.addi %mul3A_342, %add3A_372 : vector<16xi32>
      %add3A_374 = arith.constant 800 : i32
      %add3A_375 = arith.addi %add3A_374, %mul3A_268 : i32
      %swap3A_376 = arith.index_cast %add3A_375 : i32 to index
      %swap3A_377 = tpu.vector_load %arg20[%swap3A_376] {strides = array<i32>} : memref<1200xi32, #tpu.memory_space<vmem>>, vector<16xi32>,
      tpu.vector_store %arg20[%swap3A_376], %add3A_373 {strides = array<i32>} : memref<1200xi32, #tpu.memory_space<vmem>>, vector<16xi32>,
      %scan3A_378 = arith.constant 0 : i32
      %scan3A_379 = arith.constant 25 : i32
      %dma_start3A_380 = arith.constant 0 : i32
      %dma_start3A_381 = tpu.memref_slice %arg30[%dma_start3A_380] : memref<150016xf32, #tpu.memory_space<vmem_shared>> -> memref<150016xf32, #tpu.memory_space<vmem_shared>>
      tpu.enqueue_indirect_dma source(%arg19 : memref<1200xf32, #tpu.memory_space<vmem>>) target(%dma_start3A_381 : memref<150016xf32, #tpu.memory_space<vmem_shared>>) offsets(%arg20 : memref<1200xi32, #tpu.memory_space<vmem>>) semaphore(%arg32 : memref<!tpu.dma_semaphore, #tpu.memory_space<semaphore_mem>>) {add = true}
      %mul3A_382 = arith.constant 2 : i32
      %mul3A_383 = arith.muli %mul3A_382, %scan3A_208 : i32
      %add3A_384 = arith.constant 1 : i32
      %add3A_385 = arith.addi %mul3A_383, %add3A_384 : i32
      %add3A_386 = arith.constant 1 : i32
      %add3A_387 = arith.addi %add3A_385, %add3A_386 : i32
      %mul3A_388 = arith.constant 50000 : i32
      %mul3A_389 = arith.muli %add3A, %mul3A_388 : i32
      %mul3A_390 = arith.constant 400 : i32
      %mul3A_391 = arith.muli %add3A_387, %mul3A_390 : i32
      %add3A_392 = arith.addi %mul3A_389, %mul3A_391 : i32
      %dma_start3A_393 = tpu.memref_slice %arg2[%add3A_392] : memref<1600000xi32, #tpu.memory_space<hbm>> -> memref<400xi32, #tpu.memory_space<hbm>>
      %dma_start3A_394 = tpu.memref_slice %arg2[%add3A_392] : memref<1600000xi32, #tpu.memory_space<hbm>> -> memref<400xi32, #tpu.memory_space<hbm>>
      tpu.enqueue_dma source(%dma_start3A_394 : memref<400xi32, #tpu.memory_space<hbm>>) target(%arg13 : memref<400xi32, #tpu.memory_space<vmem>>) target_semaphore(%arg31 : memref<!tpu.dma_semaphore, #tpu.memory_space<semaphore_mem>>)
      %dma_start3A_395 = tpu.memref_slice %arg3[%add3A_392] : memref<1600000xi32, #tpu.memory_space<hbm>> -> memref<400xi32, #tpu.memory_space<hbm>>
      %dma_start3A_396 = tpu.memref_slice %arg3[%add3A_392] : memref<1600000xi32, #tpu.memory_space<hbm>> -> memref<400xi32, #tpu.memory_space<hbm>>
      tpu.enqueue_dma source(%dma_start3A_396 : memref<400xi32, #tpu.memory_space<hbm>>) target(%arg14 : memref<400xi32, #tpu.memory_space<vmem>>) target_semaphore(%arg31 : memref<!tpu.dma_semaphore, #tpu.memory_space<semaphore_mem>>)
      %dma_start3A_397 = tpu.memref_slice %arg4[%add3A_392] : memref<1600000xf32, #tpu.memory_space<hbm>> -> memref<400xf32, #tpu.memory_space<hbm>>
      %dma_start3A_398 = tpu.memref_slice %arg4[%add3A_392] : memref<1600000xf32, #tpu.memory_space<hbm>> -> memref<400xf32, #tpu.memory_space<hbm>>
      tpu.enqueue_dma source(%dma_start3A_398 : memref<400xf32, #tpu.memory_space<hbm>>) target(%arg15 : memref<400xf32, #tpu.memory_space<vmem>>) target_semaphore(%arg31 : memref<!tpu.dma_semaphore, #tpu.memory_space<semaphore_mem>>)
      %dma_start3A_399 = tpu.memref_slice %arg5[%add3A_392] : memref<1600000xf32, #tpu.memory_space<hbm>> -> memref<400xf32, #tpu.memory_space<hbm>>
      %dma_start3A_400 = tpu.memref_slice %arg5[%add3A_392] : memref<1600000xf32, #tpu.memory_space<hbm>> -> memref<400xf32, #tpu.memory_space<hbm>>
      tpu.enqueue_dma source(%dma_start3A_400 : memref<400xf32, #tpu.memory_space<hbm>>) target(%arg16 : memref<400xf32, #tpu.memory_space<vmem>>) target_semaphore(%arg31 : memref<!tpu.dma_semaphore, #tpu.memory_space<semaphore_mem>>)
      %dma_start3A_401 = tpu.memref_slice %arg6[%add3A_392] : memref<1600000xf32, #tpu.memory_space<hbm>> -> memref<400xf32, #tpu.memory_space<hbm>>
      %dma_start3A_402 = tpu.memref_slice %arg6[%add3A_392] : memref<1600000xf32, #tpu.memory_space<hbm>> -> memref<400xf32, #tpu.memory_space<hbm>>
      tpu.enqueue_dma source(%dma_start3A_402 : memref<400xf32, #tpu.memory_space<hbm>>) target(%arg17 : memref<400xf32, #tpu.memory_space<vmem>>) target_semaphore(%arg31 : memref<!tpu.dma_semaphore, #tpu.memory_space<semaphore_mem>>)
      %dma_start3A_403 = tpu.memref_slice %arg7[%add3A_392] : memref<1600000xf32, #tpu.memory_space<hbm>> -> memref<400xf32, #tpu.memory_space<hbm>>
      %dma_start3A_404 = tpu.memref_slice %arg7[%add3A_392] : memref<1600000xf32, #tpu.memory_space<hbm>> -> memref<400xf32, #tpu.memory_space<hbm>>
      tpu.enqueue_dma source(%dma_start3A_404 : memref<400xf32, #tpu.memory_space<hbm>>) target(%arg18 : memref<400xf32, #tpu.memory_space<vmem>>) target_semaphore(%arg31 : memref<!tpu.dma_semaphore, #tpu.memory_space<semaphore_mem>>)
      %dma_wait3A_405 = arith.constant 0 : i32
      %dma_wait3A_406 = tpu.memref_slice %arg2[%dma_wait3A_405] : memref<1600000xi32, #tpu.memory_space<hbm>> -> memref<400xi32, #tpu.memory_space<hbm>>
      %dma_wait3A_407 = arith.constant 0 : i32
      %dma_wait3A_408 = tpu.memref_slice %arg2[%dma_wait3A_407] : memref<1600000xi32, #tpu.memory_space<hbm>> -> memref<400xi32, #tpu.memory_space<hbm>>
      tpu.wait_dma2 semaphore(%arg33 : memref<!tpu.dma_semaphore, #tpu.memory_space<semaphore_mem>>) src(%dma_wait3A_408 : memref<400xi32, #tpu.memory_space<hbm>>) dst(%arg21 : memref<400xi32, #tpu.memory_space<vmem>>)
      %dma_wait3A_409 = arith.constant 0 : i32
      %dma_wait3A_410 = tpu.memref_slice %arg2[%dma_wait3A_409] : memref<1600000xi32, #tpu.memory_space<hbm>> -> memref<400xi32, #tpu.memory_space<hbm>>
      %dma_wait3A_411 = arith.constant 0 : i32
      %dma_wait3A_412 = tpu.memref_slice %arg2[%dma_wait3A_411] : memref<1600000xi32, #tpu.memory_space<hbm>> -> memref<400xi32, #tpu.memory_space<hbm>>
      tpu.wait_dma2 semaphore(%arg33 : memref<!tpu.dma_semaphore, #tpu.memory_space<semaphore_mem>>) src(%dma_wait3A_412 : memref<400xi32, #tpu.memory_space<hbm>>) dst(%arg22 : memref<400xi32, #tpu.memory_space<vmem>>)
      %dma_wait3A_413 = arith.constant 0 : i32
      %dma_wait3A_414 = tpu.memref_slice %arg2[%dma_wait3A_413] : memref<1600000xi32, #tpu.memory_space<hbm>> -> memref<400xi32, #tpu.memory_space<hbm>>
      %dma_wait3A_415 = arith.constant 0 : i32
      %dma_wait3A_416 = tpu.memref_slice %arg2[%dma_wait3A_415] : memref<1600000xi32, #tpu.memory_space<hbm>> -> memref<400xi32, #tpu.memory_space<hbm>>
      tpu.wait_dma2 semaphore(%arg33 : memref<!tpu.dma_semaphore, #tpu.memory_space<semaphore_mem>>) src(%dma_wait3A_416 : memref<400xi32, #tpu.memory_space<hbm>>) dst(%arg23 : memref<400xf32, #tpu.memory_space<vmem>>)
      %dma_wait3A_417 = arith.constant 0 : i32
      %dma_wait3A_418 = tpu.memref_slice %arg2[%dma_wait3A_417] : memref<1600000xi32, #tpu.memory_space<hbm>> -> memref<400xi32, #tpu.memory_space<hbm>>
      %dma_wait3A_419 = arith.constant 0 : i32
      %dma_wait3A_420 = tpu.memref_slice %arg2[%dma_wait3A_419] : memref<1600000xi32, #tpu.memory_space<hbm>> -> memref<400xi32, #tpu.memory_space<hbm>>
      tpu.wait_dma2 semaphore(%arg33 : memref<!tpu.dma_semaphore, #tpu.memory_space<semaphore_mem>>) src(%dma_wait3A_420 : memref<400xi32, #tpu.memory_space<hbm>>) dst(%arg24 : memref<400xf32, #tpu.memory_space<vmem>>)
      %dma_wait3A_421 = arith.constant 0 : i32
      %dma_wait3A_422 = tpu.memref_slice %arg2[%dma_wait3A_421] : memref<1600000xi32, #tpu.memory_space<hbm>> -> memref<400xi32, #tpu.memory_space<hbm>>
      %dma_wait3A_423 = arith.constant 0 : i32
      %dma_wait3A_424 = tpu.memref_slice %arg2[%dma_wait3A_423] : memref<1600000xi32, #tpu.memory_space<hbm>> -> memref<400xi32, #tpu.memory_space<hbm>>
      tpu.wait_dma2 semaphore(%arg33 : memref<!tpu.dma_semaphore, #tpu.memory_space<semaphore_mem>>) src(%dma_wait3A_424 : memref<400xi32, #tpu.memory_space<hbm>>) dst(%arg25 : memref<400xf32, #tpu.memory_space<vmem>>)
      %dma_wait3A_425 = arith.constant 0 : i32
      %dma_wait3A_426 = tpu.memref_slice %arg2[%dma_wait3A_425] : memref<1600000xi32, #tpu.memory_space<hbm>> -> memref<400xi32, #tpu.memory_space<hbm>>
      %dma_wait3A_427 = arith.constant 0 : i32
      %dma_wait3A_428 = tpu.memref_slice %arg2[%dma_wait3A_427] : memref<1600000xi32, #tpu.memory_space<hbm>> -> memref<400xi32, #tpu.memory_space<hbm>>
      tpu.wait_dma2 semaphore(%arg33 : memref<!tpu.dma_semaphore, #tpu.memory_space<semaphore_mem>>) src(%dma_wait3A_428 : memref<400xi32, #tpu.memory_space<hbm>>) dst(%arg26 : memref<400xf32, #tpu.memory_space<vmem>>)
      %gt3A_429 = arith.constant 0 : i32
      %gt3A_430 = arith.cmpi sgt, %scan3A_208, %gt3A_429 : i32
      %convert_element_type3A_431 = arith.extui %gt3A_430 : i1 to i32
      %cond3A_432 = arith.constant 0 : i32
      %cond3A_433 = arith.cmpi ne, %convert_element_type3A_431, %cond3A_432 : i32
      scf.if %cond3A_433 {
        %dma_wait3A_558 = arith.constant 0 : i32
        %dma_wait3A_559 = tpu.memref_slice %arg30[%dma_wait3A_558] : memref<150016xf32, #tpu.memory_space<vmem_shared>> -> memref<150016xf32, #tpu.memory_space<vmem_shared>>
        tpu.wait_indirect_dma semaphore(%arg34 : memref<!tpu.dma_semaphore, #tpu.memory_space<semaphore_mem>>) src(%arg27 : memref<1200xf32, #tpu.memory_space<vmem>>) dst(%dma_wait3A_559 : memref<150016xf32, #tpu.memory_space<vmem_shared>>)
      } else {
      }
      %scan3A_434 = arith.constant 0 : i32
      %scan3A_435 = arith.constant 0 : i32
      %scan3A_436 = arith.constant 24 : i32
      %scan3A_437 = arith.addi %scan3A_435, %scan3A_436 : i32
      %scan3A_438 = arith.constant 6 : i32
      %scan3A_439 = scf.for %scan3A_558 = %scan3A_435 to %scan3A_437 step %scan3A_438 iter_args(%scan3A_559 = %scan3A_434) -> (i32)  : i32 {
        %mul3A_560 = arith.constant 16 : i32
        %mul3A_561 = arith.muli %scan3A_558, %mul3A_560 : i32
        %get3A_562 = arith.index_cast %mul3A_561 : i32 to index
        %get3A_563 = tpu.vector_load %arg21[%get3A_562] {strides = array<i32>} : memref<400xi32, #tpu.memory_space<vmem>>, vector<16xi32>,
        %get3A_564 = arith.index_cast %mul3A_561 : i32 to index
        %get3A_565 = tpu.vector_load %arg22[%get3A_564] {strides = array<i32>} : memref<400xi32, #tpu.memory_space<vmem>>, vector<16xi32>,
        %get3A_566 = arith.index_cast %mul3A_561 : i32 to index
        %get3A_567 = tpu.vector_load %arg23[%get3A_566] {strides = array<i32>} : memref<400xf32, #tpu.memory_space<vmem>>, vector<16xf32>,
        %gather3A_568 = tpu.vector_load_idx %arg11[%get3A_565] : memref<50000xf32, #tpu.memory_space<vmem>>[vector<16xi32>], vector<16xf32>,
        %gather3A_569 = tpu.vector_load_idx %arg12[%get3A_563] : memref<50000xf32, #tpu.memory_space<vmem>>[vector<16xi32>], vector<16xf32>,
        %gather3A_570 = tpu.vector_load_idx %arg12[%get3A_565] : memref<50000xf32, #tpu.memory_space<vmem>>[vector<16xi32>], vector<16xf32>,
        %mul3A_571 = arith.mulf %gather3A_569, %gather3A_570 : vector<16xf32>
        %bitcast3A_572 = vector.bitcast %mul3A_571 : vector<16xf32> to vector<16xi32>
        %shift_right_logical3A_573 = arith.constant 1 : i32
        %shift_right_logical3A_574 = vector.broadcast %shift_right_logical3A_573 : i32 to vector<16xi32>
        %shift_right_logical3A_575 = arith.shrui %bitcast3A_572, %shift_right_logical3A_574 : vector<16xi32>
        %sub3A_576 = arith.constant 1597463007 : i32
        %sub3A_577 = vector.broadcast %sub3A_576 : i32 to vector<16xi32>
        %sub3A_578 = arith.subi %sub3A_577, %shift_right_logical3A_575 : vector<16xi32>
        %bitcast3A_579 = vector.bitcast %sub3A_578 : vector<16xi32> to vector<16xf32>
        %mul3A_580 = arith.constant 5.000000e-01 : f32
        %mul3A_581 = vector.broadcast %mul3A_580 : f32 to vector<16xf32>
        %mul3A_582 = arith.mulf %mul3A_571, %mul3A_581 : vector<16xf32>
        %mul3A_583 = arith.mulf %mul3A_582, %bitcast3A_579 : vector<16xf32>
        %mul3A_584 = arith.mulf %mul3A_583, %bitcast3A_579 : vector<16xf32>
        %sub3A_585 = arith.constant 1.500000e+00 : f32
        %sub3A_586 = vector.broadcast %sub3A_585 : f32 to vector<16xf32>
        %sub3A_587 = arith.subf %sub3A_586, %mul3A_584 : vector<16xf32>
        %mul3A_588 = arith.mulf %bitcast3A_579, %sub3A_587 : vector<16xf32>
        %mul3A_589 = arith.mulf %mul3A_582, %mul3A_588 : vector<16xf32>
        %mul3A_590 = arith.mulf %mul3A_589, %mul3A_588 : vector<16xf32>
        %sub3A_591 = arith.constant 1.500000e+00 : f32
        %sub3A_592 = vector.broadcast %sub3A_591 : f32 to vector<16xf32>
        %sub3A_593 = arith.subf %sub3A_592, %mul3A_590 : vector<16xf32>
        %mul3A_594 = arith.mulf %mul3A_588, %sub3A_593 : vector<16xf32>
        %mul3A_595 = arith.mulf %mul3A_571, %mul3A_594 : vector<16xf32>
        %mul3A_596 = arith.mulf %get3A_567, %get3A_567 : vector<16xf32>
        %mul3A_597 = arith.mulf %mul3A_596, %get3A_567 : vector<16xf32>
        %div3A_598 = vector.broadcast %scan3A_43 : f32 to vector<16xf32>
        %div3A_599 = arith.divf %div3A_598, %mul3A_597 : vector<16xf32>
        %mul3A_600 = arith.mulf %mul3A_595, %div3A_599 : vector<16xf32>
        %bitcast3A_601 = vector.bitcast %mul3A_600 : vector<16xf32> to vector<16xi32>
        %shift_right_logical3A_602 = arith.constant 1 : i32
        %shift_right_logical3A_603 = vector.broadcast %shift_right_logical3A_602 : i32 to vector<16xi32>
        %shift_right_logical3A_604 = arith.shrui %bitcast3A_601, %shift_right_logical3A_603 : vector<16xi32>
        %sub3A_605 = arith.constant 1597463007 : i32
        %sub3A_606 = vector.broadcast %sub3A_605 : i32 to vector<16xi32>
        %sub3A_607 = arith.subi %sub3A_606, %shift_right_logical3A_604 : vector<16xi32>
        %bitcast3A_608 = vector.bitcast %sub3A_607 : vector<16xi32> to vector<16xf32>
        %mul3A_609 = arith.constant 5.000000e-01 : f32
        %mul3A_610 = vector.broadcast %mul3A_609 : f32 to vector<16xf32>
        %mul3A_611 = arith.mulf %mul3A_600, %mul3A_610 : vector<16xf32>
        %mul3A_612 = arith.mulf %mul3A_611, %bitcast3A_608 : vector<16xf32>
        %mul3A_613 = arith.mulf %mul3A_612, %bitcast3A_608 : vector<16xf32>
        %sub3A_614 = arith.constant 1.500000e+00 : f32
        %sub3A_615 = vector.broadcast %sub3A_614 : f32 to vector<16xf32>
        %sub3A_616 = arith.subf %sub3A_615, %mul3A_613 : vector<16xf32>
        %mul3A_617 = arith.mulf %bitcast3A_608, %sub3A_616 : vector<16xf32>
        %mul3A_618 = arith.mulf %mul3A_611, %mul3A_617 : vector<16xf32>
        %mul3A_619 = arith.mulf %mul3A_618, %mul3A_617 : vector<16xf32>
        %sub3A_620 = arith.constant 1.500000e+00 : f32
        %sub3A_621 = vector.broadcast %sub3A_620 : f32 to vector<16xf32>
        %sub3A_622 = arith.subf %sub3A_621, %mul3A_619 : vector<16xf32>
        %mul3A_623 = arith.mulf %mul3A_617, %sub3A_622 : vector<16xf32>
        %mul3A_624 = vector.broadcast %scan3A_44 : f32 to vector<16xf32>
        %mul3A_625 = arith.mulf %mul3A_624, %mul3A_623 : vector<16xf32>
        %exp3A_626 = math.exp %mul3A_625 : vector<16xf32>
        %sub3A_627 = vector.broadcast %scan3A_43 : f32 to vector<16xf32>
        %sub3A_628 = arith.subf %sub3A_627, %exp3A_626 : vector<16xf32>
        %mul3A_629 = vector.broadcast %scan3A_45 : f32 to vector<16xf32>
        %mul3A_630 = arith.mulf %mul3A_629, %gather3A_568 : vector<16xf32>
        %mul3A_631 = arith.mulf %mul3A_630, %sub3A_628 : vector<16xf32>
        %mul3A_632 = arith.mulf %mul3A_631, %div3A_599 : vector<16xf32>
        %mul3A_633 = arith.constant 3 : i32
        %mul3A_634 = vector.broadcast %mul3A_633 : i32 to vector<16xi32>
        %mul3A_635 = arith.muli %get3A_563, %mul3A_634 : vector<16xi32>
        %get3A_636 = arith.index_cast %mul3A_561 : i32 to index
        %get3A_637 = tpu.vector_load %arg24[%get3A_636] {strides = array<i32>} : memref<400xf32, #tpu.memory_space<vmem>>, vector<16xf32>,
        %mul3A_638 = arith.mulf %mul3A_632, %get3A_637 : vector<16xf32>
        %swap3A_639 = arith.index_cast %mul3A_561 : i32 to index
        %swap3A_640 = tpu.vector_load %arg27[%swap3A_639] {strides = array<i32>} : memref<1200xf32, #tpu.memory_space<vmem>>, vector<16xf32>,
        tpu.vector_store %arg27[%swap3A_639], %mul3A_638 {strides = array<i32>} : memref<1200xf32, #tpu.memory_space<vmem>>, vector<16xf32>,
        %get3A_641 = arith.index_cast %mul3A_561 : i32 to index
        %get3A_642 = tpu.vector_load %arg25[%get3A_641] {strides = array<i32>} : memref<400xf32, #tpu.memory_space<vmem>>, vector<16xf32>,
        %mul3A_643 = arith.mulf %mul3A_632, %get3A_642 : vector<16xf32>
        %add3A_644 = arith.constant 400 : i32
        %add3A_645 = arith.addi %add3A_644, %mul3A_561 : i32
        %swap3A_646 = arith.index_cast %add3A_645 : i32 to index
        %swap3A_647 = tpu.vector_load %arg27[%swap3A_646] {strides = array<i32>} : memref<1200xf32, #tpu.memory_space<vmem>>, vector<16xf32>,
        tpu.vector_store %arg27[%swap3A_646], %mul3A_643 {strides = array<i32>} : memref<1200xf32, #tpu.memory_space<vmem>>, vector<16xf32>,
        %get3A_648 = arith.index_cast %mul3A_561 : i32 to index
        %get3A_649 = tpu.vector_load %arg26[%get3A_648] {strides = array<i32>} : memref<400xf32, #tpu.memory_space<vmem>>, vector<16xf32>,
        %mul3A_650 = arith.mulf %mul3A_632, %get3A_649 : vector<16xf32>
        %add3A_651 = arith.constant 800 : i32
        %add3A_652 = arith.addi %add3A_651, %mul3A_561 : i32
        %swap3A_653 = arith.index_cast %add3A_652 : i32 to index
        %swap3A_654 = tpu.vector_load %arg27[%swap3A_653] {strides = array<i32>} : memref<1200xf32, #tpu.memory_space<vmem>>, vector<16xf32>,
        tpu.vector_store %arg27[%swap3A_653], %mul3A_650 {strides = array<i32>} : memref<1200xf32, #tpu.memory_space<vmem>>, vector<16xf32>,
        %swap3A_655 = arith.index_cast %mul3A_561 : i32 to index
        %swap3A_656 = tpu.vector_load %arg28[%swap3A_655] {strides = array<i32>} : memref<1200xi32, #tpu.memory_space<vmem>>, vector<16xi32>,
        tpu.vector_store %arg28[%swap3A_655], %mul3A_635 {strides = array<i32>} : memref<1200xi32, #tpu.memory_space<vmem>>, vector<16xi32>,
        %add3A_657 = arith.constant 1 : i32
        %add3A_658 = vector.broadcast %add3A_657 : i32 to vector<16xi32>
        %add3A_659 = arith.addi %mul3A_635, %add3A_658 : vector<16xi32>
        %add3A_660 = arith.constant 400 : i32
        %add3A_661 = arith.addi %add3A_660, %mul3A_561 : i32
        %swap3A_662 = arith.index_cast %add3A_661 : i32 to index
        %swap3A_663 = tpu.vector_load %arg28[%swap3A_662] {strides = array<i32>} : memref<1200xi32, #tpu.memory_space<vmem>>, vector<16xi32>,
        tpu.vector_store %arg28[%swap3A_662], %add3A_659 {strides = array<i32>} : memref<1200xi32, #tpu.memory_space<vmem>>, vector<16xi32>,
        %add3A_664 = arith.constant 2 : i32
        %add3A_665 = vector.broadcast %add3A_664 : i32 to vector<16xi32>
        %add3A_666 = arith.addi %mul3A_635, %add3A_665 : vector<16xi32>
        %add3A_667 = arith.constant 800 : i32
        %add3A_668 = arith.addi %add3A_667, %mul3A_561 : i32
        %swap3A_669 = arith.index_cast %add3A_668 : i32 to index
        %swap3A_670 = tpu.vector_load %arg28[%swap3A_669] {strides = array<i32>} : memref<1200xi32, #tpu.memory_space<vmem>>, vector<16xi32>,
        tpu.vector_store %arg28[%swap3A_669], %add3A_666 {strides = array<i32>} : memref<1200xi32, #tpu.memory_space<vmem>>, vector<16xi32>,
        %scan3A_671 = arith.constant 0 : i32
        %scan3A_672 = arith.constant 1 : i32
        %scan3A_673 = arith.addi %scan3A_558, %scan3A_672 : i32
        %mul3A_674 = arith.constant 16 : i32
        %mul3A_675 = arith.muli %scan3A_673, %mul3A_674 : i32
        %get3A_676 = arith.index_cast %mul3A_675 : i32 to index
        %get3A_677 = tpu.vector_load %arg21[%get3A_676] {strides = array<i32>} : memref<400xi32, #tpu.memory_space<vmem>>, vector<16xi32>,
        %get3A_678 = arith.index_cast %mul3A_675 : i32 to index
        %get3A_679 = tpu.vector_load %arg22[%get3A_678] {strides = array<i32>} : memref<400xi32, #tpu.memory_space<vmem>>, vector<16xi32>,
        %get3A_680 = arith.index_cast %mul3A_675 : i32 to index
        %get3A_681 = tpu.vector_load %arg23[%get3A_680] {strides = array<i32>} : memref<400xf32, #tpu.memory_space<vmem>>, vector<16xf32>,
        %gather3A_682 = tpu.vector_load_idx %arg11[%get3A_679] : memref<50000xf32, #tpu.memory_space<vmem>>[vector<16xi32>], vector<16xf32>,
        %gather3A_683 = tpu.vector_load_idx %arg12[%get3A_677] : memref<50000xf32, #tpu.memory_space<vmem>>[vector<16xi32>], vector<16xf32>,
        %gather3A_684 = tpu.vector_load_idx %arg12[%get3A_679] : memref<50000xf32, #tpu.memory_space<vmem>>[vector<16xi32>], vector<16xf32>,
        %mul3A_685 = arith.mulf %gather3A_683, %gather3A_684 : vector<16xf32>
        %bitcast3A_686 = vector.bitcast %mul3A_685 : vector<16xf32> to vector<16xi32>
        %shift_right_logical3A_687 = arith.constant 1 : i32
        %shift_right_logical3A_688 = vector.broadcast %shift_right_logical3A_687 : i32 to vector<16xi32>
        %shift_right_logical3A_689 = arith.shrui %bitcast3A_686, %shift_right_logical3A_688 : vector<16xi32>
        %sub3A_690 = arith.constant 1597463007 : i32
        %sub3A_691 = vector.broadcast %sub3A_690 : i32 to vector<16xi32>
        %sub3A_692 = arith.subi %sub3A_691, %shift_right_logical3A_689 : vector<16xi32>
        %bitcast3A_693 = vector.bitcast %sub3A_692 : vector<16xi32> to vector<16xf32>
        %mul3A_694 = arith.constant 5.000000e-01 : f32
        %mul3A_695 = vector.broadcast %mul3A_694 : f32 to vector<16xf32>
        %mul3A_696 = arith.mulf %mul3A_685, %mul3A_695 : vector<16xf32>
        %mul3A_697 = arith.mulf %mul3A_696, %bitcast3A_693 : vector<16xf32>
        %mul3A_698 = arith.mulf %mul3A_697, %bitcast3A_693 : vector<16xf32>
        %sub3A_699 = arith.constant 1.500000e+00 : f32
        %sub3A_700 = vector.broadcast %sub3A_699 : f32 to vector<16xf32>
        %sub3A_701 = arith.subf %sub3A_700, %mul3A_698 : vector<16xf32>
        %mul3A_702 = arith.mulf %bitcast3A_693, %sub3A_701 : vector<16xf32>
        %mul3A_703 = arith.mulf %mul3A_696, %mul3A_702 : vector<16xf32>
        %mul3A_704 = arith.mulf %mul3A_703, %mul3A_702 : vector<16xf32>
        %sub3A_705 = arith.constant 1.500000e+00 : f32
        %sub3A_706 = vector.broadcast %sub3A_705 : f32 to vector<16xf32>
        %sub3A_707 = arith.subf %sub3A_706, %mul3A_704 : vector<16xf32>
        %mul3A_708 = arith.mulf %mul3A_702, %sub3A_707 : vector<16xf32>
        %mul3A_709 = arith.mulf %mul3A_685, %mul3A_708 : vector<16xf32>
        %mul3A_710 = arith.mulf %get3A_681, %get3A_681 : vector<16xf32>
        %mul3A_711 = arith.mulf %mul3A_710, %get3A_681 : vector<16xf32>
        %div3A_712 = vector.broadcast %scan3A_43 : f32 to vector<16xf32>
        %div3A_713 = arith.divf %div3A_712, %mul3A_711 : vector<16xf32>
        %mul3A_714 = arith.mulf %mul3A_709, %div3A_713 : vector<16xf32>
        %bitcast3A_715 = vector.bitcast %mul3A_714 : vector<16xf32> to vector<16xi32>
        %shift_right_logical3A_716 = arith.constant 1 : i32
        %shift_right_logical3A_717 = vector.broadcast %shift_right_logical3A_716 : i32 to vector<16xi32>
        %shift_right_logical3A_718 = arith.shrui %bitcast3A_715, %shift_right_logical3A_717 : vector<16xi32>
        %sub3A_719 = arith.constant 1597463007 : i32
        %sub3A_720 = vector.broadcast %sub3A_719 : i32 to vector<16xi32>
        %sub3A_721 = arith.subi %sub3A_720, %shift_right_logical3A_718 : vector<16xi32>
        %bitcast3A_722 = vector.bitcast %sub3A_721 : vector<16xi32> to vector<16xf32>
        %mul3A_723 = arith.constant 5.000000e-01 : f32
        %mul3A_724 = vector.broadcast %mul3A_723 : f32 to vector<16xf32>
        %mul3A_725 = arith.mulf %mul3A_714, %mul3A_724 : vector<16xf32>
        %mul3A_726 = arith.mulf %mul3A_725, %bitcast3A_722 : vector<16xf32>
        %mul3A_727 = arith.mulf %mul3A_726, %bitcast3A_722 : vector<16xf32>
        %sub3A_728 = arith.constant 1.500000e+00 : f32
        %sub3A_729 = vector.broadcast %sub3A_728 : f32 to vector<16xf32>
        %sub3A_730 = arith.subf %sub3A_729, %mul3A_727 : vector<16xf32>
        %mul3A_731 = arith.mulf %bitcast3A_722, %sub3A_730 : vector<16xf32>
        %mul3A_732 = arith.mulf %mul3A_725, %mul3A_731 : vector<16xf32>
        %mul3A_733 = arith.mulf %mul3A_732, %mul3A_731 : vector<16xf32>
        %sub3A_734 = arith.constant 1.500000e+00 : f32
        %sub3A_735 = vector.broadcast %sub3A_734 : f32 to vector<16xf32>
        %sub3A_736 = arith.subf %sub3A_735, %mul3A_733 : vector<16xf32>
        %mul3A_737 = arith.mulf %mul3A_731, %sub3A_736 : vector<16xf32>
        %mul3A_738 = vector.broadcast %scan3A_44 : f32 to vector<16xf32>
        %mul3A_739 = arith.mulf %mul3A_738, %mul3A_737 : vector<16xf32>
        %exp3A_740 = math.exp %mul3A_739 : vector<16xf32>
        %sub3A_741 = vector.broadcast %scan3A_43 : f32 to vector<16xf32>
        %sub3A_742 = arith.subf %sub3A_741, %exp3A_740 : vector<16xf32>
        %mul3A_743 = vector.broadcast %scan3A_45 : f32 to vector<16xf32>
        %mul3A_744 = arith.mulf %mul3A_743, %gather3A_682 : vector<16xf32>
        %mul3A_745 = arith.mulf %mul3A_744, %sub3A_742 : vector<16xf32>
        %mul3A_746 = arith.mulf %mul3A_745, %div3A_713 : vector<16xf32>
        %mul3A_747 = arith.constant 3 : i32
        %mul3A_748 = vector.broadcast %mul3A_747 : i32 to vector<16xi32>
        %mul3A_749 = arith.muli %get3A_677, %mul3A_748 : vector<16xi32>
        %get3A_750 = arith.index_cast %mul3A_675 : i32 to index
        %get3A_751 = tpu.vector_load %arg24[%get3A_750] {strides = array<i32>} : memref<400xf32, #tpu.memory_space<vmem>>, vector<16xf32>,
        %mul3A_752 = arith.mulf %mul3A_746, %get3A_751 : vector<16xf32>
        %swap3A_753 = arith.index_cast %mul3A_675 : i32 to index
        %swap3A_754 = tpu.vector_load %arg27[%swap3A_753] {strides = array<i32>} : memref<1200xf32, #tpu.memory_space<vmem>>, vector<16xf32>,
        tpu.vector_store %arg27[%swap3A_753], %mul3A_752 {strides = array<i32>} : memref<1200xf32, #tpu.memory_space<vmem>>, vector<16xf32>,
        %get3A_755 = arith.index_cast %mul3A_675 : i32 to index
        %get3A_756 = tpu.vector_load %arg25[%get3A_755] {strides = array<i32>} : memref<400xf32, #tpu.memory_space<vmem>>, vector<16xf32>,
        %mul3A_757 = arith.mulf %mul3A_746, %get3A_756 : vector<16xf32>
        %add3A_758 = arith.constant 400 : i32
        %add3A_759 = arith.addi %add3A_758, %mul3A_675 : i32
        %swap3A_760 = arith.index_cast %add3A_759 : i32 to index
        %swap3A_761 = tpu.vector_load %arg27[%swap3A_760] {strides = array<i32>} : memref<1200xf32, #tpu.memory_space<vmem>>, vector<16xf32>,
        tpu.vector_store %arg27[%swap3A_760], %mul3A_757 {strides = array<i32>} : memref<1200xf32, #tpu.memory_space<vmem>>, vector<16xf32>,
        %get3A_762 = arith.index_cast %mul3A_675 : i32 to index
        %get3A_763 = tpu.vector_load %arg26[%get3A_762] {strides = array<i32>} : memref<400xf32, #tpu.memory_space<vmem>>, vector<16xf32>,
        %mul3A_764 = arith.mulf %mul3A_746, %get3A_763 : vector<16xf32>
        %add3A_765 = arith.constant 800 : i32
        %add3A_766 = arith.addi %add3A_765, %mul3A_675 : i32
        %swap3A_767 = arith.index_cast %add3A_766 : i32 to index
        %swap3A_768 = tpu.vector_load %arg27[%swap3A_767] {strides = array<i32>} : memref<1200xf32, #tpu.memory_space<vmem>>, vector<16xf32>,
        tpu.vector_store %arg27[%swap3A_767], %mul3A_764 {strides = array<i32>} : memref<1200xf32, #tpu.memory_space<vmem>>, vector<16xf32>,
        %swap3A_769 = arith.index_cast %mul3A_675 : i32 to index
        %swap3A_770 = tpu.vector_load %arg28[%swap3A_769] {strides = array<i32>} : memref<1200xi32, #tpu.memory_space<vmem>>, vector<16xi32>,
        tpu.vector_store %arg28[%swap3A_769], %mul3A_749 {strides = array<i32>} : memref<1200xi32, #tpu.memory_space<vmem>>, vector<16xi32>,
        %add3A_771 = arith.constant 1 : i32
        %add3A_772 = vector.broadcast %add3A_771 : i32 to vector<16xi32>
        %add3A_773 = arith.addi %mul3A_749, %add3A_772 : vector<16xi32>
        %add3A_774 = arith.constant 400 : i32
        %add3A_775 = arith.addi %add3A_774, %mul3A_675 : i32
        %swap3A_776 = arith.index_cast %add3A_775 : i32 to index
        %swap3A_777 = tpu.vector_load %arg28[%swap3A_776] {strides = array<i32>} : memref<1200xi32, #tpu.memory_space<vmem>>, vector<16xi32>,
        tpu.vector_store %arg28[%swap3A_776], %add3A_773 {strides = array<i32>} : memref<1200xi32, #tpu.memory_space<vmem>>, vector<16xi32>,
        %add3A_778 = arith.constant 2 : i32
        %add3A_779 = vector.broadcast %add3A_778 : i32 to vector<16xi32>
        %add3A_780 = arith.addi %mul3A_749, %add3A_779 : vector<16xi32>
        %add3A_781 = arith.constant 800 : i32
        %add3A_782 = arith.addi %add3A_781, %mul3A_675 : i32
        %swap3A_783 = arith.index_cast %add3A_782 : i32 to index
        %swap3A_784 = tpu.vector_load %arg28[%swap3A_783] {strides = array<i32>} : memref<1200xi32, #tpu.memory_space<vmem>>, vector<16xi32>,
        tpu.vector_store %arg28[%swap3A_783], %add3A_780 {strides = array<i32>} : memref<1200xi32, #tpu.memory_space<vmem>>, vector<16xi32>,
        %scan3A_785 = arith.constant 0 : i32
        %scan3A_786 = arith.constant 2 : i32
        %scan3A_787 = arith.addi %scan3A_558, %scan3A_786 : i32
        %mul3A_788 = arith.constant 16 : i32
        %mul3A_789 = arith.muli %scan3A_787, %mul3A_788 : i32
        %get3A_790 = arith.index_cast %mul3A_789 : i32 to index
        %get3A_791 = tpu.vector_load %arg21[%get3A_790] {strides = array<i32>} : memref<400xi32, #tpu.memory_space<vmem>>, vector<16xi32>,
        %get3A_792 = arith.index_cast %mul3A_789 : i32 to index
        %get3A_793 = tpu.vector_load %arg22[%get3A_792] {strides = array<i32>} : memref<400xi32, #tpu.memory_space<vmem>>, vector<16xi32>,
        %get3A_794 = arith.index_cast %mul3A_789 : i32 to index
        %get3A_795 = tpu.vector_load %arg23[%get3A_794] {strides = array<i32>} : memref<400xf32, #tpu.memory_space<vmem>>, vector<16xf32>,
        %gather3A_796 = tpu.vector_load_idx %arg11[%get3A_793] : memref<50000xf32, #tpu.memory_space<vmem>>[vector<16xi32>], vector<16xf32>,
        %gather3A_797 = tpu.vector_load_idx %arg12[%get3A_791] : memref<50000xf32, #tpu.memory_space<vmem>>[vector<16xi32>], vector<16xf32>,
        %gather3A_798 = tpu.vector_load_idx %arg12[%get3A_793] : memref<50000xf32, #tpu.memory_space<vmem>>[vector<16xi32>], vector<16xf32>,
        %mul3A_799 = arith.mulf %gather3A_797, %gather3A_798 : vector<16xf32>
        %bitcast3A_800 = vector.bitcast %mul3A_799 : vector<16xf32> to vector<16xi32>
        %shift_right_logical3A_801 = arith.constant 1 : i32
        %shift_right_logical3A_802 = vector.broadcast %shift_right_logical3A_801 : i32 to vector<16xi32>
        %shift_right_logical3A_803 = arith.shrui %bitcast3A_800, %shift_right_logical3A_802 : vector<16xi32>
        %sub3A_804 = arith.constant 1597463007 : i32
        %sub3A_805 = vector.broadcast %sub3A_804 : i32 to vector<16xi32>
        %sub3A_806 = arith.subi %sub3A_805, %shift_right_logical3A_803 : vector<16xi32>
        %bitcast3A_807 = vector.bitcast %sub3A_806 : vector<16xi32> to vector<16xf32>
        %mul3A_808 = arith.constant 5.000000e-01 : f32
        %mul3A_809 = vector.broadcast %mul3A_808 : f32 to vector<16xf32>
        %mul3A_810 = arith.mulf %mul3A_799, %mul3A_809 : vector<16xf32>
        %mul3A_811 = arith.mulf %mul3A_810, %bitcast3A_807 : vector<16xf32>
        %mul3A_812 = arith.mulf %mul3A_811, %bitcast3A_807 : vector<16xf32>
        %sub3A_813 = arith.constant 1.500000e+00 : f32
        %sub3A_814 = vector.broadcast %sub3A_813 : f32 to vector<16xf32>
        %sub3A_815 = arith.subf %sub3A_814, %mul3A_812 : vector<16xf32>
        %mul3A_816 = arith.mulf %bitcast3A_807, %sub3A_815 : vector<16xf32>
        %mul3A_817 = arith.mulf %mul3A_810, %mul3A_816 : vector<16xf32>
        %mul3A_818 = arith.mulf %mul3A_817, %mul3A_816 : vector<16xf32>
        %sub3A_819 = arith.constant 1.500000e+00 : f32
        %sub3A_820 = vector.broadcast %sub3A_819 : f32 to vector<16xf32>
        %sub3A_821 = arith.subf %sub3A_820, %mul3A_818 : vector<16xf32>
        %mul3A_822 = arith.mulf %mul3A_816, %sub3A_821 : vector<16xf32>
        %mul3A_823 = arith.mulf %mul3A_799, %mul3A_822 : vector<16xf32>
        %mul3A_824 = arith.mulf %get3A_795, %get3A_795 : vector<16xf32>
        %mul3A_825 = arith.mulf %mul3A_824, %get3A_795 : vector<16xf32>
        %div3A_826 = vector.broadcast %scan3A_43 : f32 to vector<16xf32>
        %div3A_827 = arith.divf %div3A_826, %mul3A_825 : vector<16xf32>
        %mul3A_828 = arith.mulf %mul3A_823, %div3A_827 : vector<16xf32>
        %bitcast3A_829 = vector.bitcast %mul3A_828 : vector<16xf32> to vector<16xi32>
        %shift_right_logical3A_830 = arith.constant 1 : i32
        %shift_right_logical3A_831 = vector.broadcast %shift_right_logical3A_830 : i32 to vector<16xi32>
        %shift_right_logical3A_832 = arith.shrui %bitcast3A_829, %shift_right_logical3A_831 : vector<16xi32>
        %sub3A_833 = arith.constant 1597463007 : i32
        %sub3A_834 = vector.broadcast %sub3A_833 : i32 to vector<16xi32>
        %sub3A_835 = arith.subi %sub3A_834, %shift_right_logical3A_832 : vector<16xi32>
        %bitcast3A_836 = vector.bitcast %sub3A_835 : vector<16xi32> to vector<16xf32>
        %mul3A_837 = arith.constant 5.000000e-01 : f32
        %mul3A_838 = vector.broadcast %mul3A_837 : f32 to vector<16xf32>
        %mul3A_839 = arith.mulf %mul3A_828, %mul3A_838 : vector<16xf32>
        %mul3A_840 = arith.mulf %mul3A_839, %bitcast3A_836 : vector<16xf32>
        %mul3A_841 = arith.mulf %mul3A_840, %bitcast3A_836 : vector<16xf32>
        %sub3A_842 = arith.constant 1.500000e+00 : f32
        %sub3A_843 = vector.broadcast %sub3A_842 : f32 to vector<16xf32>
        %sub3A_844 = arith.subf %sub3A_843, %mul3A_841 : vector<16xf32>
        %mul3A_845 = arith.mulf %bitcast3A_836, %sub3A_844 : vector<16xf32>
        %mul3A_846 = arith.mulf %mul3A_839, %mul3A_845 : vector<16xf32>
        %mul3A_847 = arith.mulf %mul3A_846, %mul3A_845 : vector<16xf32>
        %sub3A_848 = arith.constant 1.500000e+00 : f32
        %sub3A_849 = vector.broadcast %sub3A_848 : f32 to vector<16xf32>
        %sub3A_850 = arith.subf %sub3A_849, %mul3A_847 : vector<16xf32>
        %mul3A_851 = arith.mulf %mul3A_845, %sub3A_850 : vector<16xf32>
        %mul3A_852 = vector.broadcast %scan3A_44 : f32 to vector<16xf32>
        %mul3A_853 = arith.mulf %mul3A_852, %mul3A_851 : vector<16xf32>
        %exp3A_854 = math.exp %mul3A_853 : vector<16xf32>
        %sub3A_855 = vector.broadcast %scan3A_43 : f32 to vector<16xf32>
        %sub3A_856 = arith.subf %sub3A_855, %exp3A_854 : vector<16xf32>
        %mul3A_857 = vector.broadcast %scan3A_45 : f32 to vector<16xf32>
        %mul3A_858 = arith.mulf %mul3A_857, %gather3A_796 : vector<16xf32>
        %mul3A_859 = arith.mulf %mul3A_858, %sub3A_856 : vector<16xf32>
        %mul3A_860 = arith.mulf %mul3A_859, %div3A_827 : vector<16xf32>
        %mul3A_861 = arith.constant 3 : i32
        %mul3A_862 = vector.broadcast %mul3A_861 : i32 to vector<16xi32>
        %mul3A_863 = arith.muli %get3A_791, %mul3A_862 : vector<16xi32>
        %get3A_864 = arith.index_cast %mul3A_789 : i32 to index
        %get3A_865 = tpu.vector_load %arg24[%get3A_864] {strides = array<i32>} : memref<400xf32, #tpu.memory_space<vmem>>, vector<16xf32>,
        %mul3A_866 = arith.mulf %mul3A_860, %get3A_865 : vector<16xf32>
        %swap3A_867 = arith.index_cast %mul3A_789 : i32 to index
        %swap3A_868 = tpu.vector_load %arg27[%swap3A_867] {strides = array<i32>} : memref<1200xf32, #tpu.memory_space<vmem>>, vector<16xf32>,
        tpu.vector_store %arg27[%swap3A_867], %mul3A_866 {strides = array<i32>} : memref<1200xf32, #tpu.memory_space<vmem>>, vector<16xf32>,
        %get3A_869 = arith.index_cast %mul3A_789 : i32 to index
        %get3A_870 = tpu.vector_load %arg25[%get3A_869] {strides = array<i32>} : memref<400xf32, #tpu.memory_space<vmem>>, vector<16xf32>,
        %mul3A_871 = arith.mulf %mul3A_860, %get3A_870 : vector<16xf32>
        %add3A_872 = arith.constant 400 : i32
        %add3A_873 = arith.addi %add3A_872, %mul3A_789 : i32
        %swap3A_874 = arith.index_cast %add3A_873 : i32 to index
        %swap3A_875 = tpu.vector_load %arg27[%swap3A_874] {strides = array<i32>} : memref<1200xf32, #tpu.memory_space<vmem>>, vector<16xf32>,
        tpu.vector_store %arg27[%swap3A_874], %mul3A_871 {strides = array<i32>} : memref<1200xf32, #tpu.memory_space<vmem>>, vector<16xf32>,
        %get3A_876 = arith.index_cast %mul3A_789 : i32 to index
        %get3A_877 = tpu.vector_load %arg26[%get3A_876] {strides = array<i32>} : memref<400xf32, #tpu.memory_space<vmem>>, vector<16xf32>,
        %mul3A_878 = arith.mulf %mul3A_860, %get3A_877 : vector<16xf32>
        %add3A_879 = arith.constant 800 : i32
        %add3A_880 = arith.addi %add3A_879, %mul3A_789 : i32
        %swap3A_881 = arith.index_cast %add3A_880 : i32 to index
        %swap3A_882 = tpu.vector_load %arg27[%swap3A_881] {strides = array<i32>} : memref<1200xf32, #tpu.memory_space<vmem>>, vector<16xf32>,
        tpu.vector_store %arg27[%swap3A_881], %mul3A_878 {strides = array<i32>} : memref<1200xf32, #tpu.memory_space<vmem>>, vector<16xf32>,
        %swap3A_883 = arith.index_cast %mul3A_789 : i32 to index
        %swap3A_884 = tpu.vector_load %arg28[%swap3A_883] {strides = array<i32>} : memref<1200xi32, #tpu.memory_space<vmem>>, vector<16xi32>,
        tpu.vector_store %arg28[%swap3A_883], %mul3A_863 {strides = array<i32>} : memref<1200xi32, #tpu.memory_space<vmem>>, vector<16xi32>,
        %add3A_885 = arith.constant 1 : i32
        %add3A_886 = vector.broadcast %add3A_885 : i32 to vector<16xi32>
        %add3A_887 = arith.addi %mul3A_863, %add3A_886 : vector<16xi32>
        %add3A_888 = arith.constant 400 : i32
        %add3A_889 = arith.addi %add3A_888, %mul3A_789 : i32
        %swap3A_890 = arith.index_cast %add3A_889 : i32 to index
        %swap3A_891 = tpu.vector_load %arg28[%swap3A_890] {strides = array<i32>} : memref<1200xi32, #tpu.memory_space<vmem>>, vector<16xi32>,
        tpu.vector_store %arg28[%swap3A_890], %add3A_887 {strides = array<i32>} : memref<1200xi32, #tpu.memory_space<vmem>>, vector<16xi32>,
        %add3A_892 = arith.constant 2 : i32
        %add3A_893 = vector.broadcast %add3A_892 : i32 to vector<16xi32>
        %add3A_894 = arith.addi %mul3A_863, %add3A_893 : vector<16xi32>
        %add3A_895 = arith.constant 800 : i32
        %add3A_896 = arith.addi %add3A_895, %mul3A_789 : i32
        %swap3A_897 = arith.index_cast %add3A_896 : i32 to index
        %swap3A_898 = tpu.vector_load %arg28[%swap3A_897] {strides = array<i32>} : memref<1200xi32, #tpu.memory_space<vmem>>, vector<16xi32>,
        tpu.vector_store %arg28[%swap3A_897], %add3A_894 {strides = array<i32>} : memref<1200xi32, #tpu.memory_space<vmem>>, vector<16xi32>,
        %scan3A_899 = arith.constant 0 : i32
        %scan3A_900 = arith.constant 3 : i32
        %scan3A_901 = arith.addi %scan3A_558, %scan3A_900 : i32
        %mul3A_902 = arith.constant 16 : i32
        %mul3A_903 = arith.muli %scan3A_901, %mul3A_902 : i32
        %get3A_904 = arith.index_cast %mul3A_903 : i32 to index
        %get3A_905 = tpu.vector_load %arg21[%get3A_904] {strides = array<i32>} : memref<400xi32, #tpu.memory_space<vmem>>, vector<16xi32>,
        %get3A_906 = arith.index_cast %mul3A_903 : i32 to index
        %get3A_907 = tpu.vector_load %arg22[%get3A_906] {strides = array<i32>} : memref<400xi32, #tpu.memory_space<vmem>>, vector<16xi32>,
        %get3A_908 = arith.index_cast %mul3A_903 : i32 to index
        %get3A_909 = tpu.vector_load %arg23[%get3A_908] {strides = array<i32>} : memref<400xf32, #tpu.memory_space<vmem>>, vector<16xf32>,
        %gather3A_910 = tpu.vector_load_idx %arg11[%get3A_907] : memref<50000xf32, #tpu.memory_space<vmem>>[vector<16xi32>], vector<16xf32>,
        %gather3A_911 = tpu.vector_load_idx %arg12[%get3A_905] : memref<50000xf32, #tpu.memory_space<vmem>>[vector<16xi32>], vector<16xf32>,
        %gather3A_912 = tpu.vector_load_idx %arg12[%get3A_907] : memref<50000xf32, #tpu.memory_space<vmem>>[vector<16xi32>], vector<16xf32>,
        %mul3A_913 = arith.mulf %gather3A_911, %gather3A_912 : vector<16xf32>
        %bitcast3A_914 = vector.bitcast %mul3A_913 : vector<16xf32> to vector<16xi32>
        %shift_right_logical3A_915 = arith.constant 1 : i32
        %shift_right_logical3A_916 = vector.broadcast %shift_right_logical3A_915 : i32 to vector<16xi32>
        %shift_right_logical3A_917 = arith.shrui %bitcast3A_914, %shift_right_logical3A_916 : vector<16xi32>
        %sub3A_918 = arith.constant 1597463007 : i32
        %sub3A_919 = vector.broadcast %sub3A_918 : i32 to vector<16xi32>
        %sub3A_920 = arith.subi %sub3A_919, %shift_right_logical3A_917 : vector<16xi32>
        %bitcast3A_921 = vector.bitcast %sub3A_920 : vector<16xi32> to vector<16xf32>
        %mul3A_922 = arith.constant 5.000000e-01 : f32
        %mul3A_923 = vector.broadcast %mul3A_922 : f32 to vector<16xf32>
        %mul3A_924 = arith.mulf %mul3A_913, %mul3A_923 : vector<16xf32>
        %mul3A_925 = arith.mulf %mul3A_924, %bitcast3A_921 : vector<16xf32>
        %mul3A_926 = arith.mulf %mul3A_925, %bitcast3A_921 : vector<16xf32>
        %sub3A_927 = arith.constant 1.500000e+00 : f32
        %sub3A_928 = vector.broadcast %sub3A_927 : f32 to vector<16xf32>
        %sub3A_929 = arith.subf %sub3A_928, %mul3A_926 : vector<16xf32>
        %mul3A_930 = arith.mulf %bitcast3A_921, %sub3A_929 : vector<16xf32>
        %mul3A_931 = arith.mulf %mul3A_924, %mul3A_930 : vector<16xf32>
        %mul3A_932 = arith.mulf %mul3A_931, %mul3A_930 : vector<16xf32>
        %sub3A_933 = arith.constant 1.500000e+00 : f32
        %sub3A_934 = vector.broadcast %sub3A_933 : f32 to vector<16xf32>
        %sub3A_935 = arith.subf %sub3A_934, %mul3A_932 : vector<16xf32>
        %mul3A_936 = arith.mulf %mul3A_930, %sub3A_935 : vector<16xf32>
        %mul3A_937 = arith.mulf %mul3A_913, %mul3A_936 : vector<16xf32>
        %mul3A_938 = arith.mulf %get3A_909, %get3A_909 : vector<16xf32>
        %mul3A_939 = arith.mulf %mul3A_938, %get3A_909 : vector<16xf32>
        %div3A_940 = vector.broadcast %scan3A_43 : f32 to vector<16xf32>
        %div3A_941 = arith.divf %div3A_940, %mul3A_939 : vector<16xf32>
        %mul3A_942 = arith.mulf %mul3A_937, %div3A_941 : vector<16xf32>
        %bitcast3A_943 = vector.bitcast %mul3A_942 : vector<16xf32> to vector<16xi32>
        %shift_right_logical3A_944 = arith.constant 1 : i32
        %shift_right_logical3A_945 = vector.broadcast %shift_right_logical3A_944 : i32 to vector<16xi32>
        %shift_right_logical3A_946 = arith.shrui %bitcast3A_943, %shift_right_logical3A_945 : vector<16xi32>
        %sub3A_947 = arith.constant 1597463007 : i32
        %sub3A_948 = vector.broadcast %sub3A_947 : i32 to vector<16xi32>
        %sub3A_949 = arith.subi %sub3A_948, %shift_right_logical3A_946 : vector<16xi32>
        %bitcast3A_950 = vector.bitcast %sub3A_949 : vector<16xi32> to vector<16xf32>
        %mul3A_951 = arith.constant 5.000000e-01 : f32
        %mul3A_952 = vector.broadcast %mul3A_951 : f32 to vector<16xf32>
        %mul3A_953 = arith.mulf %mul3A_942, %mul3A_952 : vector<16xf32>
        %mul3A_954 = arith.mulf %mul3A_953, %bitcast3A_950 : vector<16xf32>
        %mul3A_955 = arith.mulf %mul3A_954, %bitcast3A_950 : vector<16xf32>
        %sub3A_956 = arith.constant 1.500000e+00 : f32
        %sub3A_957 = vector.broadcast %sub3A_956 : f32 to vector<16xf32>
        %sub3A_958 = arith.subf %sub3A_957, %mul3A_955 : vector<16xf32>
        %mul3A_959 = arith.mulf %bitcast3A_950, %sub3A_958 : vector<16xf32>
        %mul3A_960 = arith.mulf %mul3A_953, %mul3A_959 : vector<16xf32>
        %mul3A_961 = arith.mulf %mul3A_960, %mul3A_959 : vector<16xf32>
        %sub3A_962 = arith.constant 1.500000e+00 : f32
        %sub3A_963 = vector.broadcast %sub3A_962 : f32 to vector<16xf32>
        %sub3A_964 = arith.subf %sub3A_963, %mul3A_961 : vector<16xf32>
        %mul3A_965 = arith.mulf %mul3A_959, %sub3A_964 : vector<16xf32>
        %mul3A_966 = vector.broadcast %scan3A_44 : f32 to vector<16xf32>
        %mul3A_967 = arith.mulf %mul3A_966, %mul3A_965 : vector<16xf32>
        %exp3A_968 = math.exp %mul3A_967 : vector<16xf32>
        %sub3A_969 = vector.broadcast %scan3A_43 : f32 to vector<16xf32>
        %sub3A_970 = arith.subf %sub3A_969, %exp3A_968 : vector<16xf32>
        %mul3A_971 = vector.broadcast %scan3A_45 : f32 to vector<16xf32>
        %mul3A_972 = arith.mulf %mul3A_971, %gather3A_910 : vector<16xf32>
        %mul3A_973 = arith.mulf %mul3A_972, %sub3A_970 : vector<16xf32>
        %mul3A_974 = arith.mulf %mul3A_973, %div3A_941 : vector<16xf32>
        %mul3A_975 = arith.constant 3 : i32
        %mul3A_976 = vector.broadcast %mul3A_975 : i32 to vector<16xi32>
        %mul3A_977 = arith.muli %get3A_905, %mul3A_976 : vector<16xi32>
        %get3A_978 = arith.index_cast %mul3A_903 : i32 to index
        %get3A_979 = tpu.vector_load %arg24[%get3A_978] {strides = array<i32>} : memref<400xf32, #tpu.memory_space<vmem>>, vector<16xf32>,
        %mul3A_980 = arith.mulf %mul3A_974, %get3A_979 : vector<16xf32>
        %swap3A_981 = arith.index_cast %mul3A_903 : i32 to index
        %swap3A_982 = tpu.vector_load %arg27[%swap3A_981] {strides = array<i32>} : memref<1200xf32, #tpu.memory_space<vmem>>, vector<16xf32>,
        tpu.vector_store %arg27[%swap3A_981], %mul3A_980 {strides = array<i32>} : memref<1200xf32, #tpu.memory_space<vmem>>, vector<16xf32>,
        %get3A_983 = arith.index_cast %mul3A_903 : i32 to index
        %get3A_984 = tpu.vector_load %arg25[%get3A_983] {strides = array<i32>} : memref<400xf32, #tpu.memory_space<vmem>>, vector<16xf32>,
        %mul3A_985 = arith.mulf %mul3A_974, %get3A_984 : vector<16xf32>
        %add3A_986 = arith.constant 400 : i32
        %add3A_987 = arith.addi %add3A_986, %mul3A_903 : i32
        %swap3A_988 = arith.index_cast %add3A_987 : i32 to index
        %swap3A_989 = tpu.vector_load %arg27[%swap3A_988] {strides = array<i32>} : memref<1200xf32, #tpu.memory_space<vmem>>, vector<16xf32>,
        tpu.vector_store %arg27[%swap3A_988], %mul3A_985 {strides = array<i32>} : memref<1200xf32, #tpu.memory_space<vmem>>, vector<16xf32>,
        %get3A_990 = arith.index_cast %mul3A_903 : i32 to index
        %get3A_991 = tpu.vector_load %arg26[%get3A_990] {strides = array<i32>} : memref<400xf32, #tpu.memory_space<vmem>>, vector<16xf32>,
        %mul3A_992 = arith.mulf %mul3A_974, %get3A_991 : vector<16xf32>
        %add3A_993 = arith.constant 800 : i32
        %add3A_994 = arith.addi %add3A_993, %mul3A_903 : i32
        %swap3A_995 = arith.index_cast %add3A_994 : i32 to index
        %swap3A_996 = tpu.vector_load %arg27[%swap3A_995] {strides = array<i32>} : memref<1200xf32, #tpu.memory_space<vmem>>, vector<16xf32>,
        tpu.vector_store %arg27[%swap3A_995], %mul3A_992 {strides = array<i32>} : memref<1200xf32, #tpu.memory_space<vmem>>, vector<16xf32>,
        %swap3A_997 = arith.index_cast %mul3A_903 : i32 to index
        %swap3A_998 = tpu.vector_load %arg28[%swap3A_997] {strides = array<i32>} : memref<1200xi32, #tpu.memory_space<vmem>>, vector<16xi32>,
        tpu.vector_store %arg28[%swap3A_997], %mul3A_977 {strides = array<i32>} : memref<1200xi32, #tpu.memory_space<vmem>>, vector<16xi32>,
        %add3A_999 = arith.constant 1 : i32
        %add3A_1000 = vector.broadcast %add3A_999 : i32 to vector<16xi32>
        %add3A_1001 = arith.addi %mul3A_977, %add3A_1000 : vector<16xi32>
        %add3A_1002 = arith.constant 400 : i32
        %add3A_1003 = arith.addi %add3A_1002, %mul3A_903 : i32
        %swap3A_1004 = arith.index_cast %add3A_1003 : i32 to index
        %swap3A_1005 = tpu.vector_load %arg28[%swap3A_1004] {strides = array<i32>} : memref<1200xi32, #tpu.memory_space<vmem>>, vector<16xi32>,
        tpu.vector_store %arg28[%swap3A_1004], %add3A_1001 {strides = array<i32>} : memref<1200xi32, #tpu.memory_space<vmem>>, vector<16xi32>,
        %add3A_1006 = arith.constant 2 : i32
        %add3A_1007 = vector.broadcast %add3A_1006 : i32 to vector<16xi32>
        %add3A_1008 = arith.addi %mul3A_977, %add3A_1007 : vector<16xi32>
        %add3A_1009 = arith.constant 800 : i32
        %add3A_1010 = arith.addi %add3A_1009, %mul3A_903 : i32
        %swap3A_1011 = arith.index_cast %add3A_1010 : i32 to index
        %swap3A_1012 = tpu.vector_load %arg28[%swap3A_1011] {strides = array<i32>} : memref<1200xi32, #tpu.memory_space<vmem>>, vector<16xi32>,
        tpu.vector_store %arg28[%swap3A_1011], %add3A_1008 {strides = array<i32>} : memref<1200xi32, #tpu.memory_space<vmem>>, vector<16xi32>,
        %scan3A_1013 = arith.constant 0 : i32
        %scan3A_1014 = arith.constant 4 : i32
        %scan3A_1015 = arith.addi %scan3A_558, %scan3A_1014 : i32
        %mul3A_1016 = arith.constant 16 : i32
        %mul3A_1017 = arith.muli %scan3A_1015, %mul3A_1016 : i32
        %get3A_1018 = arith.index_cast %mul3A_1017 : i32 to index
        %get3A_1019 = tpu.vector_load %arg21[%get3A_1018] {strides = array<i32>} : memref<400xi32, #tpu.memory_space<vmem>>, vector<16xi32>,
        %get3A_1020 = arith.index_cast %mul3A_1017 : i32 to index
        %get3A_1021 = tpu.vector_load %arg22[%get3A_1020] {strides = array<i32>} : memref<400xi32, #tpu.memory_space<vmem>>, vector<16xi32>,
        %get3A_1022 = arith.index_cast %mul3A_1017 : i32 to index
        %get3A_1023 = tpu.vector_load %arg23[%get3A_1022] {strides = array<i32>} : memref<400xf32, #tpu.memory_space<vmem>>, vector<16xf32>,
        %gather3A_1024 = tpu.vector_load_idx %arg11[%get3A_1021] : memref<50000xf32, #tpu.memory_space<vmem>>[vector<16xi32>], vector<16xf32>,
        %gather3A_1025 = tpu.vector_load_idx %arg12[%get3A_1019] : memref<50000xf32, #tpu.memory_space<vmem>>[vector<16xi32>], vector<16xf32>,
        %gather3A_1026 = tpu.vector_load_idx %arg12[%get3A_1021] : memref<50000xf32, #tpu.memory_space<vmem>>[vector<16xi32>], vector<16xf32>,
        %mul3A_1027 = arith.mulf %gather3A_1025, %gather3A_1026 : vector<16xf32>
        %bitcast3A_1028 = vector.bitcast %mul3A_1027 : vector<16xf32> to vector<16xi32>
        %shift_right_logical3A_1029 = arith.constant 1 : i32
        %shift_right_logical3A_1030 = vector.broadcast %shift_right_logical3A_1029 : i32 to vector<16xi32>
        %shift_right_logical3A_1031 = arith.shrui %bitcast3A_1028, %shift_right_logical3A_1030 : vector<16xi32>
        %sub3A_1032 = arith.constant 1597463007 : i32
        %sub3A_1033 = vector.broadcast %sub3A_1032 : i32 to vector<16xi32>
        %sub3A_1034 = arith.subi %sub3A_1033, %shift_right_logical3A_1031 : vector<16xi32>
        %bitcast3A_1035 = vector.bitcast %sub3A_1034 : vector<16xi32> to vector<16xf32>
        %mul3A_1036 = arith.constant 5.000000e-01 : f32
        %mul3A_1037 = vector.broadcast %mul3A_1036 : f32 to vector<16xf32>
        %mul3A_1038 = arith.mulf %mul3A_1027, %mul3A_1037 : vector<16xf32>
        %mul3A_1039 = arith.mulf %mul3A_1038, %bitcast3A_1035 : vector<16xf32>
        %mul3A_1040 = arith.mulf %mul3A_1039, %bitcast3A_1035 : vector<16xf32>
        %sub3A_1041 = arith.constant 1.500000e+00 : f32
        %sub3A_1042 = vector.broadcast %sub3A_1041 : f32 to vector<16xf32>
        %sub3A_1043 = arith.subf %sub3A_1042, %mul3A_1040 : vector<16xf32>
        %mul3A_1044 = arith.mulf %bitcast3A_1035, %sub3A_1043 : vector<16xf32>
        %mul3A_1045 = arith.mulf %mul3A_1038, %mul3A_1044 : vector<16xf32>
        %mul3A_1046 = arith.mulf %mul3A_1045, %mul3A_1044 : vector<16xf32>
        %sub3A_1047 = arith.constant 1.500000e+00 : f32
        %sub3A_1048 = vector.broadcast %sub3A_1047 : f32 to vector<16xf32>
        %sub3A_1049 = arith.subf %sub3A_1048, %mul3A_1046 : vector<16xf32>
        %mul3A_1050 = arith.mulf %mul3A_1044, %sub3A_1049 : vector<16xf32>
        %mul3A_1051 = arith.mulf %mul3A_1027, %mul3A_1050 : vector<16xf32>
        %mul3A_1052 = arith.mulf %get3A_1023, %get3A_1023 : vector<16xf32>
        %mul3A_1053 = arith.mulf %mul3A_1052, %get3A_1023 : vector<16xf32>
        %div3A_1054 = vector.broadcast %scan3A_43 : f32 to vector<16xf32>
        %div3A_1055 = arith.divf %div3A_1054, %mul3A_1053 : vector<16xf32>
        %mul3A_1056 = arith.mulf %mul3A_1051, %div3A_1055 : vector<16xf32>
        %bitcast3A_1057 = vector.bitcast %mul3A_1056 : vector<16xf32> to vector<16xi32>
        %shift_right_logical3A_1058 = arith.constant 1 : i32
        %shift_right_logical3A_1059 = vector.broadcast %shift_right_logical3A_1058 : i32 to vector<16xi32>
        %shift_right_logical3A_1060 = arith.shrui %bitcast3A_1057, %shift_right_logical3A_1059 : vector<16xi32>
        %sub3A_1061 = arith.constant 1597463007 : i32
        %sub3A_1062 = vector.broadcast %sub3A_1061 : i32 to vector<16xi32>
        %sub3A_1063 = arith.subi %sub3A_1062, %shift_right_logical3A_1060 : vector<16xi32>
        %bitcast3A_1064 = vector.bitcast %sub3A_1063 : vector<16xi32> to vector<16xf32>
        %mul3A_1065 = arith.constant 5.000000e-01 : f32
        %mul3A_1066 = vector.broadcast %mul3A_1065 : f32 to vector<16xf32>
        %mul3A_1067 = arith.mulf %mul3A_1056, %mul3A_1066 : vector<16xf32>
        %mul3A_1068 = arith.mulf %mul3A_1067, %bitcast3A_1064 : vector<16xf32>
        %mul3A_1069 = arith.mulf %mul3A_1068, %bitcast3A_1064 : vector<16xf32>
        %sub3A_1070 = arith.constant 1.500000e+00 : f32
        %sub3A_1071 = vector.broadcast %sub3A_1070 : f32 to vector<16xf32>
        %sub3A_1072 = arith.subf %sub3A_1071, %mul3A_1069 : vector<16xf32>
        %mul3A_1073 = arith.mulf %bitcast3A_1064, %sub3A_1072 : vector<16xf32>
        %mul3A_1074 = arith.mulf %mul3A_1067, %mul3A_1073 : vector<16xf32>
        %mul3A_1075 = arith.mulf %mul3A_1074, %mul3A_1073 : vector<16xf32>
        %sub3A_1076 = arith.constant 1.500000e+00 : f32
        %sub3A_1077 = vector.broadcast %sub3A_1076 : f32 to vector<16xf32>
        %sub3A_1078 = arith.subf %sub3A_1077, %mul3A_1075 : vector<16xf32>
        %mul3A_1079 = arith.mulf %mul3A_1073, %sub3A_1078 : vector<16xf32>
        %mul3A_1080 = vector.broadcast %scan3A_44 : f32 to vector<16xf32>
        %mul3A_1081 = arith.mulf %mul3A_1080, %mul3A_1079 : vector<16xf32>
        %exp3A_1082 = math.exp %mul3A_1081 : vector<16xf32>
        %sub3A_1083 = vector.broadcast %scan3A_43 : f32 to vector<16xf32>
        %sub3A_1084 = arith.subf %sub3A_1083, %exp3A_1082 : vector<16xf32>
        %mul3A_1085 = vector.broadcast %scan3A_45 : f32 to vector<16xf32>
        %mul3A_1086 = arith.mulf %mul3A_1085, %gather3A_1024 : vector<16xf32>
        %mul3A_1087 = arith.mulf %mul3A_1086, %sub3A_1084 : vector<16xf32>
        %mul3A_1088 = arith.mulf %mul3A_1087, %div3A_1055 : vector<16xf32>
        %mul3A_1089 = arith.constant 3 : i32
        %mul3A_1090 = vector.broadcast %mul3A_1089 : i32 to vector<16xi32>
        %mul3A_1091 = arith.muli %get3A_1019, %mul3A_1090 : vector<16xi32>
        %get3A_1092 = arith.index_cast %mul3A_1017 : i32 to index
        %get3A_1093 = tpu.vector_load %arg24[%get3A_1092] {strides = array<i32>} : memref<400xf32, #tpu.memory_space<vmem>>, vector<16xf32>,
        %mul3A_1094 = arith.mulf %mul3A_1088, %get3A_1093 : vector<16xf32>
        %swap3A_1095 = arith.index_cast %mul3A_1017 : i32 to index
        %swap3A_1096 = tpu.vector_load %arg27[%swap3A_1095] {strides = array<i32>} : memref<1200xf32, #tpu.memory_space<vmem>>, vector<16xf32>,
        tpu.vector_store %arg27[%swap3A_1095], %mul3A_1094 {strides = array<i32>} : memref<1200xf32, #tpu.memory_space<vmem>>, vector<16xf32>,
        %get3A_1097 = arith.index_cast %mul3A_1017 : i32 to index
        %get3A_1098 = tpu.vector_load %arg25[%get3A_1097] {strides = array<i32>} : memref<400xf32, #tpu.memory_space<vmem>>, vector<16xf32>,
        %mul3A_1099 = arith.mulf %mul3A_1088, %get3A_1098 : vector<16xf32>
        %add3A_1100 = arith.constant 400 : i32
        %add3A_1101 = arith.addi %add3A_1100, %mul3A_1017 : i32
        %swap3A_1102 = arith.index_cast %add3A_1101 : i32 to index
        %swap3A_1103 = tpu.vector_load %arg27[%swap3A_1102] {strides = array<i32>} : memref<1200xf32, #tpu.memory_space<vmem>>, vector<16xf32>,
        tpu.vector_store %arg27[%swap3A_1102], %mul3A_1099 {strides = array<i32>} : memref<1200xf32, #tpu.memory_space<vmem>>, vector<16xf32>,
        %get3A_1104 = arith.index_cast %mul3A_1017 : i32 to index
        %get3A_1105 = tpu.vector_load %arg26[%get3A_1104] {strides = array<i32>} : memref<400xf32, #tpu.memory_space<vmem>>, vector<16xf32>,
        %mul3A_1106 = arith.mulf %mul3A_1088, %get3A_1105 : vector<16xf32>
        %add3A_1107 = arith.constant 800 : i32
        %add3A_1108 = arith.addi %add3A_1107, %mul3A_1017 : i32
        %swap3A_1109 = arith.index_cast %add3A_1108 : i32 to index
        %swap3A_1110 = tpu.vector_load %arg27[%swap3A_1109] {strides = array<i32>} : memref<1200xf32, #tpu.memory_space<vmem>>, vector<16xf32>,
        tpu.vector_store %arg27[%swap3A_1109], %mul3A_1106 {strides = array<i32>} : memref<1200xf32, #tpu.memory_space<vmem>>, vector<16xf32>,
        %swap3A_1111 = arith.index_cast %mul3A_1017 : i32 to index
        %swap3A_1112 = tpu.vector_load %arg28[%swap3A_1111] {strides = array<i32>} : memref<1200xi32, #tpu.memory_space<vmem>>, vector<16xi32>,
        tpu.vector_store %arg28[%swap3A_1111], %mul3A_1091 {strides = array<i32>} : memref<1200xi32, #tpu.memory_space<vmem>>, vector<16xi32>,
        %add3A_1113 = arith.constant 1 : i32
        %add3A_1114 = vector.broadcast %add3A_1113 : i32 to vector<16xi32>
        %add3A_1115 = arith.addi %mul3A_1091, %add3A_1114 : vector<16xi32>
        %add3A_1116 = arith.constant 400 : i32
        %add3A_1117 = arith.addi %add3A_1116, %mul3A_1017 : i32
        %swap3A_1118 = arith.index_cast %add3A_1117 : i32 to index
        %swap3A_1119 = tpu.vector_load %arg28[%swap3A_1118] {strides = array<i32>} : memref<1200xi32, #tpu.memory_space<vmem>>, vector<16xi32>,
        tpu.vector_store %arg28[%swap3A_1118], %add3A_1115 {strides = array<i32>} : memref<1200xi32, #tpu.memory_space<vmem>>, vector<16xi32>,
        %add3A_1120 = arith.constant 2 : i32
        %add3A_1121 = vector.broadcast %add3A_1120 : i32 to vector<16xi32>
        %add3A_1122 = arith.addi %mul3A_1091, %add3A_1121 : vector<16xi32>
        %add3A_1123 = arith.constant 800 : i32
        %add3A_1124 = arith.addi %add3A_1123, %mul3A_1017 : i32
        %swap3A_1125 = arith.index_cast %add3A_1124 : i32 to index
        %swap3A_1126 = tpu.vector_load %arg28[%swap3A_1125] {strides = array<i32>} : memref<1200xi32, #tpu.memory_space<vmem>>, vector<16xi32>,
        tpu.vector_store %arg28[%swap3A_1125], %add3A_1122 {strides = array<i32>} : memref<1200xi32, #tpu.memory_space<vmem>>, vector<16xi32>,
        %scan3A_1127 = arith.constant 0 : i32
        %scan3A_1128 = arith.constant 5 : i32
        %scan3A_1129 = arith.addi %scan3A_558, %scan3A_1128 : i32
        %mul3A_1130 = arith.constant 16 : i32
        %mul3A_1131 = arith.muli %scan3A_1129, %mul3A_1130 : i32
        %get3A_1132 = arith.index_cast %mul3A_1131 : i32 to index
        %get3A_1133 = tpu.vector_load %arg21[%get3A_1132] {strides = array<i32>} : memref<400xi32, #tpu.memory_space<vmem>>, vector<16xi32>,
        %get3A_1134 = arith.index_cast %mul3A_1131 : i32 to index
        %get3A_1135 = tpu.vector_load %arg22[%get3A_1134] {strides = array<i32>} : memref<400xi32, #tpu.memory_space<vmem>>, vector<16xi32>,
        %get3A_1136 = arith.index_cast %mul3A_1131 : i32 to index
        %get3A_1137 = tpu.vector_load %arg23[%get3A_1136] {strides = array<i32>} : memref<400xf32, #tpu.memory_space<vmem>>, vector<16xf32>,
        %gather3A_1138 = tpu.vector_load_idx %arg11[%get3A_1135] : memref<50000xf32, #tpu.memory_space<vmem>>[vector<16xi32>], vector<16xf32>,
        %gather3A_1139 = tpu.vector_load_idx %arg12[%get3A_1133] : memref<50000xf32, #tpu.memory_space<vmem>>[vector<16xi32>], vector<16xf32>,
        %gather3A_1140 = tpu.vector_load_idx %arg12[%get3A_1135] : memref<50000xf32, #tpu.memory_space<vmem>>[vector<16xi32>], vector<16xf32>,
        %mul3A_1141 = arith.mulf %gather3A_1139, %gather3A_1140 : vector<16xf32>
        %bitcast3A_1142 = vector.bitcast %mul3A_1141 : vector<16xf32> to vector<16xi32>
        %shift_right_logical3A_1143 = arith.constant 1 : i32
        %shift_right_logical3A_1144 = vector.broadcast %shift_right_logical3A_1143 : i32 to vector<16xi32>
        %shift_right_logical3A_1145 = arith.shrui %bitcast3A_1142, %shift_right_logical3A_1144 : vector<16xi32>
        %sub3A_1146 = arith.constant 1597463007 : i32
        %sub3A_1147 = vector.broadcast %sub3A_1146 : i32 to vector<16xi32>
        %sub3A_1148 = arith.subi %sub3A_1147, %shift_right_logical3A_1145 : vector<16xi32>
        %bitcast3A_1149 = vector.bitcast %sub3A_1148 : vector<16xi32> to vector<16xf32>
        %mul3A_1150 = arith.constant 5.000000e-01 : f32
        %mul3A_1151 = vector.broadcast %mul3A_1150 : f32 to vector<16xf32>
        %mul3A_1152 = arith.mulf %mul3A_1141, %mul3A_1151 : vector<16xf32>
        %mul3A_1153 = arith.mulf %mul3A_1152, %bitcast3A_1149 : vector<16xf32>
        %mul3A_1154 = arith.mulf %mul3A_1153, %bitcast3A_1149 : vector<16xf32>
        %sub3A_1155 = arith.constant 1.500000e+00 : f32
        %sub3A_1156 = vector.broadcast %sub3A_1155 : f32 to vector<16xf32>
        %sub3A_1157 = arith.subf %sub3A_1156, %mul3A_1154 : vector<16xf32>
        %mul3A_1158 = arith.mulf %bitcast3A_1149, %sub3A_1157 : vector<16xf32>
        %mul3A_1159 = arith.mulf %mul3A_1152, %mul3A_1158 : vector<16xf32>
        %mul3A_1160 = arith.mulf %mul3A_1159, %mul3A_1158 : vector<16xf32>
        %sub3A_1161 = arith.constant 1.500000e+00 : f32
        %sub3A_1162 = vector.broadcast %sub3A_1161 : f32 to vector<16xf32>
        %sub3A_1163 = arith.subf %sub3A_1162, %mul3A_1160 : vector<16xf32>
        %mul3A_1164 = arith.mulf %mul3A_1158, %sub3A_1163 : vector<16xf32>
        %mul3A_1165 = arith.mulf %mul3A_1141, %mul3A_1164 : vector<16xf32>
        %mul3A_1166 = arith.mulf %get3A_1137, %get3A_1137 : vector<16xf32>
        %mul3A_1167 = arith.mulf %mul3A_1166, %get3A_1137 : vector<16xf32>
        %div3A_1168 = vector.broadcast %scan3A_43 : f32 to vector<16xf32>
        %div3A_1169 = arith.divf %div3A_1168, %mul3A_1167 : vector<16xf32>
        %mul3A_1170 = arith.mulf %mul3A_1165, %div3A_1169 : vector<16xf32>
        %bitcast3A_1171 = vector.bitcast %mul3A_1170 : vector<16xf32> to vector<16xi32>
        %shift_right_logical3A_1172 = arith.constant 1 : i32
        %shift_right_logical3A_1173 = vector.broadcast %shift_right_logical3A_1172 : i32 to vector<16xi32>
        %shift_right_logical3A_1174 = arith.shrui %bitcast3A_1171, %shift_right_logical3A_1173 : vector<16xi32>
        %sub3A_1175 = arith.constant 1597463007 : i32
        %sub3A_1176 = vector.broadcast %sub3A_1175 : i32 to vector<16xi32>
        %sub3A_1177 = arith.subi %sub3A_1176, %shift_right_logical3A_1174 : vector<16xi32>
        %bitcast3A_1178 = vector.bitcast %sub3A_1177 : vector<16xi32> to vector<16xf32>
        %mul3A_1179 = arith.constant 5.000000e-01 : f32
        %mul3A_1180 = vector.broadcast %mul3A_1179 : f32 to vector<16xf32>
        %mul3A_1181 = arith.mulf %mul3A_1170, %mul3A_1180 : vector<16xf32>
        %mul3A_1182 = arith.mulf %mul3A_1181, %bitcast3A_1178 : vector<16xf32>
        %mul3A_1183 = arith.mulf %mul3A_1182, %bitcast3A_1178 : vector<16xf32>
        %sub3A_1184 = arith.constant 1.500000e+00 : f32
        %sub3A_1185 = vector.broadcast %sub3A_1184 : f32 to vector<16xf32>
        %sub3A_1186 = arith.subf %sub3A_1185, %mul3A_1183 : vector<16xf32>
        %mul3A_1187 = arith.mulf %bitcast3A_1178, %sub3A_1186 : vector<16xf32>
        %mul3A_1188 = arith.mulf %mul3A_1181, %mul3A_1187 : vector<16xf32>
        %mul3A_1189 = arith.mulf %mul3A_1188, %mul3A_1187 : vector<16xf32>
        %sub3A_1190 = arith.constant 1.500000e+00 : f32
        %sub3A_1191 = vector.broadcast %sub3A_1190 : f32 to vector<16xf32>
        %sub3A_1192 = arith.subf %sub3A_1191, %mul3A_1189 : vector<16xf32>
        %mul3A_1193 = arith.mulf %mul3A_1187, %sub3A_1192 : vector<16xf32>
        %mul3A_1194 = vector.broadcast %scan3A_44 : f32 to vector<16xf32>
        %mul3A_1195 = arith.mulf %mul3A_1194, %mul3A_1193 : vector<16xf32>
        %exp3A_1196 = math.exp %mul3A_1195 : vector<16xf32>
        %sub3A_1197 = vector.broadcast %scan3A_43 : f32 to vector<16xf32>
        %sub3A_1198 = arith.subf %sub3A_1197, %exp3A_1196 : vector<16xf32>
        %mul3A_1199 = vector.broadcast %scan3A_45 : f32 to vector<16xf32>
        %mul3A_1200 = arith.mulf %mul3A_1199, %gather3A_1138 : vector<16xf32>
        %mul3A_1201 = arith.mulf %mul3A_1200, %sub3A_1198 : vector<16xf32>
        %mul3A_1202 = arith.mulf %mul3A_1201, %div3A_1169 : vector<16xf32>
        %mul3A_1203 = arith.constant 3 : i32
        %mul3A_1204 = vector.broadcast %mul3A_1203 : i32 to vector<16xi32>
        %mul3A_1205 = arith.muli %get3A_1133, %mul3A_1204 : vector<16xi32>
        %get3A_1206 = arith.index_cast %mul3A_1131 : i32 to index
        %get3A_1207 = tpu.vector_load %arg24[%get3A_1206] {strides = array<i32>} : memref<400xf32, #tpu.memory_space<vmem>>, vector<16xf32>,
        %mul3A_1208 = arith.mulf %mul3A_1202, %get3A_1207 : vector<16xf32>
        %swap3A_1209 = arith.index_cast %mul3A_1131 : i32 to index
        %swap3A_1210 = tpu.vector_load %arg27[%swap3A_1209] {strides = array<i32>} : memref<1200xf32, #tpu.memory_space<vmem>>, vector<16xf32>,
        tpu.vector_store %arg27[%swap3A_1209], %mul3A_1208 {strides = array<i32>} : memref<1200xf32, #tpu.memory_space<vmem>>, vector<16xf32>,
        %get3A_1211 = arith.index_cast %mul3A_1131 : i32 to index
        %get3A_1212 = tpu.vector_load %arg25[%get3A_1211] {strides = array<i32>} : memref<400xf32, #tpu.memory_space<vmem>>, vector<16xf32>,
        %mul3A_1213 = arith.mulf %mul3A_1202, %get3A_1212 : vector<16xf32>
        %add3A_1214 = arith.constant 400 : i32
        %add3A_1215 = arith.addi %add3A_1214, %mul3A_1131 : i32
        %swap3A_1216 = arith.index_cast %add3A_1215 : i32 to index
        %swap3A_1217 = tpu.vector_load %arg27[%swap3A_1216] {strides = array<i32>} : memref<1200xf32, #tpu.memory_space<vmem>>, vector<16xf32>,
        tpu.vector_store %arg27[%swap3A_1216], %mul3A_1213 {strides = array<i32>} : memref<1200xf32, #tpu.memory_space<vmem>>, vector<16xf32>,
        %get3A_1218 = arith.index_cast %mul3A_1131 : i32 to index
        %get3A_1219 = tpu.vector_load %arg26[%get3A_1218] {strides = array<i32>} : memref<400xf32, #tpu.memory_space<vmem>>, vector<16xf32>,
        %mul3A_1220 = arith.mulf %mul3A_1202, %get3A_1219 : vector<16xf32>
        %add3A_1221 = arith.constant 800 : i32
        %add3A_1222 = arith.addi %add3A_1221, %mul3A_1131 : i32
        %swap3A_1223 = arith.index_cast %add3A_1222 : i32 to index
        %swap3A_1224 = tpu.vector_load %arg27[%swap3A_1223] {strides = array<i32>} : memref<1200xf32, #tpu.memory_space<vmem>>, vector<16xf32>,
        tpu.vector_store %arg27[%swap3A_1223], %mul3A_1220 {strides = array<i32>} : memref<1200xf32, #tpu.memory_space<vmem>>, vector<16xf32>,
        %swap3A_1225 = arith.index_cast %mul3A_1131 : i32 to index
        %swap3A_1226 = tpu.vector_load %arg28[%swap3A_1225] {strides = array<i32>} : memref<1200xi32, #tpu.memory_space<vmem>>, vector<16xi32>,
        tpu.vector_store %arg28[%swap3A_1225], %mul3A_1205 {strides = array<i32>} : memref<1200xi32, #tpu.memory_space<vmem>>, vector<16xi32>,
        %add3A_1227 = arith.constant 1 : i32
        %add3A_1228 = vector.broadcast %add3A_1227 : i32 to vector<16xi32>
        %add3A_1229 = arith.addi %mul3A_1205, %add3A_1228 : vector<16xi32>
        %add3A_1230 = arith.constant 400 : i32
        %add3A_1231 = arith.addi %add3A_1230, %mul3A_1131 : i32
        %swap3A_1232 = arith.index_cast %add3A_1231 : i32 to index
        %swap3A_1233 = tpu.vector_load %arg28[%swap3A_1232] {strides = array<i32>} : memref<1200xi32, #tpu.memory_space<vmem>>, vector<16xi32>,
        tpu.vector_store %arg28[%swap3A_1232], %add3A_1229 {strides = array<i32>} : memref<1200xi32, #tpu.memory_space<vmem>>, vector<16xi32>,
        %add3A_1234 = arith.constant 2 : i32
        %add3A_1235 = vector.broadcast %add3A_1234 : i32 to vector<16xi32>
        %add3A_1236 = arith.addi %mul3A_1205, %add3A_1235 : vector<16xi32>
        %add3A_1237 = arith.constant 800 : i32
        %add3A_1238 = arith.addi %add3A_1237, %mul3A_1131 : i32
        %swap3A_1239 = arith.index_cast %add3A_1238 : i32 to index
        %swap3A_1240 = tpu.vector_load %arg28[%swap3A_1239] {strides = array<i32>} : memref<1200xi32, #tpu.memory_space<vmem>>, vector<16xi32>,
        tpu.vector_store %arg28[%swap3A_1239], %add3A_1236 {strides = array<i32>} : memref<1200xi32, #tpu.memory_space<vmem>>, vector<16xi32>,
        %scan3A_1241 = arith.constant 0 : i32
        scf.yield %scan3A_1241 : i32
      }
      %scan3A_440 = arith.constant 24 : i32
      %scan3A_441 = arith.addi %scan3A_435, %scan3A_440 : i32
      %mul3A_442 = arith.constant 16 : i32
      %mul3A_443 = arith.muli %scan3A_441, %mul3A_442 : i32
      %get3A_444 = arith.index_cast %mul3A_443 : i32 to index
      %get3A_445 = tpu.vector_load %arg21[%get3A_444] {strides = array<i32>} : memref<400xi32, #tpu.memory_space<vmem>>, vector<16xi32>,
      %get3A_446 = arith.index_cast %mul3A_443 : i32 to index
      %get3A_447 = tpu.vector_load %arg22[%get3A_446] {strides = array<i32>} : memref<400xi32, #tpu.memory_space<vmem>>, vector<16xi32>,
      %get3A_448 = arith.index_cast %mul3A_443 : i32 to index
      %get3A_449 = tpu.vector_load %arg23[%get3A_448] {strides = array<i32>} : memref<400xf32, #tpu.memory_space<vmem>>, vector<16xf32>,
      %gather3A_450 = tpu.vector_load_idx %arg11[%get3A_447] : memref<50000xf32, #tpu.memory_space<vmem>>[vector<16xi32>], vector<16xf32>,
      %gather3A_451 = tpu.vector_load_idx %arg12[%get3A_445] : memref<50000xf32, #tpu.memory_space<vmem>>[vector<16xi32>], vector<16xf32>,
      %gather3A_452 = tpu.vector_load_idx %arg12[%get3A_447] : memref<50000xf32, #tpu.memory_space<vmem>>[vector<16xi32>], vector<16xf32>,
      %mul3A_453 = arith.mulf %gather3A_451, %gather3A_452 : vector<16xf32>
      %bitcast3A_454 = vector.bitcast %mul3A_453 : vector<16xf32> to vector<16xi32>
      %shift_right_logical3A_455 = arith.constant 1 : i32
      %shift_right_logical3A_456 = vector.broadcast %shift_right_logical3A_455 : i32 to vector<16xi32>
      %shift_right_logical3A_457 = arith.shrui %bitcast3A_454, %shift_right_logical3A_456 : vector<16xi32>
      %sub3A_458 = arith.constant 1597463007 : i32
      %sub3A_459 = vector.broadcast %sub3A_458 : i32 to vector<16xi32>
      %sub3A_460 = arith.subi %sub3A_459, %shift_right_logical3A_457 : vector<16xi32>
      %bitcast3A_461 = vector.bitcast %sub3A_460 : vector<16xi32> to vector<16xf32>
      %mul3A_462 = arith.constant 5.000000e-01 : f32
      %mul3A_463 = vector.broadcast %mul3A_462 : f32 to vector<16xf32>
      %mul3A_464 = arith.mulf %mul3A_453, %mul3A_463 : vector<16xf32>
      %mul3A_465 = arith.mulf %mul3A_464, %bitcast3A_461 : vector<16xf32>
      %mul3A_466 = arith.mulf %mul3A_465, %bitcast3A_461 : vector<16xf32>
      %sub3A_467 = arith.constant 1.500000e+00 : f32
      %sub3A_468 = vector.broadcast %sub3A_467 : f32 to vector<16xf32>
      %sub3A_469 = arith.subf %sub3A_468, %mul3A_466 : vector<16xf32>
      %mul3A_470 = arith.mulf %bitcast3A_461, %sub3A_469 : vector<16xf32>
      %mul3A_471 = arith.mulf %mul3A_464, %mul3A_470 : vector<16xf32>
      %mul3A_472 = arith.mulf %mul3A_471, %mul3A_470 : vector<16xf32>
      %sub3A_473 = arith.constant 1.500000e+00 : f32
      %sub3A_474 = vector.broadcast %sub3A_473 : f32 to vector<16xf32>
      %sub3A_475 = arith.subf %sub3A_474, %mul3A_472 : vector<16xf32>
      %mul3A_476 = arith.mulf %mul3A_470, %sub3A_475 : vector<16xf32>
      %mul3A_477 = arith.mulf %mul3A_453, %mul3A_476 : vector<16xf32>
      %mul3A_478 = arith.mulf %get3A_449, %get3A_449 : vector<16xf32>
      %mul3A_479 = arith.mulf %mul3A_478, %get3A_449 : vector<16xf32>
      %div3A_480 = vector.broadcast %scan3A_43 : f32 to vector<16xf32>
      %div3A_481 = arith.divf %div3A_480, %mul3A_479 : vector<16xf32>
      %mul3A_482 = arith.mulf %mul3A_477, %div3A_481 : vector<16xf32>
      %bitcast3A_483 = vector.bitcast %mul3A_482 : vector<16xf32> to vector<16xi32>
      %shift_right_logical3A_484 = arith.constant 1 : i32
      %shift_right_logical3A_485 = vector.broadcast %shift_right_logical3A_484 : i32 to vector<16xi32>
      %shift_right_logical3A_486 = arith.shrui %bitcast3A_483, %shift_right_logical3A_485 : vector<16xi32>
      %sub3A_487 = arith.constant 1597463007 : i32
      %sub3A_488 = vector.broadcast %sub3A_487 : i32 to vector<16xi32>
      %sub3A_489 = arith.subi %sub3A_488, %shift_right_logical3A_486 : vector<16xi32>
      %bitcast3A_490 = vector.bitcast %sub3A_489 : vector<16xi32> to vector<16xf32>
      %mul3A_491 = arith.constant 5.000000e-01 : f32
      %mul3A_492 = vector.broadcast %mul3A_491 : f32 to vector<16xf32>
      %mul3A_493 = arith.mulf %mul3A_482, %mul3A_492 : vector<16xf32>
      %mul3A_494 = arith.mulf %mul3A_493, %bitcast3A_490 : vector<16xf32>
      %mul3A_495 = arith.mulf %mul3A_494, %bitcast3A_490 : vector<16xf32>
      %sub3A_496 = arith.constant 1.500000e+00 : f32
      %sub3A_497 = vector.broadcast %sub3A_496 : f32 to vector<16xf32>
      %sub3A_498 = arith.subf %sub3A_497, %mul3A_495 : vector<16xf32>
      %mul3A_499 = arith.mulf %bitcast3A_490, %sub3A_498 : vector<16xf32>
      %mul3A_500 = arith.mulf %mul3A_493, %mul3A_499 : vector<16xf32>
      %mul3A_501 = arith.mulf %mul3A_500, %mul3A_499 : vector<16xf32>
      %sub3A_502 = arith.constant 1.500000e+00 : f32
      %sub3A_503 = vector.broadcast %sub3A_502 : f32 to vector<16xf32>
      %sub3A_504 = arith.subf %sub3A_503, %mul3A_501 : vector<16xf32>
      %mul3A_505 = arith.mulf %mul3A_499, %sub3A_504 : vector<16xf32>
      %mul3A_506 = vector.broadcast %scan3A_44 : f32 to vector<16xf32>
      %mul3A_507 = arith.mulf %mul3A_506, %mul3A_505 : vector<16xf32>
      %exp3A_508 = math.exp %mul3A_507 : vector<16xf32>
      %sub3A_509 = vector.broadcast %scan3A_43 : f32 to vector<16xf32>
      %sub3A_510 = arith.subf %sub3A_509, %exp3A_508 : vector<16xf32>
      %mul3A_511 = vector.broadcast %scan3A_45 : f32 to vector<16xf32>
      %mul3A_512 = arith.mulf %mul3A_511, %gather3A_450 : vector<16xf32>
      %mul3A_513 = arith.mulf %mul3A_512, %sub3A_510 : vector<16xf32>
      %mul3A_514 = arith.mulf %mul3A_513, %div3A_481 : vector<16xf32>
      %mul3A_515 = arith.constant 3 : i32
      %mul3A_516 = vector.broadcast %mul3A_515 : i32 to vector<16xi32>
      %mul3A_517 = arith.muli %get3A_445, %mul3A_516 : vector<16xi32>
      %get3A_518 = arith.index_cast %mul3A_443 : i32 to index
      %get3A_519 = tpu.vector_load %arg24[%get3A_518] {strides = array<i32>} : memref<400xf32, #tpu.memory_space<vmem>>, vector<16xf32>,
      %mul3A_520 = arith.mulf %mul3A_514, %get3A_519 : vector<16xf32>
      %swap3A_521 = arith.index_cast %mul3A_443 : i32 to index
      %swap3A_522 = tpu.vector_load %arg27[%swap3A_521] {strides = array<i32>} : memref<1200xf32, #tpu.memory_space<vmem>>, vector<16xf32>,
      tpu.vector_store %arg27[%swap3A_521], %mul3A_520 {strides = array<i32>} : memref<1200xf32, #tpu.memory_space<vmem>>, vector<16xf32>,
      %get3A_523 = arith.index_cast %mul3A_443 : i32 to index
      %get3A_524 = tpu.vector_load %arg25[%get3A_523] {strides = array<i32>} : memref<400xf32, #tpu.memory_space<vmem>>, vector<16xf32>,
      %mul3A_525 = arith.mulf %mul3A_514, %get3A_524 : vector<16xf32>
      %add3A_526 = arith.constant 400 : i32
      %add3A_527 = arith.addi %add3A_526, %mul3A_443 : i32
      %swap3A_528 = arith.index_cast %add3A_527 : i32 to index
      %swap3A_529 = tpu.vector_load %arg27[%swap3A_528] {strides = array<i32>} : memref<1200xf32, #tpu.memory_space<vmem>>, vector<16xf32>,
      tpu.vector_store %arg27[%swap3A_528], %mul3A_525 {strides = array<i32>} : memref<1200xf32, #tpu.memory_space<vmem>>, vector<16xf32>,
      %get3A_530 = arith.index_cast %mul3A_443 : i32 to index
      %get3A_531 = tpu.vector_load %arg26[%get3A_530] {strides = array<i32>} : memref<400xf32, #tpu.memory_space<vmem>>, vector<16xf32>,
      %mul3A_532 = arith.mulf %mul3A_514, %get3A_531 : vector<16xf32>
      %add3A_533 = arith.constant 800 : i32
      %add3A_534 = arith.addi %add3A_533, %mul3A_443 : i32
      %swap3A_535 = arith.index_cast %add3A_534 : i32 to index
      %swap3A_536 = tpu.vector_load %arg27[%swap3A_535] {strides = array<i32>} : memref<1200xf32, #tpu.memory_space<vmem>>, vector<16xf32>,
      tpu.vector_store %arg27[%swap3A_535], %mul3A_532 {strides = array<i32>} : memref<1200xf32, #tpu.memory_space<vmem>>, vector<16xf32>,
      %swap3A_537 = arith.index_cast %mul3A_443 : i32 to index
      %swap3A_538 = tpu.vector_load %arg28[%swap3A_537] {strides = array<i32>} : memref<1200xi32, #tpu.memory_space<vmem>>, vector<16xi32>,
      tpu.vector_store %arg28[%swap3A_537], %mul3A_517 {strides = array<i32>} : memref<1200xi32, #tpu.memory_space<vmem>>, vector<16xi32>,
      %add3A_539 = arith.constant 1 : i32
      %add3A_540 = vector.broadcast %add3A_539 : i32 to vector<16xi32>
      %add3A_541 = arith.addi %mul3A_517, %add3A_540 : vector<16xi32>
      %add3A_542 = arith.constant 400 : i32
      %add3A_543 = arith.addi %add3A_542, %mul3A_443 : i32
      %swap3A_544 = arith.index_cast %add3A_543 : i32 to index
      %swap3A_545 = tpu.vector_load %arg28[%swap3A_544] {strides = array<i32>} : memref<1200xi32, #tpu.memory_space<vmem>>, vector<16xi32>,
      tpu.vector_store %arg28[%swap3A_544], %add3A_541 {strides = array<i32>} : memref<1200xi32, #tpu.memory_space<vmem>>, vector<16xi32>,
      %add3A_546 = arith.constant 2 : i32
      %add3A_547 = vector.broadcast %add3A_546 : i32 to vector<16xi32>
      %add3A_548 = arith.addi %mul3A_517, %add3A_547 : vector<16xi32>
      %add3A_549 = arith.constant 800 : i32
      %add3A_550 = arith.addi %add3A_549, %mul3A_443 : i32
      %swap3A_551 = arith.index_cast %add3A_550 : i32 to index
      %swap3A_552 = tpu.vector_load %arg28[%swap3A_551] {strides = array<i32>} : memref<1200xi32, #tpu.memory_space<vmem>>, vector<16xi32>,
      tpu.vector_store %arg28[%swap3A_551], %add3A_548 {strides = array<i32>} : memref<1200xi32, #tpu.memory_space<vmem>>, vector<16xi32>,
      %scan3A_553 = arith.constant 0 : i32
      %scan3A_554 = arith.constant 25 : i32
      %dma_start3A_555 = arith.constant 0 : i32
      %dma_start3A_556 = tpu.memref_slice %arg30[%dma_start3A_555] : memref<150016xf32, #tpu.memory_space<vmem_shared>> -> memref<150016xf32, #tpu.memory_space<vmem_shared>>
      tpu.enqueue_indirect_dma source(%arg27 : memref<1200xf32, #tpu.memory_space<vmem>>) target(%dma_start3A_556 : memref<150016xf32, #tpu.memory_space<vmem_shared>>) offsets(%arg28 : memref<1200xi32, #tpu.memory_space<vmem>>) semaphore(%arg34 : memref<!tpu.dma_semaphore, #tpu.memory_space<semaphore_mem>>) {add = true}
      %scan3A_557 = arith.constant 0 : i32
      scf.yield %scan3A_557 : i32
    }
    %scan3A_52 = arith.constant 62 : i32
    %dma_wait3A = arith.constant 0 : i32
    %dma_wait3A_53 = tpu.memref_slice %arg2[%dma_wait3A] : memref<1600000xi32, #tpu.memory_space<hbm>> -> memref<400xi32, #tpu.memory_space<hbm>>
    %dma_wait3A_54 = arith.constant 0 : i32
    %dma_wait3A_55 = tpu.memref_slice %arg2[%dma_wait3A_54] : memref<1600000xi32, #tpu.memory_space<hbm>> -> memref<400xi32, #tpu.memory_space<hbm>>
    tpu.wait_dma2 semaphore(%arg31 : memref<!tpu.dma_semaphore, #tpu.memory_space<semaphore_mem>>) src(%dma_wait3A_55 : memref<400xi32, #tpu.memory_space<hbm>>) dst(%arg13 : memref<400xi32, #tpu.memory_space<vmem>>)
    %dma_wait3A_56 = arith.constant 0 : i32
    %dma_wait3A_57 = tpu.memref_slice %arg2[%dma_wait3A_56] : memref<1600000xi32, #tpu.memory_space<hbm>> -> memref<400xi32, #tpu.memory_space<hbm>>
    %dma_wait3A_58 = arith.constant 0 : i32
    %dma_wait3A_59 = tpu.memref_slice %arg2[%dma_wait3A_58] : memref<1600000xi32, #tpu.memory_space<hbm>> -> memref<400xi32, #tpu.memory_space<hbm>>
    tpu.wait_dma2 semaphore(%arg31 : memref<!tpu.dma_semaphore, #tpu.memory_space<semaphore_mem>>) src(%dma_wait3A_59 : memref<400xi32, #tpu.memory_space<hbm>>) dst(%arg14 : memref<400xi32, #tpu.memory_space<vmem>>)
    %dma_wait3A_60 = arith.constant 0 : i32
    %dma_wait3A_61 = tpu.memref_slice %arg2[%dma_wait3A_60] : memref<1600000xi32, #tpu.memory_space<hbm>> -> memref<400xi32, #tpu.memory_space<hbm>>
    %dma_wait3A_62 = arith.constant 0 : i32
    %dma_wait3A_63 = tpu.memref_slice %arg2[%dma_wait3A_62] : memref<1600000xi32, #tpu.memory_space<hbm>> -> memref<400xi32, #tpu.memory_space<hbm>>
    tpu.wait_dma2 semaphore(%arg31 : memref<!tpu.dma_semaphore, #tpu.memory_space<semaphore_mem>>) src(%dma_wait3A_63 : memref<400xi32, #tpu.memory_space<hbm>>) dst(%arg15 : memref<400xf32, #tpu.memory_space<vmem>>)
    %dma_wait3A_64 = arith.constant 0 : i32
    %dma_wait3A_65 = tpu.memref_slice %arg2[%dma_wait3A_64] : memref<1600000xi32, #tpu.memory_space<hbm>> -> memref<400xi32, #tpu.memory_space<hbm>>
    %dma_wait3A_66 = arith.constant 0 : i32
    %dma_wait3A_67 = tpu.memref_slice %arg2[%dma_wait3A_66] : memref<1600000xi32, #tpu.memory_space<hbm>> -> memref<400xi32, #tpu.memory_space<hbm>>
    tpu.wait_dma2 semaphore(%arg31 : memref<!tpu.dma_semaphore, #tpu.memory_space<semaphore_mem>>) src(%dma_wait3A_67 : memref<400xi32, #tpu.memory_space<hbm>>) dst(%arg16 : memref<400xf32, #tpu.memory_space<vmem>>)
    %dma_wait3A_68 = arith.constant 0 : i32
    %dma_wait3A_69 = tpu.memref_slice %arg2[%dma_wait3A_68] : memref<1600000xi32, #tpu.memory_space<hbm>> -> memref<400xi32, #tpu.memory_space<hbm>>
    %dma_wait3A_70 = arith.constant 0 : i32
    %dma_wait3A_71 = tpu.memref_slice %arg2[%dma_wait3A_70] : memref<1600000xi32, #tpu.memory_space<hbm>> -> memref<400xi32, #tpu.memory_space<hbm>>
    tpu.wait_dma2 semaphore(%arg31 : memref<!tpu.dma_semaphore, #tpu.memory_space<semaphore_mem>>) src(%dma_wait3A_71 : memref<400xi32, #tpu.memory_space<hbm>>) dst(%arg17 : memref<400xf32, #tpu.memory_space<vmem>>)
    %dma_wait3A_72 = arith.constant 0 : i32
    %dma_wait3A_73 = tpu.memref_slice %arg2[%dma_wait3A_72] : memref<1600000xi32, #tpu.memory_space<hbm>> -> memref<400xi32, #tpu.memory_space<hbm>>
    %dma_wait3A_74 = arith.constant 0 : i32
    %dma_wait3A_75 = tpu.memref_slice %arg2[%dma_wait3A_74] : memref<1600000xi32, #tpu.memory_space<hbm>> -> memref<400xi32, #tpu.memory_space<hbm>>
    tpu.wait_dma2 semaphore(%arg31 : memref<!tpu.dma_semaphore, #tpu.memory_space<semaphore_mem>>) src(%dma_wait3A_75 : memref<400xi32, #tpu.memory_space<hbm>>) dst(%arg18 : memref<400xf32, #tpu.memory_space<vmem>>)
    %dma_wait3A_76 = arith.constant 0 : i32
    %dma_wait3A_77 = tpu.memref_slice %arg30[%dma_wait3A_76] : memref<150016xf32, #tpu.memory_space<vmem_shared>> -> memref<150016xf32, #tpu.memory_space<vmem_shared>>
    tpu.wait_indirect_dma semaphore(%arg32 : memref<!tpu.dma_semaphore, #tpu.memory_space<semaphore_mem>>) src(%arg19 : memref<1200xf32, #tpu.memory_space<vmem>>) dst(%dma_wait3A_77 : memref<150016xf32, #tpu.memory_space<vmem_shared>>)
    %scan3A_78 = arith.constant 1.000000e+00 : f32
    %scan3A_79 = arith.constant -0.699999988 : f32
    %scan3A_80 = arith.constant -0.280028522 : f32
    %scan3A_81 = arith.constant 0 : i32
    %scan3A_82 = arith.constant 0 : i32
    %scan3A_83 = arith.constant 24 : i32
    %scan3A_84 = arith.addi %scan3A_82, %scan3A_83 : i32
    %scan3A_85 = arith.constant 6 : i32
    %scan3A_86 = scf.for %scan3A_208 = %scan3A_82 to %scan3A_84 step %scan3A_85 iter_args(%scan3A_209 = %scan3A_81) -> (i32)  : i32 {
      %mul3A_210 = arith.constant 16 : i32
      %mul3A_211 = arith.muli %scan3A_208, %mul3A_210 : i32
      %get3A_212 = arith.index_cast %mul3A_211 : i32 to index
      %get3A_213 = tpu.vector_load %arg13[%get3A_212] {strides = array<i32>} : memref<400xi32, #tpu.memory_space<vmem>>, vector<16xi32>,
      %get3A_214 = arith.index_cast %mul3A_211 : i32 to index
      %get3A_215 = tpu.vector_load %arg14[%get3A_214] {strides = array<i32>} : memref<400xi32, #tpu.memory_space<vmem>>, vector<16xi32>,
      %get3A_216 = arith.index_cast %mul3A_211 : i32 to index
      %get3A_217 = tpu.vector_load %arg15[%get3A_216] {strides = array<i32>} : memref<400xf32, #tpu.memory_space<vmem>>, vector<16xf32>,
      %gather3A_218 = tpu.vector_load_idx %arg11[%get3A_215] : memref<50000xf32, #tpu.memory_space<vmem>>[vector<16xi32>], vector<16xf32>,
      %gather3A_219 = tpu.vector_load_idx %arg12[%get3A_213] : memref<50000xf32, #tpu.memory_space<vmem>>[vector<16xi32>], vector<16xf32>,
      %gather3A_220 = tpu.vector_load_idx %arg12[%get3A_215] : memref<50000xf32, #tpu.memory_space<vmem>>[vector<16xi32>], vector<16xf32>,
      %mul3A_221 = arith.mulf %gather3A_219, %gather3A_220 : vector<16xf32>
      %bitcast3A_222 = vector.bitcast %mul3A_221 : vector<16xf32> to vector<16xi32>
      %shift_right_logical3A_223 = arith.constant 1 : i32
      %shift_right_logical3A_224 = vector.broadcast %shift_right_logical3A_223 : i32 to vector<16xi32>
      %shift_right_logical3A_225 = arith.shrui %bitcast3A_222, %shift_right_logical3A_224 : vector<16xi32>
      %sub3A_226 = arith.constant 1597463007 : i32
      %sub3A_227 = vector.broadcast %sub3A_226 : i32 to vector<16xi32>
      %sub3A_228 = arith.subi %sub3A_227, %shift_right_logical3A_225 : vector<16xi32>
      %bitcast3A_229 = vector.bitcast %sub3A_228 : vector<16xi32> to vector<16xf32>
      %mul3A_230 = arith.constant 5.000000e-01 : f32
      %mul3A_231 = vector.broadcast %mul3A_230 : f32 to vector<16xf32>
      %mul3A_232 = arith.mulf %mul3A_221, %mul3A_231 : vector<16xf32>
      %mul3A_233 = arith.mulf %mul3A_232, %bitcast3A_229 : vector<16xf32>
      %mul3A_234 = arith.mulf %mul3A_233, %bitcast3A_229 : vector<16xf32>
      %sub3A_235 = arith.constant 1.500000e+00 : f32
      %sub3A_236 = vector.broadcast %sub3A_235 : f32 to vector<16xf32>
      %sub3A_237 = arith.subf %sub3A_236, %mul3A_234 : vector<16xf32>
      %mul3A_238 = arith.mulf %bitcast3A_229, %sub3A_237 : vector<16xf32>
      %mul3A_239 = arith.mulf %mul3A_232, %mul3A_238 : vector<16xf32>
      %mul3A_240 = arith.mulf %mul3A_239, %mul3A_238 : vector<16xf32>
      %sub3A_241 = arith.constant 1.500000e+00 : f32
      %sub3A_242 = vector.broadcast %sub3A_241 : f32 to vector<16xf32>
      %sub3A_243 = arith.subf %sub3A_242, %mul3A_240 : vector<16xf32>
      %mul3A_244 = arith.mulf %mul3A_238, %sub3A_243 : vector<16xf32>
      %mul3A_245 = arith.mulf %mul3A_221, %mul3A_244 : vector<16xf32>
      %mul3A_246 = arith.mulf %get3A_217, %get3A_217 : vector<16xf32>
      %mul3A_247 = arith.mulf %mul3A_246, %get3A_217 : vector<16xf32>
      %div3A_248 = vector.broadcast %scan3A_78 : f32 to vector<16xf32>
      %div3A_249 = arith.divf %div3A_248, %mul3A_247 : vector<16xf32>
      %mul3A_250 = arith.mulf %mul3A_245, %div3A_249 : vector<16xf32>
      %bitcast3A_251 = vector.bitcast %mul3A_250 : vector<16xf32> to vector<16xi32>
      %shift_right_logical3A_252 = arith.constant 1 : i32
      %shift_right_logical3A_253 = vector.broadcast %shift_right_logical3A_252 : i32 to vector<16xi32>
      %shift_right_logical3A_254 = arith.shrui %bitcast3A_251, %shift_right_logical3A_253 : vector<16xi32>
      %sub3A_255 = arith.constant 1597463007 : i32
      %sub3A_256 = vector.broadcast %sub3A_255 : i32 to vector<16xi32>
      %sub3A_257 = arith.subi %sub3A_256, %shift_right_logical3A_254 : vector<16xi32>
      %bitcast3A_258 = vector.bitcast %sub3A_257 : vector<16xi32> to vector<16xf32>
      %mul3A_259 = arith.constant 5.000000e-01 : f32
      %mul3A_260 = vector.broadcast %mul3A_259 : f32 to vector<16xf32>
      %mul3A_261 = arith.mulf %mul3A_250, %mul3A_260 : vector<16xf32>
      %mul3A_262 = arith.mulf %mul3A_261, %bitcast3A_258 : vector<16xf32>
      %mul3A_263 = arith.mulf %mul3A_262, %bitcast3A_258 : vector<16xf32>
      %sub3A_264 = arith.constant 1.500000e+00 : f32
      %sub3A_265 = vector.broadcast %sub3A_264 : f32 to vector<16xf32>
      %sub3A_266 = arith.subf %sub3A_265, %mul3A_263 : vector<16xf32>
      %mul3A_267 = arith.mulf %bitcast3A_258, %sub3A_266 : vector<16xf32>
      %mul3A_268 = arith.mulf %mul3A_261, %mul3A_267 : vector<16xf32>
      %mul3A_269 = arith.mulf %mul3A_268, %mul3A_267 : vector<16xf32>
      %sub3A_270 = arith.constant 1.500000e+00 : f32
      %sub3A_271 = vector.broadcast %sub3A_270 : f32 to vector<16xf32>
      %sub3A_272 = arith.subf %sub3A_271, %mul3A_269 : vector<16xf32>
      %mul3A_273 = arith.mulf %mul3A_267, %sub3A_272 : vector<16xf32>
      %mul3A_274 = vector.broadcast %scan3A_79 : f32 to vector<16xf32>
      %mul3A_275 = arith.mulf %mul3A_274, %mul3A_273 : vector<16xf32>
      %exp3A_276 = math.exp %mul3A_275 : vector<16xf32>
      %sub3A_277 = vector.broadcast %scan3A_78 : f32 to vector<16xf32>
      %sub3A_278 = arith.subf %sub3A_277, %exp3A_276 : vector<16xf32>
      %mul3A_279 = vector.broadcast %scan3A_80 : f32 to vector<16xf32>
      %mul3A_280 = arith.mulf %mul3A_279, %gather3A_218 : vector<16xf32>
      %mul3A_281 = arith.mulf %mul3A_280, %sub3A_278 : vector<16xf32>
      %mul3A_282 = arith.mulf %mul3A_281, %div3A_249 : vector<16xf32>
      %mul3A_283 = arith.constant 3 : i32
      %mul3A_284 = vector.broadcast %mul3A_283 : i32 to vector<16xi32>
      %mul3A_285 = arith.muli %get3A_213, %mul3A_284 : vector<16xi32>
      %get3A_286 = arith.index_cast %mul3A_211 : i32 to index
      %get3A_287 = tpu.vector_load %arg16[%get3A_286] {strides = array<i32>} : memref<400xf32, #tpu.memory_space<vmem>>, vector<16xf32>,
      %mul3A_288 = arith.mulf %mul3A_282, %get3A_287 : vector<16xf32>
      %swap3A_289 = arith.index_cast %mul3A_211 : i32 to index
      %swap3A_290 = tpu.vector_load %arg19[%swap3A_289] {strides = array<i32>} : memref<1200xf32, #tpu.memory_space<vmem>>, vector<16xf32>,
      tpu.vector_store %arg19[%swap3A_289], %mul3A_288 {strides = array<i32>} : memref<1200xf32, #tpu.memory_space<vmem>>, vector<16xf32>,
      %get3A_291 = arith.index_cast %mul3A_211 : i32 to index
      %get3A_292 = tpu.vector_load %arg17[%get3A_291] {strides = array<i32>} : memref<400xf32, #tpu.memory_space<vmem>>, vector<16xf32>,
      %mul3A_293 = arith.mulf %mul3A_282, %get3A_292 : vector<16xf32>
      %add3A_294 = arith.constant 400 : i32
      %add3A_295 = arith.addi %add3A_294, %mul3A_211 : i32
      %swap3A_296 = arith.index_cast %add3A_295 : i32 to index
      %swap3A_297 = tpu.vector_load %arg19[%swap3A_296] {strides = array<i32>} : memref<1200xf32, #tpu.memory_space<vmem>>, vector<16xf32>,
      tpu.vector_store %arg19[%swap3A_296], %mul3A_293 {strides = array<i32>} : memref<1200xf32, #tpu.memory_space<vmem>>, vector<16xf32>,
      %get3A_298 = arith.index_cast %mul3A_211 : i32 to index
      %get3A_299 = tpu.vector_load %arg18[%get3A_298] {strides = array<i32>} : memref<400xf32, #tpu.memory_space<vmem>>, vector<16xf32>,
      %mul3A_300 = arith.mulf %mul3A_282, %get3A_299 : vector<16xf32>
      %add3A_301 = arith.constant 800 : i32
      %add3A_302 = arith.addi %add3A_301, %mul3A_211 : i32
      %swap3A_303 = arith.index_cast %add3A_302 : i32 to index
      %swap3A_304 = tpu.vector_load %arg19[%swap3A_303] {strides = array<i32>} : memref<1200xf32, #tpu.memory_space<vmem>>, vector<16xf32>,
      tpu.vector_store %arg19[%swap3A_303], %mul3A_300 {strides = array<i32>} : memref<1200xf32, #tpu.memory_space<vmem>>, vector<16xf32>,
      %swap3A_305 = arith.index_cast %mul3A_211 : i32 to index
      %swap3A_306 = tpu.vector_load %arg20[%swap3A_305] {strides = array<i32>} : memref<1200xi32, #tpu.memory_space<vmem>>, vector<16xi32>,
      tpu.vector_store %arg20[%swap3A_305], %mul3A_285 {strides = array<i32>} : memref<1200xi32, #tpu.memory_space<vmem>>, vector<16xi32>,
      %add3A_307 = arith.constant 1 : i32
      %add3A_308 = vector.broadcast %add3A_307 : i32 to vector<16xi32>
      %add3A_309 = arith.addi %mul3A_285, %add3A_308 : vector<16xi32>
      %add3A_310 = arith.constant 400 : i32
      %add3A_311 = arith.addi %add3A_310, %mul3A_211 : i32
      %swap3A_312 = arith.index_cast %add3A_311 : i32 to index
      %swap3A_313 = tpu.vector_load %arg20[%swap3A_312] {strides = array<i32>} : memref<1200xi32, #tpu.memory_space<vmem>>, vector<16xi32>,
      tpu.vector_store %arg20[%swap3A_312], %add3A_309 {strides = array<i32>} : memref<1200xi32, #tpu.memory_space<vmem>>, vector<16xi32>,
      %add3A_314 = arith.constant 2 : i32
      %add3A_315 = vector.broadcast %add3A_314 : i32 to vector<16xi32>
      %add3A_316 = arith.addi %mul3A_285, %add3A_315 : vector<16xi32>
      %add3A_317 = arith.constant 800 : i32
      %add3A_318 = arith.addi %add3A_317, %mul3A_211 : i32
      %swap3A_319 = arith.index_cast %add3A_318 : i32 to index
      %swap3A_320 = tpu.vector_load %arg20[%swap3A_319] {strides = array<i32>} : memref<1200xi32, #tpu.memory_space<vmem>>, vector<16xi32>,
      tpu.vector_store %arg20[%swap3A_319], %add3A_316 {strides = array<i32>} : memref<1200xi32, #tpu.memory_space<vmem>>, vector<16xi32>,
      %scan3A_321 = arith.constant 0 : i32
      %scan3A_322 = arith.constant 1 : i32
      %scan3A_323 = arith.addi %scan3A_208, %scan3A_322 : i32
      %mul3A_324 = arith.constant 16 : i32
      %mul3A_325 = arith.muli %scan3A_323, %mul3A_324 : i32
      %get3A_326 = arith.index_cast %mul3A_325 : i32 to index
      %get3A_327 = tpu.vector_load %arg13[%get3A_326] {strides = array<i32>} : memref<400xi32, #tpu.memory_space<vmem>>, vector<16xi32>,
      %get3A_328 = arith.index_cast %mul3A_325 : i32 to index
      %get3A_329 = tpu.vector_load %arg14[%get3A_328] {strides = array<i32>} : memref<400xi32, #tpu.memory_space<vmem>>, vector<16xi32>,
      %get3A_330 = arith.index_cast %mul3A_325 : i32 to index
      %get3A_331 = tpu.vector_load %arg15[%get3A_330] {strides = array<i32>} : memref<400xf32, #tpu.memory_space<vmem>>, vector<16xf32>,
      %gather3A_332 = tpu.vector_load_idx %arg11[%get3A_329] : memref<50000xf32, #tpu.memory_space<vmem>>[vector<16xi32>], vector<16xf32>,
      %gather3A_333 = tpu.vector_load_idx %arg12[%get3A_327] : memref<50000xf32, #tpu.memory_space<vmem>>[vector<16xi32>], vector<16xf32>,
      %gather3A_334 = tpu.vector_load_idx %arg12[%get3A_329] : memref<50000xf32, #tpu.memory_space<vmem>>[vector<16xi32>], vector<16xf32>,
      %mul3A_335 = arith.mulf %gather3A_333, %gather3A_334 : vector<16xf32>
      %bitcast3A_336 = vector.bitcast %mul3A_335 : vector<16xf32> to vector<16xi32>
      %shift_right_logical3A_337 = arith.constant 1 : i32
      %shift_right_logical3A_338 = vector.broadcast %shift_right_logical3A_337 : i32 to vector<16xi32>
      %shift_right_logical3A_339 = arith.shrui %bitcast3A_336, %shift_right_logical3A_338 : vector<16xi32>
      %sub3A_340 = arith.constant 1597463007 : i32
      %sub3A_341 = vector.broadcast %sub3A_340 : i32 to vector<16xi32>
      %sub3A_342 = arith.subi %sub3A_341, %shift_right_logical3A_339 : vector<16xi32>
      %bitcast3A_343 = vector.bitcast %sub3A_342 : vector<16xi32> to vector<16xf32>
      %mul3A_344 = arith.constant 5.000000e-01 : f32
      %mul3A_345 = vector.broadcast %mul3A_344 : f32 to vector<16xf32>
      %mul3A_346 = arith.mulf %mul3A_335, %mul3A_345 : vector<16xf32>
      %mul3A_347 = arith.mulf %mul3A_346, %bitcast3A_343 : vector<16xf32>
      %mul3A_348 = arith.mulf %mul3A_347, %bitcast3A_343 : vector<16xf32>
      %sub3A_349 = arith.constant 1.500000e+00 : f32
      %sub3A_350 = vector.broadcast %sub3A_349 : f32 to vector<16xf32>
      %sub3A_351 = arith.subf %sub3A_350, %mul3A_348 : vector<16xf32>
      %mul3A_352 = arith.mulf %bitcast3A_343, %sub3A_351 : vector<16xf32>
      %mul3A_353 = arith.mulf %mul3A_346, %mul3A_352 : vector<16xf32>
      %mul3A_354 = arith.mulf %mul3A_353, %mul3A_352 : vector<16xf32>
      %sub3A_355 = arith.constant 1.500000e+00 : f32
      %sub3A_356 = vector.broadcast %sub3A_355 : f32 to vector<16xf32>
      %sub3A_357 = arith.subf %sub3A_356, %mul3A_354 : vector<16xf32>
      %mul3A_358 = arith.mulf %mul3A_352, %sub3A_357 : vector<16xf32>
      %mul3A_359 = arith.mulf %mul3A_335, %mul3A_358 : vector<16xf32>
      %mul3A_360 = arith.mulf %get3A_331, %get3A_331 : vector<16xf32>
      %mul3A_361 = arith.mulf %mul3A_360, %get3A_331 : vector<16xf32>
      %div3A_362 = vector.broadcast %scan3A_78 : f32 to vector<16xf32>
      %div3A_363 = arith.divf %div3A_362, %mul3A_361 : vector<16xf32>
      %mul3A_364 = arith.mulf %mul3A_359, %div3A_363 : vector<16xf32>
      %bitcast3A_365 = vector.bitcast %mul3A_364 : vector<16xf32> to vector<16xi32>
      %shift_right_logical3A_366 = arith.constant 1 : i32
      %shift_right_logical3A_367 = vector.broadcast %shift_right_logical3A_366 : i32 to vector<16xi32>
      %shift_right_logical3A_368 = arith.shrui %bitcast3A_365, %shift_right_logical3A_367 : vector<16xi32>
      %sub3A_369 = arith.constant 1597463007 : i32
      %sub3A_370 = vector.broadcast %sub3A_369 : i32 to vector<16xi32>
      %sub3A_371 = arith.subi %sub3A_370, %shift_right_logical3A_368 : vector<16xi32>
      %bitcast3A_372 = vector.bitcast %sub3A_371 : vector<16xi32> to vector<16xf32>
      %mul3A_373 = arith.constant 5.000000e-01 : f32
      %mul3A_374 = vector.broadcast %mul3A_373 : f32 to vector<16xf32>
      %mul3A_375 = arith.mulf %mul3A_364, %mul3A_374 : vector<16xf32>
      %mul3A_376 = arith.mulf %mul3A_375, %bitcast3A_372 : vector<16xf32>
      %mul3A_377 = arith.mulf %mul3A_376, %bitcast3A_372 : vector<16xf32>
      %sub3A_378 = arith.constant 1.500000e+00 : f32
      %sub3A_379 = vector.broadcast %sub3A_378 : f32 to vector<16xf32>
      %sub3A_380 = arith.subf %sub3A_379, %mul3A_377 : vector<16xf32>
      %mul3A_381 = arith.mulf %bitcast3A_372, %sub3A_380 : vector<16xf32>
      %mul3A_382 = arith.mulf %mul3A_375, %mul3A_381 : vector<16xf32>
      %mul3A_383 = arith.mulf %mul3A_382, %mul3A_381 : vector<16xf32>
      %sub3A_384 = arith.constant 1.500000e+00 : f32
      %sub3A_385 = vector.broadcast %sub3A_384 : f32 to vector<16xf32>
      %sub3A_386 = arith.subf %sub3A_385, %mul3A_383 : vector<16xf32>
      %mul3A_387 = arith.mulf %mul3A_381, %sub3A_386 : vector<16xf32>
      %mul3A_388 = vector.broadcast %scan3A_79 : f32 to vector<16xf32>
      %mul3A_389 = arith.mulf %mul3A_388, %mul3A_387 : vector<16xf32>
      %exp3A_390 = math.exp %mul3A_389 : vector<16xf32>
      %sub3A_391 = vector.broadcast %scan3A_78 : f32 to vector<16xf32>
      %sub3A_392 = arith.subf %sub3A_391, %exp3A_390 : vector<16xf32>
      %mul3A_393 = vector.broadcast %scan3A_80 : f32 to vector<16xf32>
      %mul3A_394 = arith.mulf %mul3A_393, %gather3A_332 : vector<16xf32>
      %mul3A_395 = arith.mulf %mul3A_394, %sub3A_392 : vector<16xf32>
      %mul3A_396 = arith.mulf %mul3A_395, %div3A_363 : vector<16xf32>
      %mul3A_397 = arith.constant 3 : i32
      %mul3A_398 = vector.broadcast %mul3A_397 : i32 to vector<16xi32>
      %mul3A_399 = arith.muli %get3A_327, %mul3A_398 : vector<16xi32>
      %get3A_400 = arith.index_cast %mul3A_325 : i32 to index
      %get3A_401 = tpu.vector_load %arg16[%get3A_400] {strides = array<i32>} : memref<400xf32, #tpu.memory_space<vmem>>, vector<16xf32>,
      %mul3A_402 = arith.mulf %mul3A_396, %get3A_401 : vector<16xf32>
      %swap3A_403 = arith.index_cast %mul3A_325 : i32 to index
      %swap3A_404 = tpu.vector_load %arg19[%swap3A_403] {strides = array<i32>} : memref<1200xf32, #tpu.memory_space<vmem>>, vector<16xf32>,
      tpu.vector_store %arg19[%swap3A_403], %mul3A_402 {strides = array<i32>} : memref<1200xf32, #tpu.memory_space<vmem>>, vector<16xf32>,
      %get3A_405 = arith.index_cast %mul3A_325 : i32 to index
      %get3A_406 = tpu.vector_load %arg17[%get3A_405] {strides = array<i32>} : memref<400xf32, #tpu.memory_space<vmem>>, vector<16xf32>,
      %mul3A_407 = arith.mulf %mul3A_396, %get3A_406 : vector<16xf32>
      %add3A_408 = arith.constant 400 : i32
      %add3A_409 = arith.addi %add3A_408, %mul3A_325 : i32
      %swap3A_410 = arith.index_cast %add3A_409 : i32 to index
      %swap3A_411 = tpu.vector_load %arg19[%swap3A_410] {strides = array<i32>} : memref<1200xf32, #tpu.memory_space<vmem>>, vector<16xf32>,
      tpu.vector_store %arg19[%swap3A_410], %mul3A_407 {strides = array<i32>} : memref<1200xf32, #tpu.memory_space<vmem>>, vector<16xf32>,
      %get3A_412 = arith.index_cast %mul3A_325 : i32 to index
      %get3A_413 = tpu.vector_load %arg18[%get3A_412] {strides = array<i32>} : memref<400xf32, #tpu.memory_space<vmem>>, vector<16xf32>,
      %mul3A_414 = arith.mulf %mul3A_396, %get3A_413 : vector<16xf32>
      %add3A_415 = arith.constant 800 : i32
      %add3A_416 = arith.addi %add3A_415, %mul3A_325 : i32
      %swap3A_417 = arith.index_cast %add3A_416 : i32 to index
      %swap3A_418 = tpu.vector_load %arg19[%swap3A_417] {strides = array<i32>} : memref<1200xf32, #tpu.memory_space<vmem>>, vector<16xf32>,
      tpu.vector_store %arg19[%swap3A_417], %mul3A_414 {strides = array<i32>} : memref<1200xf32, #tpu.memory_space<vmem>>, vector<16xf32>,
      %swap3A_419 = arith.index_cast %mul3A_325 : i32 to index
      %swap3A_420 = tpu.vector_load %arg20[%swap3A_419] {strides = array<i32>} : memref<1200xi32, #tpu.memory_space<vmem>>, vector<16xi32>,
      tpu.vector_store %arg20[%swap3A_419], %mul3A_399 {strides = array<i32>} : memref<1200xi32, #tpu.memory_space<vmem>>, vector<16xi32>,
      %add3A_421 = arith.constant 1 : i32
      %add3A_422 = vector.broadcast %add3A_421 : i32 to vector<16xi32>
      %add3A_423 = arith.addi %mul3A_399, %add3A_422 : vector<16xi32>
      %add3A_424 = arith.constant 400 : i32
      %add3A_425 = arith.addi %add3A_424, %mul3A_325 : i32
      %swap3A_426 = arith.index_cast %add3A_425 : i32 to index
      %swap3A_427 = tpu.vector_load %arg20[%swap3A_426] {strides = array<i32>} : memref<1200xi32, #tpu.memory_space<vmem>>, vector<16xi32>,
      tpu.vector_store %arg20[%swap3A_426], %add3A_423 {strides = array<i32>} : memref<1200xi32, #tpu.memory_space<vmem>>, vector<16xi32>,
      %add3A_428 = arith.constant 2 : i32
      %add3A_429 = vector.broadcast %add3A_428 : i32 to vector<16xi32>
      %add3A_430 = arith.addi %mul3A_399, %add3A_429 : vector<16xi32>
      %add3A_431 = arith.constant 800 : i32
      %add3A_432 = arith.addi %add3A_431, %mul3A_325 : i32
      %swap3A_433 = arith.index_cast %add3A_432 : i32 to index
      %swap3A_434 = tpu.vector_load %arg20[%swap3A_433] {strides = array<i32>} : memref<1200xi32, #tpu.memory_space<vmem>>, vector<16xi32>,
      tpu.vector_store %arg20[%swap3A_433], %add3A_430 {strides = array<i32>} : memref<1200xi32, #tpu.memory_space<vmem>>, vector<16xi32>,
      %scan3A_435 = arith.constant 0 : i32
      %scan3A_436 = arith.constant 2 : i32
      %scan3A_437 = arith.addi %scan3A_208, %scan3A_436 : i32
      %mul3A_438 = arith.constant 16 : i32
      %mul3A_439 = arith.muli %scan3A_437, %mul3A_438 : i32
      %get3A_440 = arith.index_cast %mul3A_439 : i32 to index
      %get3A_441 = tpu.vector_load %arg13[%get3A_440] {strides = array<i32>} : memref<400xi32, #tpu.memory_space<vmem>>, vector<16xi32>,
      %get3A_442 = arith.index_cast %mul3A_439 : i32 to index
      %get3A_443 = tpu.vector_load %arg14[%get3A_442] {strides = array<i32>} : memref<400xi32, #tpu.memory_space<vmem>>, vector<16xi32>,
      %get3A_444 = arith.index_cast %mul3A_439 : i32 to index
      %get3A_445 = tpu.vector_load %arg15[%get3A_444] {strides = array<i32>} : memref<400xf32, #tpu.memory_space<vmem>>, vector<16xf32>,
      %gather3A_446 = tpu.vector_load_idx %arg11[%get3A_443] : memref<50000xf32, #tpu.memory_space<vmem>>[vector<16xi32>], vector<16xf32>,
      %gather3A_447 = tpu.vector_load_idx %arg12[%get3A_441] : memref<50000xf32, #tpu.memory_space<vmem>>[vector<16xi32>], vector<16xf32>,
      %gather3A_448 = tpu.vector_load_idx %arg12[%get3A_443] : memref<50000xf32, #tpu.memory_space<vmem>>[vector<16xi32>], vector<16xf32>,
      %mul3A_449 = arith.mulf %gather3A_447, %gather3A_448 : vector<16xf32>
      %bitcast3A_450 = vector.bitcast %mul3A_449 : vector<16xf32> to vector<16xi32>
      %shift_right_logical3A_451 = arith.constant 1 : i32
      %shift_right_logical3A_452 = vector.broadcast %shift_right_logical3A_451 : i32 to vector<16xi32>
      %shift_right_logical3A_453 = arith.shrui %bitcast3A_450, %shift_right_logical3A_452 : vector<16xi32>
      %sub3A_454 = arith.constant 1597463007 : i32
      %sub3A_455 = vector.broadcast %sub3A_454 : i32 to vector<16xi32>
      %sub3A_456 = arith.subi %sub3A_455, %shift_right_logical3A_453 : vector<16xi32>
      %bitcast3A_457 = vector.bitcast %sub3A_456 : vector<16xi32> to vector<16xf32>
      %mul3A_458 = arith.constant 5.000000e-01 : f32
      %mul3A_459 = vector.broadcast %mul3A_458 : f32 to vector<16xf32>
      %mul3A_460 = arith.mulf %mul3A_449, %mul3A_459 : vector<16xf32>
      %mul3A_461 = arith.mulf %mul3A_460, %bitcast3A_457 : vector<16xf32>
      %mul3A_462 = arith.mulf %mul3A_461, %bitcast3A_457 : vector<16xf32>
      %sub3A_463 = arith.constant 1.500000e+00 : f32
      %sub3A_464 = vector.broadcast %sub3A_463 : f32 to vector<16xf32>
      %sub3A_465 = arith.subf %sub3A_464, %mul3A_462 : vector<16xf32>
      %mul3A_466 = arith.mulf %bitcast3A_457, %sub3A_465 : vector<16xf32>
      %mul3A_467 = arith.mulf %mul3A_460, %mul3A_466 : vector<16xf32>
      %mul3A_468 = arith.mulf %mul3A_467, %mul3A_466 : vector<16xf32>
      %sub3A_469 = arith.constant 1.500000e+00 : f32
      %sub3A_470 = vector.broadcast %sub3A_469 : f32 to vector<16xf32>
      %sub3A_471 = arith.subf %sub3A_470, %mul3A_468 : vector<16xf32>
      %mul3A_472 = arith.mulf %mul3A_466, %sub3A_471 : vector<16xf32>
      %mul3A_473 = arith.mulf %mul3A_449, %mul3A_472 : vector<16xf32>
      %mul3A_474 = arith.mulf %get3A_445, %get3A_445 : vector<16xf32>
      %mul3A_475 = arith.mulf %mul3A_474, %get3A_445 : vector<16xf32>
      %div3A_476 = vector.broadcast %scan3A_78 : f32 to vector<16xf32>
      %div3A_477 = arith.divf %div3A_476, %mul3A_475 : vector<16xf32>
      %mul3A_478 = arith.mulf %mul3A_473, %div3A_477 : vector<16xf32>
      %bitcast3A_479 = vector.bitcast %mul3A_478 : vector<16xf32> to vector<16xi32>
      %shift_right_logical3A_480 = arith.constant 1 : i32
      %shift_right_logical3A_481 = vector.broadcast %shift_right_logical3A_480 : i32 to vector<16xi32>
      %shift_right_logical3A_482 = arith.shrui %bitcast3A_479, %shift_right_logical3A_481 : vector<16xi32>
      %sub3A_483 = arith.constant 1597463007 : i32
      %sub3A_484 = vector.broadcast %sub3A_483 : i32 to vector<16xi32>
      %sub3A_485 = arith.subi %sub3A_484, %shift_right_logical3A_482 : vector<16xi32>
      %bitcast3A_486 = vector.bitcast %sub3A_485 : vector<16xi32> to vector<16xf32>
      %mul3A_487 = arith.constant 5.000000e-01 : f32
      %mul3A_488 = vector.broadcast %mul3A_487 : f32 to vector<16xf32>
      %mul3A_489 = arith.mulf %mul3A_478, %mul3A_488 : vector<16xf32>
      %mul3A_490 = arith.mulf %mul3A_489, %bitcast3A_486 : vector<16xf32>
      %mul3A_491 = arith.mulf %mul3A_490, %bitcast3A_486 : vector<16xf32>
      %sub3A_492 = arith.constant 1.500000e+00 : f32
      %sub3A_493 = vector.broadcast %sub3A_492 : f32 to vector<16xf32>
      %sub3A_494 = arith.subf %sub3A_493, %mul3A_491 : vector<16xf32>
      %mul3A_495 = arith.mulf %bitcast3A_486, %sub3A_494 : vector<16xf32>
      %mul3A_496 = arith.mulf %mul3A_489, %mul3A_495 : vector<16xf32>
      %mul3A_497 = arith.mulf %mul3A_496, %mul3A_495 : vector<16xf32>
      %sub3A_498 = arith.constant 1.500000e+00 : f32
      %sub3A_499 = vector.broadcast %sub3A_498 : f32 to vector<16xf32>
      %sub3A_500 = arith.subf %sub3A_499, %mul3A_497 : vector<16xf32>
      %mul3A_501 = arith.mulf %mul3A_495, %sub3A_500 : vector<16xf32>
      %mul3A_502 = vector.broadcast %scan3A_79 : f32 to vector<16xf32>
      %mul3A_503 = arith.mulf %mul3A_502, %mul3A_501 : vector<16xf32>
      %exp3A_504 = math.exp %mul3A_503 : vector<16xf32>
      %sub3A_505 = vector.broadcast %scan3A_78 : f32 to vector<16xf32>
      %sub3A_506 = arith.subf %sub3A_505, %exp3A_504 : vector<16xf32>
      %mul3A_507 = vector.broadcast %scan3A_80 : f32 to vector<16xf32>
      %mul3A_508 = arith.mulf %mul3A_507, %gather3A_446 : vector<16xf32>
      %mul3A_509 = arith.mulf %mul3A_508, %sub3A_506 : vector<16xf32>
      %mul3A_510 = arith.mulf %mul3A_509, %div3A_477 : vector<16xf32>
      %mul3A_511 = arith.constant 3 : i32
      %mul3A_512 = vector.broadcast %mul3A_511 : i32 to vector<16xi32>
      %mul3A_513 = arith.muli %get3A_441, %mul3A_512 : vector<16xi32>
      %get3A_514 = arith.index_cast %mul3A_439 : i32 to index
      %get3A_515 = tpu.vector_load %arg16[%get3A_514] {strides = array<i32>} : memref<400xf32, #tpu.memory_space<vmem>>, vector<16xf32>,
      %mul3A_516 = arith.mulf %mul3A_510, %get3A_515 : vector<16xf32>
      %swap3A_517 = arith.index_cast %mul3A_439 : i32 to index
      %swap3A_518 = tpu.vector_load %arg19[%swap3A_517] {strides = array<i32>} : memref<1200xf32, #tpu.memory_space<vmem>>, vector<16xf32>,
      tpu.vector_store %arg19[%swap3A_517], %mul3A_516 {strides = array<i32>} : memref<1200xf32, #tpu.memory_space<vmem>>, vector<16xf32>,
      %get3A_519 = arith.index_cast %mul3A_439 : i32 to index
      %get3A_520 = tpu.vector_load %arg17[%get3A_519] {strides = array<i32>} : memref<400xf32, #tpu.memory_space<vmem>>, vector<16xf32>,
      %mul3A_521 = arith.mulf %mul3A_510, %get3A_520 : vector<16xf32>
      %add3A_522 = arith.constant 400 : i32
      %add3A_523 = arith.addi %add3A_522, %mul3A_439 : i32
      %swap3A_524 = arith.index_cast %add3A_523 : i32 to index
      %swap3A_525 = tpu.vector_load %arg19[%swap3A_524] {strides = array<i32>} : memref<1200xf32, #tpu.memory_space<vmem>>, vector<16xf32>,
      tpu.vector_store %arg19[%swap3A_524], %mul3A_521 {strides = array<i32>} : memref<1200xf32, #tpu.memory_space<vmem>>, vector<16xf32>,
      %get3A_526 = arith.index_cast %mul3A_439 : i32 to index
      %get3A_527 = tpu.vector_load %arg18[%get3A_526] {strides = array<i32>} : memref<400xf32, #tpu.memory_space<vmem>>, vector<16xf32>,
      %mul3A_528 = arith.mulf %mul3A_510, %get3A_527 : vector<16xf32>
      %add3A_529 = arith.constant 800 : i32
      %add3A_530 = arith.addi %add3A_529, %mul3A_439 : i32
      %swap3A_531 = arith.index_cast %add3A_530 : i32 to index
      %swap3A_532 = tpu.vector_load %arg19[%swap3A_531] {strides = array<i32>} : memref<1200xf32, #tpu.memory_space<vmem>>, vector<16xf32>,
      tpu.vector_store %arg19[%swap3A_531], %mul3A_528 {strides = array<i32>} : memref<1200xf32, #tpu.memory_space<vmem>>, vector<16xf32>,
      %swap3A_533 = arith.index_cast %mul3A_439 : i32 to index
      %swap3A_534 = tpu.vector_load %arg20[%swap3A_533] {strides = array<i32>} : memref<1200xi32, #tpu.memory_space<vmem>>, vector<16xi32>,
      tpu.vector_store %arg20[%swap3A_533], %mul3A_513 {strides = array<i32>} : memref<1200xi32, #tpu.memory_space<vmem>>, vector<16xi32>,
      %add3A_535 = arith.constant 1 : i32
      %add3A_536 = vector.broadcast %add3A_535 : i32 to vector<16xi32>
      %add3A_537 = arith.addi %mul3A_513, %add3A_536 : vector<16xi32>
      %add3A_538 = arith.constant 400 : i32
      %add3A_539 = arith.addi %add3A_538, %mul3A_439 : i32
      %swap3A_540 = arith.index_cast %add3A_539 : i32 to index
      %swap3A_541 = tpu.vector_load %arg20[%swap3A_540] {strides = array<i32>} : memref<1200xi32, #tpu.memory_space<vmem>>, vector<16xi32>,
      tpu.vector_store %arg20[%swap3A_540], %add3A_537 {strides = array<i32>} : memref<1200xi32, #tpu.memory_space<vmem>>, vector<16xi32>,
      %add3A_542 = arith.constant 2 : i32
      %add3A_543 = vector.broadcast %add3A_542 : i32 to vector<16xi32>
      %add3A_544 = arith.addi %mul3A_513, %add3A_543 : vector<16xi32>
      %add3A_545 = arith.constant 800 : i32
      %add3A_546 = arith.addi %add3A_545, %mul3A_439 : i32
      %swap3A_547 = arith.index_cast %add3A_546 : i32 to index
      %swap3A_548 = tpu.vector_load %arg20[%swap3A_547] {strides = array<i32>} : memref<1200xi32, #tpu.memory_space<vmem>>, vector<16xi32>,
      tpu.vector_store %arg20[%swap3A_547], %add3A_544 {strides = array<i32>} : memref<1200xi32, #tpu.memory_space<vmem>>, vector<16xi32>,
      %scan3A_549 = arith.constant 0 : i32
      %scan3A_550 = arith.constant 3 : i32
      %scan3A_551 = arith.addi %scan3A_208, %scan3A_550 : i32
      %mul3A_552 = arith.constant 16 : i32
      %mul3A_553 = arith.muli %scan3A_551, %mul3A_552 : i32
      %get3A_554 = arith.index_cast %mul3A_553 : i32 to index
      %get3A_555 = tpu.vector_load %arg13[%get3A_554] {strides = array<i32>} : memref<400xi32, #tpu.memory_space<vmem>>, vector<16xi32>,
      %get3A_556 = arith.index_cast %mul3A_553 : i32 to index
      %get3A_557 = tpu.vector_load %arg14[%get3A_556] {strides = array<i32>} : memref<400xi32, #tpu.memory_space<vmem>>, vector<16xi32>,
      %get3A_558 = arith.index_cast %mul3A_553 : i32 to index
      %get3A_559 = tpu.vector_load %arg15[%get3A_558] {strides = array<i32>} : memref<400xf32, #tpu.memory_space<vmem>>, vector<16xf32>,
      %gather3A_560 = tpu.vector_load_idx %arg11[%get3A_557] : memref<50000xf32, #tpu.memory_space<vmem>>[vector<16xi32>], vector<16xf32>,
      %gather3A_561 = tpu.vector_load_idx %arg12[%get3A_555] : memref<50000xf32, #tpu.memory_space<vmem>>[vector<16xi32>], vector<16xf32>,
      %gather3A_562 = tpu.vector_load_idx %arg12[%get3A_557] : memref<50000xf32, #tpu.memory_space<vmem>>[vector<16xi32>], vector<16xf32>,
      %mul3A_563 = arith.mulf %gather3A_561, %gather3A_562 : vector<16xf32>
      %bitcast3A_564 = vector.bitcast %mul3A_563 : vector<16xf32> to vector<16xi32>
      %shift_right_logical3A_565 = arith.constant 1 : i32
      %shift_right_logical3A_566 = vector.broadcast %shift_right_logical3A_565 : i32 to vector<16xi32>
      %shift_right_logical3A_567 = arith.shrui %bitcast3A_564, %shift_right_logical3A_566 : vector<16xi32>
      %sub3A_568 = arith.constant 1597463007 : i32
      %sub3A_569 = vector.broadcast %sub3A_568 : i32 to vector<16xi32>
      %sub3A_570 = arith.subi %sub3A_569, %shift_right_logical3A_567 : vector<16xi32>
      %bitcast3A_571 = vector.bitcast %sub3A_570 : vector<16xi32> to vector<16xf32>
      %mul3A_572 = arith.constant 5.000000e-01 : f32
      %mul3A_573 = vector.broadcast %mul3A_572 : f32 to vector<16xf32>
      %mul3A_574 = arith.mulf %mul3A_563, %mul3A_573 : vector<16xf32>
      %mul3A_575 = arith.mulf %mul3A_574, %bitcast3A_571 : vector<16xf32>
      %mul3A_576 = arith.mulf %mul3A_575, %bitcast3A_571 : vector<16xf32>
      %sub3A_577 = arith.constant 1.500000e+00 : f32
      %sub3A_578 = vector.broadcast %sub3A_577 : f32 to vector<16xf32>
      %sub3A_579 = arith.subf %sub3A_578, %mul3A_576 : vector<16xf32>
      %mul3A_580 = arith.mulf %bitcast3A_571, %sub3A_579 : vector<16xf32>
      %mul3A_581 = arith.mulf %mul3A_574, %mul3A_580 : vector<16xf32>
      %mul3A_582 = arith.mulf %mul3A_581, %mul3A_580 : vector<16xf32>
      %sub3A_583 = arith.constant 1.500000e+00 : f32
      %sub3A_584 = vector.broadcast %sub3A_583 : f32 to vector<16xf32>
      %sub3A_585 = arith.subf %sub3A_584, %mul3A_582 : vector<16xf32>
      %mul3A_586 = arith.mulf %mul3A_580, %sub3A_585 : vector<16xf32>
      %mul3A_587 = arith.mulf %mul3A_563, %mul3A_586 : vector<16xf32>
      %mul3A_588 = arith.mulf %get3A_559, %get3A_559 : vector<16xf32>
      %mul3A_589 = arith.mulf %mul3A_588, %get3A_559 : vector<16xf32>
      %div3A_590 = vector.broadcast %scan3A_78 : f32 to vector<16xf32>
      %div3A_591 = arith.divf %div3A_590, %mul3A_589 : vector<16xf32>
      %mul3A_592 = arith.mulf %mul3A_587, %div3A_591 : vector<16xf32>
      %bitcast3A_593 = vector.bitcast %mul3A_592 : vector<16xf32> to vector<16xi32>
      %shift_right_logical3A_594 = arith.constant 1 : i32
      %shift_right_logical3A_595 = vector.broadcast %shift_right_logical3A_594 : i32 to vector<16xi32>
      %shift_right_logical3A_596 = arith.shrui %bitcast3A_593, %shift_right_logical3A_595 : vector<16xi32>
      %sub3A_597 = arith.constant 1597463007 : i32
      %sub3A_598 = vector.broadcast %sub3A_597 : i32 to vector<16xi32>
      %sub3A_599 = arith.subi %sub3A_598, %shift_right_logical3A_596 : vector<16xi32>
      %bitcast3A_600 = vector.bitcast %sub3A_599 : vector<16xi32> to vector<16xf32>
      %mul3A_601 = arith.constant 5.000000e-01 : f32
      %mul3A_602 = vector.broadcast %mul3A_601 : f32 to vector<16xf32>
      %mul3A_603 = arith.mulf %mul3A_592, %mul3A_602 : vector<16xf32>
      %mul3A_604 = arith.mulf %mul3A_603, %bitcast3A_600 : vector<16xf32>
      %mul3A_605 = arith.mulf %mul3A_604, %bitcast3A_600 : vector<16xf32>
      %sub3A_606 = arith.constant 1.500000e+00 : f32
      %sub3A_607 = vector.broadcast %sub3A_606 : f32 to vector<16xf32>
      %sub3A_608 = arith.subf %sub3A_607, %mul3A_605 : vector<16xf32>
      %mul3A_609 = arith.mulf %bitcast3A_600, %sub3A_608 : vector<16xf32>
      %mul3A_610 = arith.mulf %mul3A_603, %mul3A_609 : vector<16xf32>
      %mul3A_611 = arith.mulf %mul3A_610, %mul3A_609 : vector<16xf32>
      %sub3A_612 = arith.constant 1.500000e+00 : f32
      %sub3A_613 = vector.broadcast %sub3A_612 : f32 to vector<16xf32>
      %sub3A_614 = arith.subf %sub3A_613, %mul3A_611 : vector<16xf32>
      %mul3A_615 = arith.mulf %mul3A_609, %sub3A_614 : vector<16xf32>
      %mul3A_616 = vector.broadcast %scan3A_79 : f32 to vector<16xf32>
      %mul3A_617 = arith.mulf %mul3A_616, %mul3A_615 : vector<16xf32>
      %exp3A_618 = math.exp %mul3A_617 : vector<16xf32>
      %sub3A_619 = vector.broadcast %scan3A_78 : f32 to vector<16xf32>
      %sub3A_620 = arith.subf %sub3A_619, %exp3A_618 : vector<16xf32>
      %mul3A_621 = vector.broadcast %scan3A_80 : f32 to vector<16xf32>
      %mul3A_622 = arith.mulf %mul3A_621, %gather3A_560 : vector<16xf32>
      %mul3A_623 = arith.mulf %mul3A_622, %sub3A_620 : vector<16xf32>
      %mul3A_624 = arith.mulf %mul3A_623, %div3A_591 : vector<16xf32>
      %mul3A_625 = arith.constant 3 : i32
      %mul3A_626 = vector.broadcast %mul3A_625 : i32 to vector<16xi32>
      %mul3A_627 = arith.muli %get3A_555, %mul3A_626 : vector<16xi32>
      %get3A_628 = arith.index_cast %mul3A_553 : i32 to index
      %get3A_629 = tpu.vector_load %arg16[%get3A_628] {strides = array<i32>} : memref<400xf32, #tpu.memory_space<vmem>>, vector<16xf32>,
      %mul3A_630 = arith.mulf %mul3A_624, %get3A_629 : vector<16xf32>
      %swap3A_631 = arith.index_cast %mul3A_553 : i32 to index
      %swap3A_632 = tpu.vector_load %arg19[%swap3A_631] {strides = array<i32>} : memref<1200xf32, #tpu.memory_space<vmem>>, vector<16xf32>,
      tpu.vector_store %arg19[%swap3A_631], %mul3A_630 {strides = array<i32>} : memref<1200xf32, #tpu.memory_space<vmem>>, vector<16xf32>,
      %get3A_633 = arith.index_cast %mul3A_553 : i32 to index
      %get3A_634 = tpu.vector_load %arg17[%get3A_633] {strides = array<i32>} : memref<400xf32, #tpu.memory_space<vmem>>, vector<16xf32>,
      %mul3A_635 = arith.mulf %mul3A_624, %get3A_634 : vector<16xf32>
      %add3A_636 = arith.constant 400 : i32
      %add3A_637 = arith.addi %add3A_636, %mul3A_553 : i32
      %swap3A_638 = arith.index_cast %add3A_637 : i32 to index
      %swap3A_639 = tpu.vector_load %arg19[%swap3A_638] {strides = array<i32>} : memref<1200xf32, #tpu.memory_space<vmem>>, vector<16xf32>,
      tpu.vector_store %arg19[%swap3A_638], %mul3A_635 {strides = array<i32>} : memref<1200xf32, #tpu.memory_space<vmem>>, vector<16xf32>,
      %get3A_640 = arith.index_cast %mul3A_553 : i32 to index
      %get3A_641 = tpu.vector_load %arg18[%get3A_640] {strides = array<i32>} : memref<400xf32, #tpu.memory_space<vmem>>, vector<16xf32>,
      %mul3A_642 = arith.mulf %mul3A_624, %get3A_641 : vector<16xf32>
      %add3A_643 = arith.constant 800 : i32
      %add3A_644 = arith.addi %add3A_643, %mul3A_553 : i32
      %swap3A_645 = arith.index_cast %add3A_644 : i32 to index
      %swap3A_646 = tpu.vector_load %arg19[%swap3A_645] {strides = array<i32>} : memref<1200xf32, #tpu.memory_space<vmem>>, vector<16xf32>,
      tpu.vector_store %arg19[%swap3A_645], %mul3A_642 {strides = array<i32>} : memref<1200xf32, #tpu.memory_space<vmem>>, vector<16xf32>,
      %swap3A_647 = arith.index_cast %mul3A_553 : i32 to index
      %swap3A_648 = tpu.vector_load %arg20[%swap3A_647] {strides = array<i32>} : memref<1200xi32, #tpu.memory_space<vmem>>, vector<16xi32>,
      tpu.vector_store %arg20[%swap3A_647], %mul3A_627 {strides = array<i32>} : memref<1200xi32, #tpu.memory_space<vmem>>, vector<16xi32>,
      %add3A_649 = arith.constant 1 : i32
      %add3A_650 = vector.broadcast %add3A_649 : i32 to vector<16xi32>
      %add3A_651 = arith.addi %mul3A_627, %add3A_650 : vector<16xi32>
      %add3A_652 = arith.constant 400 : i32
      %add3A_653 = arith.addi %add3A_652, %mul3A_553 : i32
      %swap3A_654 = arith.index_cast %add3A_653 : i32 to index
      %swap3A_655 = tpu.vector_load %arg20[%swap3A_654] {strides = array<i32>} : memref<1200xi32, #tpu.memory_space<vmem>>, vector<16xi32>,
      tpu.vector_store %arg20[%swap3A_654], %add3A_651 {strides = array<i32>} : memref<1200xi32, #tpu.memory_space<vmem>>, vector<16xi32>,
      %add3A_656 = arith.constant 2 : i32
      %add3A_657 = vector.broadcast %add3A_656 : i32 to vector<16xi32>
      %add3A_658 = arith.addi %mul3A_627, %add3A_657 : vector<16xi32>
      %add3A_659 = arith.constant 800 : i32
      %add3A_660 = arith.addi %add3A_659, %mul3A_553 : i32
      %swap3A_661 = arith.index_cast %add3A_660 : i32 to index
      %swap3A_662 = tpu.vector_load %arg20[%swap3A_661] {strides = array<i32>} : memref<1200xi32, #tpu.memory_space<vmem>>, vector<16xi32>,
      tpu.vector_store %arg20[%swap3A_661], %add3A_658 {strides = array<i32>} : memref<1200xi32, #tpu.memory_space<vmem>>, vector<16xi32>,
      %scan3A_663 = arith.constant 0 : i32
      %scan3A_664 = arith.constant 4 : i32
      %scan3A_665 = arith.addi %scan3A_208, %scan3A_664 : i32
      %mul3A_666 = arith.constant 16 : i32
      %mul3A_667 = arith.muli %scan3A_665, %mul3A_666 : i32
      %get3A_668 = arith.index_cast %mul3A_667 : i32 to index
      %get3A_669 = tpu.vector_load %arg13[%get3A_668] {strides = array<i32>} : memref<400xi32, #tpu.memory_space<vmem>>, vector<16xi32>,
      %get3A_670 = arith.index_cast %mul3A_667 : i32 to index
      %get3A_671 = tpu.vector_load %arg14[%get3A_670] {strides = array<i32>} : memref<400xi32, #tpu.memory_space<vmem>>, vector<16xi32>,
      %get3A_672 = arith.index_cast %mul3A_667 : i32 to index
      %get3A_673 = tpu.vector_load %arg15[%get3A_672] {strides = array<i32>} : memref<400xf32, #tpu.memory_space<vmem>>, vector<16xf32>,
      %gather3A_674 = tpu.vector_load_idx %arg11[%get3A_671] : memref<50000xf32, #tpu.memory_space<vmem>>[vector<16xi32>], vector<16xf32>,
      %gather3A_675 = tpu.vector_load_idx %arg12[%get3A_669] : memref<50000xf32, #tpu.memory_space<vmem>>[vector<16xi32>], vector<16xf32>,
      %gather3A_676 = tpu.vector_load_idx %arg12[%get3A_671] : memref<50000xf32, #tpu.memory_space<vmem>>[vector<16xi32>], vector<16xf32>,
      %mul3A_677 = arith.mulf %gather3A_675, %gather3A_676 : vector<16xf32>
      %bitcast3A_678 = vector.bitcast %mul3A_677 : vector<16xf32> to vector<16xi32>
      %shift_right_logical3A_679 = arith.constant 1 : i32
      %shift_right_logical3A_680 = vector.broadcast %shift_right_logical3A_679 : i32 to vector<16xi32>
      %shift_right_logical3A_681 = arith.shrui %bitcast3A_678, %shift_right_logical3A_680 : vector<16xi32>
      %sub3A_682 = arith.constant 1597463007 : i32
      %sub3A_683 = vector.broadcast %sub3A_682 : i32 to vector<16xi32>
      %sub3A_684 = arith.subi %sub3A_683, %shift_right_logical3A_681 : vector<16xi32>
      %bitcast3A_685 = vector.bitcast %sub3A_684 : vector<16xi32> to vector<16xf32>
      %mul3A_686 = arith.constant 5.000000e-01 : f32
      %mul3A_687 = vector.broadcast %mul3A_686 : f32 to vector<16xf32>
      %mul3A_688 = arith.mulf %mul3A_677, %mul3A_687 : vector<16xf32>
      %mul3A_689 = arith.mulf %mul3A_688, %bitcast3A_685 : vector<16xf32>
      %mul3A_690 = arith.mulf %mul3A_689, %bitcast3A_685 : vector<16xf32>
      %sub3A_691 = arith.constant 1.500000e+00 : f32
      %sub3A_692 = vector.broadcast %sub3A_691 : f32 to vector<16xf32>
      %sub3A_693 = arith.subf %sub3A_692, %mul3A_690 : vector<16xf32>
      %mul3A_694 = arith.mulf %bitcast3A_685, %sub3A_693 : vector<16xf32>
      %mul3A_695 = arith.mulf %mul3A_688, %mul3A_694 : vector<16xf32>
      %mul3A_696 = arith.mulf %mul3A_695, %mul3A_694 : vector<16xf32>
      %sub3A_697 = arith.constant 1.500000e+00 : f32
      %sub3A_698 = vector.broadcast %sub3A_697 : f32 to vector<16xf32>
      %sub3A_699 = arith.subf %sub3A_698, %mul3A_696 : vector<16xf32>
      %mul3A_700 = arith.mulf %mul3A_694, %sub3A_699 : vector<16xf32>
      %mul3A_701 = arith.mulf %mul3A_677, %mul3A_700 : vector<16xf32>
      %mul3A_702 = arith.mulf %get3A_673, %get3A_673 : vector<16xf32>
      %mul3A_703 = arith.mulf %mul3A_702, %get3A_673 : vector<16xf32>
      %div3A_704 = vector.broadcast %scan3A_78 : f32 to vector<16xf32>
      %div3A_705 = arith.divf %div3A_704, %mul3A_703 : vector<16xf32>
      %mul3A_706 = arith.mulf %mul3A_701, %div3A_705 : vector<16xf32>
      %bitcast3A_707 = vector.bitcast %mul3A_706 : vector<16xf32> to vector<16xi32>
      %shift_right_logical3A_708 = arith.constant 1 : i32
      %shift_right_logical3A_709 = vector.broadcast %shift_right_logical3A_708 : i32 to vector<16xi32>
      %shift_right_logical3A_710 = arith.shrui %bitcast3A_707, %shift_right_logical3A_709 : vector<16xi32>
      %sub3A_711 = arith.constant 1597463007 : i32
      %sub3A_712 = vector.broadcast %sub3A_711 : i32 to vector<16xi32>
      %sub3A_713 = arith.subi %sub3A_712, %shift_right_logical3A_710 : vector<16xi32>
      %bitcast3A_714 = vector.bitcast %sub3A_713 : vector<16xi32> to vector<16xf32>
      %mul3A_715 = arith.constant 5.000000e-01 : f32
      %mul3A_716 = vector.broadcast %mul3A_715 : f32 to vector<16xf32>
      %mul3A_717 = arith.mulf %mul3A_706, %mul3A_716 : vector<16xf32>
      %mul3A_718 = arith.mulf %mul3A_717, %bitcast3A_714 : vector<16xf32>
      %mul3A_719 = arith.mulf %mul3A_718, %bitcast3A_714 : vector<16xf32>
      %sub3A_720 = arith.constant 1.500000e+00 : f32
      %sub3A_721 = vector.broadcast %sub3A_720 : f32 to vector<16xf32>
      %sub3A_722 = arith.subf %sub3A_721, %mul3A_719 : vector<16xf32>
      %mul3A_723 = arith.mulf %bitcast3A_714, %sub3A_722 : vector<16xf32>
      %mul3A_724 = arith.mulf %mul3A_717, %mul3A_723 : vector<16xf32>
      %mul3A_725 = arith.mulf %mul3A_724, %mul3A_723 : vector<16xf32>
      %sub3A_726 = arith.constant 1.500000e+00 : f32
      %sub3A_727 = vector.broadcast %sub3A_726 : f32 to vector<16xf32>
      %sub3A_728 = arith.subf %sub3A_727, %mul3A_725 : vector<16xf32>
      %mul3A_729 = arith.mulf %mul3A_723, %sub3A_728 : vector<16xf32>
      %mul3A_730 = vector.broadcast %scan3A_79 : f32 to vector<16xf32>
      %mul3A_731 = arith.mulf %mul3A_730, %mul3A_729 : vector<16xf32>
      %exp3A_732 = math.exp %mul3A_731 : vector<16xf32>
      %sub3A_733 = vector.broadcast %scan3A_78 : f32 to vector<16xf32>
      %sub3A_734 = arith.subf %sub3A_733, %exp3A_732 : vector<16xf32>
      %mul3A_735 = vector.broadcast %scan3A_80 : f32 to vector<16xf32>
      %mul3A_736 = arith.mulf %mul3A_735, %gather3A_674 : vector<16xf32>
      %mul3A_737 = arith.mulf %mul3A_736, %sub3A_734 : vector<16xf32>
      %mul3A_738 = arith.mulf %mul3A_737, %div3A_705 : vector<16xf32>
      %mul3A_739 = arith.constant 3 : i32
      %mul3A_740 = vector.broadcast %mul3A_739 : i32 to vector<16xi32>
      %mul3A_741 = arith.muli %get3A_669, %mul3A_740 : vector<16xi32>
      %get3A_742 = arith.index_cast %mul3A_667 : i32 to index
      %get3A_743 = tpu.vector_load %arg16[%get3A_742] {strides = array<i32>} : memref<400xf32, #tpu.memory_space<vmem>>, vector<16xf32>,
      %mul3A_744 = arith.mulf %mul3A_738, %get3A_743 : vector<16xf32>
      %swap3A_745 = arith.index_cast %mul3A_667 : i32 to index
      %swap3A_746 = tpu.vector_load %arg19[%swap3A_745] {strides = array<i32>} : memref<1200xf32, #tpu.memory_space<vmem>>, vector<16xf32>,
      tpu.vector_store %arg19[%swap3A_745], %mul3A_744 {strides = array<i32>} : memref<1200xf32, #tpu.memory_space<vmem>>, vector<16xf32>,
      %get3A_747 = arith.index_cast %mul3A_667 : i32 to index
      %get3A_748 = tpu.vector_load %arg17[%get3A_747] {strides = array<i32>} : memref<400xf32, #tpu.memory_space<vmem>>, vector<16xf32>,
      %mul3A_749 = arith.mulf %mul3A_738, %get3A_748 : vector<16xf32>
      %add3A_750 = arith.constant 400 : i32
      %add3A_751 = arith.addi %add3A_750, %mul3A_667 : i32
      %swap3A_752 = arith.index_cast %add3A_751 : i32 to index
      %swap3A_753 = tpu.vector_load %arg19[%swap3A_752] {strides = array<i32>} : memref<1200xf32, #tpu.memory_space<vmem>>, vector<16xf32>,
      tpu.vector_store %arg19[%swap3A_752], %mul3A_749 {strides = array<i32>} : memref<1200xf32, #tpu.memory_space<vmem>>, vector<16xf32>,
      %get3A_754 = arith.index_cast %mul3A_667 : i32 to index
      %get3A_755 = tpu.vector_load %arg18[%get3A_754] {strides = array<i32>} : memref<400xf32, #tpu.memory_space<vmem>>, vector<16xf32>,
      %mul3A_756 = arith.mulf %mul3A_738, %get3A_755 : vector<16xf32>
      %add3A_757 = arith.constant 800 : i32
      %add3A_758 = arith.addi %add3A_757, %mul3A_667 : i32
      %swap3A_759 = arith.index_cast %add3A_758 : i32 to index
      %swap3A_760 = tpu.vector_load %arg19[%swap3A_759] {strides = array<i32>} : memref<1200xf32, #tpu.memory_space<vmem>>, vector<16xf32>,
      tpu.vector_store %arg19[%swap3A_759], %mul3A_756 {strides = array<i32>} : memref<1200xf32, #tpu.memory_space<vmem>>, vector<16xf32>,
      %swap3A_761 = arith.index_cast %mul3A_667 : i32 to index
      %swap3A_762 = tpu.vector_load %arg20[%swap3A_761] {strides = array<i32>} : memref<1200xi32, #tpu.memory_space<vmem>>, vector<16xi32>,
      tpu.vector_store %arg20[%swap3A_761], %mul3A_741 {strides = array<i32>} : memref<1200xi32, #tpu.memory_space<vmem>>, vector<16xi32>,
      %add3A_763 = arith.constant 1 : i32
      %add3A_764 = vector.broadcast %add3A_763 : i32 to vector<16xi32>
      %add3A_765 = arith.addi %mul3A_741, %add3A_764 : vector<16xi32>
      %add3A_766 = arith.constant 400 : i32
      %add3A_767 = arith.addi %add3A_766, %mul3A_667 : i32
      %swap3A_768 = arith.index_cast %add3A_767 : i32 to index
      %swap3A_769 = tpu.vector_load %arg20[%swap3A_768] {strides = array<i32>} : memref<1200xi32, #tpu.memory_space<vmem>>, vector<16xi32>,
      tpu.vector_store %arg20[%swap3A_768], %add3A_765 {strides = array<i32>} : memref<1200xi32, #tpu.memory_space<vmem>>, vector<16xi32>,
      %add3A_770 = arith.constant 2 : i32
      %add3A_771 = vector.broadcast %add3A_770 : i32 to vector<16xi32>
      %add3A_772 = arith.addi %mul3A_741, %add3A_771 : vector<16xi32>
      %add3A_773 = arith.constant 800 : i32
      %add3A_774 = arith.addi %add3A_773, %mul3A_667 : i32
      %swap3A_775 = arith.index_cast %add3A_774 : i32 to index
      %swap3A_776 = tpu.vector_load %arg20[%swap3A_775] {strides = array<i32>} : memref<1200xi32, #tpu.memory_space<vmem>>, vector<16xi32>,
      tpu.vector_store %arg20[%swap3A_775], %add3A_772 {strides = array<i32>} : memref<1200xi32, #tpu.memory_space<vmem>>, vector<16xi32>,
      %scan3A_777 = arith.constant 0 : i32
      %scan3A_778 = arith.constant 5 : i32
      %scan3A_779 = arith.addi %scan3A_208, %scan3A_778 : i32
      %mul3A_780 = arith.constant 16 : i32
      %mul3A_781 = arith.muli %scan3A_779, %mul3A_780 : i32
      %get3A_782 = arith.index_cast %mul3A_781 : i32 to index
      %get3A_783 = tpu.vector_load %arg13[%get3A_782] {strides = array<i32>} : memref<400xi32, #tpu.memory_space<vmem>>, vector<16xi32>,
      %get3A_784 = arith.index_cast %mul3A_781 : i32 to index
      %get3A_785 = tpu.vector_load %arg14[%get3A_784] {strides = array<i32>} : memref<400xi32, #tpu.memory_space<vmem>>, vector<16xi32>,
      %get3A_786 = arith.index_cast %mul3A_781 : i32 to index
      %get3A_787 = tpu.vector_load %arg15[%get3A_786] {strides = array<i32>} : memref<400xf32, #tpu.memory_space<vmem>>, vector<16xf32>,
      %gather3A_788 = tpu.vector_load_idx %arg11[%get3A_785] : memref<50000xf32, #tpu.memory_space<vmem>>[vector<16xi32>], vector<16xf32>,
      %gather3A_789 = tpu.vector_load_idx %arg12[%get3A_783] : memref<50000xf32, #tpu.memory_space<vmem>>[vector<16xi32>], vector<16xf32>,
      %gather3A_790 = tpu.vector_load_idx %arg12[%get3A_785] : memref<50000xf32, #tpu.memory_space<vmem>>[vector<16xi32>], vector<16xf32>,
      %mul3A_791 = arith.mulf %gather3A_789, %gather3A_790 : vector<16xf32>
      %bitcast3A_792 = vector.bitcast %mul3A_791 : vector<16xf32> to vector<16xi32>
      %shift_right_logical3A_793 = arith.constant 1 : i32
      %shift_right_logical3A_794 = vector.broadcast %shift_right_logical3A_793 : i32 to vector<16xi32>
      %shift_right_logical3A_795 = arith.shrui %bitcast3A_792, %shift_right_logical3A_794 : vector<16xi32>
      %sub3A_796 = arith.constant 1597463007 : i32
      %sub3A_797 = vector.broadcast %sub3A_796 : i32 to vector<16xi32>
      %sub3A_798 = arith.subi %sub3A_797, %shift_right_logical3A_795 : vector<16xi32>
      %bitcast3A_799 = vector.bitcast %sub3A_798 : vector<16xi32> to vector<16xf32>
      %mul3A_800 = arith.constant 5.000000e-01 : f32
      %mul3A_801 = vector.broadcast %mul3A_800 : f32 to vector<16xf32>
      %mul3A_802 = arith.mulf %mul3A_791, %mul3A_801 : vector<16xf32>
      %mul3A_803 = arith.mulf %mul3A_802, %bitcast3A_799 : vector<16xf32>
      %mul3A_804 = arith.mulf %mul3A_803, %bitcast3A_799 : vector<16xf32>
      %sub3A_805 = arith.constant 1.500000e+00 : f32
      %sub3A_806 = vector.broadcast %sub3A_805 : f32 to vector<16xf32>
      %sub3A_807 = arith.subf %sub3A_806, %mul3A_804 : vector<16xf32>
      %mul3A_808 = arith.mulf %bitcast3A_799, %sub3A_807 : vector<16xf32>
      %mul3A_809 = arith.mulf %mul3A_802, %mul3A_808 : vector<16xf32>
      %mul3A_810 = arith.mulf %mul3A_809, %mul3A_808 : vector<16xf32>
      %sub3A_811 = arith.constant 1.500000e+00 : f32
      %sub3A_812 = vector.broadcast %sub3A_811 : f32 to vector<16xf32>
      %sub3A_813 = arith.subf %sub3A_812, %mul3A_810 : vector<16xf32>
      %mul3A_814 = arith.mulf %mul3A_808, %sub3A_813 : vector<16xf32>
      %mul3A_815 = arith.mulf %mul3A_791, %mul3A_814 : vector<16xf32>
      %mul3A_816 = arith.mulf %get3A_787, %get3A_787 : vector<16xf32>
      %mul3A_817 = arith.mulf %mul3A_816, %get3A_787 : vector<16xf32>
      %div3A_818 = vector.broadcast %scan3A_78 : f32 to vector<16xf32>
      %div3A_819 = arith.divf %div3A_818, %mul3A_817 : vector<16xf32>
      %mul3A_820 = arith.mulf %mul3A_815, %div3A_819 : vector<16xf32>
      %bitcast3A_821 = vector.bitcast %mul3A_820 : vector<16xf32> to vector<16xi32>
      %shift_right_logical3A_822 = arith.constant 1 : i32
      %shift_right_logical3A_823 = vector.broadcast %shift_right_logical3A_822 : i32 to vector<16xi32>
      %shift_right_logical3A_824 = arith.shrui %bitcast3A_821, %shift_right_logical3A_823 : vector<16xi32>
      %sub3A_825 = arith.constant 1597463007 : i32
      %sub3A_826 = vector.broadcast %sub3A_825 : i32 to vector<16xi32>
      %sub3A_827 = arith.subi %sub3A_826, %shift_right_logical3A_824 : vector<16xi32>
      %bitcast3A_828 = vector.bitcast %sub3A_827 : vector<16xi32> to vector<16xf32>
      %mul3A_829 = arith.constant 5.000000e-01 : f32
      %mul3A_830 = vector.broadcast %mul3A_829 : f32 to vector<16xf32>
      %mul3A_831 = arith.mulf %mul3A_820, %mul3A_830 : vector<16xf32>
      %mul3A_832 = arith.mulf %mul3A_831, %bitcast3A_828 : vector<16xf32>
      %mul3A_833 = arith.mulf %mul3A_832, %bitcast3A_828 : vector<16xf32>
      %sub3A_834 = arith.constant 1.500000e+00 : f32
      %sub3A_835 = vector.broadcast %sub3A_834 : f32 to vector<16xf32>
      %sub3A_836 = arith.subf %sub3A_835, %mul3A_833 : vector<16xf32>
      %mul3A_837 = arith.mulf %bitcast3A_828, %sub3A_836 : vector<16xf32>
      %mul3A_838 = arith.mulf %mul3A_831, %mul3A_837 : vector<16xf32>
      %mul3A_839 = arith.mulf %mul3A_838, %mul3A_837 : vector<16xf32>
      %sub3A_840 = arith.constant 1.500000e+00 : f32
      %sub3A_841 = vector.broadcast %sub3A_840 : f32 to vector<16xf32>
      %sub3A_842 = arith.subf %sub3A_841, %mul3A_839 : vector<16xf32>
      %mul3A_843 = arith.mulf %mul3A_837, %sub3A_842 : vector<16xf32>
      %mul3A_844 = vector.broadcast %scan3A_79 : f32 to vector<16xf32>
      %mul3A_845 = arith.mulf %mul3A_844, %mul3A_843 : vector<16xf32>
      %exp3A_846 = math.exp %mul3A_845 : vector<16xf32>
      %sub3A_847 = vector.broadcast %scan3A_78 : f32 to vector<16xf32>
      %sub3A_848 = arith.subf %sub3A_847, %exp3A_846 : vector<16xf32>
      %mul3A_849 = vector.broadcast %scan3A_80 : f32 to vector<16xf32>
      %mul3A_850 = arith.mulf %mul3A_849, %gather3A_788 : vector<16xf32>
      %mul3A_851 = arith.mulf %mul3A_850, %sub3A_848 : vector<16xf32>
      %mul3A_852 = arith.mulf %mul3A_851, %div3A_819 : vector<16xf32>
      %mul3A_853 = arith.constant 3 : i32
      %mul3A_854 = vector.broadcast %mul3A_853 : i32 to vector<16xi32>
      %mul3A_855 = arith.muli %get3A_783, %mul3A_854 : vector<16xi32>
      %get3A_856 = arith.index_cast %mul3A_781 : i32 to index
      %get3A_857 = tpu.vector_load %arg16[%get3A_856] {strides = array<i32>} : memref<400xf32, #tpu.memory_space<vmem>>, vector<16xf32>,
      %mul3A_858 = arith.mulf %mul3A_852, %get3A_857 : vector<16xf32>
      %swap3A_859 = arith.index_cast %mul3A_781 : i32 to index
      %swap3A_860 = tpu.vector_load %arg19[%swap3A_859] {strides = array<i32>} : memref<1200xf32, #tpu.memory_space<vmem>>, vector<16xf32>,
      tpu.vector_store %arg19[%swap3A_859], %mul3A_858 {strides = array<i32>} : memref<1200xf32, #tpu.memory_space<vmem>>, vector<16xf32>,
      %get3A_861 = arith.index_cast %mul3A_781 : i32 to index
      %get3A_862 = tpu.vector_load %arg17[%get3A_861] {strides = array<i32>} : memref<400xf32, #tpu.memory_space<vmem>>, vector<16xf32>,
      %mul3A_863 = arith.mulf %mul3A_852, %get3A_862 : vector<16xf32>
      %add3A_864 = arith.constant 400 : i32
      %add3A_865 = arith.addi %add3A_864, %mul3A_781 : i32
      %swap3A_866 = arith.index_cast %add3A_865 : i32 to index
      %swap3A_867 = tpu.vector_load %arg19[%swap3A_866] {strides = array<i32>} : memref<1200xf32, #tpu.memory_space<vmem>>, vector<16xf32>,
      tpu.vector_store %arg19[%swap3A_866], %mul3A_863 {strides = array<i32>} : memref<1200xf32, #tpu.memory_space<vmem>>, vector<16xf32>,
      %get3A_868 = arith.index_cast %mul3A_781 : i32 to index
      %get3A_869 = tpu.vector_load %arg18[%get3A_868] {strides = array<i32>} : memref<400xf32, #tpu.memory_space<vmem>>, vector<16xf32>,
      %mul3A_870 = arith.mulf %mul3A_852, %get3A_869 : vector<16xf32>
      %add3A_871 = arith.constant 800 : i32
      %add3A_872 = arith.addi %add3A_871, %mul3A_781 : i32
      %swap3A_873 = arith.index_cast %add3A_872 : i32 to index
      %swap3A_874 = tpu.vector_load %arg19[%swap3A_873] {strides = array<i32>} : memref<1200xf32, #tpu.memory_space<vmem>>, vector<16xf32>,
      tpu.vector_store %arg19[%swap3A_873], %mul3A_870 {strides = array<i32>} : memref<1200xf32, #tpu.memory_space<vmem>>, vector<16xf32>,
      %swap3A_875 = arith.index_cast %mul3A_781 : i32 to index
      %swap3A_876 = tpu.vector_load %arg20[%swap3A_875] {strides = array<i32>} : memref<1200xi32, #tpu.memory_space<vmem>>, vector<16xi32>,
      tpu.vector_store %arg20[%swap3A_875], %mul3A_855 {strides = array<i32>} : memref<1200xi32, #tpu.memory_space<vmem>>, vector<16xi32>,
      %add3A_877 = arith.constant 1 : i32
      %add3A_878 = vector.broadcast %add3A_877 : i32 to vector<16xi32>
      %add3A_879 = arith.addi %mul3A_855, %add3A_878 : vector<16xi32>
      %add3A_880 = arith.constant 400 : i32
      %add3A_881 = arith.addi %add3A_880, %mul3A_781 : i32
      %swap3A_882 = arith.index_cast %add3A_881 : i32 to index
      %swap3A_883 = tpu.vector_load %arg20[%swap3A_882] {strides = array<i32>} : memref<1200xi32, #tpu.memory_space<vmem>>, vector<16xi32>,
      tpu.vector_store %arg20[%swap3A_882], %add3A_879 {strides = array<i32>} : memref<1200xi32, #tpu.memory_space<vmem>>, vector<16xi32>,
      %add3A_884 = arith.constant 2 : i32
      %add3A_885 = vector.broadcast %add3A_884 : i32 to vector<16xi32>
      %add3A_886 = arith.addi %mul3A_855, %add3A_885 : vector<16xi32>
      %add3A_887 = arith.constant 800 : i32
      %add3A_888 = arith.addi %add3A_887, %mul3A_781 : i32
      %swap3A_889 = arith.index_cast %add3A_888 : i32 to index
      %swap3A_890 = tpu.vector_load %arg20[%swap3A_889] {strides = array<i32>} : memref<1200xi32, #tpu.memory_space<vmem>>, vector<16xi32>,
      tpu.vector_store %arg20[%swap3A_889], %add3A_886 {strides = array<i32>} : memref<1200xi32, #tpu.memory_space<vmem>>, vector<16xi32>,
      %scan3A_891 = arith.constant 0 : i32
      scf.yield %scan3A_891 : i32
    }
    %scan3A_87 = arith.constant 24 : i32
    %scan3A_88 = arith.addi %scan3A_82, %scan3A_87 : i32
    %mul3A_89 = arith.constant 16 : i32
    %mul3A_90 = arith.muli %scan3A_88, %mul3A_89 : i32
    %get3A = arith.index_cast %mul3A_90 : i32 to index
    %get3A_91 = tpu.vector_load %arg13[%get3A] {strides = array<i32>} : memref<400xi32, #tpu.memory_space<vmem>>, vector<16xi32>,
    %get3A_92 = arith.index_cast %mul3A_90 : i32 to index
    %get3A_93 = tpu.vector_load %arg14[%get3A_92] {strides = array<i32>} : memref<400xi32, #tpu.memory_space<vmem>>, vector<16xi32>,
    %get3A_94 = arith.index_cast %mul3A_90 : i32 to index
    %get3A_95 = tpu.vector_load %arg15[%get3A_94] {strides = array<i32>} : memref<400xf32, #tpu.memory_space<vmem>>, vector<16xf32>,
    %gather3A = tpu.vector_load_idx %arg11[%get3A_93] : memref<50000xf32, #tpu.memory_space<vmem>>[vector<16xi32>], vector<16xf32>,
    %gather3A_96 = tpu.vector_load_idx %arg12[%get3A_91] : memref<50000xf32, #tpu.memory_space<vmem>>[vector<16xi32>], vector<16xf32>,
    %gather3A_97 = tpu.vector_load_idx %arg12[%get3A_93] : memref<50000xf32, #tpu.memory_space<vmem>>[vector<16xi32>], vector<16xf32>,
    %mul3A_98 = arith.mulf %gather3A_96, %gather3A_97 : vector<16xf32>
    %bitcast3A = vector.bitcast %mul3A_98 : vector<16xf32> to vector<16xi32>
    %shift_right_logical3A = arith.constant 1 : i32
    %shift_right_logical3A_99 = vector.broadcast %shift_right_logical3A : i32 to vector<16xi32>
    %shift_right_logical3A_100 = arith.shrui %bitcast3A, %shift_right_logical3A_99 : vector<16xi32>
    %sub3A = arith.constant 1597463007 : i32
    %sub3A_101 = vector.broadcast %sub3A : i32 to vector<16xi32>
    %sub3A_102 = arith.subi %sub3A_101, %shift_right_logical3A_100 : vector<16xi32>
    %bitcast3A_103 = vector.bitcast %sub3A_102 : vector<16xi32> to vector<16xf32>
    %mul3A_104 = arith.constant 5.000000e-01 : f32
    %mul3A_105 = vector.broadcast %mul3A_104 : f32 to vector<16xf32>
    %mul3A_106 = arith.mulf %mul3A_98, %mul3A_105 : vector<16xf32>
    %mul3A_107 = arith.mulf %mul3A_106, %bitcast3A_103 : vector<16xf32>
    %mul3A_108 = arith.mulf %mul3A_107, %bitcast3A_103 : vector<16xf32>
    %sub3A_109 = arith.constant 1.500000e+00 : f32
    %sub3A_110 = vector.broadcast %sub3A_109 : f32 to vector<16xf32>
    %sub3A_111 = arith.subf %sub3A_110, %mul3A_108 : vector<16xf32>
    %mul3A_112 = arith.mulf %bitcast3A_103, %sub3A_111 : vector<16xf32>
    %mul3A_113 = arith.mulf %mul3A_106, %mul3A_112 : vector<16xf32>
    %mul3A_114 = arith.mulf %mul3A_113, %mul3A_112 : vector<16xf32>
    %sub3A_115 = arith.constant 1.500000e+00 : f32
    %sub3A_116 = vector.broadcast %sub3A_115 : f32 to vector<16xf32>
    %sub3A_117 = arith.subf %sub3A_116, %mul3A_114 : vector<16xf32>
    %mul3A_118 = arith.mulf %mul3A_112, %sub3A_117 : vector<16xf32>
    %mul3A_119 = arith.mulf %mul3A_98, %mul3A_118 : vector<16xf32>
    %mul3A_120 = arith.mulf %get3A_95, %get3A_95 : vector<16xf32>
    %mul3A_121 = arith.mulf %mul3A_120, %get3A_95 : vector<16xf32>
    %div3A = vector.broadcast %scan3A_78 : f32 to vector<16xf32>
    %div3A_122 = arith.divf %div3A, %mul3A_121 : vector<16xf32>
    %mul3A_123 = arith.mulf %mul3A_119, %div3A_122 : vector<16xf32>
    %bitcast3A_124 = vector.bitcast %mul3A_123 : vector<16xf32> to vector<16xi32>
    %shift_right_logical3A_125 = arith.constant 1 : i32
    %shift_right_logical3A_126 = vector.broadcast %shift_right_logical3A_125 : i32 to vector<16xi32>
    %shift_right_logical3A_127 = arith.shrui %bitcast3A_124, %shift_right_logical3A_126 : vector<16xi32>
    %sub3A_128 = arith.constant 1597463007 : i32
    %sub3A_129 = vector.broadcast %sub3A_128 : i32 to vector<16xi32>
    %sub3A_130 = arith.subi %sub3A_129, %shift_right_logical3A_127 : vector<16xi32>
    %bitcast3A_131 = vector.bitcast %sub3A_130 : vector<16xi32> to vector<16xf32>
    %mul3A_132 = arith.constant 5.000000e-01 : f32
    %mul3A_133 = vector.broadcast %mul3A_132 : f32 to vector<16xf32>
    %mul3A_134 = arith.mulf %mul3A_123, %mul3A_133 : vector<16xf32>
    %mul3A_135 = arith.mulf %mul3A_134, %bitcast3A_131 : vector<16xf32>
    %mul3A_136 = arith.mulf %mul3A_135, %bitcast3A_131 : vector<16xf32>
    %sub3A_137 = arith.constant 1.500000e+00 : f32
    %sub3A_138 = vector.broadcast %sub3A_137 : f32 to vector<16xf32>
    %sub3A_139 = arith.subf %sub3A_138, %mul3A_136 : vector<16xf32>
    %mul3A_140 = arith.mulf %bitcast3A_131, %sub3A_139 : vector<16xf32>
    %mul3A_141 = arith.mulf %mul3A_134, %mul3A_140 : vector<16xf32>
    %mul3A_142 = arith.mulf %mul3A_141, %mul3A_140 : vector<16xf32>
    %sub3A_143 = arith.constant 1.500000e+00 : f32
    %sub3A_144 = vector.broadcast %sub3A_143 : f32 to vector<16xf32>
    %sub3A_145 = arith.subf %sub3A_144, %mul3A_142 : vector<16xf32>
    %mul3A_146 = arith.mulf %mul3A_140, %sub3A_145 : vector<16xf32>
    %mul3A_147 = vector.broadcast %scan3A_79 : f32 to vector<16xf32>
    %mul3A_148 = arith.mulf %mul3A_147, %mul3A_146 : vector<16xf32>
    %exp3A = math.exp %mul3A_148 : vector<16xf32>
    %sub3A_149 = vector.broadcast %scan3A_78 : f32 to vector<16xf32>
    %sub3A_150 = arith.subf %sub3A_149, %exp3A : vector<16xf32>
    %mul3A_151 = vector.broadcast %scan3A_80 : f32 to vector<16xf32>
    %mul3A_152 = arith.mulf %mul3A_151, %gather3A : vector<16xf32>
    %mul3A_153 = arith.mulf %mul3A_152, %sub3A_150 : vector<16xf32>
    %mul3A_154 = arith.mulf %mul3A_153, %div3A_122 : vector<16xf32>
    %mul3A_155 = arith.constant 3 : i32
    %mul3A_156 = vector.broadcast %mul3A_155 : i32 to vector<16xi32>
    %mul3A_157 = arith.muli %get3A_91, %mul3A_156 : vector<16xi32>
    %get3A_158 = arith.index_cast %mul3A_90 : i32 to index
    %get3A_159 = tpu.vector_load %arg16[%get3A_158] {strides = array<i32>} : memref<400xf32, #tpu.memory_space<vmem>>, vector<16xf32>,
    %mul3A_160 = arith.mulf %mul3A_154, %get3A_159 : vector<16xf32>
    %swap3A = arith.index_cast %mul3A_90 : i32 to index
    %swap3A_161 = tpu.vector_load %arg19[%swap3A] {strides = array<i32>} : memref<1200xf32, #tpu.memory_space<vmem>>, vector<16xf32>,
    tpu.vector_store %arg19[%swap3A], %mul3A_160 {strides = array<i32>} : memref<1200xf32, #tpu.memory_space<vmem>>, vector<16xf32>,
    %get3A_162 = arith.index_cast %mul3A_90 : i32 to index
    %get3A_163 = tpu.vector_load %arg17[%get3A_162] {strides = array<i32>} : memref<400xf32, #tpu.memory_space<vmem>>, vector<16xf32>,
    %mul3A_164 = arith.mulf %mul3A_154, %get3A_163 : vector<16xf32>
    %add3A_165 = arith.constant 400 : i32
    %add3A_166 = arith.addi %add3A_165, %mul3A_90 : i32
    %swap3A_167 = arith.index_cast %add3A_166 : i32 to index
    %swap3A_168 = tpu.vector_load %arg19[%swap3A_167] {strides = array<i32>} : memref<1200xf32, #tpu.memory_space<vmem>>, vector<16xf32>,
    tpu.vector_store %arg19[%swap3A_167], %mul3A_164 {strides = array<i32>} : memref<1200xf32, #tpu.memory_space<vmem>>, vector<16xf32>,
    %get3A_169 = arith.index_cast %mul3A_90 : i32 to index
    %get3A_170 = tpu.vector_load %arg18[%get3A_169] {strides = array<i32>} : memref<400xf32, #tpu.memory_space<vmem>>, vector<16xf32>,
    %mul3A_171 = arith.mulf %mul3A_154, %get3A_170 : vector<16xf32>
    %add3A_172 = arith.constant 800 : i32
    %add3A_173 = arith.addi %add3A_172, %mul3A_90 : i32
    %swap3A_174 = arith.index_cast %add3A_173 : i32 to index
    %swap3A_175 = tpu.vector_load %arg19[%swap3A_174] {strides = array<i32>} : memref<1200xf32, #tpu.memory_space<vmem>>, vector<16xf32>,
    tpu.vector_store %arg19[%swap3A_174], %mul3A_171 {strides = array<i32>} : memref<1200xf32, #tpu.memory_space<vmem>>, vector<16xf32>,
    %swap3A_176 = arith.index_cast %mul3A_90 : i32 to index
    %swap3A_177 = tpu.vector_load %arg20[%swap3A_176] {strides = array<i32>} : memref<1200xi32, #tpu.memory_space<vmem>>, vector<16xi32>,
    tpu.vector_store %arg20[%swap3A_176], %mul3A_157 {strides = array<i32>} : memref<1200xi32, #tpu.memory_space<vmem>>, vector<16xi32>,
    %add3A_178 = arith.constant 1 : i32
    %add3A_179 = vector.broadcast %add3A_178 : i32 to vector<16xi32>
    %add3A_180 = arith.addi %mul3A_157, %add3A_179 : vector<16xi32>
    %add3A_181 = arith.constant 400 : i32
    %add3A_182 = arith.addi %add3A_181, %mul3A_90 : i32
    %swap3A_183 = arith.index_cast %add3A_182 : i32 to index
    %swap3A_184 = tpu.vector_load %arg20[%swap3A_183] {strides = array<i32>} : memref<1200xi32, #tpu.memory_space<vmem>>, vector<16xi32>,
    tpu.vector_store %arg20[%swap3A_183], %add3A_180 {strides = array<i32>} : memref<1200xi32, #tpu.memory_space<vmem>>, vector<16xi32>,
    %add3A_185 = arith.constant 2 : i32
    %add3A_186 = vector.broadcast %add3A_185 : i32 to vector<16xi32>
    %add3A_187 = arith.addi %mul3A_157, %add3A_186 : vector<16xi32>
    %add3A_188 = arith.constant 800 : i32
    %add3A_189 = arith.addi %add3A_188, %mul3A_90 : i32
    %swap3A_190 = arith.index_cast %add3A_189 : i32 to index
    %swap3A_191 = tpu.vector_load %arg20[%swap3A_190] {strides = array<i32>} : memref<1200xi32, #tpu.memory_space<vmem>>, vector<16xi32>,
    tpu.vector_store %arg20[%swap3A_190], %add3A_187 {strides = array<i32>} : memref<1200xi32, #tpu.memory_space<vmem>>, vector<16xi32>,
    %scan3A_192 = arith.constant 0 : i32
    %scan3A_193 = arith.constant 25 : i32
    %dma_start3A_194 = arith.constant 0 : i32
    %dma_start3A_195 = tpu.memref_slice %arg30[%dma_start3A_194] : memref<150016xf32, #tpu.memory_space<vmem_shared>> -> memref<150016xf32, #tpu.memory_space<vmem_shared>>
    tpu.enqueue_indirect_dma source(%arg19 : memref<1200xf32, #tpu.memory_space<vmem>>) target(%dma_start3A_195 : memref<150016xf32, #tpu.memory_space<vmem_shared>>) offsets(%arg20 : memref<1200xi32, #tpu.memory_space<vmem>>) semaphore(%arg32 : memref<!tpu.dma_semaphore, #tpu.memory_space<semaphore_mem>>) {add = true}
    %dma_wait3A_196 = arith.constant 0 : i32
    %dma_wait3A_197 = tpu.memref_slice %arg30[%dma_wait3A_196] : memref<150016xf32, #tpu.memory_space<vmem_shared>> -> memref<150016xf32, #tpu.memory_space<vmem_shared>>
    tpu.wait_indirect_dma semaphore(%arg34 : memref<!tpu.dma_semaphore, #tpu.memory_space<semaphore_mem>>) src(%arg27 : memref<1200xf32, #tpu.memory_space<vmem>>) dst(%dma_wait3A_197 : memref<150016xf32, #tpu.memory_space<vmem_shared>>)
    %dma_wait3A_198 = arith.constant 0 : i32
    %dma_wait3A_199 = tpu.memref_slice %arg30[%dma_wait3A_198] : memref<150016xf32, #tpu.memory_space<vmem_shared>> -> memref<150016xf32, #tpu.memory_space<vmem_shared>>
    tpu.wait_indirect_dma semaphore(%arg32 : memref<!tpu.dma_semaphore, #tpu.memory_space<semaphore_mem>>) src(%arg19 : memref<1200xf32, #tpu.memory_space<vmem>>) dst(%dma_wait3A_199 : memref<150016xf32, #tpu.memory_space<vmem_shared>>)
    %barrier3A_200 = arith.constant 0 : index
    tpu.barrier barrier_id(%barrier3A_200)
    %mul3A_201 = arith.constant 9376 : i32
    %mul3A_202 = arith.muli %arg1, %mul3A_201 : i32
    %mul3A_203 = arith.constant 150016 : i32
    %mul3A_204 = arith.muli %arg0, %mul3A_203 : i32
    %mul3A_205 = arith.constant 9376 : i32
    %mul3A_206 = arith.muli %arg1, %mul3A_205 : i32
    %add3A_207 = arith.addi %mul3A_204, %mul3A_206 : i32
    "tpu.region"() ({
      %run_scoped3A = tpu.sem_alloc : memref<!tpu.dma_semaphore, #tpu.memory_space<semaphore_mem>>
      %dma_start3A_208 = tpu.memref_slice %arg10[%add3A_207] : memref<300032xf32, #tpu.memory_space<hbm>> -> memref<9376xf32, #tpu.memory_space<hbm>>
      %dma_start3A_209 = tpu.memref_slice %arg30[%mul3A_202] : memref<150016xf32, #tpu.memory_space<vmem_shared>> -> memref<9376xf32, #tpu.memory_space<vmem_shared>>
      tpu.enqueue_dma source(%dma_start3A_209 : memref<9376xf32, #tpu.memory_space<vmem_shared>>) target(%dma_start3A_208 : memref<9376xf32, #tpu.memory_space<hbm>>) target_semaphore(%run_scoped3A : memref<!tpu.dma_semaphore, #tpu.memory_space<semaphore_mem>>)
      %dma_wait3A_210 = tpu.memref_slice %arg10[%add3A_207] : memref<300032xf32, #tpu.memory_space<hbm>> -> memref<9376xf32, #tpu.memory_space<hbm>>
      %dma_wait3A_211 = tpu.memref_slice %arg30[%mul3A_202] : memref<150016xf32, #tpu.memory_space<vmem_shared>> -> memref<9376xf32, #tpu.memory_space<vmem_shared>>
      tpu.wait_dma2 semaphore(%run_scoped3A : memref<!tpu.dma_semaphore, #tpu.memory_space<semaphore_mem>>) src(%dma_wait3A_211 : memref<9376xf32, #tpu.memory_space<vmem_shared>>) dst(%dma_wait3A_210 : memref<9376xf32, #tpu.memory_space<hbm>>)
      tpu.yield
    }) : () -> ()
    return
  }
}

module attributes {stable_mosaic.version = 14 : i64} {
  func.func @_add_body(%arg0: memref<300032xf32, #tpu.memory_space<vmem>>, %arg1: memref<150016xf32, #tpu.memory_space<vmem>>) attributes {dimension_semantics = [], scalar_prefetch = 0 : i64, scratch_operands = 0 : i64, tpu.core_type = #tpu.core_type<tc>} {
    %get3A = arith.constant 0 : index
    %get3A_0 = vector.load %arg0[%get3A] : memref<300032xf32, #tpu.memory_space<vmem>>, vector<150016xf32>
    %get3A_1 = arith.constant 150016 : index
    %get3A_2 = vector.load %arg0[%get3A_1] : memref<300032xf32, #tpu.memory_space<vmem>>, vector<150016xf32>
    %add3A = arith.addf %get3A_0, %get3A_2 : vector<150016xf32>
    %swap3A = arith.constant 0 : index
    %swap3A_3 = vector.load %arg1[%swap3A] : memref<150016xf32, #tpu.memory_space<vmem>>, vector<150016xf32>
    tpu.vector_store %arg1[%swap3A], %add3A {strides = array<i32>} : memref<150016xf32, #tpu.memory_space<vmem>>, vector<150016xf32>,
    return
  }
}

</mosaic_0001>

<sc_bundles>
// kernel: kernel.4.cloned.1.call-start
scs
__scs_entry_jumppad:
0x0: {  	(pc) =	sbr.rel $0x88, $3  }
0x1: {  	(tag) =	ssettag $0x0;
	lr =	simm.s32 $0x1  }
0x2: {  	[smem:$0x3F9B] =	sst lr;
	_ =	strace $0xD0000000  }
0x3: {  	_ = 	snop  }
0x4: {  	_ = 	snop  }
0x5: {  	_ = 	snop  }
0x6: {  	_ = 	snop  }
0x7: {  	_ = 	snop  }
__scs_overlays_trampoline_lowered:
0x8: {  	[smem:$0x3FAA] =	sst s0  }
0x9: {  	[smem:$0x3FAB] =	sst s1  }
0xa: {  	[smem:$0x3FAC] =	sst s2  }
0xb: {  	[smem:$0x3FAD] =	sst s3  }
0xc: {  	[smem:$0x3FAE] =	sst s4  }
0xd: {  	[smem:$0x3FAF] =	sst s5  }
0xe: {  	[smem:$0x3FB0] =	sst s6  }
0xf: {  	[smem:$0x3FB1] =	sst s7  }
0x10: {  	[smem:$0x3FB2] =	sst s8  }
0x11: {  	[smem:$0x3FB3] =	sst s9;
	s0 =	simm.s32 @!p0 $0x0  }
0x12: {  	s1 =	sld [smem:$0x3F99];
	s0 =	simm.s32 @p0 $0x1  }
0x13: {  	[smem:$0x3FB4] =	sst s0;
	s0 =	simm.s32 @!p1 $0x0  }
0x14: {  	s2 =	sld [smem:$0x3F98];
	s0 =	simm.s32 @p1 $0x1  }
0x15: {  	[smem:$0x3FB5] =	sst s0;
	s0 =	simm.s32 @!p2 $0x0  }
0x16: {  	s3 =	sld [smem:$0x3FDB];
	s0 =	simm.s32 @p2 $0x1  }
0x17: {  	s4 =	simm.s32 $0x1BF5;
	[smem:$0x3FB7] =	sst s0  }
0x18: {  	s0 =	sld [smem:$0x3F9A];
	_ =	swait.ge [sflag:s4], $0x0  }
0x19: {  	s7 =	sld [smem:$0x3F9B]  }
0x1a: {  	s8 =	sadd.s32 $0xFFFFE003, lr  }
0x1b: {  	s9 =	sadd.s32 $0xFFFFFEF7, lr;
	s5 =	simm.s32 $0xFFFFFFFF;
	p2 =	slt.u32 s8, $0xFFFFF086  }
0x1c: {  	p1 =	slt.u32 s9, $0xF7A;
	s5 =	simm.s32 @!p2 $0x0  }
0x1d: {  	s5 =	simm.s32 @p1 $0x1;
	p0 =	seq.s32 s7, s2  }
0x1e: {  	s7 =	smul.u32 @!p0 $0xF7A, s2;
	p2 =	seq.s32 @!p0 s5, $0x0  }
0x1f: {  	s9 =	smul.u32 $0xF7A, s1;
	s8 =	simm.s32 @!p0 $0x1BF5;
	p2 =	por !p2, p0  }
0x20: {  	[sflag:s8] =	ssyncset.s32 @!p0 $0xFFFFF086;
	s6 =	sadd.s32 @!p0 s3, s7;
	s7 =	simm.s32 @!p0 $0x108  }
0x21: {  	s3 =	sadd.s32 s3, s9;
	s6 =	sadd.s32 @!p0 $0x88, s6;
	s7 =	simm.s32 @p2 $0x1082  }
0x22: {  	[simem:s7], [sflag:s8] =	dma.local @!p0 [hbm:s6], $0xF7A  }
0x23: {  	s9 =	sor.u32 $0xD0000000, s2;
	s6 =	simm.s32 $0x108;
	_ =	swait.ge @!p0 [sflag:s8], $0x0  }
0x24: {  	s3 =	sadd.s32 $0x88, s3;
	s6 =	simm.s32 @!p1 $0x1082;
	[sflag:s4] =	ssyncset.s32 $0xFFFFF086  }
0x25: {  	[simem:s6], [sflag:s4] =	dma.local [hbm:s3], $0xF7A  }
0x26: {  	[smem:$0x3F9B] =	sst s1;
	(tag) =	ssettag s2;
	_ =	strace s9  }
0x27: {  	s1 =	sld [smem:$0x3FAB]  }
0x28: {  	s2 =	sld [smem:$0x3FAC]  }
0x29: {  	s4 =	sld [smem:$0x3FAE]  }
0x2a: {  	p0 =	seq.s32 s5, $0x0;
	s5 =	sld [smem:$0x3FAF]  }
0x2b: {  	s6 =	sld [smem:$0x3FB0]  }
0x2c: {  	s7 =	sld [smem:$0x3FB1]  }
0x2d: {  	s3 =	simm.s32 $0x108;
	s8 =	sld [smem:$0x3FB2]  }
0x2e: {  	s3 =	simm.s32 @!p0 $0x1082;
	s9 =	sld [smem:$0x3FB3]  }
0x2f: {  	lr =	sadd.s32 s0, s3;
	s0 =	sld [smem:$0x3FAA]  }
0x30: {  	s3 =	sld [smem:$0x3FAD]  }
0x31: {  	[smem:$0x3FB6] =	sst s10  }
0x32: {  	s10 =	sld [smem:$0x3FB4];
	_ =	sdelay $0x3  }
0x33: {  	p0 =	seq.s32 s10, $0x1;
	s10 =	sld [smem:$0x3FB6];
	_ =	sdelay $0x3  }
0x34: {  	[smem:$0x3FB6] =	sst s10  }
0x35: {  	s10 =	sld [smem:$0x3FB5];
	_ =	sdelay $0x3  }
0x36: {  	p1 =	seq.s32 s10, $0x1;
	s10 =	sld [smem:$0x3FB6];
	_ =	sdelay $0x3  }
0x37: {  	[smem:$0x3FB6] =	sst s10  }
0x38: {  	s10 =	sld [smem:$0x3FB7]  }
0x39: {  	_ = 	snop;
	(pc) =	sbr.ind lr, $3  }
0x3a: {  	_ = 	snop  }
0x3b: {  	_ = 	snop  }
0x3c: {  	p2 =	seq.s32 s10, $0x1;
	s10 =	sld [smem:$0x3FB6]  }
0x3d: {  	_ =	shalt  }
0x3e: {  	_ =	shalt  }
0x3f: {  	_ =	shalt  }
0x40: {  	_ =	shalt  }
0x41: {  	_ =	shalt  }
0x42: {  	_ =	shalt  }
0x43: {  	_ =	shalt  }
0x44: {  	_ =	shalt  }
0x45: {  	_ =	shalt  }
0x46: {  	_ =	shalt  }
0x47: {  	_ =	shalt  }
0x48: {  	_ =	shalt  }
0x49: {  	_ =	shalt  }
0x4a: {  	_ =	shalt  }
0x4b: {  	_ =	shalt  }
0x4c: {  	_ =	shalt  }
0x4d: {  	_ =	shalt  }
0x4e: {  	_ =	shalt  }
0x4f: {  	_ =	shalt  }
0x50: {  	_ =	shalt  }
0x51: {  	_ =	shalt  }
0x52: {  	_ =	shalt  }
0x53: {  	_ =	shalt  }
0x54: {  	_ =	shalt  }
0x55: {  	_ =	shalt  }
0x56: {  	_ =	shalt  }
0x57: {  	_ =	shalt  }
0x58: {  	_ =	shalt  }
0x59: {  	_ =	shalt  }
0x5a: {  	_ =	shalt  }
0x5b: {  	_ =	shalt  }
0x5c: {  	_ =	shalt  }
0x5d: {  	_ =	shalt  }
0x5e: {  	_ =	shalt  }
0x5f: {  	_ =	shalt  }
0x60: {  	_ =	shalt  }
0x61: {  	_ =	shalt  }
0x62: {  	_ =	shalt  }
0x63: {  	_ =	shalt  }
0x64: {  	_ =	shalt  }
0x65: {  	_ =	shalt  }
0x66: {  	_ =	shalt  }
0x67: {  	_ =	shalt  }
0x68: {  	_ =	shalt  }
0x69: {  	_ =	shalt  }
0x6a: {  	_ =	shalt  }
0x6b: {  	_ =	shalt  }
0x6c: {  	_ =	shalt  }
0x6d: {  	_ =	shalt  }
0x6e: {  	_ =	shalt  }
0x6f: {  	_ =	shalt  }
0x70: {  	_ =	shalt  }
0x71: {  	_ =	shalt  }
0x72: {  	_ =	shalt  }
0x73: {  	_ =	shalt  }
0x74: {  	_ =	shalt  }
0x75: {  	_ =	shalt  }
0x76: {  	_ =	shalt  }
0x77: {  	_ =	shalt  }
0x78: {  	_ =	shalt  }
0x79: {  	_ =	shalt  }
0x7a: {  	_ =	shalt  }
0x7b: {  	_ =	shalt  }
0x7c: {  	_ =	shalt  }
0x7d: {  	_ =	shalt  }
0x7e: {  	_ =	shalt  }
0x7f: {  	_ =	shalt  }
0x80: {  	_ =	shalt  }
0x81: {  	_ =	shalt  }
0x82: {  	_ =	shalt  }
0x83: {  	_ =	shalt  }
0x84: {  	_ =	shalt  }
0x85: {  	_ =	shalt  }
0x86: {  	_ =	shalt  }
0x87: {  	_ =	shalt  }
.Lfunc_end0:
.L_simem_size_0:
called_computation_lowered:
.L_overlay_start_0:
0x88: {  	s2 =	sld [smem:$0x3FD9]  }
0x89: {  	s3 =	sld [smem:$0x3FFE];
	_ =	sdelay $0x1  }
0x8a: {  	s1 =	srdreg.scid  }
0x8b: {  	s0 =	sand.u32 $0x1, s1  }
0x8c: {  	s17 =	sshll.u32 s0, $0xA;
	s2 =	sadd.s32 s3, s2  }
0x8d: {  	s2 =	sadd.s32 s2, s17  }
0x8e: {  	[smem:$0x3FC2] =	sst s2  }
0x8f: {  	_ = 	snop  }
0x90: {  	s2 =	sld [smem:$0x3FC9]  }
0x91: {  	s18 =	sld [smem:$0x3FC8]  }
0x92: {  	s4 =	sld [smem:$0x3FC7]  }
0x93: {  	s5 =	sld [smem:$0x3FC5]  }
0x94: {  	s6 =	sld [smem:$0x3FC4];
	(tm) =	ssettm $0x1  }
0x95: {  	s7 =	sld [smem:$0x3FFB];
	_ =	sdelay $0x3  }
0x96: {  	_ =	strace s7  }
0x97: {  	s7 =	sld [smem:$0x3FFC];
	_ =	sdelay $0x3  }
0x98: {  	_ =	strace s7  }
0x99: {  	s7 =	sld [smem:$0x3FFD];
	_ =	sdelay $0x3  }
0x9a: {  	_ =	strace s7  }
0x9b: {  	_ =	strace $0x8FFFFFFF  }
0x9c: {  	s19 =	sld [smem:$0x3FDB];
	_ =	sdelay $0x1  }
0x9d: {  	s8 =	simm.s32 $_scs_section_size  }
0x9e: {  	s9 =	simm.s32 $_size__tile_overlayer_lowered;
	s10 =	simm.s32 $_tile_overlayer_lowered  }
0x9f: {  	s22 =	simm.s32 $0x1BFF;
	s21 =	sshll.u32 s10, $0x1;
	s7 =	sadd.s32 s8, s19  }
0xa0: {  	s11 =	simm.s32 $0x0;
	s20 =	sshll.u32 s9, $0x1;
	s9 =	sadd.s32 s21, s7  }
0xa1: {  	[timem:s11], [sflag:s22] =	dma.local [hbm:s9], s20  }
0xa2: {  	_ =	swait.ge [sflag:s22], s20  }
0xa3: {  	s8 =	ssub.s32 $0x0, s20;
	[sflag:s22] =	ssyncset.done $0x0  }
0xa4: {  	[sflag:s22] =	ssyncadd.s32 s8;
	_ =	sdelay $0x1  }
0xa5: {  	s23 =	simm.s32 $0x1B8B  }
0xa6: {  	_ =	swait.ge [sflag:s23], $0x1  }
0xa7: {  	[sflag:s23] =	ssyncset.done $0x0  }
0xa8: {  	s25 =	simm.s32 $0x1B8E;
	s24 =	sld [smem:$0x3FFE];
	[sflag:s23] =	ssyncadd.s32 $0xFFFFFFFF  }
0xa9: {  	s26 =	simm.s32 $execute0_lowered;
	[smem:$0x3FD2] =	sst s25  }
0xaa: {  	s9 =	sshll.u32 s26, $0x1;
	_ =	strace $0x80000046;
	[dreg:$0x1] =	wrdreg $0xFFFFFFFF  }
0xab: {  	s28 =	simm.s32 $_size_execute0_lowered;
	s7 =	sadd.s32 s7, s9;
	[dreg:$0x0] =	wrdreg $0x0  }
0xac: {  	s9 =	sshll.u32 s28, $0x1;
	[dreg:$0x2] =	wrdreg s7  }
0xad: {  	[dreg:$0x3] =	wrdreg s9  }
0xae: {  	[dreg:$0x4] =	wrdreg $0xC0  }
0xaf: {  	_ =	task [dreg:s11], $0x5FFFF  }
0xb0: {  	[dreg:$0x1] =	wrdreg $0xFFFFFFFF  }
0xb1: {  	[dreg:$0x0] =	wrdreg $0x60  }
0xb2: {  	[dreg:$0x2] =	wrdreg s2  }
0xb3: {  	[dreg:$0x3] =	wrdreg s18  }
0xb4: {  	[dreg:$0x4] =	wrdreg s4  }
0xb5: {  	[dreg:$0x5] =	wrdreg s24  }
0xb6: {  	[dreg:$0x6] =	wrdreg s5  }
0xb7: {  	[dreg:$0x7] =	wrdreg s6  }
0xb8: {  	[dreg:$0x8] =	wrdreg $0x1B4200  }
0xb9: {  	[dreg:$0x9] =	wrdreg $0x9  }
0xba: {  	_ =	task.clear_ibuf [dreg:s11], $0xAFFFF;
	_ =	strace $0x90000046  }
0xbb: {  	s29 =	simm.s32 $0x9;
	_ =	strace $0x80000048  }
0xbc: {  	_ =	swait.ge [sflag:s29], $0x1  }
0xbd: {  	[sflag:s29] =	ssyncadd.s32 $0xFFFFFFFF  }
0xbe: {  	_ =	strace $0x90000048  }
0xbf: {  	_ =	sfence  }
0xc0: {  	s30 =	sld [smem:$0x0];
	_ =	sdelay $0x2  }
0xc1: {  	s31 =	sshll.u32 s1, $0xD;
	s1 =	sshrl.u32 s1, $0x2  }
0xc2: {  	s3 =	sand.u32 $0x4000, s31;
	s1 =	sadd.s32 s1, s30  }
0xc3: {  	s0 =	sor.u32 s3, s0;
	s1 =	sshll.u32 s1, $0x11  }
0xc4: {  	s0 =	sor.u32 s1, s0  }
0xc5: {  	s0 =	sadd.s32 $0x8F2B, s0  }
0xc6: {  	[sflag:s0] =	ssyncadd.remote.s32 $0x1  }
0xc7: {  	_ =	sfence.sel $0xFFFF  }
0xc8: {  	[dreg:$0x0] =	wrdreg $0xFFFFFFFF;
	(pc) =	sbr.abs _section_cstart, $3  }
0xc9: {  	[dreg:$0x1] =	wrdreg $0xFFFFFFFF  }
0xca: {  	_ =	task.clear_ibuf [dreg:s11], $0x2FFFF;
	_ =	strace $0x9FFFFFFF  }
0xcb: {  	(tm) =	ssettm $0x7FFFFFFF  }
tec
execute0_lowered:
.L_overlay_start_1:
0x0: {  	(tag) =	ssettag $0x1  }
0x1: {  	s0 =	rddreg [dreg:$0x0]  }
0x2: {  	s2 =	rddreg [dreg:$0x1]  }
0x3: {  	s3 =	rddreg [dreg:$0x2]  }
0x4: {  	s4 =	rddreg [dreg:$0x3]  }
0x5: {  	s8 =	rddreg [dreg:$0x6]  }
0x6: {  	s1 =	srdreg.scid;
	s7 =	stileid.u32;
	s9 =	simm.s32 $0x0  }
0x7: {  	s28 =	simm.s32 $0xC350;
	s31 =	simm.s32 $0x1;
	s29 =	simm.s32 $0x1A2C0  }
0x8: {  	s1 =	sand.u32 $0x1, s1;
	s5 =	smul.u32 $0x24A0, s7;
	[smem:$0x7FF] =	sst s9  }
0x9: {  	s10 =	sadd.s32 $0x61C00, s4;
	s11 =	sadd.s32 $0x30E00, s4;
	s7 =	sshll.u32 s7, $0x1  }
0xa: {  	s6 =	smul.u32 $0x24A00, s1;
	_ =	strace $0x80000047;
	s12 =	ssub.s32 $0x2, s1  }
0xb: {  	s1 =	sor.u32 s1, s7;
	s30 =	sshrl.u32 s12, $0x1;
	s17 =	sadd.s32 s5, s8  }
0xc: {  	s1 =	smul.u32 $0xC350, s1;
	s6 =	sadd.s32 s5, s6;
	s14 =	ssub.s32 s12, s30  }
0xd: {  	s15 =	sadd.s32 $0x800, s17;
	s16 =	sadd.s32 $0x1000, s17;
	[dreg:$0x8] =	wrdreg s17  }
0xe: {  	s18 =	sadd.s32 $0x1800, s17;
	s30 =	sadd.s32 $0x2000, s17;
	[dreg:$0x9] =	wrdreg s15  }
0xf: {  	s5 =	simm.s32 $0x18830;
	s12 =	simm.s32 $0x1A770;
	[dreg:$0xa] =	wrdreg s16  }
0x10: {  	s6 =	sshrl.u32 s6, $0x3;
	[dreg:$0xb] =	wrdreg s18;
	s19 =	sshrl.u32 s1, $0x3  }
0x11: {  	s26 =	smax.u32 s14, $0x1;
	[dreg:$0x14] =	wrdreg s30;
	s18 =	simm.s32 $0x5  }
0x12: {  	s14 =	simm.s32 $0x18E70;
	s20 =	sadd.s32 s0, s19;
	[dreg:$0x13] =	wrdreg s26  }
0x13: {  	s16 =	simm.s32 $0x0;
	s21 =	sadd.s32 s2, s19;
	[dreg:$0xc] =	wrdreg s20  }
0x14: {  	s13 =	sadd.s32 s6, s4;
	s22 =	sadd.s32 s3, s19;
	[dreg:$0xd] =	wrdreg s21  }
0x15: {  	s23 =	sadd.s32 s10, s19;
	s24 =	sadd.s32 s11, s19;
	[dreg:$0xe] =	wrdreg s22  }
0x16: {  	s7 =	sadd.s32 s4, s19;
	s6 =	simm.s32 $0x18B50;
	[dreg:$0xf] =	wrdreg s23  }
0x17: {  	s19 =	simm.s32 $0x19FA0;
	s26 =	simm.s32 $0x3;
	[dreg:$0x10] =	wrdreg s24  }
0x18: {  	[dreg:$0x11] =	wrdreg s7;
	s22 =	sadd.s32 $0x190, s1;
	s23 =	sadd.s32 $0x320, s1  }
0x19: {  	s25 =	sadd.s32 $0x92A00, s13;
	s1 =	simm.s32 $0x186A0;
	s7 =	simm.s32 $0x189C0  }
0x1a: {  	s13 =	simm.s32 $0x18CE0;
	s20 =	simm.s32 $0x1A130;
	s21 =	simm.s32 $0x4B0  }
0x1b: {  	v0 =	vimm.f32 $0.0e+00;
	s24 =	simm.s32 $0x194B0;
	[dreg:$0x12] =	wrdreg s25;
	s25 =	simm.s32 $0x19000  }
.LBB2_1:
0x1c: {  	[dreg:$0x15] =	wrdreg s16  }
0x1d: {  	s15 =	rddreg [dreg:$0x4]  }
0x1e: {  	[tilespmem:s9], [sflag:$0x1] =	stream.linear.gather [hbm4b:s15+s9], $0xC350, $0x38;
	[tilespmem:$0x1D8C0] =	vst v63  }
0x1f: {  	s30 =	rddreg [dreg:$0x5];
	s16 =	simm.s32 $0x0;
	s15 =	simm.s32 $0x40  }
0x20: {  	[tilespmem:s28], [sflag:$0x1] =	stream.linear.gather [hbm4b:s30+s9], $0xC350, $0x38;
	[tilespmem:$0x1D8C0] =	vst v63  }
.LBB2_2:
0x21: {  	p0 =	sne.s32 s15, $0x1FC0;
	[tilespmem:s16+$0x1AC20] =	vst v0;
	s16 =	smov.u32 s15;
	s15 =	sadd.s32 $0x40, s15  }
.Ltmp0:
0x22: {  	(pc) =	sbr.rel @p0 .LBB2_2-.Ltmp0, $2  }
0x23: {  	_ =	sdelay $0x2  }
0x24: {  	s16 =	sshra.s32 s16, $0x2  }
0x25: {  	[tilespmem:s16+$0x1AC20] =	vst v0;
	s16 =	simm.s32 $0x1AC20  }
0x26: {  	[spmem:s17] =	stream.linear.scatter [tilespmem:s16], [sflag:$0x5], $0x800, $0x38;
	[tilespmem:$0x1D8C0] =	vst v63  }
0x27: {  	_ =	swait.ge [sflag:s18], $0x800  }
0x28: {  	[sflag:s18] =	ssyncset.done $0x0  }
0x29: {  	s15 =	rddreg [dreg:$0x9];
	[sflag:s18] =	ssyncadd.s32 $0xFFFFF800  }
0x2a: {  	[spmem:s15] =	stream.linear.scatter [tilespmem:s16], [sflag:$0x5], $0x800, $0x38;
	[tilespmem:$0x1D8C0] =	vst v63  }
0x2b: {  	_ =	swait.ge [sflag:s18], $0x800  }
0x2c: {  	[sflag:s18] =	ssyncset.done $0x0  }
0x2d: {  	s17 =	rddreg [dreg:$0xa];
	[sflag:s18] =	ssyncadd.s32 $0xFFFFF800  }
0x2e: {  	[spmem:s17] =	stream.linear.scatter [tilespmem:s16], [sflag:$0x5], $0x800, $0x38;
	[tilespmem:$0x1D8C0] =	vst v63  }
0x2f: {  	_ =	swait.ge [sflag:s18], $0x800  }
0x30: {  	[sflag:s18] =	ssyncset.done $0x0  }
0x31: {  	s17 =	rddreg [dreg:$0xb];
	[sflag:s18] =	ssyncadd.s32 $0xFFFFF800  }
0x32: {  	[spmem:s17] =	stream.linear.scatter [tilespmem:s16], [sflag:$0x5], $0x800, $0x38;
	[tilespmem:$0x1D8C0] =	vst v63  }
0x33: {  	_ =	swait.ge [sflag:s18], $0x800  }
0x34: {  	[sflag:s18] =	ssyncset.done $0x0  }
0x35: {  	s17 =	rddreg [dreg:$0x14];
	[sflag:s18] =	ssyncadd.s32 $0xFFFFF800  }
0x36: {  	[spmem:s17] =	stream.linear.scatter [tilespmem:s16], [sflag:$0x5], $0x4A0, $0x38;
	[tilespmem:$0x1D8C0] =	vst v63  }
0x37: {  	_ =	swait.ge [sflag:s18], $0x4A0  }
0x38: {  	[sflag:s18] =	ssyncset.done $0x0  }
0x39: {  	[sflag:s18] =	ssyncadd.s32 $0xFFFFFB60  }
0x3a: {  	_ =	swait.ge [sflag:s31], $0xC350  }
0x3b: {  	[sflag:s31] =	ssyncset.done $0x0  }
0x3c: {  	[sflag:s31] =	ssyncadd.s32 $0xFFFF3CB0  }
0x3d: {  	_ =	swait.ge [sflag:s31], $0xC350  }
0x3e: {  	[sflag:s31] =	ssyncset.done $0x0  }
0x3f: {  	[sflag:s31] =	ssyncadd.s32 $0xFFFF3CB0  }
0x40: {  	[bflag:$0x0] =	sbarrier.arrive $0xFFFF  }
0x41: {  	s30 =	simm.s32 $0x0;
	s16 =	rddreg [dreg:$0xc]  }
0x42: {  	[tilespmem:s1], [sflag:$0x1] =	stream.linear.gather [hbm4b:s16+s30], $0x190, $0x38;
	[tilespmem:$0x1D8C0] =	vst v63  }
0x43: {  	s17 =	rddreg [dreg:$0xd]  }
0x44: {  	[tilespmem:s5], [sflag:$0x1] =	stream.linear.gather [hbm4b:s17+s30], $0x190, $0x38;
	[tilespmem:$0x1D8C0] =	vst v63  }
0x45: {  	s18 =	rddreg [dreg:$0xe]  }
0x46: {  	[tilespmem:s7], [sflag:$0x1] =	stream.linear.gather [hbm4b:s18+s30], $0x190, $0x38;
	[tilespmem:$0x1D8C0] =	vst v63  }
0x47: {  	s16 =	rddreg [dreg:$0xf]  }
0x48: {  	[tilespmem:s6], [sflag:$0x1] =	stream.linear.gather [hbm4b:s16+s30], $0x190, $0x38;
	[tilespmem:$0x1D8C0] =	vst v63  }
0x49: {  	s17 =	rddreg [dreg:$0x10]  }
0x4a: {  	[tilespmem:s13], [sflag:$0x1] =	stream.linear.gather [hbm4b:s17+s30], $0x190, $0x38;
	[tilespmem:$0x1D8C0] =	vst v63  }
0x4b: {  	s18 =	rddreg [dreg:$0x11]  }
0x4c: {  	[tilespmem:s14], [sflag:$0x1] =	stream.linear.gather [hbm4b:s18+s30], $0x190, $0x38;
	[tilespmem:$0x1D8C0] =	vst v63  }
.LBB2_4:
0x4d: {  	s15 =	smul.u32 $0x320, s30;
	_ =	sdelay $0x1  }
0x4e: {  	s16 =	sadd.s32 s15, s22  }
0x4f: {  	s16 =	sshrl.u32 s16, $0x3  }
0x50: {  	s18 =	simm.s32 $0x19960;
	s17 =	sadd.s32 s0, s16  }
0x51: {  	[tilespmem:s18], [sflag:$0x3] =	stream.linear.gather [hbm4b:s17+s9], $0x190, $0x38;
	[tilespmem:$0x1D8C0] =	vst v63  }
0x52: {  	s17 =	sadd.s32 s2, s16;
	s18 =	simm.s32 $0x19AF0  }
0x53: {  	[tilespmem:s18], [sflag:$0x3] =	stream.linear.gather [hbm4b:s17+s9], $0x190, $0x38;
	[tilespmem:$0x1D8C0] =	vst v63  }
0x54: {  	s17 =	sadd.s32 s3, s16;
	s18 =	simm.s32 $0x19C80  }
0x55: {  	[tilespmem:s18], [sflag:$0x3] =	stream.linear.gather [hbm4b:s17+s9], $0x190, $0x38;
	[tilespmem:$0x1D8C0] =	vst v63  }
0x56: {  	s17 =	sadd.s32 s10, s16;
	s18 =	simm.s32 $0x19E10  }
0x57: {  	[tilespmem:s18], [sflag:$0x3] =	stream.linear.gather [hbm4b:s17+s9], $0x190, $0x38;
	[tilespmem:$0x1D8C0] =	vst v63  }
0x58: {  	s18 =	sadd.s32 s11, s16  }
0x59: {  	[tilespmem:s19], [sflag:$0x3] =	stream.linear.gather [hbm4b:s18+s9], $0x190, $0x38;
	[tilespmem:$0x1D8C0] =	vst v63  }
0x5a: {  	s16 =	sadd.s32 s4, s16  }
0x5b: {  	[tilespmem:s20], [sflag:$0x3] =	stream.linear.gather [hbm4b:s16+s9], $0x190, $0x38;
	[tilespmem:$0x1D8C0] =	vst v63  }
0x5c: {  	_ =	swait.ge [sflag:s31], $0x190  }
0x5d: {  	[sflag:s31] =	ssyncset.done $0x0  }
0x5e: {  	[sflag:s31] =	ssyncadd.s32 $0xFFFFFE70  }
0x5f: {  	_ =	swait.ge [sflag:s31], $0x190  }
0x60: {  	[sflag:s31] =	ssyncset.done $0x0  }
0x61: {  	[sflag:s31] =	ssyncadd.s32 $0xFFFFFE70  }
0x62: {  	_ =	swait.ge [sflag:s31], $0x190  }
0x63: {  	[sflag:s31] =	ssyncset.done $0x0  }
0x64: {  	[sflag:s31] =	ssyncadd.s32 $0xFFFFFE70  }
0x65: {  	_ =	swait.ge [sflag:s31], $0x190  }
0x66: {  	[sflag:s31] =	ssyncset.done $0x0  }
0x67: {  	[sflag:s31] =	ssyncadd.s32 $0xFFFFFE70  }
0x68: {  	_ =	swait.ge [sflag:s31], $0x190  }
0x69: {  	[sflag:s31] =	ssyncset.done $0x0  }
0x6a: {  	[sflag:s31] =	ssyncadd.s32 $0xFFFFFE70  }
0x6b: {  	_ =	swait.ge [sflag:s31], $0x190  }
0x6c: {  	p0 =	seq.s32 s30, $0x0;
	[sflag:s31] =	ssyncset.done $0x0  }
0x6d: {  	s16 =	simm.s32 @!p0 $0x2;
	[sflag:s31] =	ssyncadd.s32 $0xFFFFFE70  }
0x6e: {  	_ =	swait.ge @!p0 [sflag:s16], $0x4B0  }
0x6f: {  	[sflag:s16] =	ssyncset.done @!p0 $0x0  }
0x70: {  	s17 =	simm.s32 $0x0;
	[sflag:s16] =	ssyncadd.s32 @!p0 $0xFFFFFB50;
	s16 =	simm.s32 $0xFFFFFFFA  }
.LBB2_5:
0x71: {  	s18 =	sshra.s32 s17, $0x2  }
0x72: {  	v1 =	vld [tilespmem:s18+$0x186A0]  }
0x73: {  	v2 =	vld [tilespmem:s18+$0x18830];
	_ =	sdelay $0x6  }
0x74: {  	v3 =	vld.idx.msk [tilespmem:v1+s28+$0x0], $0xffff  }
0x75: {  	v4 =	vld.idx.msk [tilespmem:v2+s28+$0x0], $0xffff;
	_ =	sdelay $0x4  }
0x76: {  	v3 =	vmul.f32 v4, v3;
	_ =	sdelay $0x1  }
0x77: {  	v4 =	vshrl.u32 v3, $0x1;
	v5 =	vmul.f32 $5.000000000e-01, v3  }
0x78: {  	v6 =	vld [tilespmem:s18+$0x189C0];
	v4 =	vsub.s32 $0x5F3759DF, v4  }
0x79: {  	v7 =	vmul.f32 v4, v5;
	_ =	sdelay $0x1  }
0x7a: {  	v7 =	vmul.f32 v4, v7;
	_ =	sdelay $0x1  }
0x7b: {  	v8 =	vmul.f32 v6, v6;
	v7 =	vsub.f32 $1.500000000e+00, v7;
	_ =	sdelay $0x1  }
0x7c: {  	v6 =	vmul.f32 v8, v6;
	v4 =	vmul.f32 v4, v7;
	_ =	sdelay $0x1  }
0x7d: {  	(erf) = vrcp.f32 v6;
	v5 =	vmul.f32 v4, v5;
	_ =	sdelay $0x1  }
0x7e: {  	v5 =	vmul.f32 v5, v4;
	_ =	sdelay $0x1  }
0x7f: {  	v5 =	vsub.f32 $1.500000000e+00, v5;
	_ =	sdelay $0x1  }
0x80: {  	v4 =	vmul.f32 v5, v4;
	_ =	sdelay $0x1  }
0x81: {  	v3 =	vmul.f32 v4, v3  }
0x82: {  	v19 =	vpop (erf)  }
0x83: {  	v3 =	vmul.f32 v3, v19;
	_ =	sdelay $0x1  }
0x84: {  	v20 =	vshrl.u32 v3, $0x1;
	v3 =	vmul.f32 $5.000000000e-01, v3  }
0x85: {  	v5 =	vsub.s32 $0x5F3759DF, v20  }
0x86: {  	v21 =	vmul.f32 v5, v3;
	_ =	sdelay $0x1  }
0x87: {  	v6 =	vmul.f32 v5, v21;
	_ =	sdelay $0x1  }
0x88: {  	v6 =	vsub.f32 $1.500000000e+00, v6;
	_ =	sdelay $0x1  }
0x89: {  	v5 =	vmul.f32 v5, v6;
	_ =	sdelay $0x1  }
0x8a: {  	v3 =	vmul.f32 v5, v3;
	_ =	sdelay $0x1  }
0x8b: {  	v3 =	vmul.f32 v3, v5;
	_ =	sdelay $0x1  }
0x8c: {  	v3 =	vsub.f32 $1.500000000e+00, v3;
	_ =	sdelay $0x1  }
0x8d: {  	v3 =	vmul.f32 v3, v5;
	_ =	sdelay $0x1  }
0x8e: {  	v3 =	vmul.f32 $-6.999999880e-01, v3;
	_ =	sdelay $0x1  }
0x8f: {  	v3 =	vmul.f32 $1.442695020e+00, v3;
	_ =	sdelay $0x1  }
0x90: {  	(erf) = vpow2.f32 v3;
	_ =	sdelay $0x4  }
0x91: {  	v2 =	vld.idx.msk [tilespmem:v2+s9+$0x0], $0xffff;
	_ =	sdelay $0x3  }
0x92: {  	v3 =	vpop (erf)  }
0x93: {  	v2 =	vmul.f32 $-2.800285220e-01, v2;
	v3 =	vsub.f32 $1.000000000e+00, v3  }
0x94: {  	v22 =	vld [tilespmem:s18+$0x18B50]  }
0x95: {  	v2 =	vmul.f32 v3, v2;
	v3 =	vld [tilespmem:s18+$0x18CE0]  }
0x96: {  	v23 =	vld [tilespmem:s18+$0x18E70]  }
0x97: {  	v2 =	vmul.f32 v2, v19  }
0x98: {  	v24 =	vld [tilespmem:s18+$0x186B0];
	v1 =	vmul.u32 $0x3, v1  }
0x99: {  	v25 =	vld [tilespmem:s18+$0x18840];
	v4 =	vmul.f32 v2, v22  }
0x9a: {  	[tilespmem:s18+$0x194B0] =	vst v1;
	v3 =	vmul.f32 v2, v3  }
0x9b: {  	v2 =	vmul.f32 v2, v23;
	[tilespmem:s18+$0x19000] =	vst v4  }
0x9c: {  	[tilespmem:s18+$0x19190] =	vst v3  }
0x9d: {  	[tilespmem:s18+$0x19320] =	vst v2;
	v2 =	vadd.s32 $0x1, v1  }
0x9e: {  	v1 =	vadd.s32 $0x2, v1;
	[tilespmem:s18+$0x19640] =	vst v2  }
0x9f: {  	[tilespmem:s18+$0x197D0] =	vst v1  }
0xa0: {  	v1 =	vld.idx.msk [tilespmem:v24+s28+$0x0], $0xffff  }
0xa1: {  	v2 =	vld.idx.msk [tilespmem:v25+s28+$0x0], $0xffff;
	_ =	sdelay $0x4  }
0xa2: {  	v1 =	vmul.f32 v2, v1;
	_ =	sdelay $0x1  }
0xa3: {  	v2 =	vshrl.u32 v1, $0x1;
	v3 =	vmul.f32 $5.000000000e-01, v1  }
0xa4: {  	v2 =	vsub.s32 $0x5F3759DF, v2  }
0xa5: {  	v26 =	vld [tilespmem:s18+$0x189D0];
	v27 =	vmul.f32 v2, v3;
	_ =	sdelay $0x1  }
0xa6: {  	v6 =	vmul.f32 v2, v27;
	_ =	sdelay $0x1  }
0xa7: {  	v6 =	vsub.f32 $1.500000000e+00, v6  }
0xa8: {  	v28 =	vmul.f32 v26, v26  }
0xa9: {  	v2 =	vmul.f32 v2, v6  }
0xaa: {  	v4 =	vmul.f32 v28, v26  }
0xab: {  	v3 =	vmul.f32 v2, v3  }
0xac: {  	(erf) = vrcp.f32 v4  }
0xad: {  	v3 =	vmul.f32 v3, v2;
	_ =	sdelay $0x1  }
0xae: {  	v3 =	vsub.f32 $1.500000000e+00, v3;
	_ =	sdelay $0x1  }
0xaf: {  	v2 =	vmul.f32 v3, v2;
	_ =	sdelay $0x2  }
0xb0: {  	v1 =	vmul.f32 v2, v1  }
0xb1: {  	v2 =	vpop (erf)  }
0xb2: {  	v1 =	vmul.f32 v1, v2;
	_ =	sdelay $0x1  }
0xb3: {  	v3 =	vshrl.u32 v1, $0x1;
	v1 =	vmul.f32 $5.000000000e-01, v1  }
0xb4: {  	v3 =	vsub.s32 $0x5F3759DF, v3  }
0xb5: {  	v29 =	vmul.f32 v3, v1;
	_ =	sdelay $0x1  }
0xb6: {  	v4 =	vmul.f32 v3, v29;
	_ =	sdelay $0x1  }
0xb7: {  	v4 =	vsub.f32 $1.500000000e+00, v4;
	_ =	sdelay $0x1  }
0xb8: {  	v3 =	vmul.f32 v3, v4;
	_ =	sdelay $0x1  }
0xb9: {  	v1 =	vmul.f32 v3, v1;
	_ =	sdelay $0x1  }
0xba: {  	v1 =	vmul.f32 v1, v3;
	_ =	sdelay $0x1  }
0xbb: {  	v1 =	vsub.f32 $1.500000000e+00, v1;
	_ =	sdelay $0x1  }
0xbc: {  	v1 =	vmul.f32 v1, v3;
	_ =	sdelay $0x1  }
0xbd: {  	v1 =	vmul.f32 $-6.999999880e-01, v1;
	_ =	sdelay $0x1  }
0xbe: {  	v1 =	vmul.f32 $1.442695020e+00, v1;
	_ =	sdelay $0x1  }
0xbf: {  	(erf) = vpow2.f32 v1;
	_ =	sdelay $0x4  }
0xc0: {  	v1 =	vld.idx.msk [tilespmem:v25+s9+$0x0], $0xffff;
	_ =	sdelay $0x3  }
0xc1: {  	v3 =	vpop (erf)  }
0xc2: {  	v1 =	vmul.f32 $-2.800285220e-01, v1;
	v3 =	vsub.f32 $1.000000000e+00, v3  }
0xc3: {  	v30 =	vld [tilespmem:s18+$0x18B60]  }
0xc4: {  	v1 =	vmul.f32 v3, v1;
	v3 =	vld [tilespmem:s18+$0x18CF0]  }
0xc5: {  	v31 =	vld [tilespmem:s18+$0x18E80]  }
0xc6: {  	v1 =	vmul.f32 v1, v2;
	_ =	sdelay $0x1  }
0xc7: {  	v32 =	vld [tilespmem:s18+$0x186C0];
	v2 =	vmul.f32 v1, v30  }
0xc8: {  	v33 =	vld [tilespmem:s18+$0x18850];
	v3 =	vmul.f32 v1, v3  }
0xc9: {  	v1 =	vmul.f32 v1, v31;
	[tilespmem:s18+$0x19010] =	vst v2  }
0xca: {  	v2 =	vmul.u32 $0x3, v24;
	[tilespmem:s18+$0x191A0] =	vst v3  }
0xcb: {  	[tilespmem:s18+$0x19330] =	vst v1  }
0xcc: {  	[tilespmem:s18+$0x194C0] =	vst v2;
	v1 =	vadd.s32 $0x1, v2  }
0xcd: {  	[tilespmem:s18+$0x19650] =	vst v1;
	v1 =	vadd.s32 $0x2, v2  }
0xce: {  	[tilespmem:s18+$0x197E0] =	vst v1  }
0xcf: {  	v1 =	vld.idx.msk [tilespmem:v32+s28+$0x0], $0xffff  }
0xd0: {  	v2 =	vld.idx.msk [tilespmem:v33+s28+$0x0], $0xffff;
	_ =	sdelay $0x4  }
0xd1: {  	v1 =	vmul.f32 v2, v1;
	_ =	sdelay $0x1  }
0xd2: {  	v2 =	vshrl.u32 v1, $0x1;
	v3 =	vmul.f32 $5.000000000e-01, v1  }
0xd3: {  	v2 =	vsub.s32 $0x5F3759DF, v2  }
0xd4: {  	v34 =	vld [tilespmem:s18+$0x189E0];
	v35 =	vmul.f32 v2, v3;
	_ =	sdelay $0x1  }
0xd5: {  	v6 =	vmul.f32 v2, v35;
	_ =	sdelay $0x1  }
0xd6: {  	v6 =	vsub.f32 $1.500000000e+00, v6  }
0xd7: {  	v36 =	vmul.f32 v34, v34  }
0xd8: {  	v2 =	vmul.f32 v2, v6  }
0xd9: {  	v5 =	vmul.f32 v36, v34  }
0xda: {  	v3 =	vmul.f32 v2, v3  }
0xdb: {  	(erf) = vrcp.f32 v5  }
0xdc: {  	v3 =	vmul.f32 v3, v2;
	_ =	sdelay $0x1  }
0xdd: {  	v3 =	vsub.f32 $1.500000000e+00, v3;
	_ =	sdelay $0x1  }
0xde: {  	v2 =	vmul.f32 v3, v2;
	_ =	sdelay $0x2  }
0xdf: {  	v1 =	vmul.f32 v2, v1  }
0xe0: {  	v2 =	vpop (erf)  }
0xe1: {  	v1 =	vmul.f32 v1, v2;
	_ =	sdelay $0x1  }
0xe2: {  	v3 =	vshrl.u32 v1, $0x1;
	v1 =	vmul.f32 $5.000000000e-01, v1  }
0xe3: {  	v3 =	vsub.s32 $0x5F3759DF, v3  }
0xe4: {  	v37 =	vmul.f32 v3, v1;
	_ =	sdelay $0x1  }
0xe5: {  	v5 =	vmul.f32 v3, v37;
	_ =	sdelay $0x1  }
0xe6: {  	v5 =	vsub.f32 $1.500000000e+00, v5;
	_ =	sdelay $0x1  }
0xe7: {  	v3 =	vmul.f32 v3, v5;
	_ =	sdelay $0x1  }
0xe8: {  	v1 =	vmul.f32 v3, v1;
	_ =	sdelay $0x1  }
0xe9: {  	v1 =	vmul.f32 v1, v3;
	_ =	sdelay $0x1  }
0xea: {  	v1 =	vsub.f32 $1.500000000e+00, v1;
	_ =	sdelay $0x1  }
0xeb: {  	v1 =	vmul.f32 v1, v3;
	_ =	sdelay $0x1  }
0xec: {  	v1 =	vmul.f32 $-6.999999880e-01, v1;
	_ =	sdelay $0x1  }
0xed: {  	v1 =	vmul.f32 $1.442695020e+00, v1;
	_ =	sdelay $0x1  }
0xee: {  	(erf) = vpow2.f32 v1;
	_ =	sdelay $0x4  }
0xef: {  	v1 =	vld.idx.msk [tilespmem:v33+s9+$0x0], $0xffff;
	_ =	sdelay $0x3  }
0xf0: {  	v3 =	vpop (erf)  }
0xf1: {  	v1 =	vmul.f32 $-2.800285220e-01, v1;
	v3 =	vsub.f32 $1.000000000e+00, v3  }
0xf2: {  	v38 =	vld [tilespmem:s18+$0x18B70]  }
0xf3: {  	v1 =	vmul.f32 v3, v1;
	v3 =	vld [tilespmem:s18+$0x18D00]  }
0xf4: {  	v39 =	vld [tilespmem:s18+$0x18E90]  }
0xf5: {  	v1 =	vmul.f32 v1, v2;
	_ =	sdelay $0x1  }
0xf6: {  	v40 =	vld [tilespmem:s18+$0x186D0];
	v2 =	vmul.f32 v1, v38  }
0xf7: {  	v41 =	vld [tilespmem:s18+$0x18860];
	v3 =	vmul.f32 v1, v3  }
0xf8: {  	v1 =	vmul.f32 v1, v39;
	[tilespmem:s18+$0x19020] =	vst v2  }
0xf9: {  	v2 =	vmul.u32 $0x3, v32;
	[tilespmem:s18+$0x191B0] =	vst v3  }
0xfa: {  	[tilespmem:s18+$0x19340] =	vst v1  }
0xfb: {  	[tilespmem:s18+$0x194D0] =	vst v2;
	v1 =	vadd.s32 $0x1, v2  }
0xfc: {  	[tilespmem:s18+$0x19660] =	vst v1;
	v1 =	vadd.s32 $0x2, v2  }
0xfd: {  	[tilespmem:s18+$0x197F0] =	vst v1  }
0xfe: {  	v1 =	vld.idx.msk [tilespmem:v40+s28+$0x0], $0xffff  }
0xff: {  	v2 =	vld.idx.msk [tilespmem:v41+s28+$0x0], $0xffff;
	_ =	sdelay $0x4  }
0x100: {  	v1 =	vmul.f32 v2, v1;
	_ =	sdelay $0x1  }
0x101: {  	v2 =	vshrl.u32 v1, $0x1;
	v3 =	vmul.f32 $5.000000000e-01, v1  }
0x102: {  	v2 =	vsub.s32 $0x5F3759DF, v2  }
0x103: {  	v42 =	vld [tilespmem:s18+$0x189F0];
	v43 =	vmul.f32 v2, v3;
	_ =	sdelay $0x1  }
0x104: {  	v6 =	vmul.f32 v2, v43;
	_ =	sdelay $0x1  }
0x105: {  	v6 =	vsub.f32 $1.500000000e+00, v6  }
0x106: {  	v44 =	vmul.f32 v42, v42  }
0x107: {  	v2 =	vmul.f32 v2, v6  }
0x108: {  	v4 =	vmul.f32 v44, v42  }
0x109: {  	v3 =	vmul.f32 v2, v3  }
0x10a: {  	(erf) = vrcp.f32 v4  }
0x10b: {  	v3 =	vmul.f32 v3, v2;
	_ =	sdelay $0x1  }
0x10c: {  	v3 =	vsub.f32 $1.500000000e+00, v3;
	_ =	sdelay $0x1  }
0x10d: {  	v2 =	vmul.f32 v3, v2;
	_ =	sdelay $0x2  }
0x10e: {  	v1 =	vmul.f32 v2, v1  }
0x10f: {  	v2 =	vpop (erf)  }
0x110: {  	v1 =	vmul.f32 v1, v2;
	_ =	sdelay $0x1  }
0x111: {  	v3 =	vshrl.u32 v1, $0x1;
	v1 =	vmul.f32 $5.000000000e-01, v1  }
0x112: {  	v3 =	vsub.s32 $0x5F3759DF, v3  }
0x113: {  	v45 =	vmul.f32 v3, v1;
	_ =	sdelay $0x1  }
0x114: {  	v4 =	vmul.f32 v3, v45;
	_ =	sdelay $0x1  }
0x115: {  	v4 =	vsub.f32 $1.500000000e+00, v4;
	_ =	sdelay $0x1  }
0x116: {  	v3 =	vmul.f32 v3, v4;
	_ =	sdelay $0x1  }
0x117: {  	v1 =	vmul.f32 v3, v1;
	_ =	sdelay $0x1  }
0x118: {  	v1 =	vmul.f32 v1, v3;
	_ =	sdelay $0x1  }
0x119: {  	v1 =	vsub.f32 $1.500000000e+00, v1;
	_ =	sdelay $0x1  }
0x11a: {  	v1 =	vmul.f32 v1, v3;
	_ =	sdelay $0x1  }
0x11b: {  	v1 =	vmul.f32 $-6.999999880e-01, v1;
	_ =	sdelay $0x1  }
0x11c: {  	v1 =	vmul.f32 $1.442695020e+00, v1;
	_ =	sdelay $0x1  }
0x11d: {  	(erf) = vpow2.f32 v1;
	_ =	sdelay $0x4  }
0x11e: {  	v1 =	vld.idx.msk [tilespmem:v41+s9+$0x0], $0xffff;
	_ =	sdelay $0x3  }
0x11f: {  	v3 =	vpop (erf)  }
0x120: {  	v1 =	vmul.f32 $-2.800285220e-01, v1;
	v3 =	vsub.f32 $1.000000000e+00, v3  }
0x121: {  	v46 =	vld [tilespmem:s18+$0x18B80]  }
0x122: {  	v1 =	vmul.f32 v3, v1;
	v3 =	vld [tilespmem:s18+$0x18D10]  }
0x123: {  	v47 =	vld [tilespmem:s18+$0x18EA0]  }
0x124: {  	v1 =	vmul.f32 v1, v2;
	_ =	sdelay $0x1  }
0x125: {  	v48 =	vld [tilespmem:s18+$0x186E0];
	v2 =	vmul.f32 v1, v46  }
0x126: {  	v49 =	vld [tilespmem:s18+$0x18870];
	v3 =	vmul.f32 v1, v3  }
0x127: {  	v1 =	vmul.f32 v1, v47;
	[tilespmem:s18+$0x19030] =	vst v2  }
0x128: {  	v2 =	vmul.u32 $0x3, v40;
	[tilespmem:s18+$0x191C0] =	vst v3  }
0x129: {  	[tilespmem:s18+$0x19350] =	vst v1  }
0x12a: {  	[tilespmem:s18+$0x194E0] =	vst v2;
	v1 =	vadd.s32 $0x1, v2  }
0x12b: {  	[tilespmem:s18+$0x19670] =	vst v1;
	v1 =	vadd.s32 $0x2, v2  }
0x12c: {  	[tilespmem:s18+$0x19800] =	vst v1  }
0x12d: {  	v1 =	vld.idx.msk [tilespmem:v48+s28+$0x0], $0xffff  }
0x12e: {  	v2 =	vld.idx.msk [tilespmem:v49+s28+$0x0], $0xffff;
	_ =	sdelay $0x4  }
0x12f: {  	v1 =	vmul.f32 v2, v1;
	_ =	sdelay $0x1  }
0x130: {  	v2 =	vshrl.u32 v1, $0x1;
	v3 =	vmul.f32 $5.000000000e-01, v1  }
0x131: {  	v2 =	vsub.s32 $0x5F3759DF, v2  }
0x132: {  	v50 =	vld [tilespmem:s18+$0x18A00];
	v51 =	vmul.f32 v2, v3;
	_ =	sdelay $0x1  }
0x133: {  	v6 =	vmul.f32 v2, v51;
	_ =	sdelay $0x1  }
0x134: {  	v6 =	vsub.f32 $1.500000000e+00, v6  }
0x135: {  	v52 =	vmul.f32 v50, v50  }
0x136: {  	v2 =	vmul.f32 v2, v6  }
0x137: {  	v5 =	vmul.f32 v52, v50  }
0x138: {  	v3 =	vmul.f32 v2, v3  }
0x139: {  	(erf) = vrcp.f32 v5  }
0x13a: {  	v3 =	vmul.f32 v3, v2;
	_ =	sdelay $0x1  }
0x13b: {  	v3 =	vsub.f32 $1.500000000e+00, v3;
	_ =	sdelay $0x1  }
0x13c: {  	v2 =	vmul.f32 v3, v2;
	_ =	sdelay $0x2  }
0x13d: {  	v1 =	vmul.f32 v2, v1  }
0x13e: {  	v2 =	vpop (erf)  }
0x13f: {  	v1 =	vmul.f32 v1, v2;
	_ =	sdelay $0x1  }
0x140: {  	v3 =	vshrl.u32 v1, $0x1;
	v1 =	vmul.f32 $5.000000000e-01, v1  }
0x141: {  	v3 =	vsub.s32 $0x5F3759DF, v3  }
0x142: {  	v53 =	vmul.f32 v3, v1;
	_ =	sdelay $0x1  }
0x143: {  	v5 =	vmul.f32 v3, v53;
	_ =	sdelay $0x1  }
0x144: {  	v5 =	vsub.f32 $1.500000000e+00, v5;
	_ =	sdelay $0x1  }
0x145: {  	v3 =	vmul.f32 v3, v5;
	_ =	sdelay $0x1  }
0x146: {  	v1 =	vmul.f32 v3, v1;
	_ =	sdelay $0x1  }
0x147: {  	v1 =	vmul.f32 v1, v3;
	_ =	sdelay $0x1  }
0x148: {  	v1 =	vsub.f32 $1.500000000e+00, v1;
	_ =	sdelay $0x1  }
0x149: {  	v1 =	vmul.f32 v1, v3;
	_ =	sdelay $0x1  }
0x14a: {  	v1 =	vmul.f32 $-6.999999880e-01, v1;
	_ =	sdelay $0x1  }
0x14b: {  	v1 =	vmul.f32 $1.442695020e+00, v1;
	_ =	sdelay $0x1  }
0x14c: {  	(erf) = vpow2.f32 v1;
	_ =	sdelay $0x4  }
0x14d: {  	v1 =	vld.idx.msk [tilespmem:v49+s9+$0x0], $0xffff;
	_ =	sdelay $0x3  }
0x14e: {  	v3 =	vpop (erf)  }
0x14f: {  	v1 =	vmul.f32 $-2.800285220e-01, v1;
	v3 =	vsub.f32 $1.000000000e+00, v3  }
0x150: {  	v54 =	vld [tilespmem:s18+$0x18B90]  }
0x151: {  	v1 =	vmul.f32 v3, v1;
	v3 =	vld [tilespmem:s18+$0x18D20]  }
0x152: {  	v55 =	vld [tilespmem:s18+$0x18EB0]  }
0x153: {  	v1 =	vmul.f32 v1, v2;
	_ =	sdelay $0x1  }
0x154: {  	v56 =	vld [tilespmem:s18+$0x186F0];
	v2 =	vmul.f32 v1, v54  }
0x155: {  	v57 =	vld [tilespmem:s18+$0x18880];
	v3 =	vmul.f32 v1, v3  }
0x156: {  	v1 =	vmul.f32 v1, v55;
	[tilespmem:s18+$0x19040] =	vst v2  }
0x157: {  	v2 =	vmul.u32 $0x3, v48;
	[tilespmem:s18+$0x191D0] =	vst v3  }
0x158: {  	[tilespmem:s18+$0x19360] =	vst v1  }
0x159: {  	[tilespmem:s18+$0x194F0] =	vst v2;
	v1 =	vadd.s32 $0x1, v2  }
0x15a: {  	[tilespmem:s18+$0x19680] =	vst v1;
	v1 =	vadd.s32 $0x2, v2  }
0x15b: {  	[tilespmem:s18+$0x19810] =	vst v1  }
0x15c: {  	v1 =	vld.idx.msk [tilespmem:v56+s28+$0x0], $0xffff  }
0x15d: {  	v2 =	vld.idx.msk [tilespmem:v57+s28+$0x0], $0xffff;
	_ =	sdelay $0x4  }
0x15e: {  	v1 =	vmul.f32 v2, v1;
	_ =	sdelay $0x1  }
0x15f: {  	v2 =	vshrl.u32 v1, $0x1;
	v3 =	vmul.f32 $5.000000000e-01, v1  }
0x160: {  	v2 =	vsub.s32 $0x5F3759DF, v2  }
0x161: {  	v58 =	vld [tilespmem:s18+$0x18A10];
	v59 =	vmul.f32 v2, v3;
	_ =	sdelay $0x1  }
0x162: {  	v6 =	vmul.f32 v2, v59;
	_ =	sdelay $0x1  }
0x163: {  	v6 =	vsub.f32 $1.500000000e+00, v6  }
0x164: {  	v60 =	vmul.f32 v58, v58  }
0x165: {  	v2 =	vmul.f32 v2, v6  }
0x166: {  	v4 =	vmul.f32 v60, v58  }
0x167: {  	v3 =	vmul.f32 v2, v3  }
0x168: {  	(erf) = vrcp.f32 v4  }
0x169: {  	v3 =	vmul.f32 v3, v2;
	_ =	sdelay $0x1  }
0x16a: {  	v3 =	vsub.f32 $1.500000000e+00, v3;
	_ =	sdelay $0x1  }
0x16b: {  	v2 =	vmul.f32 v3, v2;
	_ =	sdelay $0x2  }
0x16c: {  	v1 =	vmul.f32 v2, v1  }
0x16d: {  	v2 =	vpop (erf)  }
0x16e: {  	v1 =	vmul.f32 v1, v2;
	_ =	sdelay $0x1  }
0x16f: {  	v3 =	vshrl.u32 v1, $0x1;
	v1 =	vmul.f32 $5.000000000e-01, v1  }
0x170: {  	v3 =	vsub.s32 $0x5F3759DF, v3  }
0x171: {  	v61 =	vmul.f32 v3, v1;
	_ =	sdelay $0x1  }
0x172: {  	v4 =	vmul.f32 v3, v61;
	_ =	sdelay $0x1  }
0x173: {  	v4 =	vsub.f32 $1.500000000e+00, v4;
	_ =	sdelay $0x1  }
0x174: {  	v3 =	vmul.f32 v3, v4;
	_ =	sdelay $0x1  }
0x175: {  	v1 =	vmul.f32 v3, v1;
	_ =	sdelay $0x1  }
0x176: {  	v1 =	vmul.f32 v1, v3;
	_ =	sdelay $0x1  }
0x177: {  	v1 =	vsub.f32 $1.500000000e+00, v1;
	_ =	sdelay $0x1  }
0x178: {  	v1 =	vmul.f32 v1, v3;
	_ =	sdelay $0x1  }
0x179: {  	v1 =	vmul.f32 $-6.999999880e-01, v1;
	_ =	sdelay $0x1  }
0x17a: {  	v1 =	vmul.f32 $1.442695020e+00, v1;
	_ =	sdelay $0x1  }
0x17b: {  	(erf) = vpow2.f32 v1;
	_ =	sdelay $0x4  }
0x17c: {  	v1 =	vld.idx.msk [tilespmem:v57+s9+$0x0], $0xffff;
	_ =	sdelay $0x3  }
0x17d: {  	v3 =	vpop (erf)  }
0x17e: {  	v1 =	vmul.f32 $-2.800285220e-01, v1;
	v3 =	vsub.f32 $1.000000000e+00, v3  }
0x17f: {  	v62 =	vld [tilespmem:s18+$0x18BA0]  }
0x180: {  	v1 =	vmul.f32 v3, v1;
	v3 =	vld [tilespmem:s18+$0x18D30]  }
0x181: {  	v63 =	vld [tilespmem:s18+$0x18EC0]  }
0x182: {  	v1 =	vmul.f32 v1, v2;
	_ =	sdelay $0x1  }
0x183: {  	v2 =	vmul.f32 v1, v62  }
0x184: {  	s16 =	sadd.s32 $0x6, s16;
	v3 =	vmul.f32 v1, v3  }
0x185: {  	p1 =	slt.u32 s16, $0x12;
	v1 =	vmul.f32 v1, v63;
	[tilespmem:s18+$0x19050] =	vst v2  }
.Ltmp1:
0x186: {  	v2 =	vmul.u32 $0x3, v56;
	[tilespmem:s18+$0x191E0] =	vst v3;
	(pc) =	sbr.rel @p1 .LBB2_5-.Ltmp1, $4  }
0x187: {  	[tilespmem:s18+$0x19370] =	vst v1  }
0x188: {  	[tilespmem:s18+$0x19500] =	vst v2;
	v1 =	vadd.s32 $0x1, v2  }
0x189: {  	[tilespmem:s18+$0x19690] =	vst v1;
	v1 =	vadd.s32 $0x2, v2  }
0x18a: {  	s17 =	sadd.s32 $0x180, s17;
	[tilespmem:s18+$0x19820] =	vst v1  }
0x18b: {  	v1 =	vld [tilespmem:$0x18820]  }
0x18c: {  	v2 =	vld [tilespmem:$0x189B0];
	_ =	sdelay $0x6  }
0x18d: {  	v3 =	vld.idx.msk [tilespmem:v1+s28+$0x0], $0xffff  }
0x18e: {  	v4 =	vld.idx.msk [tilespmem:v2+s28+$0x0], $0xffff;
	_ =	sdelay $0x4  }
0x18f: {  	v3 =	vmul.f32 v4, v3;
	_ =	sdelay $0x1  }
0x190: {  	v4 =	vshrl.u32 v3, $0x1;
	v5 =	vmul.f32 $5.000000000e-01, v3  }
0x191: {  	v6 =	vld [tilespmem:$0x18B40];
	v4 =	vsub.s32 $0x5F3759DF, v4  }
0x192: {  	v7 =	vmul.f32 v4, v5;
	_ =	sdelay $0x1  }
0x193: {  	v7 =	vmul.f32 v4, v7;
	_ =	sdelay $0x1  }
0x194: {  	v8 =	vmul.f32 v6, v6;
	v7 =	vsub.f32 $1.500000000e+00, v7;
	_ =	sdelay $0x1  }
0x195: {  	v6 =	vmul.f32 v8, v6;
	v4 =	vmul.f32 v4, v7;
	_ =	sdelay $0x1  }
0x196: {  	(erf) = vrcp.f32 v6;
	v5 =	vmul.f32 v4, v5;
	_ =	sdelay $0x1  }
0x197: {  	v5 =	vmul.f32 v5, v4;
	_ =	sdelay $0x1  }
0x198: {  	v5 =	vsub.f32 $1.500000000e+00, v5;
	_ =	sdelay $0x1  }
0x199: {  	v4 =	vmul.f32 v5, v4;
	_ =	sdelay $0x1  }
0x19a: {  	v3 =	vmul.f32 v4, v3  }
0x19b: {  	v59 =	vpop (erf)  }
0x19c: {  	v3 =	vmul.f32 v3, v59;
	_ =	sdelay $0x1  }
0x19d: {  	v60 =	vshrl.u32 v3, $0x1;
	v3 =	vmul.f32 $5.000000000e-01, v3  }
0x19e: {  	v5 =	vsub.s32 $0x5F3759DF, v60  }
0x19f: {  	v61 =	vmul.f32 v5, v3;
	_ =	sdelay $0x1  }
0x1a0: {  	v6 =	vmul.f32 v5, v61;
	_ =	sdelay $0x1  }
0x1a1: {  	v6 =	vsub.f32 $1.500000000e+00, v6;
	_ =	sdelay $0x1  }
0x1a2: {  	v5 =	vmul.f32 v5, v6;
	_ =	sdelay $0x1  }
0x1a3: {  	v3 =	vmul.f32 v5, v3;
	_ =	sdelay $0x1  }
0x1a4: {  	v3 =	vmul.f32 v3, v5;
	_ =	sdelay $0x1  }
0x1a5: {  	v3 =	vsub.f32 $1.500000000e+00, v3;
	_ =	sdelay $0x1  }
0x1a6: {  	v3 =	vmul.f32 v3, v5;
	_ =	sdelay $0x1  }
0x1a7: {  	v3 =	vmul.f32 $-6.999999880e-01, v3;
	_ =	sdelay $0x1  }
0x1a8: {  	v3 =	vmul.f32 $1.442695020e+00, v3;
	_ =	sdelay $0x1  }
0x1a9: {  	(erf) = vpow2.f32 v3;
	_ =	sdelay $0x4  }
0x1aa: {  	v2 =	vld.idx.msk [tilespmem:v2+s9+$0x0], $0xffff;
	_ =	sdelay $0x3  }
0x1ab: {  	v3 =	vpop (erf)  }
0x1ac: {  	v2 =	vmul.f32 $-2.800285220e-01, v2;
	v3 =	vsub.f32 $1.000000000e+00, v3  }
0x1ad: {  	v62 =	vld [tilespmem:$0x18CD0]  }
0x1ae: {  	v2 =	vmul.f32 v3, v2;
	v3 =	vld [tilespmem:$0x18E60]  }
0x1af: {  	v63 =	vld [tilespmem:$0x18FF0]  }
0x1b0: {  	v2 =	vmul.f32 v2, v59  }
0x1b1: {  	v1 =	vmul.u32 $0x3, v1  }
0x1b2: {  	v4 =	vmul.f32 v2, v62  }
0x1b3: {  	[tilespmem:$0x19630] =	vst v1;
	v3 =	vmul.f32 v2, v3  }
0x1b4: {  	v2 =	vmul.f32 v2, v63;
	[tilespmem:$0x19180] =	vst v4  }
0x1b5: {  	[tilespmem:$0x19310] =	vst v3  }
0x1b6: {  	[tilespmem:$0x194A0] =	vst v2;
	v2 =	vadd.s32 $0x1, v1  }
0x1b7: {  	s15 =	sadd.s32 s15, s23;
	v1 =	vadd.s32 $0x2, v1;
	[tilespmem:$0x197C0] =	vst v2  }
0x1b8: {  	s15 =	sshrl.u32 s15, $0x3;
	[tilespmem:$0x19950] =	vst v1  }
0x1b9: {  	[spmem:s8] =	stream.indirect.scatter.add.f32 [tilespmem:s25], [sflag:$0x2], $0x1, s24, s21, $0xb8;
	[tilespmem:$0x1D8C0] =	vst v63  }
0x1ba: {  	s16 =	sadd.s32 s0, s15  }
0x1bb: {  	[tilespmem:s1], [sflag:$0x1] =	stream.linear.gather [hbm4b:s16+s9], $0x190, $0x38;
	[tilespmem:$0x1D8C0] =	vst v63  }
0x1bc: {  	s17 =	sadd.s32 s2, s15  }
0x1bd: {  	[tilespmem:s5], [sflag:$0x1] =	stream.linear.gather [hbm4b:s17+s9], $0x190, $0x38;
	[tilespmem:$0x1D8C0] =	vst v63  }
0x1be: {  	s18 =	sadd.s32 s3, s15  }
0x1bf: {  	[tilespmem:s7], [sflag:$0x1] =	stream.linear.gather [hbm4b:s18+s9], $0x190, $0x38;
	[tilespmem:$0x1D8C0] =	vst v63  }
0x1c0: {  	s17 =	sadd.s32 s10, s15  }
0x1c1: {  	[tilespmem:s6], [sflag:$0x1] =	stream.linear.gather [hbm4b:s17+s9], $0x190, $0x38;
	[tilespmem:$0x1D8C0] =	vst v63  }
0x1c2: {  	s18 =	sadd.s32 s11, s15  }
0x1c3: {  	[tilespmem:s13], [sflag:$0x1] =	stream.linear.gather [hbm4b:s18+s9], $0x190, $0x38;
	[tilespmem:$0x1D8C0] =	vst v63  }
0x1c4: {  	s15 =	sadd.s32 s4, s15  }
0x1c5: {  	[tilespmem:s14], [sflag:$0x1] =	stream.linear.gather [hbm4b:s15+s9], $0x190, $0x38;
	[tilespmem:$0x1D8C0] =	vst v63  }
0x1c6: {  	_ =	swait.ge [sflag:s26], $0x190  }
0x1c7: {  	[sflag:s26] =	ssyncset.done $0x0  }
0x1c8: {  	[sflag:s26] =	ssyncadd.s32 $0xFFFFFE70  }
0x1c9: {  	_ =	swait.ge [sflag:s26], $0x190  }
0x1ca: {  	[sflag:s26] =	ssyncset.done $0x0  }
0x1cb: {  	[sflag:s26] =	ssyncadd.s32 $0xFFFFFE70  }
0x1cc: {  	_ =	swait.ge [sflag:s26], $0x190  }
0x1cd: {  	[sflag:s26] =	ssyncset.done $0x0  }
0x1ce: {  	[sflag:s26] =	ssyncadd.s32 $0xFFFFFE70  }
0x1cf: {  	_ =	swait.ge [sflag:s26], $0x190  }
0x1d0: {  	[sflag:s26] =	ssyncset.done $0x0  }
0x1d1: {  	[sflag:s26] =	ssyncadd.s32 $0xFFFFFE70  }
0x1d2: {  	_ =	swait.ge [sflag:s26], $0x190  }
0x1d3: {  	[sflag:s26] =	ssyncset.done $0x0  }
0x1d4: {  	[sflag:s26] =	ssyncadd.s32 $0xFFFFFE70  }
0x1d5: {  	_ =	swait.ge [sflag:s26], $0x190  }
0x1d6: {  	[sflag:s26] =	ssyncset.done $0x0  }
0x1d7: {  	s15 =	simm.s32 @!p0 $0x4;
	[sflag:s26] =	ssyncadd.s32 $0xFFFFFE70  }
0x1d8: {  	_ =	swait.ge @!p0 [sflag:s15], $0x4B0  }
0x1d9: {  	[sflag:s15] =	ssyncset.done @!p0 $0x0  }
0x1da: {  	s16 =	simm.s32 $0x0;
	[sflag:s15] =	ssyncadd.s32 @!p0 $0xFFFFFB50;
	s15 =	simm.s32 $0xFFFFFFFA  }
.LBB2_7:
0x1db: {  	s17 =	sshra.s32 s16, $0x2  }
0x1dc: {  	v1 =	vld [tilespmem:s17+$0x19960]  }
0x1dd: {  	v2 =	vld [tilespmem:s17+$0x19AF0];
	_ =	sdelay $0x6  }
0x1de: {  	v3 =	vld.idx.msk [tilespmem:v1+s28+$0x0], $0xffff  }
0x1df: {  	v4 =	vld.idx.msk [tilespmem:v2+s28+$0x0], $0xffff;
	_ =	sdelay $0x4  }
0x1e0: {  	v3 =	vmul.f32 v4, v3;
	_ =	sdelay $0x1  }
0x1e1: {  	v4 =	vshrl.u32 v3, $0x1;
	v5 =	vmul.f32 $5.000000000e-01, v3  }
0x1e2: {  	v6 =	vld [tilespmem:s17+$0x19C80];
	v4 =	vsub.s32 $0x5F3759DF, v4  }
0x1e3: {  	v7 =	vmul.f32 v4, v5;
	_ =	sdelay $0x1  }
0x1e4: {  	v7 =	vmul.f32 v4, v7;
	_ =	sdelay $0x1  }
0x1e5: {  	v8 =	vmul.f32 v6, v6;
	v7 =	vsub.f32 $1.500000000e+00, v7;
	_ =	sdelay $0x1  }
0x1e6: {  	v6 =	vmul.f32 v8, v6;
	v4 =	vmul.f32 v4, v7;
	_ =	sdelay $0x1  }
0x1e7: {  	(erf) = vrcp.f32 v6;
	v5 =	vmul.f32 v4, v5;
	_ =	sdelay $0x1  }
0x1e8: {  	v5 =	vmul.f32 v5, v4;
	_ =	sdelay $0x1  }
0x1e9: {  	v5 =	vsub.f32 $1.500000000e+00, v5;
	_ =	sdelay $0x1  }
0x1ea: {  	v4 =	vmul.f32 v5, v4;
	_ =	sdelay $0x1  }
0x1eb: {  	v3 =	vmul.f32 v4, v3  }
0x1ec: {  	v19 =	vpop (erf)  }
0x1ed: {  	v3 =	vmul.f32 v3, v19;
	_ =	sdelay $0x1  }
0x1ee: {  	v20 =	vshrl.u32 v3, $0x1;
	v3 =	vmul.f32 $5.000000000e-01, v3  }
0x1ef: {  	v5 =	vsub.s32 $0x5F3759DF, v20  }
0x1f0: {  	v21 =	vmul.f32 v5, v3;
	_ =	sdelay $0x1  }
0x1f1: {  	v6 =	vmul.f32 v5, v21;
	_ =	sdelay $0x1  }
0x1f2: {  	v6 =	vsub.f32 $1.500000000e+00, v6;
	_ =	sdelay $0x1  }
0x1f3: {  	v5 =	vmul.f32 v5, v6;
	_ =	sdelay $0x1  }
0x1f4: {  	v3 =	vmul.f32 v5, v3;
	_ =	sdelay $0x1  }
0x1f5: {  	v3 =	vmul.f32 v3, v5;
	_ =	sdelay $0x1  }
0x1f6: {  	v3 =	vsub.f32 $1.500000000e+00, v3;
	_ =	sdelay $0x1  }
0x1f7: {  	v3 =	vmul.f32 v3, v5;
	_ =	sdelay $0x1  }
0x1f8: {  	v3 =	vmul.f32 $-6.999999880e-01, v3;
	_ =	sdelay $0x1  }
0x1f9: {  	v3 =	vmul.f32 $1.442695020e+00, v3;
	_ =	sdelay $0x1  }
0x1fa: {  	(erf) = vpow2.f32 v3;
	_ =	sdelay $0x4  }
0x1fb: {  	v2 =	vld.idx.msk [tilespmem:v2+s9+$0x0], $0xffff;
	_ =	sdelay $0x3  }
0x1fc: {  	v3 =	vpop (erf)  }
0x1fd: {  	v2 =	vmul.f32 $-2.800285220e-01, v2;
	v3 =	vsub.f32 $1.000000000e+00, v3  }
0x1fe: {  	v22 =	vld [tilespmem:s17+$0x19E10]  }
0x1ff: {  	v2 =	vmul.f32 v3, v2;
	v3 =	vld [tilespmem:s17+$0x19FA0]  }
0x200: {  	v23 =	vld [tilespmem:s17+$0x1A130]  }
0x201: {  	v2 =	vmul.f32 v2, v19  }
0x202: {  	v24 =	vld [tilespmem:s17+$0x19970];
	v1 =	vmul.u32 $0x3, v1  }
0x203: {  	v25 =	vld [tilespmem:s17+$0x19B00];
	v4 =	vmul.f32 v2, v22  }
0x204: {  	[tilespmem:s17+$0x1A770] =	vst v1;
	v3 =	vmul.f32 v2, v3  }
0x205: {  	v2 =	vmul.f32 v2, v23;
	[tilespmem:s17+$0x1A2C0] =	vst v4  }
0x206: {  	[tilespmem:s17+$0x1A450] =	vst v3  }
0x207: {  	[tilespmem:s17+$0x1A5E0] =	vst v2;
	v2 =	vadd.s32 $0x1, v1  }
0x208: {  	v1 =	vadd.s32 $0x2, v1;
	[tilespmem:s17+$0x1A900] =	vst v2  }
0x209: {  	[tilespmem:s17+$0x1AA90] =	vst v1  }
0x20a: {  	v1 =	vld.idx.msk [tilespmem:v24+s28+$0x0], $0xffff  }
0x20b: {  	v2 =	vld.idx.msk [tilespmem:v25+s28+$0x0], $0xffff;
	_ =	sdelay $0x4  }
0x20c: {  	v1 =	vmul.f32 v2, v1;
	_ =	sdelay $0x1  }
0x20d: {  	v2 =	vshrl.u32 v1, $0x1;
	v3 =	vmul.f32 $5.000000000e-01, v1  }
0x20e: {  	v2 =	vsub.s32 $0x5F3759DF, v2  }
0x20f: {  	v26 =	vld [tilespmem:s17+$0x19C90];
	v27 =	vmul.f32 v2, v3;
	_ =	sdelay $0x1  }
0x210: {  	v6 =	vmul.f32 v2, v27;
	_ =	sdelay $0x1  }
0x211: {  	v6 =	vsub.f32 $1.500000000e+00, v6  }
0x212: {  	v28 =	vmul.f32 v26, v26  }
0x213: {  	v2 =	vmul.f32 v2, v6  }
0x214: {  	v4 =	vmul.f32 v28, v26  }
0x215: {  	v3 =	vmul.f32 v2, v3  }
0x216: {  	(erf) = vrcp.f32 v4  }
0x217: {  	v3 =	vmul.f32 v3, v2;
	_ =	sdelay $0x1  }
0x218: {  	v3 =	vsub.f32 $1.500000000e+00, v3;
	_ =	sdelay $0x1  }
0x219: {  	v2 =	vmul.f32 v3, v2;
	_ =	sdelay $0x2  }
0x21a: {  	v1 =	vmul.f32 v2, v1  }
0x21b: {  	v2 =	vpop (erf)  }
0x21c: {  	v1 =	vmul.f32 v1, v2;
	_ =	sdelay $0x1  }
0x21d: {  	v3 =	vshrl.u32 v1, $0x1;
	v1 =	vmul.f32 $5.000000000e-01, v1  }
0x21e: {  	v3 =	vsub.s32 $0x5F3759DF, v3  }
0x21f: {  	v29 =	vmul.f32 v3, v1;
	_ =	sdelay $0x1  }
0x220: {  	v4 =	vmul.f32 v3, v29;
	_ =	sdelay $0x1  }
0x221: {  	v4 =	vsub.f32 $1.500000000e+00, v4;
	_ =	sdelay $0x1  }
0x222: {  	v3 =	vmul.f32 v3, v4;
	_ =	sdelay $0x1  }
0x223: {  	v1 =	vmul.f32 v3, v1;
	_ =	sdelay $0x1  }
0x224: {  	v1 =	vmul.f32 v1, v3;
	_ =	sdelay $0x1  }
0x225: {  	v1 =	vsub.f32 $1.500000000e+00, v1;
	_ =	sdelay $0x1  }
0x226: {  	v1 =	vmul.f32 v1, v3;
	_ =	sdelay $0x1  }
0x227: {  	v1 =	vmul.f32 $-6.999999880e-01, v1;
	_ =	sdelay $0x1  }
0x228: {  	v1 =	vmul.f32 $1.442695020e+00, v1;
	_ =	sdelay $0x1  }
0x229: {  	(erf) = vpow2.f32 v1;
	_ =	sdelay $0x4  }
0x22a: {  	v1 =	vld.idx.msk [tilespmem:v25+s9+$0x0], $0xffff;
	_ =	sdelay $0x3  }
0x22b: {  	v3 =	vpop (erf)  }
0x22c: {  	v1 =	vmul.f32 $-2.800285220e-01, v1;
	v3 =	vsub.f32 $1.000000000e+00, v3  }
0x22d: {  	v30 =	vld [tilespmem:s17+$0x19E20]  }
0x22e: {  	v1 =	vmul.f32 v3, v1;
	v3 =	vld [tilespmem:s17+$0x19FB0]  }
0x22f: {  	v31 =	vld [tilespmem:s17+$0x1A140]  }
0x230: {  	v1 =	vmul.f32 v1, v2;
	_ =	sdelay $0x1  }
0x231: {  	v32 =	vld [tilespmem:s17+$0x19980];
	v2 =	vmul.f32 v1, v30  }
0x232: {  	v33 =	vld [tilespmem:s17+$0x19B10];
	v3 =	vmul.f32 v1, v3  }
0x233: {  	v1 =	vmul.f32 v1, v31;
	[tilespmem:s17+$0x1A2D0] =	vst v2  }
0x234: {  	v2 =	vmul.u32 $0x3, v24;
	[tilespmem:s17+$0x1A460] =	vst v3  }
0x235: {  	[tilespmem:s17+$0x1A5F0] =	vst v1  }
0x236: {  	[tilespmem:s17+$0x1A780] =	vst v2;
	v1 =	vadd.s32 $0x1, v2  }
0x237: {  	[tilespmem:s17+$0x1A910] =	vst v1;
	v1 =	vadd.s32 $0x2, v2  }
0x238: {  	[tilespmem:s17+$0x1AAA0] =	vst v1  }
0x239: {  	v1 =	vld.idx.msk [tilespmem:v32+s28+$0x0], $0xffff  }
0x23a: {  	v2 =	vld.idx.msk [tilespmem:v33+s28+$0x0], $0xffff;
	_ =	sdelay $0x4  }
0x23b: {  	v1 =	vmul.f32 v2, v1;
	_ =	sdelay $0x1  }
0x23c: {  	v2 =	vshrl.u32 v1, $0x1;
	v3 =	vmul.f32 $5.000000000e-01, v1  }
0x23d: {  	v2 =	vsub.s32 $0x5F3759DF, v2  }
0x23e: {  	v34 =	vld [tilespmem:s17+$0x19CA0];
	v35 =	vmul.f32 v2, v3;
	_ =	sdelay $0x1  }
0x23f: {  	v6 =	vmul.f32 v2, v35;
	_ =	sdelay $0x1  }
0x240: {  	v6 =	vsub.f32 $1.500000000e+00, v6  }
0x241: {  	v36 =	vmul.f32 v34, v34  }
0x242: {  	v2 =	vmul.f32 v2, v6  }
0x243: {  	v5 =	vmul.f32 v36, v34  }
0x244: {  	v3 =	vmul.f32 v2, v3  }
0x245: {  	(erf) = vrcp.f32 v5  }
0x246: {  	v3 =	vmul.f32 v3, v2;
	_ =	sdelay $0x1  }
0x247: {  	v3 =	vsub.f32 $1.500000000e+00, v3;
	_ =	sdelay $0x1  }
0x248: {  	v2 =	vmul.f32 v3, v2;
	_ =	sdelay $0x2  }
0x249: {  	v1 =	vmul.f32 v2, v1  }
0x24a: {  	v2 =	vpop (erf)  }
0x24b: {  	v1 =	vmul.f32 v1, v2;
	_ =	sdelay $0x1  }
0x24c: {  	v3 =	vshrl.u32 v1, $0x1;
	v1 =	vmul.f32 $5.000000000e-01, v1  }
0x24d: {  	v3 =	vsub.s32 $0x5F3759DF, v3  }
0x24e: {  	v37 =	vmul.f32 v3, v1;
	_ =	sdelay $0x1  }
0x24f: {  	v5 =	vmul.f32 v3, v37;
	_ =	sdelay $0x1  }
0x250: {  	v5 =	vsub.f32 $1.500000000e+00, v5;
	_ =	sdelay $0x1  }
0x251: {  	v3 =	vmul.f32 v3, v5;
	_ =	sdelay $0x1  }
0x252: {  	v1 =	vmul.f32 v3, v1;
	_ =	sdelay $0x1  }
0x253: {  	v1 =	vmul.f32 v1, v3;
	_ =	sdelay $0x1  }
0x254: {  	v1 =	vsub.f32 $1.500000000e+00, v1;
	_ =	sdelay $0x1  }
0x255: {  	v1 =	vmul.f32 v1, v3;
	_ =	sdelay $0x1  }
0x256: {  	v1 =	vmul.f32 $-6.999999880e-01, v1;
	_ =	sdelay $0x1  }
0x257: {  	v1 =	vmul.f32 $1.442695020e+00, v1;
	_ =	sdelay $0x1  }
0x258: {  	(erf) = vpow2.f32 v1;
	_ =	sdelay $0x4  }
0x259: {  	v1 =	vld.idx.msk [tilespmem:v33+s9+$0x0], $0xffff;
	_ =	sdelay $0x3  }
0x25a: {  	v3 =	vpop (erf)  }
0x25b: {  	v1 =	vmul.f32 $-2.800285220e-01, v1;
	v3 =	vsub.f32 $1.000000000e+00, v3  }
0x25c: {  	v38 =	vld [tilespmem:s17+$0x19E30]  }
0x25d: {  	v1 =	vmul.f32 v3, v1;
	v3 =	vld [tilespmem:s17+$0x19FC0]  }
0x25e: {  	v39 =	vld [tilespmem:s17+$0x1A150]  }
0x25f: {  	v1 =	vmul.f32 v1, v2;
	_ =	sdelay $0x1  }
0x260: {  	v40 =	vld [tilespmem:s17+$0x19990];
	v2 =	vmul.f32 v1, v38  }
0x261: {  	v41 =	vld [tilespmem:s17+$0x19B20];
	v3 =	vmul.f32 v1, v3  }
0x262: {  	v1 =	vmul.f32 v1, v39;
	[tilespmem:s17+$0x1A2E0] =	vst v2  }
0x263: {  	v2 =	vmul.u32 $0x3, v32;
	[tilespmem:s17+$0x1A470] =	vst v3  }
0x264: {  	[tilespmem:s17+$0x1A600] =	vst v1  }
0x265: {  	[tilespmem:s17+$0x1A790] =	vst v2;
	v1 =	vadd.s32 $0x1, v2  }
0x266: {  	[tilespmem:s17+$0x1A920] =	vst v1;
	v1 =	vadd.s32 $0x2, v2  }
0x267: {  	[tilespmem:s17+$0x1AAB0] =	vst v1  }
0x268: {  	v1 =	vld.idx.msk [tilespmem:v40+s28+$0x0], $0xffff  }
0x269: {  	v2 =	vld.idx.msk [tilespmem:v41+s28+$0x0], $0xffff;
	_ =	sdelay $0x4  }
0x26a: {  	v1 =	vmul.f32 v2, v1;
	_ =	sdelay $0x1  }
0x26b: {  	v2 =	vshrl.u32 v1, $0x1;
	v3 =	vmul.f32 $5.000000000e-01, v1  }
0x26c: {  	v2 =	vsub.s32 $0x5F3759DF, v2  }
0x26d: {  	v42 =	vld [tilespmem:s17+$0x19CB0];
	v43 =	vmul.f32 v2, v3;
	_ =	sdelay $0x1  }
0x26e: {  	v6 =	vmul.f32 v2, v43;
	_ =	sdelay $0x1  }
0x26f: {  	v6 =	vsub.f32 $1.500000000e+00, v6  }
0x270: {  	v44 =	vmul.f32 v42, v42  }
0x271: {  	v2 =	vmul.f32 v2, v6  }
0x272: {  	v4 =	vmul.f32 v44, v42  }
0x273: {  	v3 =	vmul.f32 v2, v3  }
0x274: {  	(erf) = vrcp.f32 v4  }
0x275: {  	v3 =	vmul.f32 v3, v2;
	_ =	sdelay $0x1  }
0x276: {  	v3 =	vsub.f32 $1.500000000e+00, v3;
	_ =	sdelay $0x1  }
0x277: {  	v2 =	vmul.f32 v3, v2;
	_ =	sdelay $0x2  }
0x278: {  	v1 =	vmul.f32 v2, v1  }
0x279: {  	v2 =	vpop (erf)  }
0x27a: {  	v1 =	vmul.f32 v1, v2;
	_ =	sdelay $0x1  }
0x27b: {  	v3 =	vshrl.u32 v1, $0x1;
	v1 =	vmul.f32 $5.000000000e-01, v1  }
0x27c: {  	v3 =	vsub.s32 $0x5F3759DF, v3  }
0x27d: {  	v45 =	vmul.f32 v3, v1;
	_ =	sdelay $0x1  }
0x27e: {  	v4 =	vmul.f32 v3, v45;
	_ =	sdelay $0x1  }
0x27f: {  	v4 =	vsub.f32 $1.500000000e+00, v4;
	_ =	sdelay $0x1  }
0x280: {  	v3 =	vmul.f32 v3, v4;
	_ =	sdelay $0x1  }
0x281: {  	v1 =	vmul.f32 v3, v1;
	_ =	sdelay $0x1  }
0x282: {  	v1 =	vmul.f32 v1, v3;
	_ =	sdelay $0x1  }
0x283: {  	v1 =	vsub.f32 $1.500000000e+00, v1;
	_ =	sdelay $0x1  }
0x284: {  	v1 =	vmul.f32 v1, v3;
	_ =	sdelay $0x1  }
0x285: {  	v1 =	vmul.f32 $-6.999999880e-01, v1;
	_ =	sdelay $0x1  }
0x286: {  	v1 =	vmul.f32 $1.442695020e+00, v1;
	_ =	sdelay $0x1  }
0x287: {  	(erf) = vpow2.f32 v1;
	_ =	sdelay $0x4  }
0x288: {  	v1 =	vld.idx.msk [tilespmem:v41+s9+$0x0], $0xffff;
	_ =	sdelay $0x3  }
0x289: {  	v3 =	vpop (erf)  }
0x28a: {  	v1 =	vmul.f32 $-2.800285220e-01, v1;
	v3 =	vsub.f32 $1.000000000e+00, v3  }
0x28b: {  	v46 =	vld [tilespmem:s17+$0x19E40]  }
0x28c: {  	v1 =	vmul.f32 v3, v1;
	v3 =	vld [tilespmem:s17+$0x19FD0]  }
0x28d: {  	v47 =	vld [tilespmem:s17+$0x1A160]  }
0x28e: {  	v1 =	vmul.f32 v1, v2;
	_ =	sdelay $0x1  }
0x28f: {  	v48 =	vld [tilespmem:s17+$0x199A0];
	v2 =	vmul.f32 v1, v46  }
0x290: {  	v49 =	vld [tilespmem:s17+$0x19B30];
	v3 =	vmul.f32 v1, v3  }
0x291: {  	v1 =	vmul.f32 v1, v47;
	[tilespmem:s17+$0x1A2F0] =	vst v2  }
0x292: {  	v2 =	vmul.u32 $0x3, v40;
	[tilespmem:s17+$0x1A480] =	vst v3  }
0x293: {  	[tilespmem:s17+$0x1A610] =	vst v1  }
0x294: {  	[tilespmem:s17+$0x1A7A0] =	vst v2;
	v1 =	vadd.s32 $0x1, v2  }
0x295: {  	[tilespmem:s17+$0x1A930] =	vst v1;
	v1 =	vadd.s32 $0x2, v2  }
0x296: {  	[tilespmem:s17+$0x1AAC0] =	vst v1  }
0x297: {  	v1 =	vld.idx.msk [tilespmem:v48+s28+$0x0], $0xffff  }
0x298: {  	v2 =	vld.idx.msk [tilespmem:v49+s28+$0x0], $0xffff;
	_ =	sdelay $0x4  }
0x299: {  	v1 =	vmul.f32 v2, v1;
	_ =	sdelay $0x1  }
0x29a: {  	v2 =	vshrl.u32 v1, $0x1;
	v3 =	vmul.f32 $5.000000000e-01, v1  }
0x29b: {  	v2 =	vsub.s32 $0x5F3759DF, v2  }
0x29c: {  	v50 =	vld [tilespmem:s17+$0x19CC0];
	v51 =	vmul.f32 v2, v3;
	_ =	sdelay $0x1  }
0x29d: {  	v6 =	vmul.f32 v2, v51;
	_ =	sdelay $0x1  }
0x29e: {  	v6 =	vsub.f32 $1.500000000e+00, v6  }
0x29f: {  	v52 =	vmul.f32 v50, v50  }
0x2a0: {  	v2 =	vmul.f32 v2, v6  }
0x2a1: {  	v5 =	vmul.f32 v52, v50  }
0x2a2: {  	v3 =	vmul.f32 v2, v3  }
0x2a3: {  	(erf) = vrcp.f32 v5  }
0x2a4: {  	v3 =	vmul.f32 v3, v2;
	_ =	sdelay $0x1  }
0x2a5: {  	v3 =	vsub.f32 $1.500000000e+00, v3;
	_ =	sdelay $0x1  }
0x2a6: {  	v2 =	vmul.f32 v3, v2;
	_ =	sdelay $0x2  }
0x2a7: {  	v1 =	vmul.f32 v2, v1  }
0x2a8: {  	v2 =	vpop (erf)  }
0x2a9: {  	v1 =	vmul.f32 v1, v2;
	_ =	sdelay $0x1  }
0x2aa: {  	v3 =	vshrl.u32 v1, $0x1;
	v1 =	vmul.f32 $5.000000000e-01, v1  }
0x2ab: {  	v3 =	vsub.s32 $0x5F3759DF, v3  }
0x2ac: {  	v53 =	vmul.f32 v3, v1;
	_ =	sdelay $0x1  }
0x2ad: {  	v5 =	vmul.f32 v3, v53;
	_ =	sdelay $0x1  }
0x2ae: {  	v5 =	vsub.f32 $1.500000000e+00, v5;
	_ =	sdelay $0x1  }
0x2af: {  	v3 =	vmul.f32 v3, v5;
	_ =	sdelay $0x1  }
0x2b0: {  	v1 =	vmul.f32 v3, v1;
	_ =	sdelay $0x1  }
0x2b1: {  	v1 =	vmul.f32 v1, v3;
	_ =	sdelay $0x1  }
0x2b2: {  	v1 =	vsub.f32 $1.500000000e+00, v1;
	_ =	sdelay $0x1  }
0x2b3: {  	v1 =	vmul.f32 v1, v3;
	_ =	sdelay $0x1  }
0x2b4: {  	v1 =	vmul.f32 $-6.999999880e-01, v1;
	_ =	sdelay $0x1  }
0x2b5: {  	v1 =	vmul.f32 $1.442695020e+00, v1;
	_ =	sdelay $0x1  }
0x2b6: {  	(erf) = vpow2.f32 v1;
	_ =	sdelay $0x4  }
0x2b7: {  	v1 =	vld.idx.msk [tilespmem:v49+s9+$0x0], $0xffff;
	_ =	sdelay $0x3  }
0x2b8: {  	v3 =	vpop (erf)  }
0x2b9: {  	v1 =	vmul.f32 $-2.800285220e-01, v1;
	v3 =	vsub.f32 $1.000000000e+00, v3  }
0x2ba: {  	v54 =	vld [tilespmem:s17+$0x19E50]  }
0x2bb: {  	v1 =	vmul.f32 v3, v1;
	v3 =	vld [tilespmem:s17+$0x19FE0]  }
0x2bc: {  	v55 =	vld [tilespmem:s17+$0x1A170]  }
0x2bd: {  	v1 =	vmul.f32 v1, v2;
	_ =	sdelay $0x1  }
0x2be: {  	v56 =	vld [tilespmem:s17+$0x199B0];
	v2 =	vmul.f32 v1, v54  }
0x2bf: {  	v57 =	vld [tilespmem:s17+$0x19B40];
	v3 =	vmul.f32 v1, v3  }
0x2c0: {  	v1 =	vmul.f32 v1, v55;
	[tilespmem:s17+$0x1A300] =	vst v2  }
0x2c1: {  	v2 =	vmul.u32 $0x3, v48;
	[tilespmem:s17+$0x1A490] =	vst v3  }
0x2c2: {  	[tilespmem:s17+$0x1A620] =	vst v1  }
0x2c3: {  	[tilespmem:s17+$0x1A7B0] =	vst v2;
	v1 =	vadd.s32 $0x1, v2  }
0x2c4: {  	[tilespmem:s17+$0x1A940] =	vst v1;
	v1 =	vadd.s32 $0x2, v2  }
0x2c5: {  	[tilespmem:s17+$0x1AAD0] =	vst v1  }
0x2c6: {  	v1 =	vld.idx.msk [tilespmem:v56+s28+$0x0], $0xffff  }
0x2c7: {  	v2 =	vld.idx.msk [tilespmem:v57+s28+$0x0], $0xffff;
	_ =	sdelay $0x4  }
0x2c8: {  	v1 =	vmul.f32 v2, v1;
	_ =	sdelay $0x1  }
0x2c9: {  	v2 =	vshrl.u32 v1, $0x1;
	v3 =	vmul.f32 $5.000000000e-01, v1  }
0x2ca: {  	v2 =	vsub.s32 $0x5F3759DF, v2  }
0x2cb: {  	v58 =	vld [tilespmem:s17+$0x19CD0];
	v59 =	vmul.f32 v2, v3;
	_ =	sdelay $0x1  }
0x2cc: {  	v6 =	vmul.f32 v2, v59;
	_ =	sdelay $0x1  }
0x2cd: {  	v6 =	vsub.f32 $1.500000000e+00, v6  }
0x2ce: {  	v60 =	vmul.f32 v58, v58  }
0x2cf: {  	v2 =	vmul.f32 v2, v6  }
0x2d0: {  	v4 =	vmul.f32 v60, v58  }
0x2d1: {  	v3 =	vmul.f32 v2, v3  }
0x2d2: {  	(erf) = vrcp.f32 v4  }
0x2d3: {  	v3 =	vmul.f32 v3, v2;
	_ =	sdelay $0x1  }
0x2d4: {  	v3 =	vsub.f32 $1.500000000e+00, v3;
	_ =	sdelay $0x1  }
0x2d5: {  	v2 =	vmul.f32 v3, v2;
	_ =	sdelay $0x2  }
0x2d6: {  	v1 =	vmul.f32 v2, v1  }
0x2d7: {  	v2 =	vpop (erf)  }
0x2d8: {  	v1 =	vmul.f32 v1, v2;
	_ =	sdelay $0x1  }
0x2d9: {  	v3 =	vshrl.u32 v1, $0x1;
	v1 =	vmul.f32 $5.000000000e-01, v1  }
0x2da: {  	v3 =	vsub.s32 $0x5F3759DF, v3  }
0x2db: {  	v61 =	vmul.f32 v3, v1;
	_ =	sdelay $0x1  }
0x2dc: {  	v4 =	vmul.f32 v3, v61;
	_ =	sdelay $0x1  }
0x2dd: {  	v4 =	vsub.f32 $1.500000000e+00, v4;
	_ =	sdelay $0x1  }
0x2de: {  	v3 =	vmul.f32 v3, v4;
	_ =	sdelay $0x1  }
0x2df: {  	v1 =	vmul.f32 v3, v1;
	_ =	sdelay $0x1  }
0x2e0: {  	v1 =	vmul.f32 v1, v3;
	_ =	sdelay $0x1  }
0x2e1: {  	v1 =	vsub.f32 $1.500000000e+00, v1;
	_ =	sdelay $0x1  }
0x2e2: {  	v1 =	vmul.f32 v1, v3;
	_ =	sdelay $0x1  }
0x2e3: {  	v1 =	vmul.f32 $-6.999999880e-01, v1;
	_ =	sdelay $0x1  }
0x2e4: {  	v1 =	vmul.f32 $1.442695020e+00, v1;
	_ =	sdelay $0x1  }
0x2e5: {  	(erf) = vpow2.f32 v1;
	_ =	sdelay $0x4  }
0x2e6: {  	v1 =	vld.idx.msk [tilespmem:v57+s9+$0x0], $0xffff;
	_ =	sdelay $0x3  }
0x2e7: {  	v3 =	vpop (erf)  }
0x2e8: {  	v1 =	vmul.f32 $-2.800285220e-01, v1;
	v3 =	vsub.f32 $1.000000000e+00, v3  }
0x2e9: {  	v62 =	vld [tilespmem:s17+$0x19E60]  }
0x2ea: {  	v1 =	vmul.f32 v3, v1;
	v3 =	vld [tilespmem:s17+$0x19FF0]  }
0x2eb: {  	v63 =	vld [tilespmem:s17+$0x1A180]  }
0x2ec: {  	v1 =	vmul.f32 v1, v2;
	_ =	sdelay $0x1  }
0x2ed: {  	v2 =	vmul.f32 v1, v62  }
0x2ee: {  	s15 =	sadd.s32 $0x6, s15;
	v3 =	vmul.f32 v1, v3  }
0x2ef: {  	p0 =	slt.u32 s15, $0x12;
	v1 =	vmul.f32 v1, v63;
	[tilespmem:s17+$0x1A310] =	vst v2  }
.Ltmp2:
0x2f0: {  	v2 =	vmul.u32 $0x3, v56;
	[tilespmem:s17+$0x1A4A0] =	vst v3;
	(pc) =	sbr.rel @p0 .LBB2_7-.Ltmp2, $4  }
0x2f1: {  	[tilespmem:s17+$0x1A630] =	vst v1  }
0x2f2: {  	[tilespmem:s17+$0x1A7C0] =	vst v2;
	v1 =	vadd.s32 $0x1, v2  }
0x2f3: {  	[tilespmem:s17+$0x1A950] =	vst v1;
	v1 =	vadd.s32 $0x2, v2  }
0x2f4: {  	s16 =	sadd.s32 $0x180, s16;
	[tilespmem:s17+$0x1AAE0] =	vst v1  }
0x2f5: {  	v1 =	vld [tilespmem:$0x19AE0]  }
0x2f6: {  	v2 =	vld [tilespmem:$0x19C70];
	_ =	sdelay $0x6  }
0x2f7: {  	v3 =	vld.idx.msk [tilespmem:v1+s28+$0x0], $0xffff  }
0x2f8: {  	v4 =	vld.idx.msk [tilespmem:v2+s28+$0x0], $0xffff;
	_ =	sdelay $0x4  }
0x2f9: {  	v3 =	vmul.f32 v4, v3;
	_ =	sdelay $0x1  }
0x2fa: {  	v4 =	vshrl.u32 v3, $0x1;
	v5 =	vmul.f32 $5.000000000e-01, v3  }
0x2fb: {  	v6 =	vld [tilespmem:$0x19E00];
	v4 =	vsub.s32 $0x5F3759DF, v4  }
0x2fc: {  	v7 =	vmul.f32 v4, v5;
	_ =	sdelay $0x1  }
0x2fd: {  	v7 =	vmul.f32 v4, v7;
	_ =	sdelay $0x1  }
0x2fe: {  	v8 =	vmul.f32 v6, v6;
	v7 =	vsub.f32 $1.500000000e+00, v7;
	_ =	sdelay $0x1  }
0x2ff: {  	v6 =	vmul.f32 v8, v6;
	v4 =	vmul.f32 v4, v7;
	_ =	sdelay $0x1  }
0x300: {  	(erf) = vrcp.f32 v6;
	v5 =	vmul.f32 v4, v5;
	_ =	sdelay $0x1  }
0x301: {  	v5 =	vmul.f32 v5, v4;
	_ =	sdelay $0x1  }
0x302: {  	v5 =	vsub.f32 $1.500000000e+00, v5;
	_ =	sdelay $0x1  }
0x303: {  	v4 =	vmul.f32 v5, v4;
	_ =	sdelay $0x1  }
0x304: {  	v3 =	vmul.f32 v4, v3  }
0x305: {  	v59 =	vpop (erf)  }
0x306: {  	v3 =	vmul.f32 v3, v59;
	_ =	sdelay $0x1  }
0x307: {  	v60 =	vshrl.u32 v3, $0x1;
	v3 =	vmul.f32 $5.000000000e-01, v3  }
0x308: {  	v5 =	vsub.s32 $0x5F3759DF, v60  }
0x309: {  	v61 =	vmul.f32 v5, v3;
	_ =	sdelay $0x1  }
0x30a: {  	v6 =	vmul.f32 v5, v61;
	_ =	sdelay $0x1  }
0x30b: {  	v6 =	vsub.f32 $1.500000000e+00, v6;
	_ =	sdelay $0x1  }
0x30c: {  	v5 =	vmul.f32 v5, v6;
	_ =	sdelay $0x1  }
0x30d: {  	v3 =	vmul.f32 v5, v3;
	_ =	sdelay $0x1  }
0x30e: {  	v3 =	vmul.f32 v3, v5;
	_ =	sdelay $0x1  }
0x30f: {  	v3 =	vsub.f32 $1.500000000e+00, v3;
	_ =	sdelay $0x1  }
0x310: {  	v3 =	vmul.f32 v3, v5;
	_ =	sdelay $0x1  }
0x311: {  	v3 =	vmul.f32 $-6.999999880e-01, v3;
	_ =	sdelay $0x1  }
0x312: {  	v3 =	vmul.f32 $1.442695020e+00, v3;
	_ =	sdelay $0x1  }
0x313: {  	(erf) = vpow2.f32 v3;
	_ =	sdelay $0x4  }
0x314: {  	v2 =	vld.idx.msk [tilespmem:v2+s9+$0x0], $0xffff;
	_ =	sdelay $0x3  }
0x315: {  	v3 =	vpop (erf)  }
0x316: {  	v2 =	vmul.f32 $-2.800285220e-01, v2;
	v3 =	vsub.f32 $1.000000000e+00, v3  }
0x317: {  	v62 =	vld [tilespmem:$0x19F90]  }
0x318: {  	v2 =	vmul.f32 v3, v2;
	v3 =	vld [tilespmem:$0x1A120]  }
0x319: {  	v63 =	vld [tilespmem:$0x1A2B0]  }
0x31a: {  	v2 =	vmul.f32 v2, v59  }
0x31b: {  	v1 =	vmul.u32 $0x3, v1  }
0x31c: {  	v4 =	vmul.f32 v2, v62  }
0x31d: {  	s30 =	sadd.s32 $0x1, s30;
	[tilespmem:$0x1A8F0] =	vst v1;
	v3 =	vmul.f32 v2, v3  }
0x31e: {  	p0 =	sne.s32 s30, $0x3E;
	v2 =	vmul.f32 v2, v63;
	[tilespmem:$0x1A440] =	vst v4  }
.Ltmp3:
0x31f: {  	[tilespmem:$0x1A5D0] =	vst v3;
	(pc) =	sbr.rel @p0 .LBB2_4-.Ltmp3, $4  }
0x320: {  	[tilespmem:$0x1A760] =	vst v2;
	v2 =	vadd.s32 $0x1, v1  }
0x321: {  	v1 =	vadd.s32 $0x2, v1;
	[tilespmem:$0x1AA80] =	vst v2  }
0x322: {  	[tilespmem:$0x1AC10] =	vst v1  }
0x323: {  	[spmem:s8] =	stream.indirect.scatter.add.f32 [tilespmem:s29], [sflag:$0x4], $0x1, s12, s21, $0xb8;
	[tilespmem:$0x1D8C0] =	vst v63  }
0x324: {  	_ =	swait.ge [sflag:s31], $0x190  }
0x325: {  	[sflag:s31] =	ssyncset.done $0x0  }
0x326: {  	[sflag:s31] =	ssyncadd.s32 $0xFFFFFE70  }
0x327: {  	_ =	swait.ge [sflag:s31], $0x190  }
0x328: {  	[sflag:s31] =	ssyncset.done $0x0  }
0x329: {  	[sflag:s31] =	ssyncadd.s32 $0xFFFFFE70  }
0x32a: {  	_ =	swait.ge [sflag:s31], $0x190  }
0x32b: {  	[sflag:s31] =	ssyncset.done $0x0  }
0x32c: {  	[sflag:s31] =	ssyncadd.s32 $0xFFFFFE70  }
0x32d: {  	_ =	swait.ge [sflag:s31], $0x190  }
0x32e: {  	[sflag:s31] =	ssyncset.done $0x0  }
0x32f: {  	[sflag:s31] =	ssyncadd.s32 $0xFFFFFE70  }
0x330: {  	_ =	swait.ge [sflag:s31], $0x190  }
0x331: {  	[sflag:s31] =	ssyncset.done $0x0  }
0x332: {  	[sflag:s31] =	ssyncadd.s32 $0xFFFFFE70  }
0x333: {  	_ =	swait.ge [sflag:s31], $0x190  }
0x334: {  	[sflag:s31] =	ssyncset.done $0x0  }
0x335: {  	s18 =	simm.s32 $0x2;
	[sflag:s31] =	ssyncadd.s32 $0xFFFFFE70  }
0x336: {  	_ =	swait.ge [sflag:s18], $0x4B0  }
0x337: {  	[sflag:s18] =	ssyncset.done $0x0  }
0x338: {  	s15 =	simm.s32 $0xFFFFFFFA;
	s16 =	simm.s32 $0x0;
	[sflag:s18] =	ssyncadd.s32 $0xFFFFFB50  }
.LBB2_10:
0x339: {  	s17 =	sshra.s32 s16, $0x2  }
0x33a: {  	v1 =	vld [tilespmem:s17+$0x186A0]  }
0x33b: {  	v2 =	vld [tilespmem:s17+$0x18830];
	_ =	sdelay $0x6  }
0x33c: {  	v3 =	vld.idx.msk [tilespmem:v1+s28+$0x0], $0xffff  }
0x33d: {  	v4 =	vld.idx.msk [tilespmem:v2+s28+$0x0], $0xffff;
	_ =	sdelay $0x4  }
0x33e: {  	v3 =	vmul.f32 v4, v3;
	_ =	sdelay $0x1  }
0x33f: {  	v4 =	vshrl.u32 v3, $0x1;
	v5 =	vmul.f32 $5.000000000e-01, v3  }
0x340: {  	v6 =	vld [tilespmem:s17+$0x189C0];
	v4 =	vsub.s32 $0x5F3759DF, v4  }
0x341: {  	v7 =	vmul.f32 v4, v5;
	_ =	sdelay $0x1  }
0x342: {  	v7 =	vmul.f32 v4, v7;
	_ =	sdelay $0x1  }
0x343: {  	v8 =	vmul.f32 v6, v6;
	v7 =	vsub.f32 $1.500000000e+00, v7;
	_ =	sdelay $0x1  }
0x344: {  	v6 =	vmul.f32 v8, v6;
	v4 =	vmul.f32 v4, v7;
	_ =	sdelay $0x1  }
0x345: {  	(erf) = vrcp.f32 v6;
	v5 =	vmul.f32 v4, v5;
	_ =	sdelay $0x1  }
0x346: {  	v5 =	vmul.f32 v5, v4;
	_ =	sdelay $0x1  }
0x347: {  	v5 =	vsub.f32 $1.500000000e+00, v5;
	_ =	sdelay $0x1  }
0x348: {  	v4 =	vmul.f32 v5, v4;
	_ =	sdelay $0x1  }
0x349: {  	v3 =	vmul.f32 v4, v3  }
0x34a: {  	v19 =	vpop (erf)  }
0x34b: {  	v3 =	vmul.f32 v3, v19;
	_ =	sdelay $0x1  }
0x34c: {  	v20 =	vshrl.u32 v3, $0x1;
	v3 =	vmul.f32 $5.000000000e-01, v3  }
0x34d: {  	v5 =	vsub.s32 $0x5F3759DF, v20  }
0x34e: {  	v21 =	vmul.f32 v5, v3;
	_ =	sdelay $0x1  }
0x34f: {  	v6 =	vmul.f32 v5, v21;
	_ =	sdelay $0x1  }
0x350: {  	v6 =	vsub.f32 $1.500000000e+00, v6;
	_ =	sdelay $0x1  }
0x351: {  	v5 =	vmul.f32 v5, v6;
	_ =	sdelay $0x1  }
0x352: {  	v3 =	vmul.f32 v5, v3;
	_ =	sdelay $0x1  }
0x353: {  	v3 =	vmul.f32 v3, v5;
	_ =	sdelay $0x1  }
0x354: {  	v3 =	vsub.f32 $1.500000000e+00, v3;
	_ =	sdelay $0x1  }
0x355: {  	v3 =	vmul.f32 v3, v5;
	_ =	sdelay $0x1  }
0x356: {  	v3 =	vmul.f32 $-6.999999880e-01, v3;
	_ =	sdelay $0x1  }
0x357: {  	v3 =	vmul.f32 $1.442695020e+00, v3;
	_ =	sdelay $0x1  }
0x358: {  	(erf) = vpow2.f32 v3;
	_ =	sdelay $0x4  }
0x359: {  	v2 =	vld.idx.msk [tilespmem:v2+s9+$0x0], $0xffff;
	_ =	sdelay $0x3  }
0x35a: {  	v3 =	vpop (erf)  }
0x35b: {  	v2 =	vmul.f32 $-2.800285220e-01, v2;
	v3 =	vsub.f32 $1.000000000e+00, v3  }
0x35c: {  	v22 =	vld [tilespmem:s17+$0x18B50]  }
0x35d: {  	v2 =	vmul.f32 v3, v2;
	v3 =	vld [tilespmem:s17+$0x18CE0]  }
0x35e: {  	v23 =	vld [tilespmem:s17+$0x18E70]  }
0x35f: {  	v2 =	vmul.f32 v2, v19  }
0x360: {  	v24 =	vld [tilespmem:s17+$0x186B0];
	v1 =	vmul.u32 $0x3, v1  }
0x361: {  	v25 =	vld [tilespmem:s17+$0x18840];
	v4 =	vmul.f32 v2, v22  }
0x362: {  	[tilespmem:s17+$0x194B0] =	vst v1;
	v3 =	vmul.f32 v2, v3  }
0x363: {  	v2 =	vmul.f32 v2, v23;
	[tilespmem:s17+$0x19000] =	vst v4  }
0x364: {  	[tilespmem:s17+$0x19190] =	vst v3  }
0x365: {  	[tilespmem:s17+$0x19320] =	vst v2;
	v2 =	vadd.s32 $0x1, v1  }
0x366: {  	v1 =	vadd.s32 $0x2, v1;
	[tilespmem:s17+$0x19640] =	vst v2  }
0x367: {  	[tilespmem:s17+$0x197D0] =	vst v1  }
0x368: {  	v1 =	vld.idx.msk [tilespmem:v24+s28+$0x0], $0xffff  }
0x369: {  	v2 =	vld.idx.msk [tilespmem:v25+s28+$0x0], $0xffff;
	_ =	sdelay $0x4  }
0x36a: {  	v1 =	vmul.f32 v2, v1;
	_ =	sdelay $0x1  }
0x36b: {  	v2 =	vshrl.u32 v1, $0x1;
	v3 =	vmul.f32 $5.000000000e-01, v1  }
0x36c: {  	v2 =	vsub.s32 $0x5F3759DF, v2  }
0x36d: {  	v26 =	vld [tilespmem:s17+$0x189D0];
	v27 =	vmul.f32 v2, v3;
	_ =	sdelay $0x1  }
0x36e: {  	v6 =	vmul.f32 v2, v27;
	_ =	sdelay $0x1  }
0x36f: {  	v6 =	vsub.f32 $1.500000000e+00, v6  }
0x370: {  	v28 =	vmul.f32 v26, v26  }
0x371: {  	v2 =	vmul.f32 v2, v6  }
0x372: {  	v4 =	vmul.f32 v28, v26  }
0x373: {  	v3 =	vmul.f32 v2, v3  }
0x374: {  	(erf) = vrcp.f32 v4  }
0x375: {  	v3 =	vmul.f32 v3, v2;
	_ =	sdelay $0x1  }
0x376: {  	v3 =	vsub.f32 $1.500000000e+00, v3;
	_ =	sdelay $0x1  }
0x377: {  	v2 =	vmul.f32 v3, v2;
	_ =	sdelay $0x2  }
0x378: {  	v1 =	vmul.f32 v2, v1  }
0x379: {  	v2 =	vpop (erf)  }
0x37a: {  	v1 =	vmul.f32 v1, v2;
	_ =	sdelay $0x1  }
0x37b: {  	v3 =	vshrl.u32 v1, $0x1;
	v1 =	vmul.f32 $5.000000000e-01, v1  }
0x37c: {  	v3 =	vsub.s32 $0x5F3759DF, v3  }
0x37d: {  	v29 =	vmul.f32 v3, v1;
	_ =	sdelay $0x1  }
0x37e: {  	v4 =	vmul.f32 v3, v29;
	_ =	sdelay $0x1  }
0x37f: {  	v4 =	vsub.f32 $1.500000000e+00, v4;
	_ =	sdelay $0x1  }
0x380: {  	v3 =	vmul.f32 v3, v4;
	_ =	sdelay $0x1  }
0x381: {  	v1 =	vmul.f32 v3, v1;
	_ =	sdelay $0x1  }
0x382: {  	v1 =	vmul.f32 v1, v3;
	_ =	sdelay $0x1  }
0x383: {  	v1 =	vsub.f32 $1.500000000e+00, v1;
	_ =	sdelay $0x1  }
0x384: {  	v1 =	vmul.f32 v1, v3;
	_ =	sdelay $0x1  }
0x385: {  	v1 =	vmul.f32 $-6.999999880e-01, v1;
	_ =	sdelay $0x1  }
0x386: {  	v1 =	vmul.f32 $1.442695020e+00, v1;
	_ =	sdelay $0x1  }
0x387: {  	(erf) = vpow2.f32 v1;
	_ =	sdelay $0x4  }
0x388: {  	v1 =	vld.idx.msk [tilespmem:v25+s9+$0x0], $0xffff;
	_ =	sdelay $0x3  }
0x389: {  	v3 =	vpop (erf)  }
0x38a: {  	v1 =	vmul.f32 $-2.800285220e-01, v1;
	v3 =	vsub.f32 $1.000000000e+00, v3  }
0x38b: {  	v30 =	vld [tilespmem:s17+$0x18B60]  }
0x38c: {  	v1 =	vmul.f32 v3, v1;
	v3 =	vld [tilespmem:s17+$0x18CF0]  }
0x38d: {  	v31 =	vld [tilespmem:s17+$0x18E80]  }
0x38e: {  	v1 =	vmul.f32 v1, v2;
	_ =	sdelay $0x1  }
0x38f: {  	v32 =	vld [tilespmem:s17+$0x186C0];
	v2 =	vmul.f32 v1, v30  }
0x390: {  	v33 =	vld [tilespmem:s17+$0x18850];
	v3 =	vmul.f32 v1, v3  }
0x391: {  	v1 =	vmul.f32 v1, v31;
	[tilespmem:s17+$0x19010] =	vst v2  }
0x392: {  	v2 =	vmul.u32 $0x3, v24;
	[tilespmem:s17+$0x191A0] =	vst v3  }
0x393: {  	[tilespmem:s17+$0x19330] =	vst v1  }
0x394: {  	[tilespmem:s17+$0x194C0] =	vst v2;
	v1 =	vadd.s32 $0x1, v2  }
0x395: {  	[tilespmem:s17+$0x19650] =	vst v1;
	v1 =	vadd.s32 $0x2, v2  }
0x396: {  	[tilespmem:s17+$0x197E0] =	vst v1  }
0x397: {  	v1 =	vld.idx.msk [tilespmem:v32+s28+$0x0], $0xffff  }
0x398: {  	v2 =	vld.idx.msk [tilespmem:v33+s28+$0x0], $0xffff;
	_ =	sdelay $0x4  }
0x399: {  	v1 =	vmul.f32 v2, v1;
	_ =	sdelay $0x1  }
0x39a: {  	v2 =	vshrl.u32 v1, $0x1;
	v3 =	vmul.f32 $5.000000000e-01, v1  }
0x39b: {  	v2 =	vsub.s32 $0x5F3759DF, v2  }
0x39c: {  	v34 =	vld [tilespmem:s17+$0x189E0];
	v35 =	vmul.f32 v2, v3;
	_ =	sdelay $0x1  }
0x39d: {  	v6 =	vmul.f32 v2, v35;
	_ =	sdelay $0x1  }
0x39e: {  	v6 =	vsub.f32 $1.500000000e+00, v6  }
0x39f: {  	v36 =	vmul.f32 v34, v34  }
0x3a0: {  	v2 =	vmul.f32 v2, v6  }
0x3a1: {  	v5 =	vmul.f32 v36, v34  }
0x3a2: {  	v3 =	vmul.f32 v2, v3  }
0x3a3: {  	(erf) = vrcp.f32 v5  }
0x3a4: {  	v3 =	vmul.f32 v3, v2;
	_ =	sdelay $0x1  }
0x3a5: {  	v3 =	vsub.f32 $1.500000000e+00, v3;
	_ =	sdelay $0x1  }
0x3a6: {  	v2 =	vmul.f32 v3, v2;
	_ =	sdelay $0x2  }
0x3a7: {  	v1 =	vmul.f32 v2, v1  }
0x3a8: {  	v2 =	vpop (erf)  }
0x3a9: {  	v1 =	vmul.f32 v1, v2;
	_ =	sdelay $0x1  }
0x3aa: {  	v3 =	vshrl.u32 v1, $0x1;
	v1 =	vmul.f32 $5.000000000e-01, v1  }
0x3ab: {  	v3 =	vsub.s32 $0x5F3759DF, v3  }
0x3ac: {  	v37 =	vmul.f32 v3, v1;
	_ =	sdelay $0x1  }
0x3ad: {  	v5 =	vmul.f32 v3, v37;
	_ =	sdelay $0x1  }
0x3ae: {  	v5 =	vsub.f32 $1.500000000e+00, v5;
	_ =	sdelay $0x1  }
0x3af: {  	v3 =	vmul.f32 v3, v5;
	_ =	sdelay $0x1  }
0x3b0: {  	v1 =	vmul.f32 v3, v1;
	_ =	sdelay $0x1  }
0x3b1: {  	v1 =	vmul.f32 v1, v3;
	_ =	sdelay $0x1  }
0x3b2: {  	v1 =	vsub.f32 $1.500000000e+00, v1;
	_ =	sdelay $0x1  }
0x3b3: {  	v1 =	vmul.f32 v1, v3;
	_ =	sdelay $0x1  }
0x3b4: {  	v1 =	vmul.f32 $-6.999999880e-01, v1;
	_ =	sdelay $0x1  }
0x3b5: {  	v1 =	vmul.f32 $1.442695020e+00, v1;
	_ =	sdelay $0x1  }
0x3b6: {  	(erf) = vpow2.f32 v1;
	_ =	sdelay $0x4  }
0x3b7: {  	v1 =	vld.idx.msk [tilespmem:v33+s9+$0x0], $0xffff;
	_ =	sdelay $0x3  }
0x3b8: {  	v3 =	vpop (erf)  }
0x3b9: {  	v1 =	vmul.f32 $-2.800285220e-01, v1;
	v3 =	vsub.f32 $1.000000000e+00, v3  }
0x3ba: {  	v38 =	vld [tilespmem:s17+$0x18B70]  }
0x3bb: {  	v1 =	vmul.f32 v3, v1;
	v3 =	vld [tilespmem:s17+$0x18D00]  }
0x3bc: {  	v39 =	vld [tilespmem:s17+$0x18E90]  }
0x3bd: {  	v1 =	vmul.f32 v1, v2;
	_ =	sdelay $0x1  }
0x3be: {  	v40 =	vld [tilespmem:s17+$0x186D0];
	v2 =	vmul.f32 v1, v38  }
0x3bf: {  	v41 =	vld [tilespmem:s17+$0x18860];
	v3 =	vmul.f32 v1, v3  }
0x3c0: {  	v1 =	vmul.f32 v1, v39;
	[tilespmem:s17+$0x19020] =	vst v2  }
0x3c1: {  	v2 =	vmul.u32 $0x3, v32;
	[tilespmem:s17+$0x191B0] =	vst v3  }
0x3c2: {  	[tilespmem:s17+$0x19340] =	vst v1  }
0x3c3: {  	[tilespmem:s17+$0x194D0] =	vst v2;
	v1 =	vadd.s32 $0x1, v2  }
0x3c4: {  	[tilespmem:s17+$0x19660] =	vst v1;
	v1 =	vadd.s32 $0x2, v2  }
0x3c5: {  	[tilespmem:s17+$0x197F0] =	vst v1  }
0x3c6: {  	v1 =	vld.idx.msk [tilespmem:v40+s28+$0x0], $0xffff  }
0x3c7: {  	v2 =	vld.idx.msk [tilespmem:v41+s28+$0x0], $0xffff;
	_ =	sdelay $0x4  }
0x3c8: {  	v1 =	vmul.f32 v2, v1;
	_ =	sdelay $0x1  }
0x3c9: {  	v2 =	vshrl.u32 v1, $0x1;
	v3 =	vmul.f32 $5.000000000e-01, v1  }
0x3ca: {  	v2 =	vsub.s32 $0x5F3759DF, v2  }
0x3cb: {  	v42 =	vld [tilespmem:s17+$0x189F0];
	v43 =	vmul.f32 v2, v3;
	_ =	sdelay $0x1  }
0x3cc: {  	v6 =	vmul.f32 v2, v43;
	_ =	sdelay $0x1  }
0x3cd: {  	v6 =	vsub.f32 $1.500000000e+00, v6  }
0x3ce: {  	v44 =	vmul.f32 v42, v42  }
0x3cf: {  	v2 =	vmul.f32 v2, v6  }
0x3d0: {  	v4 =	vmul.f32 v44, v42  }
0x3d1: {  	v3 =	vmul.f32 v2, v3  }
0x3d2: {  	(erf) = vrcp.f32 v4  }
0x3d3: {  	v3 =	vmul.f32 v3, v2;
	_ =	sdelay $0x1  }
0x3d4: {  	v3 =	vsub.f32 $1.500000000e+00, v3;
	_ =	sdelay $0x1  }
0x3d5: {  	v2 =	vmul.f32 v3, v2;
	_ =	sdelay $0x2  }
0x3d6: {  	v1 =	vmul.f32 v2, v1  }
0x3d7: {  	v2 =	vpop (erf)  }
0x3d8: {  	v1 =	vmul.f32 v1, v2;
	_ =	sdelay $0x1  }
0x3d9: {  	v3 =	vshrl.u32 v1, $0x1;
	v1 =	vmul.f32 $5.000000000e-01, v1  }
0x3da: {  	v3 =	vsub.s32 $0x5F3759DF, v3  }
0x3db: {  	v45 =	vmul.f32 v3, v1;
	_ =	sdelay $0x1  }
0x3dc: {  	v4 =	vmul.f32 v3, v45;
	_ =	sdelay $0x1  }
0x3dd: {  	v4 =	vsub.f32 $1.500000000e+00, v4;
	_ =	sdelay $0x1  }
0x3de: {  	v3 =	vmul.f32 v3, v4;
	_ =	sdelay $0x1  }
0x3df: {  	v1 =	vmul.f32 v3, v1;
	_ =	sdelay $0x1  }
0x3e0: {  	v1 =	vmul.f32 v1, v3;
	_ =	sdelay $0x1  }
0x3e1: {  	v1 =	vsub.f32 $1.500000000e+00, v1;
	_ =	sdelay $0x1  }
0x3e2: {  	v1 =	vmul.f32 v1, v3;
	_ =	sdelay $0x1  }
0x3e3: {  	v1 =	vmul.f32 $-6.999999880e-01, v1;
	_ =	sdelay $0x1  }
0x3e4: {  	v1 =	vmul.f32 $1.442695020e+00, v1;
	_ =	sdelay $0x1  }
0x3e5: {  	(erf) = vpow2.f32 v1;
	_ =	sdelay $0x4  }
0x3e6: {  	v1 =	vld.idx.msk [tilespmem:v41+s9+$0x0], $0xffff;
	_ =	sdelay $0x3  }
0x3e7: {  	v3 =	vpop (erf)  }
0x3e8: {  	v1 =	vmul.f32 $-2.800285220e-01, v1;
	v3 =	vsub.f32 $1.000000000e+00, v3  }
0x3e9: {  	v46 =	vld [tilespmem:s17+$0x18B80]  }
0x3ea: {  	v1 =	vmul.f32 v3, v1;
	v3 =	vld [tilespmem:s17+$0x18D10]  }
0x3eb: {  	v47 =	vld [tilespmem:s17+$0x18EA0]  }
0x3ec: {  	v1 =	vmul.f32 v1, v2;
	_ =	sdelay $0x1  }
0x3ed: {  	v48 =	vld [tilespmem:s17+$0x186E0];
	v2 =	vmul.f32 v1, v46  }
0x3ee: {  	v49 =	vld [tilespmem:s17+$0x18870];
	v3 =	vmul.f32 v1, v3  }
0x3ef: {  	v1 =	vmul.f32 v1, v47;
	[tilespmem:s17+$0x19030] =	vst v2  }
0x3f0: {  	v2 =	vmul.u32 $0x3, v40;
	[tilespmem:s17+$0x191C0] =	vst v3  }
0x3f1: {  	[tilespmem:s17+$0x19350] =	vst v1  }
0x3f2: {  	[tilespmem:s17+$0x194E0] =	vst v2;
	v1 =	vadd.s32 $0x1, v2  }
0x3f3: {  	[tilespmem:s17+$0x19670] =	vst v1;
	v1 =	vadd.s32 $0x2, v2  }
0x3f4: {  	[tilespmem:s17+$0x19800] =	vst v1  }
0x3f5: {  	v1 =	vld.idx.msk [tilespmem:v48+s28+$0x0], $0xffff  }
0x3f6: {  	v2 =	vld.idx.msk [tilespmem:v49+s28+$0x0], $0xffff;
	_ =	sdelay $0x4  }
0x3f7: {  	v1 =	vmul.f32 v2, v1;
	_ =	sdelay $0x1  }
0x3f8: {  	v2 =	vshrl.u32 v1, $0x1;
	v3 =	vmul.f32 $5.000000000e-01, v1  }
0x3f9: {  	v2 =	vsub.s32 $0x5F3759DF, v2  }
0x3fa: {  	v50 =	vld [tilespmem:s17+$0x18A00];
	v51 =	vmul.f32 v2, v3;
	_ =	sdelay $0x1  }
0x3fb: {  	v6 =	vmul.f32 v2, v51;
	_ =	sdelay $0x1  }
0x3fc: {  	v6 =	vsub.f32 $1.500000000e+00, v6  }
0x3fd: {  	v52 =	vmul.f32 v50, v50  }
0x3fe: {  	v2 =	vmul.f32 v2, v6  }
0x3ff: {  	v5 =	vmul.f32 v52, v50  }
0x400: {  	v3 =	vmul.f32 v2, v3  }
0x401: {  	(erf) = vrcp.f32 v5  }
0x402: {  	v3 =	vmul.f32 v3, v2;
	_ =	sdelay $0x1  }
0x403: {  	v3 =	vsub.f32 $1.500000000e+00, v3;
	_ =	sdelay $0x1  }
0x404: {  	v2 =	vmul.f32 v3, v2;
	_ =	sdelay $0x2  }
0x405: {  	v1 =	vmul.f32 v2, v1  }
0x406: {  	v2 =	vpop (erf)  }
0x407: {  	v1 =	vmul.f32 v1, v2;
	_ =	sdelay $0x1  }
0x408: {  	v3 =	vshrl.u32 v1, $0x1;
	v1 =	vmul.f32 $5.000000000e-01, v1  }
0x409: {  	v3 =	vsub.s32 $0x5F3759DF, v3  }
0x40a: {  	v53 =	vmul.f32 v3, v1;
	_ =	sdelay $0x1  }
0x40b: {  	v5 =	vmul.f32 v3, v53;
	_ =	sdelay $0x1  }
0x40c: {  	v5 =	vsub.f32 $1.500000000e+00, v5;
	_ =	sdelay $0x1  }
0x40d: {  	v3 =	vmul.f32 v3, v5;
	_ =	sdelay $0x1  }
0x40e: {  	v1 =	vmul.f32 v3, v1;
	_ =	sdelay $0x1  }
0x40f: {  	v1 =	vmul.f32 v1, v3;
	_ =	sdelay $0x1  }
0x410: {  	v1 =	vsub.f32 $1.500000000e+00, v1;
	_ =	sdelay $0x1  }
0x411: {  	v1 =	vmul.f32 v1, v3;
	_ =	sdelay $0x1  }
0x412: {  	v1 =	vmul.f32 $-6.999999880e-01, v1;
	_ =	sdelay $0x1  }
0x413: {  	v1 =	vmul.f32 $1.442695020e+00, v1;
	_ =	sdelay $0x1  }
0x414: {  	(erf) = vpow2.f32 v1;
	_ =	sdelay $0x4  }
0x415: {  	v1 =	vld.idx.msk [tilespmem:v49+s9+$0x0], $0xffff;
	_ =	sdelay $0x3  }
0x416: {  	v3 =	vpop (erf)  }
0x417: {  	v1 =	vmul.f32 $-2.800285220e-01, v1;
	v3 =	vsub.f32 $1.000000000e+00, v3  }
0x418: {  	v54 =	vld [tilespmem:s17+$0x18B90]  }
0x419: {  	v1 =	vmul.f32 v3, v1;
	v3 =	vld [tilespmem:s17+$0x18D20]  }
0x41a: {  	v55 =	vld [tilespmem:s17+$0x18EB0]  }
0x41b: {  	v1 =	vmul.f32 v1, v2;
	_ =	sdelay $0x1  }
0x41c: {  	v56 =	vld [tilespmem:s17+$0x186F0];
	v2 =	vmul.f32 v1, v54  }
0x41d: {  	v57 =	vld [tilespmem:s17+$0x18880];
	v3 =	vmul.f32 v1, v3  }
0x41e: {  	v1 =	vmul.f32 v1, v55;
	[tilespmem:s17+$0x19040] =	vst v2  }
0x41f: {  	v2 =	vmul.u32 $0x3, v48;
	[tilespmem:s17+$0x191D0] =	vst v3  }
0x420: {  	[tilespmem:s17+$0x19360] =	vst v1  }
0x421: {  	[tilespmem:s17+$0x194F0] =	vst v2;
	v1 =	vadd.s32 $0x1, v2  }
0x422: {  	[tilespmem:s17+$0x19680] =	vst v1;
	v1 =	vadd.s32 $0x2, v2  }
0x423: {  	[tilespmem:s17+$0x19810] =	vst v1  }
0x424: {  	v1 =	vld.idx.msk [tilespmem:v56+s28+$0x0], $0xffff  }
0x425: {  	v2 =	vld.idx.msk [tilespmem:v57+s28+$0x0], $0xffff;
	_ =	sdelay $0x4  }
0x426: {  	v1 =	vmul.f32 v2, v1;
	_ =	sdelay $0x1  }
0x427: {  	v2 =	vshrl.u32 v1, $0x1;
	v3 =	vmul.f32 $5.000000000e-01, v1  }
0x428: {  	v2 =	vsub.s32 $0x5F3759DF, v2  }
0x429: {  	v58 =	vld [tilespmem:s17+$0x18A10];
	v59 =	vmul.f32 v2, v3;
	_ =	sdelay $0x1  }
0x42a: {  	v6 =	vmul.f32 v2, v59;
	_ =	sdelay $0x1  }
0x42b: {  	v6 =	vsub.f32 $1.500000000e+00, v6  }
0x42c: {  	v60 =	vmul.f32 v58, v58  }
0x42d: {  	v2 =	vmul.f32 v2, v6  }
0x42e: {  	v4 =	vmul.f32 v60, v58  }
0x42f: {  	v3 =	vmul.f32 v2, v3  }
0x430: {  	(erf) = vrcp.f32 v4  }
0x431: {  	v3 =	vmul.f32 v3, v2;
	_ =	sdelay $0x1  }
0x432: {  	v3 =	vsub.f32 $1.500000000e+00, v3;
	_ =	sdelay $0x1  }
0x433: {  	v2 =	vmul.f32 v3, v2;
	_ =	sdelay $0x2  }
0x434: {  	v1 =	vmul.f32 v2, v1  }
0x435: {  	v2 =	vpop (erf)  }
0x436: {  	v1 =	vmul.f32 v1, v2;
	_ =	sdelay $0x1  }
0x437: {  	v3 =	vshrl.u32 v1, $0x1;
	v1 =	vmul.f32 $5.000000000e-01, v1  }
0x438: {  	v3 =	vsub.s32 $0x5F3759DF, v3  }
0x439: {  	v61 =	vmul.f32 v3, v1;
	_ =	sdelay $0x1  }
0x43a: {  	v4 =	vmul.f32 v3, v61;
	_ =	sdelay $0x1  }
0x43b: {  	v4 =	vsub.f32 $1.500000000e+00, v4;
	_ =	sdelay $0x1  }
0x43c: {  	v3 =	vmul.f32 v3, v4;
	_ =	sdelay $0x1  }
0x43d: {  	v1 =	vmul.f32 v3, v1;
	_ =	sdelay $0x1  }
0x43e: {  	v1 =	vmul.f32 v1, v3;
	_ =	sdelay $0x1  }
0x43f: {  	v1 =	vsub.f32 $1.500000000e+00, v1;
	_ =	sdelay $0x1  }
0x440: {  	v1 =	vmul.f32 v1, v3;
	_ =	sdelay $0x1  }
0x441: {  	v1 =	vmul.f32 $-6.999999880e-01, v1;
	_ =	sdelay $0x1  }
0x442: {  	v1 =	vmul.f32 $1.442695020e+00, v1;
	_ =	sdelay $0x1  }
0x443: {  	(erf) = vpow2.f32 v1;
	_ =	sdelay $0x4  }
0x444: {  	v1 =	vld.idx.msk [tilespmem:v57+s9+$0x0], $0xffff;
	_ =	sdelay $0x3  }
0x445: {  	v3 =	vpop (erf)  }
0x446: {  	v1 =	vmul.f32 $-2.800285220e-01, v1;
	v3 =	vsub.f32 $1.000000000e+00, v3  }
0x447: {  	v62 =	vld [tilespmem:s17+$0x18BA0]  }
0x448: {  	v1 =	vmul.f32 v3, v1;
	v3 =	vld [tilespmem:s17+$0x18D30]  }
0x449: {  	v63 =	vld [tilespmem:s17+$0x18EC0]  }
0x44a: {  	v1 =	vmul.f32 v1, v2;
	_ =	sdelay $0x1  }
0x44b: {  	v2 =	vmul.f32 v1, v62  }
0x44c: {  	s15 =	sadd.s32 $0x6, s15;
	v3 =	vmul.f32 v1, v3  }
0x44d: {  	p0 =	slt.u32 s15, $0x12;
	v1 =	vmul.f32 v1, v63;
	[tilespmem:s17+$0x19050] =	vst v2  }
.Ltmp4:
0x44e: {  	v2 =	vmul.u32 $0x3, v56;
	[tilespmem:s17+$0x191E0] =	vst v3;
	(pc) =	sbr.rel @p0 .LBB2_10-.Ltmp4, $4  }
0x44f: {  	[tilespmem:s17+$0x19370] =	vst v1  }
0x450: {  	[tilespmem:s17+$0x19500] =	vst v2;
	v1 =	vadd.s32 $0x1, v2  }
0x451: {  	[tilespmem:s17+$0x19690] =	vst v1;
	v1 =	vadd.s32 $0x2, v2  }
0x452: {  	s16 =	sadd.s32 $0x180, s16;
	[tilespmem:s17+$0x19820] =	vst v1  }
0x453: {  	v1 =	vld [tilespmem:$0x18820]  }
0x454: {  	v2 =	vld [tilespmem:$0x189B0];
	_ =	sdelay $0x6  }
0x455: {  	v3 =	vld.idx.msk [tilespmem:v1+s28+$0x0], $0xffff  }
0x456: {  	v4 =	vld.idx.msk [tilespmem:v2+s28+$0x0], $0xffff;
	_ =	sdelay $0x4  }
0x457: {  	v3 =	vmul.f32 v4, v3;
	_ =	sdelay $0x1  }
0x458: {  	v4 =	vshrl.u32 v3, $0x1;
	v5 =	vmul.f32 $5.000000000e-01, v3  }
0x459: {  	v6 =	vld [tilespmem:$0x18B40];
	v4 =	vsub.s32 $0x5F3759DF, v4  }
0x45a: {  	v7 =	vmul.f32 v4, v5;
	_ =	sdelay $0x1  }
0x45b: {  	v7 =	vmul.f32 v4, v7;
	_ =	sdelay $0x1  }
0x45c: {  	v8 =	vmul.f32 v6, v6;
	v7 =	vsub.f32 $1.500000000e+00, v7;
	_ =	sdelay $0x1  }
0x45d: {  	v6 =	vmul.f32 v8, v6;
	v4 =	vmul.f32 v4, v7;
	_ =	sdelay $0x1  }
0x45e: {  	(erf) = vrcp.f32 v6;
	v5 =	vmul.f32 v4, v5;
	_ =	sdelay $0x1  }
0x45f: {  	v5 =	vmul.f32 v5, v4;
	_ =	sdelay $0x1  }
0x460: {  	v5 =	vsub.f32 $1.500000000e+00, v5;
	_ =	sdelay $0x1  }
0x461: {  	v4 =	vmul.f32 v5, v4;
	_ =	sdelay $0x1  }
0x462: {  	v3 =	vmul.f32 v4, v3  }
0x463: {  	v59 =	vpop (erf)  }
0x464: {  	v3 =	vmul.f32 v3, v59;
	_ =	sdelay $0x1  }
0x465: {  	v60 =	vshrl.u32 v3, $0x1;
	v3 =	vmul.f32 $5.000000000e-01, v3  }
0x466: {  	v5 =	vsub.s32 $0x5F3759DF, v60  }
0x467: {  	v61 =	vmul.f32 v5, v3;
	_ =	sdelay $0x1  }
0x468: {  	v6 =	vmul.f32 v5, v61;
	_ =	sdelay $0x1  }
0x469: {  	v6 =	vsub.f32 $1.500000000e+00, v6;
	_ =	sdelay $0x1  }
0x46a: {  	v5 =	vmul.f32 v5, v6;
	_ =	sdelay $0x1  }
0x46b: {  	v3 =	vmul.f32 v5, v3;
	_ =	sdelay $0x1  }
0x46c: {  	v3 =	vmul.f32 v3, v5;
	_ =	sdelay $0x1  }
0x46d: {  	v3 =	vsub.f32 $1.500000000e+00, v3;
	_ =	sdelay $0x1  }
0x46e: {  	v3 =	vmul.f32 v3, v5;
	_ =	sdelay $0x1  }
0x46f: {  	v3 =	vmul.f32 $-6.999999880e-01, v3;
	_ =	sdelay $0x1  }
0x470: {  	v3 =	vmul.f32 $1.442695020e+00, v3;
	_ =	sdelay $0x1  }
0x471: {  	(erf) = vpow2.f32 v3;
	_ =	sdelay $0x4  }
0x472: {  	v2 =	vld.idx.msk [tilespmem:v2+s9+$0x0], $0xffff;
	_ =	sdelay $0x3  }
0x473: {  	v3 =	vpop (erf)  }
0x474: {  	v2 =	vmul.f32 $-2.800285220e-01, v2;
	v3 =	vsub.f32 $1.000000000e+00, v3  }
0x475: {  	v62 =	vld [tilespmem:$0x18CD0]  }
0x476: {  	v2 =	vmul.f32 v3, v2;
	v3 =	vld [tilespmem:$0x18E60]  }
0x477: {  	v63 =	vld [tilespmem:$0x18FF0]  }
0x478: {  	v2 =	vmul.f32 v2, v59  }
0x479: {  	v1 =	vmul.u32 $0x3, v1  }
0x47a: {  	v4 =	vmul.f32 v2, v62  }
0x47b: {  	[tilespmem:$0x19630] =	vst v1;
	v3 =	vmul.f32 v2, v3  }
0x47c: {  	v2 =	vmul.f32 v2, v63;
	[tilespmem:$0x19180] =	vst v4  }
0x47d: {  	[tilespmem:$0x19310] =	vst v3  }
0x47e: {  	[tilespmem:$0x194A0] =	vst v2;
	v2 =	vadd.s32 $0x1, v1  }
0x47f: {  	v1 =	vadd.s32 $0x2, v1;
	[tilespmem:$0x197C0] =	vst v2  }
0x480: {  	s15 =	simm.s32 $0x4;
	[tilespmem:$0x19950] =	vst v1  }
0x481: {  	[spmem:s8] =	stream.indirect.scatter.add.f32 [tilespmem:s25], [sflag:$0x2], $0x1, s24, s21, $0xb8;
	[tilespmem:$0x1D8C0] =	vst v63  }
0x482: {  	_ =	swait.ge [sflag:s15], $0x4B0  }
0x483: {  	[sflag:s15] =	ssyncset.done $0x0  }
0x484: {  	[sflag:s15] =	ssyncadd.s32 $0xFFFFFB50  }
0x485: {  	_ =	swait.ge [sflag:s18], $0x4B0  }
0x486: {  	[sflag:s18] =	ssyncset.done $0x0  }
0x487: {  	[sflag:s18] =	ssyncadd.s32 $0xFFFFFB50  }
0x488: {  	s18 =	stileid.u32;
	[bflag:$0x0] =	sbarrier.arrive $0xFFFF  }
0x489: {  	s15 =	sshll.u32 s18, $0x6;
	s18 =	simm.s32 $0x5;
	s17 =	rddreg [dreg:$0x8]  }
0x48a: {  	s15 =	sor.u32 $0x1C05, s15;
	s30 =	rddreg [dreg:$0x12];
	s16 =	sshrl.u32 s17, $0x3  }
0x48b: {  	[hbm:s30], [sflag:s15] =	dma.local [spmem:s16], $0x494  }
0x48c: {  	_ =	swait.ge [sflag:s18], $0x494  }
0x48d: {  	s15 =	rddreg [dreg:$0x15]  }
0x48e: {  	s30 =	rddreg [dreg:$0x13];
	s16 =	sadd.s32 $0x1, s15  }
0x48f: {  	p0 =	sne.s32 s16, s30  }
.Ltmp5:
0x490: {  	_ = 	snop;
	(pc) =	sbr.rel @p0 .LBB2_1-.Ltmp5, $3  }
0x491: {  	_ =	sdelay $0x1  }
0x492: {  	[sflag:s18] =	ssyncset.done $0x0  }
0x493: {  	[sflag:s18] =	ssyncadd.s32 $0xFFFFFB6C  }
0x494: {  	_ =	sfence.sel $0x180000  }
0x495: {  	[bflag:$0x0] =	sbarrier.arrive $0xFFFF  }
0x496: {  	_ =	strace $0x90000047  }
0x497: {  	s0 =	stileid.u32;
	[bflag:$0x2] =	sbarrier.arrive $0xFFFF  }
0x498: {  	p0 =	sne.s32 s0, $0x0;
	s0 =	rddreg [dreg:$0x7]  }
0x499: {  	s0 =	sadd.s32 @!p0 $0x100000, s0  }
0x49a: {  	[sflag:s0] =	ssyncadd.tile.s32 @!p0 $0x1;
	_ =	shalt  }
.Lfunc_end2:
_tile_overlayer_lowered:
.L_overlay_start_2:
0x49b: {  	(tag) =	ssettag $0x2  }
0x49c: {  	s0 =	rddreg [dreg:$0x0];
	s2 =	stileid.u32  }
0x49d: {  	s1 =	rddreg [dreg:$0x1];
	p0 =	sne.s32 s2, $0x0  }
0x49e: {  	s3 =	rddreg [dreg:$0x2];
	[bflag:$0x3] =	sbarrier.arrive $0xFFFF;
	s2 =	simm.s32 @!p0 $0x1C05  }
0x49f: {  	[timem:s3], [sflag:s2] =	dma.local @!p0 [hbm:s0], s1  }
0x4a0: {  	s0 =	simm.s32 @!p0 $0x5  }
0x4a1: {  	_ =	swait.ge @!p0 [sflag:s0], s1  }
0x4a2: {  	s1 =	ssub.s32 @!p0 $0x0, s1;
	[sflag:s0] =	ssyncset.done @!p0 $0x0  }
0x4a3: {  	[sflag:s0] =	ssyncadd.s32 @!p0 s1  }
0x4a4: {  	[bflag:$0x3] =	sbarrier.arrive $0xFFFF  }
0x4a5: {  	_ =	shalt  }

</sc_bundles>
